<compile_context>
chip_gen: v7x
topology: tpu7x:2x2x1
jax: 0.10.2.dev20260603
libtpu: 0.0.44.dev20260713+nightly
codegen_flags: <defaults>
</compile_context>

<pallas_src>
import functools

import jax
import jax.numpy as jnp
from jax import lax
from jax.experimental import pallas as pl
from jax.experimental.pallas import tpu as pltpu
from jax.experimental.pallas import tpu_sc as plsc

NUM_NODES = 10000
H_DIM = 128
OUT_DIM = 16
NUM_RELS = 16
E = 320000

_NB = 1000


def _matmul_body(h_ref, w_ref, out_ref):
    h = jnp.maximum(h_ref[0] + h_ref[1], 0.0)
    out_ref[0] = jnp.dot(h, w_ref[0], preferred_element_type=jnp.float32)


def _relu_matmul(p, w):
    d = p.shape[-1]
    r, _, f = w.shape
    n = NUM_NODES
    grid = (n // _NB, r)
    return pl.pallas_call(
        _matmul_body,
        grid=grid,
        in_specs=[
            pl.BlockSpec((2, _NB, d), lambda i, j: (0, i, 0)),
            pl.BlockSpec((1, d, f), lambda i, j: (j, 0, 0)),
        ],
        out_specs=pl.BlockSpec((1, _NB, f), lambda i, j: (j, i, 0)),
        out_shape=jax.ShapeDtypeStruct((r, n, f), jnp.float32),
    )(p, w)


def _softmax_body(x_ref, out_ref):
    x = (x_ref[0] + x_ref[1])[:, :OUT_DIM]
    m = jnp.max(x, axis=-1, keepdims=True)
    e = jnp.exp(x - m)
    out_ref[...] = e / jnp.sum(e, axis=-1, keepdims=True)


def _softmax(p):
    f = p.shape[-1]
    n = NUM_NODES
    return pl.pallas_call(
        _softmax_body,
        grid=(n // _NB,),
        in_specs=[pl.BlockSpec((2, _NB, f), lambda i: (0, i, 0))],
        out_specs=pl.BlockSpec((_NB, OUT_DIM), lambda i: (i, 0)),
        out_shape=jax.ShapeDtypeStruct((n, OUT_DIM), jnp.float32),
    )(p)



_SC_B = 128
_NC, _NS = 2, 16
_NW = _NC * _NS
_NBLK = E // _SC_B
_NPAD = 10240
_RPS = _NPAD // _NS
_ZR = 128


@functools.partial(jax.jit, static_argnames=("f",))
def _sc_segsum(table, src, rel, dst, norm_e, f):
    fc = f // 16
    base_blocks = _NBLK // _NW
    extra = _NBLK - base_blocks * _NW
    mesh = plsc.VectorSubcoreMesh(core_axis_name="c", subcore_axis_name="s")

    @functools.partial(
        pl.kernel,
        mesh=mesh,
        out_type=jax.ShapeDtypeStruct((_NC, _NPAD, f), jnp.float32),
        scratch_types=[
            pltpu.VMEM((_SC_B,), jnp.int32),
            pltpu.VMEM((_SC_B,), jnp.int32),
            pltpu.VMEM((_SC_B,), jnp.int32),
            pltpu.VMEM((_SC_B,), jnp.float32),
            pltpu.VMEM((_SC_B,), jnp.int32),
            pltpu.VMEM((_SC_B, f), jnp.float32),
            pltpu.VMEM((_ZR, f), jnp.float32),
            pltpu.VMEM_SHARED((_NPAD, f), jnp.float32),
        ],
    )
    def k(table_h, src_h, rel_h, dst_h, norm_h, out_h,
          src_v, rel_v, dst_v, norm_v, gidx_v, rows_v, zbuf, acc):
        c = lax.axis_index("c")
        s = lax.axis_index("s")
        w = s * _NC + c

        zero16 = jnp.zeros((16,), jnp.float32)

        def zrow(i, carry):
            for j in range(fc):
                zbuf[i, pl.ds(16 * j, 16)] = zero16
            return carry

        lax.fori_loop(0, _ZR, zrow, 0)
        for kk in range(_RPS // _ZR):
            pltpu.sync_copy(zbuf, acc.at[pl.ds(s * _RPS + kk * _ZR, _ZR)])
        plsc.subcore_barrier()

        nblk = base_blocks + jnp.where(w < extra, 1, 0)

        def body(b, carry):
            base = (w + _NW * b) * _SC_B
            pltpu.sync_copy(src_h.at[pl.ds(base, _SC_B)], src_v)
            pltpu.sync_copy(rel_h.at[pl.ds(base, _SC_B)], rel_v)
            pltpu.sync_copy(dst_h.at[pl.ds(base, _SC_B)], dst_v)
            pltpu.sync_copy(norm_h.at[pl.ds(base, _SC_B)], norm_v)
            for j in range(_SC_B // 16):
                sl = pl.ds(16 * j, 16)
                gidx_v[sl] = rel_v[sl] * NUM_NODES + src_v[sl]
            pltpu.sync_copy(table_h.at[gidx_v], rows_v)

            def scale(g, carry2):
                nvec = norm_v[pl.ds(16 * g, 16)]
                for l in range(16):
                    nsp = jnp.take(nvec, jnp.full((16,), l, jnp.int32))
                    e = 16 * g + l
                    for j in range(fc):
                        sl = pl.ds(16 * j, 16)
                        rows_v[e, sl] = rows_v[e, sl] * nsp
                return carry2

            lax.fori_loop(0, _SC_B // 16, scale, 0)
            pltpu.sync_copy(rows_v, acc.at[dst_v], add=True)
            return carry

        lax.fori_loop(0, nblk, body, 0)
        plsc.subcore_barrier()
        pltpu.sync_copy(acc.at[pl.ds(s * _RPS, _RPS)],
                        out_h.at[c, pl.ds(s * _RPS, _RPS)])

    return k(table, src, rel, dst, norm_e)


def kernel(edge_index, rel_type, norm, W0, W1, W2):
    src = edge_index[0]
    dst = edge_index[1]
    norm_e = norm[:, 0]

    W2p = jnp.concatenate(
        [W2, jnp.zeros((NUM_RELS, H_DIM, H_DIM - OUT_DIM), jnp.float32)], axis=-1)

    h0 = _sc_segsum(W0.reshape(-1, H_DIM), src, rel_type, dst, norm_e, f=H_DIM)
    xw1 = _relu_matmul(h0, W1)
    h1 = _sc_segsum(xw1.reshape(-1, H_DIM), src, rel_type, dst, norm_e, f=H_DIM)
    xw2 = _relu_matmul(h1, W2p)
    h2 = _sc_segsum(xw2.reshape(-1, H_DIM), src, rel_type, dst, norm_e, f=H_DIM)
    return _softmax(h2)

# --- scband reference (transcript-rebuilt; emitter-appended) ---
"""Pipeline reference for scband-model-31172872634678 (READ-ONLY COPY).

The authoritative reference and input builder live on the scoring server;
editing this copy changes nothing except your own understanding.
"""

import jax, jax.numpy as jnp
import numpy as np

NUM_NODES = 10000
H_DIM = 128
OUT_DIM = 16
NUM_RELS = 16
E = 320000


def setup_inputs(seed: int = 0) -> dict:
    key = jax.random.key(seed)
    k1, k2, k3, k4, k5, k6 = jax.random.split(key, 6)
    edge_index = jax.random.randint(k1, (2, E), 0, NUM_NODES, dtype=jnp.int32)
    rel_type = jax.random.randint(k2, (E,), 0, NUM_RELS, dtype=jnp.int32)
    norm = jax.random.uniform(k3, (E, 1), dtype=jnp.float32)
    # RGCN layer weights (num_bases=-1 -> num_bases=num_rels, no basis decomposition)
    # input layer: in_feat = num_nodes (one-hot id features), out_feat = h_dim
    W0 = jax.random.normal(k4, (NUM_RELS, NUM_NODES, H_DIM), dtype=jnp.float32) * 0.02
    # hidden layer: h_dim -> h_dim
    W1 = jax.random.normal(k5, (NUM_RELS, H_DIM, H_DIM), dtype=jnp.float32) * 0.02
    # output layer: h_dim -> out_dim
    W2 = jax.random.normal(k6, (NUM_RELS, H_DIM, OUT_DIM), dtype=jnp.float32) * 0.02
    return {"edge_index": edge_index, "rel_type": rel_type, "norm": norm, "W0": W0, "W1": W1, "W2": W2}


def _relational_message_passing(h, W, src, dst, rel_type, norm):
    # Faithful to DGL RGCNLayer hidden/output message:
    #   msg_e = (h[src_e] @ W[rel_e]) * norm_e ; h'_v = sum_{e: dst_e = v} msg_e
    # Computed as per-relation dense matmul followed by a [rel, src] gather
    # (mathematically identical to per-edge bmm, avoids [E, d, d] blowup).
    xw = jnp.einsum('nd,rdf->rnf', h, W)          # [R, N, out]
    msg = xw[rel_type, src] * norm                # [E, out]
    return jax.ops.segment_sum(msg, dst, num_segments=NUM_NODES)


def reference(edge_index, rel_type, norm, W0, W1, W2):
    src = edge_index[0]
    dst = edge_index[1]
    # ---- input layer (is_input_layer=True): node feature is its id (arange),
    # so embed lookup index = rel_type * num_nodes + src_id, with src_id == src.
    embed = W0.reshape(-1, H_DIM)                 # [R * N, h]
    idx = rel_type * NUM_NODES + src
    msg = jnp.take(embed, idx, axis=0) * norm     # [E, h]
    h = jax.ops.segment_sum(msg, dst, num_segments=NUM_NODES)
    h = jax.nn.relu(h)
    # ---- hidden layer (num_hidden_layers=1)
    h = _relational_message_passing(h, W1, src, dst, rel_type, norm)
    h = jax.nn.relu(h)
    # ---- output layer with softmax(dim=1)
    h = _relational_message_passing(h, W2, src, dst, rel_type, norm)
    h = jax.nn.softmax(h, axis=1)
    return h

if __name__ == "__main__":
    import jax
    _d = setup_inputs()
    print(jax.jit(kernel)(*tuple(_d.values())))

</pallas_src>

<mosaic_0001>
#map = affine_map<(d0, d1) -> (0, 0)>
#map1 = affine_map<(d0, d1) -> (0)>
#map2 = affine_map<(d0, d1) -> (0, 0, 0)>
module attributes {stable_mosaic.version = 14 : i64} {
  func.func @k(%arg0: i32, %arg1: i32, %arg2: memref<160000x128xf32, #tpu.memory_space<hbm>>, %arg3: memref<320000xi32, #tpu.memory_space<hbm>>, %arg4: memref<320000xi32, #tpu.memory_space<hbm>>, %arg5: memref<320000xi32, #tpu.memory_space<hbm>>, %arg6: memref<320000xf32, #tpu.memory_space<hbm>>, %arg7: memref<2x10240x128xf32, #tpu.memory_space<hbm>>, %arg8: memref<128xi32, #tpu.memory_space<vmem>>, %arg9: memref<128xi32, #tpu.memory_space<vmem>>, %arg10: memref<128xi32, #tpu.memory_space<vmem>>, %arg11: memref<128xf32, #tpu.memory_space<vmem>>, %arg12: memref<128xi32, #tpu.memory_space<vmem>>, %arg13: memref<128x128xf32, #tpu.memory_space<vmem>>, %arg14: memref<128x128xf32, #tpu.memory_space<vmem>>, %arg15: memref<10240x128xf32, #tpu.memory_space<vmem_shared>>) attributes {dimension_semantics = [#tpu.dimension_semantics<core_parallel>, #tpu.dimension_semantics<subcore_parallel>], iteration_bounds = array<i64: 2, 16>, scalar_prefetch = 0 : i64, scratch_operands = 8 : i64, tpu.core_type = #tpu.core_type<sc_vector_subcore>, window_params = [{transform_indices = #map}, {transform_indices = #map1}, {transform_indices = #map1}, {transform_indices = #map1}, {transform_indices = #map1}, {transform_indices = #map2}]} {
    %mul3A = arith.constant 2 : i32
    %mul3A_0 = arith.muli %arg1, %mul3A : i32
    %add3A = arith.addi %mul3A_0, %arg0 : i32
    %broadcast_in_dim3A = arith.constant 0.000000e+00 : f32
    %broadcast_in_dim3A_1 = vector.broadcast %broadcast_in_dim3A : f32 to vector<16xf32>
    %scan3A = arith.constant 0 : i32
    %scan3A_2 = arith.constant 0 : i32
    %scan3A_3 = arith.constant 128 : i32
    %scan3A_4 = arith.addi %scan3A_2, %scan3A_3 : i32
    %scan3A_5 = arith.constant 1 : i32
    scf.for %scan3A_45 = %scan3A_2 to %scan3A_4 step %scan3A_5  : i32 {
      %swap3A = arith.index_cast %scan3A_45 : i32 to index
      %swap3A_46 = arith.constant 0 : index
      %swap3A_47 = tpu.vector_load %arg14[%swap3A, %swap3A_46] {strides = array<i32>} : memref<128x128xf32, #tpu.memory_space<vmem>>, vector<1x16xf32>,
      %swap3A_48 = vector.shape_cast %swap3A_47 : vector<1x16xf32> to vector<16xf32>
      %swap3A_49 = vector.shape_cast %broadcast_in_dim3A_1 : vector<16xf32> to vector<1x16xf32>
      tpu.vector_store %arg14[%swap3A, %swap3A_46], %swap3A_49 {strides = array<i32>} : memref<128x128xf32, #tpu.memory_space<vmem>>, vector<1x16xf32>,
      %swap3A_50 = arith.index_cast %scan3A_45 : i32 to index
      %swap3A_51 = arith.constant 16 : index
      %swap3A_52 = tpu.vector_load %arg14[%swap3A_50, %swap3A_51] {strides = array<i32>} : memref<128x128xf32, #tpu.memory_space<vmem>>, vector<1x16xf32>,
      %swap3A_53 = vector.shape_cast %swap3A_52 : vector<1x16xf32> to vector<16xf32>
      %swap3A_54 = vector.shape_cast %broadcast_in_dim3A_1 : vector<16xf32> to vector<1x16xf32>
      tpu.vector_store %arg14[%swap3A_50, %swap3A_51], %swap3A_54 {strides = array<i32>} : memref<128x128xf32, #tpu.memory_space<vmem>>, vector<1x16xf32>,
      %swap3A_55 = arith.index_cast %scan3A_45 : i32 to index
      %swap3A_56 = arith.constant 32 : index
      %swap3A_57 = tpu.vector_load %arg14[%swap3A_55, %swap3A_56] {strides = array<i32>} : memref<128x128xf32, #tpu.memory_space<vmem>>, vector<1x16xf32>,
      %swap3A_58 = vector.shape_cast %swap3A_57 : vector<1x16xf32> to vector<16xf32>
      %swap3A_59 = vector.shape_cast %broadcast_in_dim3A_1 : vector<16xf32> to vector<1x16xf32>
      tpu.vector_store %arg14[%swap3A_55, %swap3A_56], %swap3A_59 {strides = array<i32>} : memref<128x128xf32, #tpu.memory_space<vmem>>, vector<1x16xf32>,
      %swap3A_60 = arith.index_cast %scan3A_45 : i32 to index
      %swap3A_61 = arith.constant 48 : index
      %swap3A_62 = tpu.vector_load %arg14[%swap3A_60, %swap3A_61] {strides = array<i32>} : memref<128x128xf32, #tpu.memory_space<vmem>>, vector<1x16xf32>,
      %swap3A_63 = vector.shape_cast %swap3A_62 : vector<1x16xf32> to vector<16xf32>
      %swap3A_64 = vector.shape_cast %broadcast_in_dim3A_1 : vector<16xf32> to vector<1x16xf32>
      tpu.vector_store %arg14[%swap3A_60, %swap3A_61], %swap3A_64 {strides = array<i32>} : memref<128x128xf32, #tpu.memory_space<vmem>>, vector<1x16xf32>,
      %swap3A_65 = arith.index_cast %scan3A_45 : i32 to index
      %swap3A_66 = arith.constant 64 : index
      %swap3A_67 = tpu.vector_load %arg14[%swap3A_65, %swap3A_66] {strides = array<i32>} : memref<128x128xf32, #tpu.memory_space<vmem>>, vector<1x16xf32>,
      %swap3A_68 = vector.shape_cast %swap3A_67 : vector<1x16xf32> to vector<16xf32>
      %swap3A_69 = vector.shape_cast %broadcast_in_dim3A_1 : vector<16xf32> to vector<1x16xf32>
      tpu.vector_store %arg14[%swap3A_65, %swap3A_66], %swap3A_69 {strides = array<i32>} : memref<128x128xf32, #tpu.memory_space<vmem>>, vector<1x16xf32>,
      %swap3A_70 = arith.index_cast %scan3A_45 : i32 to index
      %swap3A_71 = arith.constant 80 : index
      %swap3A_72 = tpu.vector_load %arg14[%swap3A_70, %swap3A_71] {strides = array<i32>} : memref<128x128xf32, #tpu.memory_space<vmem>>, vector<1x16xf32>,
      %swap3A_73 = vector.shape_cast %swap3A_72 : vector<1x16xf32> to vector<16xf32>
      %swap3A_74 = vector.shape_cast %broadcast_in_dim3A_1 : vector<16xf32> to vector<1x16xf32>
      tpu.vector_store %arg14[%swap3A_70, %swap3A_71], %swap3A_74 {strides = array<i32>} : memref<128x128xf32, #tpu.memory_space<vmem>>, vector<1x16xf32>,
      %swap3A_75 = arith.index_cast %scan3A_45 : i32 to index
      %swap3A_76 = arith.constant 96 : index
      %swap3A_77 = tpu.vector_load %arg14[%swap3A_75, %swap3A_76] {strides = array<i32>} : memref<128x128xf32, #tpu.memory_space<vmem>>, vector<1x16xf32>,
      %swap3A_78 = vector.shape_cast %swap3A_77 : vector<1x16xf32> to vector<16xf32>
      %swap3A_79 = vector.shape_cast %broadcast_in_dim3A_1 : vector<16xf32> to vector<1x16xf32>
      tpu.vector_store %arg14[%swap3A_75, %swap3A_76], %swap3A_79 {strides = array<i32>} : memref<128x128xf32, #tpu.memory_space<vmem>>, vector<1x16xf32>,
      %swap3A_80 = arith.index_cast %scan3A_45 : i32 to index
      %swap3A_81 = arith.constant 112 : index
      %swap3A_82 = tpu.vector_load %arg14[%swap3A_80, %swap3A_81] {strides = array<i32>} : memref<128x128xf32, #tpu.memory_space<vmem>>, vector<1x16xf32>,
      %swap3A_83 = vector.shape_cast %swap3A_82 : vector<1x16xf32> to vector<16xf32>
      %swap3A_84 = vector.shape_cast %broadcast_in_dim3A_1 : vector<16xf32> to vector<1x16xf32>
      tpu.vector_store %arg14[%swap3A_80, %swap3A_81], %swap3A_84 {strides = array<i32>} : memref<128x128xf32, #tpu.memory_space<vmem>>, vector<1x16xf32>,
    }
    %scan3A_6 = arith.constant 128 : i32
    %mul3A_7 = arith.constant 640 : i32
    %mul3A_8 = arith.muli %arg1, %mul3A_7 : i32
    %add3A_9 = arith.constant 0 : i32
    %add3A_10 = arith.addi %mul3A_8, %add3A_9 : i32
    "tpu.region"() ({
      %run_scoped3A = tpu.sem_alloc : memref<!tpu.dma_semaphore, #tpu.memory_space<semaphore_mem>>
      %dma_start3A = arith.constant 0 : i32
      %dma_start3A_45 = tpu.memref_slice %arg15[%add3A_10, %dma_start3A] : memref<10240x128xf32, #tpu.memory_space<vmem_shared>> -> memref<128x128xf32, #tpu.memory_space<vmem_shared>>
      %dma_start3A_46 = arith.constant 0 : i32
      %dma_start3A_47 = tpu.memref_slice %arg15[%add3A_10, %dma_start3A_46] : memref<10240x128xf32, #tpu.memory_space<vmem_shared>> -> memref<128x128xf32, #tpu.memory_space<vmem_shared>>
      tpu.enqueue_dma source(%arg14 : memref<128x128xf32, #tpu.memory_space<vmem>>) target(%dma_start3A_47 : memref<128x128xf32, #tpu.memory_space<vmem_shared>>) target_semaphore(%run_scoped3A : memref<!tpu.dma_semaphore, #tpu.memory_space<semaphore_mem>>)
      %dma_wait3A = arith.constant 0 : i32
      %dma_wait3A_48 = tpu.memref_slice %arg15[%add3A_10, %dma_wait3A] : memref<10240x128xf32, #tpu.memory_space<vmem_shared>> -> memref<128x128xf32, #tpu.memory_space<vmem_shared>>
      %dma_wait3A_49 = arith.constant 0 : i32
      %dma_wait3A_50 = tpu.memref_slice %arg15[%add3A_10, %dma_wait3A_49] : memref<10240x128xf32, #tpu.memory_space<vmem_shared>> -> memref<128x128xf32, #tpu.memory_space<vmem_shared>>
      tpu.wait_dma2 semaphore(%run_scoped3A : memref<!tpu.dma_semaphore, #tpu.memory_space<semaphore_mem>>) src(%arg14 : memref<128x128xf32, #tpu.memory_space<vmem>>) dst(%dma_wait3A_50 : memref<128x128xf32, #tpu.memory_space<vmem_shared>>)
      tpu.yield
    }) : () -> ()
    %mul3A_11 = arith.constant 640 : i32
    %mul3A_12 = arith.muli %arg1, %mul3A_11 : i32
    %add3A_13 = arith.constant 128 : i32
    %add3A_14 = arith.addi %mul3A_12, %add3A_13 : i32
    "tpu.region"() ({
      %run_scoped3A = tpu.sem_alloc : memref<!tpu.dma_semaphore, #tpu.memory_space<semaphore_mem>>
      %dma_start3A = arith.constant 0 : i32
      %dma_start3A_45 = tpu.memref_slice %arg15[%add3A_14, %dma_start3A] : memref<10240x128xf32, #tpu.memory_space<vmem_shared>> -> memref<128x128xf32, #tpu.memory_space<vmem_shared>>
      %dma_start3A_46 = arith.constant 0 : i32
      %dma_start3A_47 = tpu.memref_slice %arg15[%add3A_14, %dma_start3A_46] : memref<10240x128xf32, #tpu.memory_space<vmem_shared>> -> memref<128x128xf32, #tpu.memory_space<vmem_shared>>
      tpu.enqueue_dma source(%arg14 : memref<128x128xf32, #tpu.memory_space<vmem>>) target(%dma_start3A_47 : memref<128x128xf32, #tpu.memory_space<vmem_shared>>) target_semaphore(%run_scoped3A : memref<!tpu.dma_semaphore, #tpu.memory_space<semaphore_mem>>)
      %dma_wait3A = arith.constant 0 : i32
      %dma_wait3A_48 = tpu.memref_slice %arg15[%add3A_14, %dma_wait3A] : memref<10240x128xf32, #tpu.memory_space<vmem_shared>> -> memref<128x128xf32, #tpu.memory_space<vmem_shared>>
      %dma_wait3A_49 = arith.constant 0 : i32
      %dma_wait3A_50 = tpu.memref_slice %arg15[%add3A_14, %dma_wait3A_49] : memref<10240x128xf32, #tpu.memory_space<vmem_shared>> -> memref<128x128xf32, #tpu.memory_space<vmem_shared>>
      tpu.wait_dma2 semaphore(%run_scoped3A : memref<!tpu.dma_semaphore, #tpu.memory_space<semaphore_mem>>) src(%arg14 : memref<128x128xf32, #tpu.memory_space<vmem>>) dst(%dma_wait3A_50 : memref<128x128xf32, #tpu.memory_space<vmem_shared>>)
      tpu.yield
    }) : () -> ()
    %mul3A_15 = arith.constant 640 : i32
    %mul3A_16 = arith.muli %arg1, %mul3A_15 : i32
    %add3A_17 = arith.constant 256 : i32
    %add3A_18 = arith.addi %mul3A_16, %add3A_17 : i32
    "tpu.region"() ({
      %run_scoped3A = tpu.sem_alloc : memref<!tpu.dma_semaphore, #tpu.memory_space<semaphore_mem>>
      %dma_start3A = arith.constant 0 : i32
      %dma_start3A_45 = tpu.memref_slice %arg15[%add3A_18, %dma_start3A] : memref<10240x128xf32, #tpu.memory_space<vmem_shared>> -> memref<128x128xf32, #tpu.memory_space<vmem_shared>>
      %dma_start3A_46 = arith.constant 0 : i32
      %dma_start3A_47 = tpu.memref_slice %arg15[%add3A_18, %dma_start3A_46] : memref<10240x128xf32, #tpu.memory_space<vmem_shared>> -> memref<128x128xf32, #tpu.memory_space<vmem_shared>>
      tpu.enqueue_dma source(%arg14 : memref<128x128xf32, #tpu.memory_space<vmem>>) target(%dma_start3A_47 : memref<128x128xf32, #tpu.memory_space<vmem_shared>>) target_semaphore(%run_scoped3A : memref<!tpu.dma_semaphore, #tpu.memory_space<semaphore_mem>>)
      %dma_wait3A = arith.constant 0 : i32
      %dma_wait3A_48 = tpu.memref_slice %arg15[%add3A_18, %dma_wait3A] : memref<10240x128xf32, #tpu.memory_space<vmem_shared>> -> memref<128x128xf32, #tpu.memory_space<vmem_shared>>
      %dma_wait3A_49 = arith.constant 0 : i32
      %dma_wait3A_50 = tpu.memref_slice %arg15[%add3A_18, %dma_wait3A_49] : memref<10240x128xf32, #tpu.memory_space<vmem_shared>> -> memref<128x128xf32, #tpu.memory_space<vmem_shared>>
      tpu.wait_dma2 semaphore(%run_scoped3A : memref<!tpu.dma_semaphore, #tpu.memory_space<semaphore_mem>>) src(%arg14 : memref<128x128xf32, #tpu.memory_space<vmem>>) dst(%dma_wait3A_50 : memref<128x128xf32, #tpu.memory_space<vmem_shared>>)
      tpu.yield
    }) : () -> ()
    %mul3A_19 = arith.constant 640 : i32
    %mul3A_20 = arith.muli %arg1, %mul3A_19 : i32
    %add3A_21 = arith.constant 384 : i32
    %add3A_22 = arith.addi %mul3A_20, %add3A_21 : i32
    "tpu.region"() ({
      %run_scoped3A = tpu.sem_alloc : memref<!tpu.dma_semaphore, #tpu.memory_space<semaphore_mem>>
      %dma_start3A = arith.constant 0 : i32
      %dma_start3A_45 = tpu.memref_slice %arg15[%add3A_22, %dma_start3A] : memref<10240x128xf32, #tpu.memory_space<vmem_shared>> -> memref<128x128xf32, #tpu.memory_space<vmem_shared>>
      %dma_start3A_46 = arith.constant 0 : i32
      %dma_start3A_47 = tpu.memref_slice %arg15[%add3A_22, %dma_start3A_46] : memref<10240x128xf32, #tpu.memory_space<vmem_shared>> -> memref<128x128xf32, #tpu.memory_space<vmem_shared>>
      tpu.enqueue_dma source(%arg14 : memref<128x128xf32, #tpu.memory_space<vmem>>) target(%dma_start3A_47 : memref<128x128xf32, #tpu.memory_space<vmem_shared>>) target_semaphore(%run_scoped3A : memref<!tpu.dma_semaphore, #tpu.memory_space<semaphore_mem>>)
      %dma_wait3A = arith.constant 0 : i32
      %dma_wait3A_48 = tpu.memref_slice %arg15[%add3A_22, %dma_wait3A] : memref<10240x128xf32, #tpu.memory_space<vmem_shared>> -> memref<128x128xf32, #tpu.memory_space<vmem_shared>>
      %dma_wait3A_49 = arith.constant 0 : i32
      %dma_wait3A_50 = tpu.memref_slice %arg15[%add3A_22, %dma_wait3A_49] : memref<10240x128xf32, #tpu.memory_space<vmem_shared>> -> memref<128x128xf32, #tpu.memory_space<vmem_shared>>
      tpu.wait_dma2 semaphore(%run_scoped3A : memref<!tpu.dma_semaphore, #tpu.memory_space<semaphore_mem>>) src(%arg14 : memref<128x128xf32, #tpu.memory_space<vmem>>) dst(%dma_wait3A_50 : memref<128x128xf32, #tpu.memory_space<vmem_shared>>)
      tpu.yield
    }) : () -> ()
    %mul3A_23 = arith.constant 640 : i32
    %mul3A_24 = arith.muli %arg1, %mul3A_23 : i32
    %add3A_25 = arith.constant 512 : i32
    %add3A_26 = arith.addi %mul3A_24, %add3A_25 : i32
    "tpu.region"() ({
      %run_scoped3A = tpu.sem_alloc : memref<!tpu.dma_semaphore, #tpu.memory_space<semaphore_mem>>
      %dma_start3A = arith.constant 0 : i32
      %dma_start3A_45 = tpu.memref_slice %arg15[%add3A_26, %dma_start3A] : memref<10240x128xf32, #tpu.memory_space<vmem_shared>> -> memref<128x128xf32, #tpu.memory_space<vmem_shared>>
      %dma_start3A_46 = arith.constant 0 : i32
      %dma_start3A_47 = tpu.memref_slice %arg15[%add3A_26, %dma_start3A_46] : memref<10240x128xf32, #tpu.memory_space<vmem_shared>> -> memref<128x128xf32, #tpu.memory_space<vmem_shared>>
      tpu.enqueue_dma source(%arg14 : memref<128x128xf32, #tpu.memory_space<vmem>>) target(%dma_start3A_47 : memref<128x128xf32, #tpu.memory_space<vmem_shared>>) target_semaphore(%run_scoped3A : memref<!tpu.dma_semaphore, #tpu.memory_space<semaphore_mem>>)
      %dma_wait3A = arith.constant 0 : i32
      %dma_wait3A_48 = tpu.memref_slice %arg15[%add3A_26, %dma_wait3A] : memref<10240x128xf32, #tpu.memory_space<vmem_shared>> -> memref<128x128xf32, #tpu.memory_space<vmem_shared>>
      %dma_wait3A_49 = arith.constant 0 : i32
      %dma_wait3A_50 = tpu.memref_slice %arg15[%add3A_26, %dma_wait3A_49] : memref<10240x128xf32, #tpu.memory_space<vmem_shared>> -> memref<128x128xf32, #tpu.memory_space<vmem_shared>>
      tpu.wait_dma2 semaphore(%run_scoped3A : memref<!tpu.dma_semaphore, #tpu.memory_space<semaphore_mem>>) src(%arg14 : memref<128x128xf32, #tpu.memory_space<vmem>>) dst(%dma_wait3A_50 : memref<128x128xf32, #tpu.memory_space<vmem_shared>>)
      tpu.yield
    }) : () -> ()
    %barrier3A = arith.constant 0 : index
    tpu.barrier barrier_id(%barrier3A)
    %lt3A = arith.constant 4 : i32
    %lt3A_27 = arith.cmpi slt, %add3A, %lt3A : i32
    %jit3A = arith.constant 1 : i32
    %jit3A_28 = arith.constant 0 : i32
    %select_n3A = arith.select %lt3A_27, %jit3A, %jit3A_28 : i32
    %add3A_29 = arith.constant 78 : i32
    %add3A_30 = arith.addi %add3A_29, %select_n3A : i32
    %while3A = arith.constant 0 : i32
    %while3A_31 = arith.constant 0 : i32
    %while3A_32 = arith.subi %add3A_30, %while3A_31 : i32
    %while3A_33 = arith.addi %while3A_31, %while3A_32 : i32
    %while3A_34 = arith.constant 1 : i32
    %while3A_35 = arith.divsi %while3A_32, %while3A_34 : i32
    %while3A_36 = arith.muli %while3A_35, %while3A_34 : i32
    %while3A_37 = arith.addi %while3A_31, %while3A_36 : i32
    %while3A_38 = arith.constant 1 : i32
    scf.for %while3A_45 = %while3A_31 to %while3A_37 step %while3A_38  : i32 {
      %mul3A_46 = arith.constant 32 : i32
      %mul3A_47 = arith.muli %mul3A_46, %while3A_45 : i32
      %add3A_48 = arith.addi %add3A, %mul3A_47 : i32
      %mul3A_49 = arith.constant 128 : i32
      %mul3A_50 = arith.muli %add3A_48, %mul3A_49 : i32
      "tpu.region"() ({
        %run_scoped3A = tpu.sem_alloc : memref<!tpu.dma_semaphore, #tpu.memory_space<semaphore_mem>>
        %dma_start3A = tpu.memref_slice %arg3[%mul3A_50] : memref<320000xi32, #tpu.memory_space<hbm>> -> memref<128xi32, #tpu.memory_space<hbm>>
        %dma_start3A_167 = tpu.memref_slice %arg3[%mul3A_50] : memref<320000xi32, #tpu.memory_space<hbm>> -> memref<128xi32, #tpu.memory_space<hbm>>
        tpu.enqueue_dma source(%dma_start3A_167 : memref<128xi32, #tpu.memory_space<hbm>>) target(%arg8 : memref<128xi32, #tpu.memory_space<vmem>>) target_semaphore(%run_scoped3A : memref<!tpu.dma_semaphore, #tpu.memory_space<semaphore_mem>>)
        %dma_wait3A = tpu.memref_slice %arg3[%mul3A_50] : memref<320000xi32, #tpu.memory_space<hbm>> -> memref<128xi32, #tpu.memory_space<hbm>>
        %dma_wait3A_168 = tpu.memref_slice %arg3[%mul3A_50] : memref<320000xi32, #tpu.memory_space<hbm>> -> memref<128xi32, #tpu.memory_space<hbm>>
        tpu.wait_dma2 semaphore(%run_scoped3A : memref<!tpu.dma_semaphore, #tpu.memory_space<semaphore_mem>>) src(%dma_wait3A_168 : memref<128xi32, #tpu.memory_space<hbm>>) dst(%arg8 : memref<128xi32, #tpu.memory_space<vmem>>)
        tpu.yield
      }) : () -> ()
      "tpu.region"() ({
        %run_scoped3A = tpu.sem_alloc : memref<!tpu.dma_semaphore, #tpu.memory_space<semaphore_mem>>
        %dma_start3A = tpu.memref_slice %arg4[%mul3A_50] : memref<320000xi32, #tpu.memory_space<hbm>> -> memref<128xi32, #tpu.memory_space<hbm>>
        %dma_start3A_167 = tpu.memref_slice %arg4[%mul3A_50] : memref<320000xi32, #tpu.memory_space<hbm>> -> memref<128xi32, #tpu.memory_space<hbm>>
        tpu.enqueue_dma source(%dma_start3A_167 : memref<128xi32, #tpu.memory_space<hbm>>) target(%arg9 : memref<128xi32, #tpu.memory_space<vmem>>) target_semaphore(%run_scoped3A : memref<!tpu.dma_semaphore, #tpu.memory_space<semaphore_mem>>)
        %dma_wait3A = tpu.memref_slice %arg4[%mul3A_50] : memref<320000xi32, #tpu.memory_space<hbm>> -> memref<128xi32, #tpu.memory_space<hbm>>
        %dma_wait3A_168 = tpu.memref_slice %arg4[%mul3A_50] : memref<320000xi32, #tpu.memory_space<hbm>> -> memref<128xi32, #tpu.memory_space<hbm>>
        tpu.wait_dma2 semaphore(%run_scoped3A : memref<!tpu.dma_semaphore, #tpu.memory_space<semaphore_mem>>) src(%dma_wait3A_168 : memref<128xi32, #tpu.memory_space<hbm>>) dst(%arg9 : memref<128xi32, #tpu.memory_space<vmem>>)
        tpu.yield
      }) : () -> ()
      "tpu.region"() ({
        %run_scoped3A = tpu.sem_alloc : memref<!tpu.dma_semaphore, #tpu.memory_space<semaphore_mem>>
        %dma_start3A = tpu.memref_slice %arg5[%mul3A_50] : memref<320000xi32, #tpu.memory_space<hbm>> -> memref<128xi32, #tpu.memory_space<hbm>>
        %dma_start3A_167 = tpu.memref_slice %arg5[%mul3A_50] : memref<320000xi32, #tpu.memory_space<hbm>> -> memref<128xi32, #tpu.memory_space<hbm>>
        tpu.enqueue_dma source(%dma_start3A_167 : memref<128xi32, #tpu.memory_space<hbm>>) target(%arg10 : memref<128xi32, #tpu.memory_space<vmem>>) target_semaphore(%run_scoped3A : memref<!tpu.dma_semaphore, #tpu.memory_space<semaphore_mem>>)
        %dma_wait3A = tpu.memref_slice %arg5[%mul3A_50] : memref<320000xi32, #tpu.memory_space<hbm>> -> memref<128xi32, #tpu.memory_space<hbm>>
        %dma_wait3A_168 = tpu.memref_slice %arg5[%mul3A_50] : memref<320000xi32, #tpu.memory_space<hbm>> -> memref<128xi32, #tpu.memory_space<hbm>>
        tpu.wait_dma2 semaphore(%run_scoped3A : memref<!tpu.dma_semaphore, #tpu.memory_space<semaphore_mem>>) src(%dma_wait3A_168 : memref<128xi32, #tpu.memory_space<hbm>>) dst(%arg10 : memref<128xi32, #tpu.memory_space<vmem>>)
        tpu.yield
      }) : () -> ()
      "tpu.region"() ({
        %run_scoped3A = tpu.sem_alloc : memref<!tpu.dma_semaphore, #tpu.memory_space<semaphore_mem>>
        %dma_start3A = tpu.memref_slice %arg6[%mul3A_50] : memref<320000xf32, #tpu.memory_space<hbm>> -> memref<128xf32, #tpu.memory_space<hbm>>
        %dma_start3A_167 = tpu.memref_slice %arg6[%mul3A_50] : memref<320000xf32, #tpu.memory_space<hbm>> -> memref<128xf32, #tpu.memory_space<hbm>>
        tpu.enqueue_dma source(%dma_start3A_167 : memref<128xf32, #tpu.memory_space<hbm>>) target(%arg11 : memref<128xf32, #tpu.memory_space<vmem>>) target_semaphore(%run_scoped3A : memref<!tpu.dma_semaphore, #tpu.memory_space<semaphore_mem>>)
        %dma_wait3A = tpu.memref_slice %arg6[%mul3A_50] : memref<320000xf32, #tpu.memory_space<hbm>> -> memref<128xf32, #tpu.memory_space<hbm>>
        %dma_wait3A_168 = tpu.memref_slice %arg6[%mul3A_50] : memref<320000xf32, #tpu.memory_space<hbm>> -> memref<128xf32, #tpu.memory_space<hbm>>
        tpu.wait_dma2 semaphore(%run_scoped3A : memref<!tpu.dma_semaphore, #tpu.memory_space<semaphore_mem>>) src(%dma_wait3A_168 : memref<128xf32, #tpu.memory_space<hbm>>) dst(%arg11 : memref<128xf32, #tpu.memory_space<vmem>>)
        tpu.yield
      }) : () -> ()
      %get3A = arith.constant 0 : index
      %get3A_51 = tpu.vector_load %arg9[%get3A] {strides = array<i32>} : memref<128xi32, #tpu.memory_space<vmem>>, vector<16xi32>,
      %get3A_52 = vector.shape_cast %get3A_51 : vector<16xi32> to vector<16xi32>
      %mul3A_53 = arith.constant 10000 : i32
      %mul3A_54 = vector.broadcast %mul3A_53 : i32 to vector<16xi32>
      %mul3A_55 = arith.muli %get3A_52, %mul3A_54 : vector<16xi32>
      %get3A_56 = arith.constant 0 : index
      %get3A_57 = tpu.vector_load %arg8[%get3A_56] {strides = array<i32>} : memref<128xi32, #tpu.memory_space<vmem>>, vector<16xi32>,
      %get3A_58 = vector.shape_cast %get3A_57 : vector<16xi32> to vector<16xi32>
      %add3A_59 = arith.addi %mul3A_55, %get3A_58 : vector<16xi32>
      %swap3A = arith.constant 0 : index
      %swap3A_60 = tpu.vector_load %arg12[%swap3A] {strides = array<i32>} : memref<128xi32, #tpu.memory_space<vmem>>, vector<16xi32>,
      %swap3A_61 = vector.shape_cast %swap3A_60 : vector<16xi32> to vector<16xi32>
      %swap3A_62 = vector.shape_cast %add3A_59 : vector<16xi32> to vector<16xi32>
      tpu.vector_store %arg12[%swap3A], %swap3A_62 {strides = array<i32>} : memref<128xi32, #tpu.memory_space<vmem>>, vector<16xi32>,
      %get3A_63 = arith.constant 16 : index
      %get3A_64 = tpu.vector_load %arg9[%get3A_63] {strides = array<i32>} : memref<128xi32, #tpu.memory_space<vmem>>, vector<16xi32>,
      %get3A_65 = vector.shape_cast %get3A_64 : vector<16xi32> to vector<16xi32>
      %mul3A_66 = arith.constant 10000 : i32
      %mul3A_67 = vector.broadcast %mul3A_66 : i32 to vector<16xi32>
      %mul3A_68 = arith.muli %get3A_65, %mul3A_67 : vector<16xi32>
      %get3A_69 = arith.constant 16 : index
      %get3A_70 = tpu.vector_load %arg8[%get3A_69] {strides = array<i32>} : memref<128xi32, #tpu.memory_space<vmem>>, vector<16xi32>,
      %get3A_71 = vector.shape_cast %get3A_70 : vector<16xi32> to vector<16xi32>
      %add3A_72 = arith.addi %mul3A_68, %get3A_71 : vector<16xi32>
      %swap3A_73 = arith.constant 16 : index
      %swap3A_74 = tpu.vector_load %arg12[%swap3A_73] {strides = array<i32>} : memref<128xi32, #tpu.memory_space<vmem>>, vector<16xi32>,
      %swap3A_75 = vector.shape_cast %swap3A_74 : vector<16xi32> to vector<16xi32>
      %swap3A_76 = vector.shape_cast %add3A_72 : vector<16xi32> to vector<16xi32>
      tpu.vector_store %arg12[%swap3A_73], %swap3A_76 {strides = array<i32>} : memref<128xi32, #tpu.memory_space<vmem>>, vector<16xi32>,
      %get3A_77 = arith.constant 32 : index
      %get3A_78 = tpu.vector_load %arg9[%get3A_77] {strides = array<i32>} : memref<128xi32, #tpu.memory_space<vmem>>, vector<16xi32>,
      %get3A_79 = vector.shape_cast %get3A_78 : vector<16xi32> to vector<16xi32>
      %mul3A_80 = arith.constant 10000 : i32
      %mul3A_81 = vector.broadcast %mul3A_80 : i32 to vector<16xi32>
      %mul3A_82 = arith.muli %get3A_79, %mul3A_81 : vector<16xi32>
      %get3A_83 = arith.constant 32 : index
      %get3A_84 = tpu.vector_load %arg8[%get3A_83] {strides = array<i32>} : memref<128xi32, #tpu.memory_space<vmem>>, vector<16xi32>,
      %get3A_85 = vector.shape_cast %get3A_84 : vector<16xi32> to vector<16xi32>
      %add3A_86 = arith.addi %mul3A_82, %get3A_85 : vector<16xi32>
      %swap3A_87 = arith.constant 32 : index
      %swap3A_88 = tpu.vector_load %arg12[%swap3A_87] {strides = array<i32>} : memref<128xi32, #tpu.memory_space<vmem>>, vector<16xi32>,
      %swap3A_89 = vector.shape_cast %swap3A_88 : vector<16xi32> to vector<16xi32>
      %swap3A_90 = vector.shape_cast %add3A_86 : vector<16xi32> to vector<16xi32>
      tpu.vector_store %arg12[%swap3A_87], %swap3A_90 {strides = array<i32>} : memref<128xi32, #tpu.memory_space<vmem>>, vector<16xi32>,
      %get3A_91 = arith.constant 48 : index
      %get3A_92 = tpu.vector_load %arg9[%get3A_91] {strides = array<i32>} : memref<128xi32, #tpu.memory_space<vmem>>, vector<16xi32>,
      %get3A_93 = vector.shape_cast %get3A_92 : vector<16xi32> to vector<16xi32>
      %mul3A_94 = arith.constant 10000 : i32
      %mul3A_95 = vector.broadcast %mul3A_94 : i32 to vector<16xi32>
      %mul3A_96 = arith.muli %get3A_93, %mul3A_95 : vector<16xi32>
      %get3A_97 = arith.constant 48 : index
      %get3A_98 = tpu.vector_load %arg8[%get3A_97] {strides = array<i32>} : memref<128xi32, #tpu.memory_space<vmem>>, vector<16xi32>,
      %get3A_99 = vector.shape_cast %get3A_98 : vector<16xi32> to vector<16xi32>
      %add3A_100 = arith.addi %mul3A_96, %get3A_99 : vector<16xi32>
      %swap3A_101 = arith.constant 48 : index
      %swap3A_102 = tpu.vector_load %arg12[%swap3A_101] {strides = array<i32>} : memref<128xi32, #tpu.memory_space<vmem>>, vector<16xi32>,
      %swap3A_103 = vector.shape_cast %swap3A_102 : vector<16xi32> to vector<16xi32>
      %swap3A_104 = vector.shape_cast %add3A_100 : vector<16xi32> to vector<16xi32>
      tpu.vector_store %arg12[%swap3A_101], %swap3A_104 {strides = array<i32>} : memref<128xi32, #tpu.memory_space<vmem>>, vector<16xi32>,
      %get3A_105 = arith.constant 64 : index
      %get3A_106 = tpu.vector_load %arg9[%get3A_105] {strides = array<i32>} : memref<128xi32, #tpu.memory_space<vmem>>, vector<16xi32>,
      %get3A_107 = vector.shape_cast %get3A_106 : vector<16xi32> to vector<16xi32>
      %mul3A_108 = arith.constant 10000 : i32
      %mul3A_109 = vector.broadcast %mul3A_108 : i32 to vector<16xi32>
      %mul3A_110 = arith.muli %get3A_107, %mul3A_109 : vector<16xi32>
      %get3A_111 = arith.constant 64 : index
      %get3A_112 = tpu.vector_load %arg8[%get3A_111] {strides = array<i32>} : memref<128xi32, #tpu.memory_space<vmem>>, vector<16xi32>,
      %get3A_113 = vector.shape_cast %get3A_112 : vector<16xi32> to vector<16xi32>
      %add3A_114 = arith.addi %mul3A_110, %get3A_113 : vector<16xi32>
      %swap3A_115 = arith.constant 64 : index
      %swap3A_116 = tpu.vector_load %arg12[%swap3A_115] {strides = array<i32>} : memref<128xi32, #tpu.memory_space<vmem>>, vector<16xi32>,
      %swap3A_117 = vector.shape_cast %swap3A_116 : vector<16xi32> to vector<16xi32>
      %swap3A_118 = vector.shape_cast %add3A_114 : vector<16xi32> to vector<16xi32>
      tpu.vector_store %arg12[%swap3A_115], %swap3A_118 {strides = array<i32>} : memref<128xi32, #tpu.memory_space<vmem>>, vector<16xi32>,
      %get3A_119 = arith.constant 80 : index
      %get3A_120 = tpu.vector_load %arg9[%get3A_119] {strides = array<i32>} : memref<128xi32, #tpu.memory_space<vmem>>, vector<16xi32>,
      %get3A_121 = vector.shape_cast %get3A_120 : vector<16xi32> to vector<16xi32>
      %mul3A_122 = arith.constant 10000 : i32
      %mul3A_123 = vector.broadcast %mul3A_122 : i32 to vector<16xi32>
      %mul3A_124 = arith.muli %get3A_121, %mul3A_123 : vector<16xi32>
      %get3A_125 = arith.constant 80 : index
      %get3A_126 = tpu.vector_load %arg8[%get3A_125] {strides = array<i32>} : memref<128xi32, #tpu.memory_space<vmem>>, vector<16xi32>,
      %get3A_127 = vector.shape_cast %get3A_126 : vector<16xi32> to vector<16xi32>
      %add3A_128 = arith.addi %mul3A_124, %get3A_127 : vector<16xi32>
      %swap3A_129 = arith.constant 80 : index
      %swap3A_130 = tpu.vector_load %arg12[%swap3A_129] {strides = array<i32>} : memref<128xi32, #tpu.memory_space<vmem>>, vector<16xi32>,
      %swap3A_131 = vector.shape_cast %swap3A_130 : vector<16xi32> to vector<16xi32>
      %swap3A_132 = vector.shape_cast %add3A_128 : vector<16xi32> to vector<16xi32>
      tpu.vector_store %arg12[%swap3A_129], %swap3A_132 {strides = array<i32>} : memref<128xi32, #tpu.memory_space<vmem>>, vector<16xi32>,
      %get3A_133 = arith.constant 96 : index
      %get3A_134 = tpu.vector_load %arg9[%get3A_133] {strides = array<i32>} : memref<128xi32, #tpu.memory_space<vmem>>, vector<16xi32>,
      %get3A_135 = vector.shape_cast %get3A_134 : vector<16xi32> to vector<16xi32>
      %mul3A_136 = arith.constant 10000 : i32
      %mul3A_137 = vector.broadcast %mul3A_136 : i32 to vector<16xi32>
      %mul3A_138 = arith.muli %get3A_135, %mul3A_137 : vector<16xi32>
      %get3A_139 = arith.constant 96 : index
      %get3A_140 = tpu.vector_load %arg8[%get3A_139] {strides = array<i32>} : memref<128xi32, #tpu.memory_space<vmem>>, vector<16xi32>,
      %get3A_141 = vector.shape_cast %get3A_140 : vector<16xi32> to vector<16xi32>
      %add3A_142 = arith.addi %mul3A_138, %get3A_141 : vector<16xi32>
      %swap3A_143 = arith.constant 96 : index
      %swap3A_144 = tpu.vector_load %arg12[%swap3A_143] {strides = array<i32>} : memref<128xi32, #tpu.memory_space<vmem>>, vector<16xi32>,
      %swap3A_145 = vector.shape_cast %swap3A_144 : vector<16xi32> to vector<16xi32>
      %swap3A_146 = vector.shape_cast %add3A_142 : vector<16xi32> to vector<16xi32>
      tpu.vector_store %arg12[%swap3A_143], %swap3A_146 {strides = array<i32>} : memref<128xi32, #tpu.memory_space<vmem>>, vector<16xi32>,
      %get3A_147 = arith.constant 112 : index
      %get3A_148 = tpu.vector_load %arg9[%get3A_147] {strides = array<i32>} : memref<128xi32, #tpu.memory_space<vmem>>, vector<16xi32>,
      %get3A_149 = vector.shape_cast %get3A_148 : vector<16xi32> to vector<16xi32>
      %mul3A_150 = arith.constant 10000 : i32
      %mul3A_151 = vector.broadcast %mul3A_150 : i32 to vector<16xi32>
      %mul3A_152 = arith.muli %get3A_149, %mul3A_151 : vector<16xi32>
      %get3A_153 = arith.constant 112 : index
      %get3A_154 = tpu.vector_load %arg8[%get3A_153] {strides = array<i32>} : memref<128xi32, #tpu.memory_space<vmem>>, vector<16xi32>,
      %get3A_155 = vector.shape_cast %get3A_154 : vector<16xi32> to vector<16xi32>
      %add3A_156 = arith.addi %mul3A_152, %get3A_155 : vector<16xi32>
      %swap3A_157 = arith.constant 112 : index
      %swap3A_158 = tpu.vector_load %arg12[%swap3A_157] {strides = array<i32>} : memref<128xi32, #tpu.memory_space<vmem>>, vector<16xi32>,
      %swap3A_159 = vector.shape_cast %swap3A_158 : vector<16xi32> to vector<16xi32>
      %swap3A_160 = vector.shape_cast %add3A_156 : vector<16xi32> to vector<16xi32>
      tpu.vector_store %arg12[%swap3A_157], %swap3A_160 {strides = array<i32>} : memref<128xi32, #tpu.memory_space<vmem>>, vector<16xi32>,
      "tpu.region"() ({
        %run_scoped3A = tpu.sem_alloc : memref<!tpu.dma_semaphore, #tpu.memory_space<semaphore_mem>>
        %dma_start3A = arith.constant 0 : i32
        %dma_start3A_167 = arith.constant 0 : i32
        %dma_start3A_168 = tpu.memref_slice %arg2[%dma_start3A, %dma_start3A_167] : memref<160000x128xf32, #tpu.memory_space<hbm>> -> memref<160000x128xf32, #tpu.memory_space<hbm>>
        tpu.enqueue_indirect_dma source(%dma_start3A_168 : memref<160000x128xf32, #tpu.memory_space<hbm>>) target(%arg13 : memref<128x128xf32, #tpu.memory_space<vmem>>) offsets(%arg12 : memref<128xi32, #tpu.memory_space<vmem>>) semaphore(%run_scoped3A : memref<!tpu.dma_semaphore, #tpu.memory_space<semaphore_mem>>)
        %dma_wait3A = arith.constant 0 : i32
        %dma_wait3A_169 = arith.constant 0 : i32
        %dma_wait3A_170 = tpu.memref_slice %arg2[%dma_wait3A, %dma_wait3A_169] : memref<160000x128xf32, #tpu.memory_space<hbm>> -> memref<160000x128xf32, #tpu.memory_space<hbm>>
        tpu.wait_indirect_dma semaphore(%run_scoped3A : memref<!tpu.dma_semaphore, #tpu.memory_space<semaphore_mem>>) src(%dma_wait3A_170 : memref<160000x128xf32, #tpu.memory_space<hbm>>) dst(%arg13 : memref<128x128xf32, #tpu.memory_space<vmem>>)
        tpu.yield
      }) : () -> ()
      %scan3A_161 = arith.constant 0 : i32
      %scan3A_162 = arith.constant 0 : i32
      %scan3A_163 = arith.constant 8 : i32
      %scan3A_164 = arith.addi %scan3A_162, %scan3A_163 : i32
      %scan3A_165 = arith.constant 1 : i32
      scf.for %scan3A_167 = %scan3A_162 to %scan3A_164 step %scan3A_165  : i32 {
        %mul3A_168 = arith.constant 16 : i32
        %mul3A_169 = arith.muli %mul3A_168, %scan3A_167 : i32
        %get3A_170 = arith.index_cast %mul3A_169 : i32 to index
        %get3A_171 = tpu.vector_load %arg11[%get3A_170] {strides = array<i32>} : memref<128xf32, #tpu.memory_space<vmem>>, vector<16xf32>,
        %get3A_172 = vector.shape_cast %get3A_171 : vector<16xf32> to vector<16xf32>
        %broadcast_in_dim3A_173 = arith.constant 0 : i32
        %broadcast_in_dim3A_174 = vector.broadcast %broadcast_in_dim3A_173 : i32 to vector<16xi32>
        %lt3A_175 = arith.constant 0 : i32
        %lt3A_176 = vector.broadcast %lt3A_175 : i32 to vector<16xi32>
        %lt3A_177 = arith.cmpi slt, %broadcast_in_dim3A_174, %lt3A_176 : vector<16xi32>
        %add3A_178 = arith.constant 16 : i32
        %add3A_179 = vector.broadcast %add3A_178 : i32 to vector<16xi32>
        %add3A_180 = arith.addi %broadcast_in_dim3A_174, %add3A_179 : vector<16xi32>
        %select_n3A_181 = arith.select %lt3A_177, %add3A_180, %broadcast_in_dim3A_174 : vector<16xi1>, vector<16xi32>
        %broadcast_in_dim3A_182 = vector.shape_cast %select_n3A_181 : vector<16xi32> to vector<16x1xi32>
        %gather3A = vector.shape_cast %broadcast_in_dim3A_182 : vector<16x1xi32> to vector<16xi32>
        %gather3A_183 = tpu.dynamic_gather %get3A_172[%gather3A] in [0] : vector<16xf32>, vector<16xi32> -> vector<16xf32>
        %mul3A_184 = arith.constant 16 : i32
        %mul3A_185 = arith.muli %mul3A_184, %scan3A_167 : i32
        %add3A_186 = arith.constant 0 : i32
        %add3A_187 = arith.addi %mul3A_185, %add3A_186 : i32
        %get3A_188 = arith.index_cast %add3A_187 : i32 to index
        %get3A_189 = arith.constant 0 : index
        %get3A_190 = tpu.vector_load %arg13[%get3A_188, %get3A_189] {strides = array<i32>} : memref<128x128xf32, #tpu.memory_space<vmem>>, vector<1x16xf32>,
        %get3A_191 = vector.shape_cast %get3A_190 : vector<1x16xf32> to vector<16xf32>
        %mul3A_192 = arith.mulf %get3A_191, %gather3A_183 : vector<16xf32>
        %swap3A_193 = arith.index_cast %add3A_187 : i32 to index
        %swap3A_194 = arith.constant 0 : index
        %swap3A_195 = tpu.vector_load %arg13[%swap3A_193, %swap3A_194] {strides = array<i32>} : memref<128x128xf32, #tpu.memory_space<vmem>>, vector<1x16xf32>,
        %swap3A_196 = vector.shape_cast %swap3A_195 : vector<1x16xf32> to vector<16xf32>
        %swap3A_197 = vector.shape_cast %mul3A_192 : vector<16xf32> to vector<1x16xf32>
        tpu.vector_store %arg13[%swap3A_193, %swap3A_194], %swap3A_197 {strides = array<i32>} : memref<128x128xf32, #tpu.memory_space<vmem>>, vector<1x16xf32>,
        %get3A_198 = arith.index_cast %add3A_187 : i32 to index
        %get3A_199 = arith.constant 16 : index
        %get3A_200 = tpu.vector_load %arg13[%get3A_198, %get3A_199] {strides = array<i32>} : memref<128x128xf32, #tpu.memory_space<vmem>>, vector<1x16xf32>,
        %get3A_201 = vector.shape_cast %get3A_200 : vector<1x16xf32> to vector<16xf32>
        %mul3A_202 = arith.mulf %get3A_201, %gather3A_183 : vector<16xf32>
        %swap3A_203 = arith.index_cast %add3A_187 : i32 to index
        %swap3A_204 = arith.constant 16 : index
        %swap3A_205 = tpu.vector_load %arg13[%swap3A_203, %swap3A_204] {strides = array<i32>} : memref<128x128xf32, #tpu.memory_space<vmem>>, vector<1x16xf32>,
        %swap3A_206 = vector.shape_cast %swap3A_205 : vector<1x16xf32> to vector<16xf32>
        %swap3A_207 = vector.shape_cast %mul3A_202 : vector<16xf32> to vector<1x16xf32>
        tpu.vector_store %arg13[%swap3A_203, %swap3A_204], %swap3A_207 {strides = array<i32>} : memref<128x128xf32, #tpu.memory_space<vmem>>, vector<1x16xf32>,
        %get3A_208 = arith.index_cast %add3A_187 : i32 to index
        %get3A_209 = arith.constant 32 : index
        %get3A_210 = tpu.vector_load %arg13[%get3A_208, %get3A_209] {strides = array<i32>} : memref<128x128xf32, #tpu.memory_space<vmem>>, vector<1x16xf32>,
        %get3A_211 = vector.shape_cast %get3A_210 : vector<1x16xf32> to vector<16xf32>
        %mul3A_212 = arith.mulf %get3A_211, %gather3A_183 : vector<16xf32>
        %swap3A_213 = arith.index_cast %add3A_187 : i32 to index
        %swap3A_214 = arith.constant 32 : index
        %swap3A_215 = tpu.vector_load %arg13[%swap3A_213, %swap3A_214] {strides = array<i32>} : memref<128x128xf32, #tpu.memory_space<vmem>>, vector<1x16xf32>,
        %swap3A_216 = vector.shape_cast %swap3A_215 : vector<1x16xf32> to vector<16xf32>
        %swap3A_217 = vector.shape_cast %mul3A_212 : vector<16xf32> to vector<1x16xf32>
        tpu.vector_store %arg13[%swap3A_213, %swap3A_214], %swap3A_217 {strides = array<i32>} : memref<128x128xf32, #tpu.memory_space<vmem>>, vector<1x16xf32>,
        %get3A_218 = arith.index_cast %add3A_187 : i32 to index
        %get3A_219 = arith.constant 48 : index
        %get3A_220 = tpu.vector_load %arg13[%get3A_218, %get3A_219] {strides = array<i32>} : memref<128x128xf32, #tpu.memory_space<vmem>>, vector<1x16xf32>,
        %get3A_221 = vector.shape_cast %get3A_220 : vector<1x16xf32> to vector<16xf32>
        %mul3A_222 = arith.mulf %get3A_221, %gather3A_183 : vector<16xf32>
        %swap3A_223 = arith.index_cast %add3A_187 : i32 to index
        %swap3A_224 = arith.constant 48 : index
        %swap3A_225 = tpu.vector_load %arg13[%swap3A_223, %swap3A_224] {strides = array<i32>} : memref<128x128xf32, #tpu.memory_space<vmem>>, vector<1x16xf32>,
        %swap3A_226 = vector.shape_cast %swap3A_225 : vector<1x16xf32> to vector<16xf32>
        %swap3A_227 = vector.shape_cast %mul3A_222 : vector<16xf32> to vector<1x16xf32>
        tpu.vector_store %arg13[%swap3A_223, %swap3A_224], %swap3A_227 {strides = array<i32>} : memref<128x128xf32, #tpu.memory_space<vmem>>, vector<1x16xf32>,
        %get3A_228 = arith.index_cast %add3A_187 : i32 to index
        %get3A_229 = arith.constant 64 : index
        %get3A_230 = tpu.vector_load %arg13[%get3A_228, %get3A_229] {strides = array<i32>} : memref<128x128xf32, #tpu.memory_space<vmem>>, vector<1x16xf32>,
        %get3A_231 = vector.shape_cast %get3A_230 : vector<1x16xf32> to vector<16xf32>
        %mul3A_232 = arith.mulf %get3A_231, %gather3A_183 : vector<16xf32>
        %swap3A_233 = arith.index_cast %add3A_187 : i32 to index
        %swap3A_234 = arith.constant 64 : index
        %swap3A_235 = tpu.vector_load %arg13[%swap3A_233, %swap3A_234] {strides = array<i32>} : memref<128x128xf32, #tpu.memory_space<vmem>>, vector<1x16xf32>,
        %swap3A_236 = vector.shape_cast %swap3A_235 : vector<1x16xf32> to vector<16xf32>
        %swap3A_237 = vector.shape_cast %mul3A_232 : vector<16xf32> to vector<1x16xf32>
        tpu.vector_store %arg13[%swap3A_233, %swap3A_234], %swap3A_237 {strides = array<i32>} : memref<128x128xf32, #tpu.memory_space<vmem>>, vector<1x16xf32>,
        %get3A_238 = arith.index_cast %add3A_187 : i32 to index
        %get3A_239 = arith.constant 80 : index
        %get3A_240 = tpu.vector_load %arg13[%get3A_238, %get3A_239] {strides = array<i32>} : memref<128x128xf32, #tpu.memory_space<vmem>>, vector<1x16xf32>,
        %get3A_241 = vector.shape_cast %get3A_240 : vector<1x16xf32> to vector<16xf32>
        %mul3A_242 = arith.mulf %get3A_241, %gather3A_183 : vector<16xf32>
        %swap3A_243 = arith.index_cast %add3A_187 : i32 to index
        %swap3A_244 = arith.constant 80 : index
        %swap3A_245 = tpu.vector_load %arg13[%swap3A_243, %swap3A_244] {strides = array<i32>} : memref<128x128xf32, #tpu.memory_space<vmem>>, vector<1x16xf32>,
        %swap3A_246 = vector.shape_cast %swap3A_245 : vector<1x16xf32> to vector<16xf32>
        %swap3A_247 = vector.shape_cast %mul3A_242 : vector<16xf32> to vector<1x16xf32>
        tpu.vector_store %arg13[%swap3A_243, %swap3A_244], %swap3A_247 {strides = array<i32>} : memref<128x128xf32, #tpu.memory_space<vmem>>, vector<1x16xf32>,
        %get3A_248 = arith.index_cast %add3A_187 : i32 to index
        %get3A_249 = arith.constant 96 : index
        %get3A_250 = tpu.vector_load %arg13[%get3A_248, %get3A_249] {strides = array<i32>} : memref<128x128xf32, #tpu.memory_space<vmem>>, vector<1x16xf32>,
        %get3A_251 = vector.shape_cast %get3A_250 : vector<1x16xf32> to vector<16xf32>
        %mul3A_252 = arith.mulf %get3A_251, %gather3A_183 : vector<16xf32>
        %swap3A_253 = arith.index_cast %add3A_187 : i32 to index
        %swap3A_254 = arith.constant 96 : index
        %swap3A_255 = tpu.vector_load %arg13[%swap3A_253, %swap3A_254] {strides = array<i32>} : memref<128x128xf32, #tpu.memory_space<vmem>>, vector<1x16xf32>,
        %swap3A_256 = vector.shape_cast %swap3A_255 : vector<1x16xf32> to vector<16xf32>
        %swap3A_257 = vector.shape_cast %mul3A_252 : vector<16xf32> to vector<1x16xf32>
        tpu.vector_store %arg13[%swap3A_253, %swap3A_254], %swap3A_257 {strides = array<i32>} : memref<128x128xf32, #tpu.memory_space<vmem>>, vector<1x16xf32>,
        %get3A_258 = arith.index_cast %add3A_187 : i32 to index
        %get3A_259 = arith.constant 112 : index
        %get3A_260 = tpu.vector_load %arg13[%get3A_258, %get3A_259] {strides = array<i32>} : memref<128x128xf32, #tpu.memory_space<vmem>>, vector<1x16xf32>,
        %get3A_261 = vector.shape_cast %get3A_260 : vector<1x16xf32> to vector<16xf32>
        %mul3A_262 = arith.mulf %get3A_261, %gather3A_183 : vector<16xf32>
        %swap3A_263 = arith.index_cast %add3A_187 : i32 to index
        %swap3A_264 = arith.constant 112 : index
        %swap3A_265 = tpu.vector_load %arg13[%swap3A_263, %swap3A_264] {strides = array<i32>} : memref<128x128xf32, #tpu.memory_space<vmem>>, vector<1x16xf32>,
        %swap3A_266 = vector.shape_cast %swap3A_265 : vector<1x16xf32> to vector<16xf32>
        %swap3A_267 = vector.shape_cast %mul3A_262 : vector<16xf32> to vector<1x16xf32>
        tpu.vector_store %arg13[%swap3A_263, %swap3A_264], %swap3A_267 {strides = array<i32>} : memref<128x128xf32, #tpu.memory_space<vmem>>, vector<1x16xf32>,
        %broadcast_in_dim3A_268 = arith.constant 1 : i32
        %broadcast_in_dim3A_269 = vector.broadcast %broadcast_in_dim3A_268 : i32 to vector<16xi32>
        %lt3A_270 = arith.constant 0 : i32
        %lt3A_271 = vector.broadcast %lt3A_270 : i32 to vector<16xi32>
        %lt3A_272 = arith.cmpi slt, %broadcast_in_dim3A_269, %lt3A_271 : vector<16xi32>
        %add3A_273 = arith.constant 16 : i32
        %add3A_274 = vector.broadcast %add3A_273 : i32 to vector<16xi32>
        %add3A_275 = arith.addi %broadcast_in_dim3A_269, %add3A_274 : vector<16xi32>
        %select_n3A_276 = arith.select %lt3A_272, %add3A_275, %broadcast_in_dim3A_269 : vector<16xi1>, vector<16xi32>
        %broadcast_in_dim3A_277 = vector.shape_cast %select_n3A_276 : vector<16xi32> to vector<16x1xi32>
        %gather3A_278 = vector.shape_cast %broadcast_in_dim3A_277 : vector<16x1xi32> to vector<16xi32>
        %gather3A_279 = tpu.dynamic_gather %get3A_172[%gather3A_278] in [0] : vector<16xf32>, vector<16xi32> -> vector<16xf32>
        %mul3A_280 = arith.constant 16 : i32
        %mul3A_281 = arith.muli %mul3A_280, %scan3A_167 : i32
        %add3A_282 = arith.constant 1 : i32
        %add3A_283 = arith.addi %mul3A_281, %add3A_282 : i32
        %get3A_284 = arith.index_cast %add3A_283 : i32 to index
        %get3A_285 = arith.constant 0 : index
        %get3A_286 = tpu.vector_load %arg13[%get3A_284, %get3A_285] {strides = array<i32>} : memref<128x128xf32, #tpu.memory_space<vmem>>, vector<1x16xf32>,
        %get3A_287 = vector.shape_cast %get3A_286 : vector<1x16xf32> to vector<16xf32>
        %mul3A_288 = arith.mulf %get3A_287, %gather3A_279 : vector<16xf32>
        %swap3A_289 = arith.index_cast %add3A_283 : i32 to index
        %swap3A_290 = arith.constant 0 : index
        %swap3A_291 = tpu.vector_load %arg13[%swap3A_289, %swap3A_290] {strides = array<i32>} : memref<128x128xf32, #tpu.memory_space<vmem>>, vector<1x16xf32>,
        %swap3A_292 = vector.shape_cast %swap3A_291 : vector<1x16xf32> to vector<16xf32>
        %swap3A_293 = vector.shape_cast %mul3A_288 : vector<16xf32> to vector<1x16xf32>
        tpu.vector_store %arg13[%swap3A_289, %swap3A_290], %swap3A_293 {strides = array<i32>} : memref<128x128xf32, #tpu.memory_space<vmem>>, vector<1x16xf32>,
        %get3A_294 = arith.index_cast %add3A_283 : i32 to index
        %get3A_295 = arith.constant 16 : index
        %get3A_296 = tpu.vector_load %arg13[%get3A_294, %get3A_295] {strides = array<i32>} : memref<128x128xf32, #tpu.memory_space<vmem>>, vector<1x16xf32>,
        %get3A_297 = vector.shape_cast %get3A_296 : vector<1x16xf32> to vector<16xf32>
        %mul3A_298 = arith.mulf %get3A_297, %gather3A_279 : vector<16xf32>
        %swap3A_299 = arith.index_cast %add3A_283 : i32 to index
        %swap3A_300 = arith.constant 16 : index
        %swap3A_301 = tpu.vector_load %arg13[%swap3A_299, %swap3A_300] {strides = array<i32>} : memref<128x128xf32, #tpu.memory_space<vmem>>, vector<1x16xf32>,
        %swap3A_302 = vector.shape_cast %swap3A_301 : vector<1x16xf32> to vector<16xf32>
        %swap3A_303 = vector.shape_cast %mul3A_298 : vector<16xf32> to vector<1x16xf32>
        tpu.vector_store %arg13[%swap3A_299, %swap3A_300], %swap3A_303 {strides = array<i32>} : memref<128x128xf32, #tpu.memory_space<vmem>>, vector<1x16xf32>,
        %get3A_304 = arith.index_cast %add3A_283 : i32 to index
        %get3A_305 = arith.constant 32 : index
        %get3A_306 = tpu.vector_load %arg13[%get3A_304, %get3A_305] {strides = array<i32>} : memref<128x128xf32, #tpu.memory_space<vmem>>, vector<1x16xf32>,
        %get3A_307 = vector.shape_cast %get3A_306 : vector<1x16xf32> to vector<16xf32>
        %mul3A_308 = arith.mulf %get3A_307, %gather3A_279 : vector<16xf32>
        %swap3A_309 = arith.index_cast %add3A_283 : i32 to index
        %swap3A_310 = arith.constant 32 : index
        %swap3A_311 = tpu.vector_load %arg13[%swap3A_309, %swap3A_310] {strides = array<i32>} : memref<128x128xf32, #tpu.memory_space<vmem>>, vector<1x16xf32>,
        %swap3A_312 = vector.shape_cast %swap3A_311 : vector<1x16xf32> to vector<16xf32>
        %swap3A_313 = vector.shape_cast %mul3A_308 : vector<16xf32> to vector<1x16xf32>
        tpu.vector_store %arg13[%swap3A_309, %swap3A_310], %swap3A_313 {strides = array<i32>} : memref<128x128xf32, #tpu.memory_space<vmem>>, vector<1x16xf32>,
        %get3A_314 = arith.index_cast %add3A_283 : i32 to index
        %get3A_315 = arith.constant 48 : index
        %get3A_316 = tpu.vector_load %arg13[%get3A_314, %get3A_315] {strides = array<i32>} : memref<128x128xf32, #tpu.memory_space<vmem>>, vector<1x16xf32>,
        %get3A_317 = vector.shape_cast %get3A_316 : vector<1x16xf32> to vector<16xf32>
        %mul3A_318 = arith.mulf %get3A_317, %gather3A_279 : vector<16xf32>
        %swap3A_319 = arith.index_cast %add3A_283 : i32 to index
        %swap3A_320 = arith.constant 48 : index
        %swap3A_321 = tpu.vector_load %arg13[%swap3A_319, %swap3A_320] {strides = array<i32>} : memref<128x128xf32, #tpu.memory_space<vmem>>, vector<1x16xf32>,
        %swap3A_322 = vector.shape_cast %swap3A_321 : vector<1x16xf32> to vector<16xf32>
        %swap3A_323 = vector.shape_cast %mul3A_318 : vector<16xf32> to vector<1x16xf32>
        tpu.vector_store %arg13[%swap3A_319, %swap3A_320], %swap3A_323 {strides = array<i32>} : memref<128x128xf32, #tpu.memory_space<vmem>>, vector<1x16xf32>,
        %get3A_324 = arith.index_cast %add3A_283 : i32 to index
        %get3A_325 = arith.constant 64 : index
        %get3A_326 = tpu.vector_load %arg13[%get3A_324, %get3A_325] {strides = array<i32>} : memref<128x128xf32, #tpu.memory_space<vmem>>, vector<1x16xf32>,
        %get3A_327 = vector.shape_cast %get3A_326 : vector<1x16xf32> to vector<16xf32>
        %mul3A_328 = arith.mulf %get3A_327, %gather3A_279 : vector<16xf32>
        %swap3A_329 = arith.index_cast %add3A_283 : i32 to index
        %swap3A_330 = arith.constant 64 : index
        %swap3A_331 = tpu.vector_load %arg13[%swap3A_329, %swap3A_330] {strides = array<i32>} : memref<128x128xf32, #tpu.memory_space<vmem>>, vector<1x16xf32>,
        %swap3A_332 = vector.shape_cast %swap3A_331 : vector<1x16xf32> to vector<16xf32>
        %swap3A_333 = vector.shape_cast %mul3A_328 : vector<16xf32> to vector<1x16xf32>
        tpu.vector_store %arg13[%swap3A_329, %swap3A_330], %swap3A_333 {strides = array<i32>} : memref<128x128xf32, #tpu.memory_space<vmem>>, vector<1x16xf32>,
        %get3A_334 = arith.index_cast %add3A_283 : i32 to index
        %get3A_335 = arith.constant 80 : index
        %get3A_336 = tpu.vector_load %arg13[%get3A_334, %get3A_335] {strides = array<i32>} : memref<128x128xf32, #tpu.memory_space<vmem>>, vector<1x16xf32>,
        %get3A_337 = vector.shape_cast %get3A_336 : vector<1x16xf32> to vector<16xf32>
        %mul3A_338 = arith.mulf %get3A_337, %gather3A_279 : vector<16xf32>
        %swap3A_339 = arith.index_cast %add3A_283 : i32 to index
        %swap3A_340 = arith.constant 80 : index
        %swap3A_341 = tpu.vector_load %arg13[%swap3A_339, %swap3A_340] {strides = array<i32>} : memref<128x128xf32, #tpu.memory_space<vmem>>, vector<1x16xf32>,
        %swap3A_342 = vector.shape_cast %swap3A_341 : vector<1x16xf32> to vector<16xf32>
        %swap3A_343 = vector.shape_cast %mul3A_338 : vector<16xf32> to vector<1x16xf32>
        tpu.vector_store %arg13[%swap3A_339, %swap3A_340], %swap3A_343 {strides = array<i32>} : memref<128x128xf32, #tpu.memory_space<vmem>>, vector<1x16xf32>,
        %get3A_344 = arith.index_cast %add3A_283 : i32 to index
        %get3A_345 = arith.constant 96 : index
        %get3A_346 = tpu.vector_load %arg13[%get3A_344, %get3A_345] {strides = array<i32>} : memref<128x128xf32, #tpu.memory_space<vmem>>, vector<1x16xf32>,
        %get3A_347 = vector.shape_cast %get3A_346 : vector<1x16xf32> to vector<16xf32>
        %mul3A_348 = arith.mulf %get3A_347, %gather3A_279 : vector<16xf32>
        %swap3A_349 = arith.index_cast %add3A_283 : i32 to index
        %swap3A_350 = arith.constant 96 : index
        %swap3A_351 = tpu.vector_load %arg13[%swap3A_349, %swap3A_350] {strides = array<i32>} : memref<128x128xf32, #tpu.memory_space<vmem>>, vector<1x16xf32>,
        %swap3A_352 = vector.shape_cast %swap3A_351 : vector<1x16xf32> to vector<16xf32>
        %swap3A_353 = vector.shape_cast %mul3A_348 : vector<16xf32> to vector<1x16xf32>
        tpu.vector_store %arg13[%swap3A_349, %swap3A_350], %swap3A_353 {strides = array<i32>} : memref<128x128xf32, #tpu.memory_space<vmem>>, vector<1x16xf32>,
        %get3A_354 = arith.index_cast %add3A_283 : i32 to index
        %get3A_355 = arith.constant 112 : index
        %get3A_356 = tpu.vector_load %arg13[%get3A_354, %get3A_355] {strides = array<i32>} : memref<128x128xf32, #tpu.memory_space<vmem>>, vector<1x16xf32>,
        %get3A_357 = vector.shape_cast %get3A_356 : vector<1x16xf32> to vector<16xf32>
        %mul3A_358 = arith.mulf %get3A_357, %gather3A_279 : vector<16xf32>
        %swap3A_359 = arith.index_cast %add3A_283 : i32 to index
        %swap3A_360 = arith.constant 112 : index
        %swap3A_361 = tpu.vector_load %arg13[%swap3A_359, %swap3A_360] {strides = array<i32>} : memref<128x128xf32, #tpu.memory_space<vmem>>, vector<1x16xf32>,
        %swap3A_362 = vector.shape_cast %swap3A_361 : vector<1x16xf32> to vector<16xf32>
        %swap3A_363 = vector.shape_cast %mul3A_358 : vector<16xf32> to vector<1x16xf32>
        tpu.vector_store %arg13[%swap3A_359, %swap3A_360], %swap3A_363 {strides = array<i32>} : memref<128x128xf32, #tpu.memory_space<vmem>>, vector<1x16xf32>,
        %broadcast_in_dim3A_364 = arith.constant 2 : i32
        %broadcast_in_dim3A_365 = vector.broadcast %broadcast_in_dim3A_364 : i32 to vector<16xi32>
        %lt3A_366 = arith.constant 0 : i32
        %lt3A_367 = vector.broadcast %lt3A_366 : i32 to vector<16xi32>
        %lt3A_368 = arith.cmpi slt, %broadcast_in_dim3A_365, %lt3A_367 : vector<16xi32>
        %add3A_369 = arith.constant 16 : i32
        %add3A_370 = vector.broadcast %add3A_369 : i32 to vector<16xi32>
        %add3A_371 = arith.addi %broadcast_in_dim3A_365, %add3A_370 : vector<16xi32>
        %select_n3A_372 = arith.select %lt3A_368, %add3A_371, %broadcast_in_dim3A_365 : vector<16xi1>, vector<16xi32>
        %broadcast_in_dim3A_373 = vector.shape_cast %select_n3A_372 : vector<16xi32> to vector<16x1xi32>
        %gather3A_374 = vector.shape_cast %broadcast_in_dim3A_373 : vector<16x1xi32> to vector<16xi32>
        %gather3A_375 = tpu.dynamic_gather %get3A_172[%gather3A_374] in [0] : vector<16xf32>, vector<16xi32> -> vector<16xf32>
        %mul3A_376 = arith.constant 16 : i32
        %mul3A_377 = arith.muli %mul3A_376, %scan3A_167 : i32
        %add3A_378 = arith.constant 2 : i32
        %add3A_379 = arith.addi %mul3A_377, %add3A_378 : i32
        %get3A_380 = arith.index_cast %add3A_379 : i32 to index
        %get3A_381 = arith.constant 0 : index
        %get3A_382 = tpu.vector_load %arg13[%get3A_380, %get3A_381] {strides = array<i32>} : memref<128x128xf32, #tpu.memory_space<vmem>>, vector<1x16xf32>,
        %get3A_383 = vector.shape_cast %get3A_382 : vector<1x16xf32> to vector<16xf32>
        %mul3A_384 = arith.mulf %get3A_383, %gather3A_375 : vector<16xf32>
        %swap3A_385 = arith.index_cast %add3A_379 : i32 to index
        %swap3A_386 = arith.constant 0 : index
        %swap3A_387 = tpu.vector_load %arg13[%swap3A_385, %swap3A_386] {strides = array<i32>} : memref<128x128xf32, #tpu.memory_space<vmem>>, vector<1x16xf32>,
        %swap3A_388 = vector.shape_cast %swap3A_387 : vector<1x16xf32> to vector<16xf32>
        %swap3A_389 = vector.shape_cast %mul3A_384 : vector<16xf32> to vector<1x16xf32>
        tpu.vector_store %arg13[%swap3A_385, %swap3A_386], %swap3A_389 {strides = array<i32>} : memref<128x128xf32, #tpu.memory_space<vmem>>, vector<1x16xf32>,
        %get3A_390 = arith.index_cast %add3A_379 : i32 to index
        %get3A_391 = arith.constant 16 : index
        %get3A_392 = tpu.vector_load %arg13[%get3A_390, %get3A_391] {strides = array<i32>} : memref<128x128xf32, #tpu.memory_space<vmem>>, vector<1x16xf32>,
        %get3A_393 = vector.shape_cast %get3A_392 : vector<1x16xf32> to vector<16xf32>
        %mul3A_394 = arith.mulf %get3A_393, %gather3A_375 : vector<16xf32>
        %swap3A_395 = arith.index_cast %add3A_379 : i32 to index
        %swap3A_396 = arith.constant 16 : index
        %swap3A_397 = tpu.vector_load %arg13[%swap3A_395, %swap3A_396] {strides = array<i32>} : memref<128x128xf32, #tpu.memory_space<vmem>>, vector<1x16xf32>,
        %swap3A_398 = vector.shape_cast %swap3A_397 : vector<1x16xf32> to vector<16xf32>
        %swap3A_399 = vector.shape_cast %mul3A_394 : vector<16xf32> to vector<1x16xf32>
        tpu.vector_store %arg13[%swap3A_395, %swap3A_396], %swap3A_399 {strides = array<i32>} : memref<128x128xf32, #tpu.memory_space<vmem>>, vector<1x16xf32>,
        %get3A_400 = arith.index_cast %add3A_379 : i32 to index
        %get3A_401 = arith.constant 32 : index
        %get3A_402 = tpu.vector_load %arg13[%get3A_400, %get3A_401] {strides = array<i32>} : memref<128x128xf32, #tpu.memory_space<vmem>>, vector<1x16xf32>,
        %get3A_403 = vector.shape_cast %get3A_402 : vector<1x16xf32> to vector<16xf32>
        %mul3A_404 = arith.mulf %get3A_403, %gather3A_375 : vector<16xf32>
        %swap3A_405 = arith.index_cast %add3A_379 : i32 to index
        %swap3A_406 = arith.constant 32 : index
        %swap3A_407 = tpu.vector_load %arg13[%swap3A_405, %swap3A_406] {strides = array<i32>} : memref<128x128xf32, #tpu.memory_space<vmem>>, vector<1x16xf32>,
        %swap3A_408 = vector.shape_cast %swap3A_407 : vector<1x16xf32> to vector<16xf32>
        %swap3A_409 = vector.shape_cast %mul3A_404 : vector<16xf32> to vector<1x16xf32>
        tpu.vector_store %arg13[%swap3A_405, %swap3A_406], %swap3A_409 {strides = array<i32>} : memref<128x128xf32, #tpu.memory_space<vmem>>, vector<1x16xf32>,
        %get3A_410 = arith.index_cast %add3A_379 : i32 to index
        %get3A_411 = arith.constant 48 : index
        %get3A_412 = tpu.vector_load %arg13[%get3A_410, %get3A_411] {strides = array<i32>} : memref<128x128xf32, #tpu.memory_space<vmem>>, vector<1x16xf32>,
        %get3A_413 = vector.shape_cast %get3A_412 : vector<1x16xf32> to vector<16xf32>
        %mul3A_414 = arith.mulf %get3A_413, %gather3A_375 : vector<16xf32>
        %swap3A_415 = arith.index_cast %add3A_379 : i32 to index
        %swap3A_416 = arith.constant 48 : index
        %swap3A_417 = tpu.vector_load %arg13[%swap3A_415, %swap3A_416] {strides = array<i32>} : memref<128x128xf32, #tpu.memory_space<vmem>>, vector<1x16xf32>,
        %swap3A_418 = vector.shape_cast %swap3A_417 : vector<1x16xf32> to vector<16xf32>
        %swap3A_419 = vector.shape_cast %mul3A_414 : vector<16xf32> to vector<1x16xf32>
        tpu.vector_store %arg13[%swap3A_415, %swap3A_416], %swap3A_419 {strides = array<i32>} : memref<128x128xf32, #tpu.memory_space<vmem>>, vector<1x16xf32>,
        %get3A_420 = arith.index_cast %add3A_379 : i32 to index
        %get3A_421 = arith.constant 64 : index
        %get3A_422 = tpu.vector_load %arg13[%get3A_420, %get3A_421] {strides = array<i32>} : memref<128x128xf32, #tpu.memory_space<vmem>>, vector<1x16xf32>,
        %get3A_423 = vector.shape_cast %get3A_422 : vector<1x16xf32> to vector<16xf32>
        %mul3A_424 = arith.mulf %get3A_423, %gather3A_375 : vector<16xf32>
        %swap3A_425 = arith.index_cast %add3A_379 : i32 to index
        %swap3A_426 = arith.constant 64 : index
        %swap3A_427 = tpu.vector_load %arg13[%swap3A_425, %swap3A_426] {strides = array<i32>} : memref<128x128xf32, #tpu.memory_space<vmem>>, vector<1x16xf32>,
        %swap3A_428 = vector.shape_cast %swap3A_427 : vector<1x16xf32> to vector<16xf32>
        %swap3A_429 = vector.shape_cast %mul3A_424 : vector<16xf32> to vector<1x16xf32>
        tpu.vector_store %arg13[%swap3A_425, %swap3A_426], %swap3A_429 {strides = array<i32>} : memref<128x128xf32, #tpu.memory_space<vmem>>, vector<1x16xf32>,
        %get3A_430 = arith.index_cast %add3A_379 : i32 to index
        %get3A_431 = arith.constant 80 : index
        %get3A_432 = tpu.vector_load %arg13[%get3A_430, %get3A_431] {strides = array<i32>} : memref<128x128xf32, #tpu.memory_space<vmem>>, vector<1x16xf32>,
        %get3A_433 = vector.shape_cast %get3A_432 : vector<1x16xf32> to vector<16xf32>
        %mul3A_434 = arith.mulf %get3A_433, %gather3A_375 : vector<16xf32>
        %swap3A_435 = arith.index_cast %add3A_379 : i32 to index
        %swap3A_436 = arith.constant 80 : index
        %swap3A_437 = tpu.vector_load %arg13[%swap3A_435, %swap3A_436] {strides = array<i32>} : memref<128x128xf32, #tpu.memory_space<vmem>>, vector<1x16xf32>,
        %swap3A_438 = vector.shape_cast %swap3A_437 : vector<1x16xf32> to vector<16xf32>
        %swap3A_439 = vector.shape_cast %mul3A_434 : vector<16xf32> to vector<1x16xf32>
        tpu.vector_store %arg13[%swap3A_435, %swap3A_436], %swap3A_439 {strides = array<i32>} : memref<128x128xf32, #tpu.memory_space<vmem>>, vector<1x16xf32>,
        %get3A_440 = arith.index_cast %add3A_379 : i32 to index
        %get3A_441 = arith.constant 96 : index
        %get3A_442 = tpu.vector_load %arg13[%get3A_440, %get3A_441] {strides = array<i32>} : memref<128x128xf32, #tpu.memory_space<vmem>>, vector<1x16xf32>,
        %get3A_443 = vector.shape_cast %get3A_442 : vector<1x16xf32> to vector<16xf32>
        %mul3A_444 = arith.mulf %get3A_443, %gather3A_375 : vector<16xf32>
        %swap3A_445 = arith.index_cast %add3A_379 : i32 to index
        %swap3A_446 = arith.constant 96 : index
        %swap3A_447 = tpu.vector_load %arg13[%swap3A_445, %swap3A_446] {strides = array<i32>} : memref<128x128xf32, #tpu.memory_space<vmem>>, vector<1x16xf32>,
        %swap3A_448 = vector.shape_cast %swap3A_447 : vector<1x16xf32> to vector<16xf32>
        %swap3A_449 = vector.shape_cast %mul3A_444 : vector<16xf32> to vector<1x16xf32>
        tpu.vector_store %arg13[%swap3A_445, %swap3A_446], %swap3A_449 {strides = array<i32>} : memref<128x128xf32, #tpu.memory_space<vmem>>, vector<1x16xf32>,
        %get3A_450 = arith.index_cast %add3A_379 : i32 to index
        %get3A_451 = arith.constant 112 : index
        %get3A_452 = tpu.vector_load %arg13[%get3A_450, %get3A_451] {strides = array<i32>} : memref<128x128xf32, #tpu.memory_space<vmem>>, vector<1x16xf32>,
        %get3A_453 = vector.shape_cast %get3A_452 : vector<1x16xf32> to vector<16xf32>
        %mul3A_454 = arith.mulf %get3A_453, %gather3A_375 : vector<16xf32>
        %swap3A_455 = arith.index_cast %add3A_379 : i32 to index
        %swap3A_456 = arith.constant 112 : index
        %swap3A_457 = tpu.vector_load %arg13[%swap3A_455, %swap3A_456] {strides = array<i32>} : memref<128x128xf32, #tpu.memory_space<vmem>>, vector<1x16xf32>,
        %swap3A_458 = vector.shape_cast %swap3A_457 : vector<1x16xf32> to vector<16xf32>
        %swap3A_459 = vector.shape_cast %mul3A_454 : vector<16xf32> to vector<1x16xf32>
        tpu.vector_store %arg13[%swap3A_455, %swap3A_456], %swap3A_459 {strides = array<i32>} : memref<128x128xf32, #tpu.memory_space<vmem>>, vector<1x16xf32>,
        %broadcast_in_dim3A_460 = arith.constant 3 : i32
        %broadcast_in_dim3A_461 = vector.broadcast %broadcast_in_dim3A_460 : i32 to vector<16xi32>
        %lt3A_462 = arith.constant 0 : i32
        %lt3A_463 = vector.broadcast %lt3A_462 : i32 to vector<16xi32>
        %lt3A_464 = arith.cmpi slt, %broadcast_in_dim3A_461, %lt3A_463 : vector<16xi32>
        %add3A_465 = arith.constant 16 : i32
        %add3A_466 = vector.broadcast %add3A_465 : i32 to vector<16xi32>
        %add3A_467 = arith.addi %broadcast_in_dim3A_461, %add3A_466 : vector<16xi32>
        %select_n3A_468 = arith.select %lt3A_464, %add3A_467, %broadcast_in_dim3A_461 : vector<16xi1>, vector<16xi32>
        %broadcast_in_dim3A_469 = vector.shape_cast %select_n3A_468 : vector<16xi32> to vector<16x1xi32>
        %gather3A_470 = vector.shape_cast %broadcast_in_dim3A_469 : vector<16x1xi32> to vector<16xi32>
        %gather3A_471 = tpu.dynamic_gather %get3A_172[%gather3A_470] in [0] : vector<16xf32>, vector<16xi32> -> vector<16xf32>
        %mul3A_472 = arith.constant 16 : i32
        %mul3A_473 = arith.muli %mul3A_472, %scan3A_167 : i32
        %add3A_474 = arith.constant 3 : i32
        %add3A_475 = arith.addi %mul3A_473, %add3A_474 : i32
        %get3A_476 = arith.index_cast %add3A_475 : i32 to index
        %get3A_477 = arith.constant 0 : index
        %get3A_478 = tpu.vector_load %arg13[%get3A_476, %get3A_477] {strides = array<i32>} : memref<128x128xf32, #tpu.memory_space<vmem>>, vector<1x16xf32>,
        %get3A_479 = vector.shape_cast %get3A_478 : vector<1x16xf32> to vector<16xf32>
        %mul3A_480 = arith.mulf %get3A_479, %gather3A_471 : vector<16xf32>
        %swap3A_481 = arith.index_cast %add3A_475 : i32 to index
        %swap3A_482 = arith.constant 0 : index
        %swap3A_483 = tpu.vector_load %arg13[%swap3A_481, %swap3A_482] {strides = array<i32>} : memref<128x128xf32, #tpu.memory_space<vmem>>, vector<1x16xf32>,
        %swap3A_484 = vector.shape_cast %swap3A_483 : vector<1x16xf32> to vector<16xf32>
        %swap3A_485 = vector.shape_cast %mul3A_480 : vector<16xf32> to vector<1x16xf32>
        tpu.vector_store %arg13[%swap3A_481, %swap3A_482], %swap3A_485 {strides = array<i32>} : memref<128x128xf32, #tpu.memory_space<vmem>>, vector<1x16xf32>,
        %get3A_486 = arith.index_cast %add3A_475 : i32 to index
        %get3A_487 = arith.constant 16 : index
        %get3A_488 = tpu.vector_load %arg13[%get3A_486, %get3A_487] {strides = array<i32>} : memref<128x128xf32, #tpu.memory_space<vmem>>, vector<1x16xf32>,
        %get3A_489 = vector.shape_cast %get3A_488 : vector<1x16xf32> to vector<16xf32>
        %mul3A_490 = arith.mulf %get3A_489, %gather3A_471 : vector<16xf32>
        %swap3A_491 = arith.index_cast %add3A_475 : i32 to index
        %swap3A_492 = arith.constant 16 : index
        %swap3A_493 = tpu.vector_load %arg13[%swap3A_491, %swap3A_492] {strides = array<i32>} : memref<128x128xf32, #tpu.memory_space<vmem>>, vector<1x16xf32>,
        %swap3A_494 = vector.shape_cast %swap3A_493 : vector<1x16xf32> to vector<16xf32>
        %swap3A_495 = vector.shape_cast %mul3A_490 : vector<16xf32> to vector<1x16xf32>
        tpu.vector_store %arg13[%swap3A_491, %swap3A_492], %swap3A_495 {strides = array<i32>} : memref<128x128xf32, #tpu.memory_space<vmem>>, vector<1x16xf32>,
        %get3A_496 = arith.index_cast %add3A_475 : i32 to index
        %get3A_497 = arith.constant 32 : index
        %get3A_498 = tpu.vector_load %arg13[%get3A_496, %get3A_497] {strides = array<i32>} : memref<128x128xf32, #tpu.memory_space<vmem>>, vector<1x16xf32>,
        %get3A_499 = vector.shape_cast %get3A_498 : vector<1x16xf32> to vector<16xf32>
        %mul3A_500 = arith.mulf %get3A_499, %gather3A_471 : vector<16xf32>
        %swap3A_501 = arith.index_cast %add3A_475 : i32 to index
        %swap3A_502 = arith.constant 32 : index
        %swap3A_503 = tpu.vector_load %arg13[%swap3A_501, %swap3A_502] {strides = array<i32>} : memref<128x128xf32, #tpu.memory_space<vmem>>, vector<1x16xf32>,
        %swap3A_504 = vector.shape_cast %swap3A_503 : vector<1x16xf32> to vector<16xf32>
        %swap3A_505 = vector.shape_cast %mul3A_500 : vector<16xf32> to vector<1x16xf32>
        tpu.vector_store %arg13[%swap3A_501, %swap3A_502], %swap3A_505 {strides = array<i32>} : memref<128x128xf32, #tpu.memory_space<vmem>>, vector<1x16xf32>,
        %get3A_506 = arith.index_cast %add3A_475 : i32 to index
        %get3A_507 = arith.constant 48 : index
        %get3A_508 = tpu.vector_load %arg13[%get3A_506, %get3A_507] {strides = array<i32>} : memref<128x128xf32, #tpu.memory_space<vmem>>, vector<1x16xf32>,
        %get3A_509 = vector.shape_cast %get3A_508 : vector<1x16xf32> to vector<16xf32>
        %mul3A_510 = arith.mulf %get3A_509, %gather3A_471 : vector<16xf32>
        %swap3A_511 = arith.index_cast %add3A_475 : i32 to index
        %swap3A_512 = arith.constant 48 : index
        %swap3A_513 = tpu.vector_load %arg13[%swap3A_511, %swap3A_512] {strides = array<i32>} : memref<128x128xf32, #tpu.memory_space<vmem>>, vector<1x16xf32>,
        %swap3A_514 = vector.shape_cast %swap3A_513 : vector<1x16xf32> to vector<16xf32>
        %swap3A_515 = vector.shape_cast %mul3A_510 : vector<16xf32> to vector<1x16xf32>
        tpu.vector_store %arg13[%swap3A_511, %swap3A_512], %swap3A_515 {strides = array<i32>} : memref<128x128xf32, #tpu.memory_space<vmem>>, vector<1x16xf32>,
        %get3A_516 = arith.index_cast %add3A_475 : i32 to index
        %get3A_517 = arith.constant 64 : index
        %get3A_518 = tpu.vector_load %arg13[%get3A_516, %get3A_517] {strides = array<i32>} : memref<128x128xf32, #tpu.memory_space<vmem>>, vector<1x16xf32>,
        %get3A_519 = vector.shape_cast %get3A_518 : vector<1x16xf32> to vector<16xf32>
        %mul3A_520 = arith.mulf %get3A_519, %gather3A_471 : vector<16xf32>
        %swap3A_521 = arith.index_cast %add3A_475 : i32 to index
        %swap3A_522 = arith.constant 64 : index
        %swap3A_523 = tpu.vector_load %arg13[%swap3A_521, %swap3A_522] {strides = array<i32>} : memref<128x128xf32, #tpu.memory_space<vmem>>, vector<1x16xf32>,
        %swap3A_524 = vector.shape_cast %swap3A_523 : vector<1x16xf32> to vector<16xf32>
        %swap3A_525 = vector.shape_cast %mul3A_520 : vector<16xf32> to vector<1x16xf32>
        tpu.vector_store %arg13[%swap3A_521, %swap3A_522], %swap3A_525 {strides = array<i32>} : memref<128x128xf32, #tpu.memory_space<vmem>>, vector<1x16xf32>,
        %get3A_526 = arith.index_cast %add3A_475 : i32 to index
        %get3A_527 = arith.constant 80 : index
        %get3A_528 = tpu.vector_load %arg13[%get3A_526, %get3A_527] {strides = array<i32>} : memref<128x128xf32, #tpu.memory_space<vmem>>, vector<1x16xf32>,
        %get3A_529 = vector.shape_cast %get3A_528 : vector<1x16xf32> to vector<16xf32>
        %mul3A_530 = arith.mulf %get3A_529, %gather3A_471 : vector<16xf32>
        %swap3A_531 = arith.index_cast %add3A_475 : i32 to index
        %swap3A_532 = arith.constant 80 : index
        %swap3A_533 = tpu.vector_load %arg13[%swap3A_531, %swap3A_532] {strides = array<i32>} : memref<128x128xf32, #tpu.memory_space<vmem>>, vector<1x16xf32>,
        %swap3A_534 = vector.shape_cast %swap3A_533 : vector<1x16xf32> to vector<16xf32>
        %swap3A_535 = vector.shape_cast %mul3A_530 : vector<16xf32> to vector<1x16xf32>
        tpu.vector_store %arg13[%swap3A_531, %swap3A_532], %swap3A_535 {strides = array<i32>} : memref<128x128xf32, #tpu.memory_space<vmem>>, vector<1x16xf32>,
        %get3A_536 = arith.index_cast %add3A_475 : i32 to index
        %get3A_537 = arith.constant 96 : index
        %get3A_538 = tpu.vector_load %arg13[%get3A_536, %get3A_537] {strides = array<i32>} : memref<128x128xf32, #tpu.memory_space<vmem>>, vector<1x16xf32>,
        %get3A_539 = vector.shape_cast %get3A_538 : vector<1x16xf32> to vector<16xf32>
        %mul3A_540 = arith.mulf %get3A_539, %gather3A_471 : vector<16xf32>
        %swap3A_541 = arith.index_cast %add3A_475 : i32 to index
        %swap3A_542 = arith.constant 96 : index
        %swap3A_543 = tpu.vector_load %arg13[%swap3A_541, %swap3A_542] {strides = array<i32>} : memref<128x128xf32, #tpu.memory_space<vmem>>, vector<1x16xf32>,
        %swap3A_544 = vector.shape_cast %swap3A_543 : vector<1x16xf32> to vector<16xf32>
        %swap3A_545 = vector.shape_cast %mul3A_540 : vector<16xf32> to vector<1x16xf32>
        tpu.vector_store %arg13[%swap3A_541, %swap3A_542], %swap3A_545 {strides = array<i32>} : memref<128x128xf32, #tpu.memory_space<vmem>>, vector<1x16xf32>,
        %get3A_546 = arith.index_cast %add3A_475 : i32 to index
        %get3A_547 = arith.constant 112 : index
        %get3A_548 = tpu.vector_load %arg13[%get3A_546, %get3A_547] {strides = array<i32>} : memref<128x128xf32, #tpu.memory_space<vmem>>, vector<1x16xf32>,
        %get3A_549 = vector.shape_cast %get3A_548 : vector<1x16xf32> to vector<16xf32>
        %mul3A_550 = arith.mulf %get3A_549, %gather3A_471 : vector<16xf32>
        %swap3A_551 = arith.index_cast %add3A_475 : i32 to index
        %swap3A_552 = arith.constant 112 : index
        %swap3A_553 = tpu.vector_load %arg13[%swap3A_551, %swap3A_552] {strides = array<i32>} : memref<128x128xf32, #tpu.memory_space<vmem>>, vector<1x16xf32>,
        %swap3A_554 = vector.shape_cast %swap3A_553 : vector<1x16xf32> to vector<16xf32>
        %swap3A_555 = vector.shape_cast %mul3A_550 : vector<16xf32> to vector<1x16xf32>
        tpu.vector_store %arg13[%swap3A_551, %swap3A_552], %swap3A_555 {strides = array<i32>} : memref<128x128xf32, #tpu.memory_space<vmem>>, vector<1x16xf32>,
        %broadcast_in_dim3A_556 = arith.constant 4 : i32
        %broadcast_in_dim3A_557 = vector.broadcast %broadcast_in_dim3A_556 : i32 to vector<16xi32>
        %lt3A_558 = arith.constant 0 : i32
        %lt3A_559 = vector.broadcast %lt3A_558 : i32 to vector<16xi32>
        %lt3A_560 = arith.cmpi slt, %broadcast_in_dim3A_557, %lt3A_559 : vector<16xi32>
        %add3A_561 = arith.constant 16 : i32
        %add3A_562 = vector.broadcast %add3A_561 : i32 to vector<16xi32>
        %add3A_563 = arith.addi %broadcast_in_dim3A_557, %add3A_562 : vector<16xi32>
        %select_n3A_564 = arith.select %lt3A_560, %add3A_563, %broadcast_in_dim3A_557 : vector<16xi1>, vector<16xi32>
        %broadcast_in_dim3A_565 = vector.shape_cast %select_n3A_564 : vector<16xi32> to vector<16x1xi32>
        %gather3A_566 = vector.shape_cast %broadcast_in_dim3A_565 : vector<16x1xi32> to vector<16xi32>
        %gather3A_567 = tpu.dynamic_gather %get3A_172[%gather3A_566] in [0] : vector<16xf32>, vector<16xi32> -> vector<16xf32>
        %mul3A_568 = arith.constant 16 : i32
        %mul3A_569 = arith.muli %mul3A_568, %scan3A_167 : i32
        %add3A_570 = arith.constant 4 : i32
        %add3A_571 = arith.addi %mul3A_569, %add3A_570 : i32
        %get3A_572 = arith.index_cast %add3A_571 : i32 to index
        %get3A_573 = arith.constant 0 : index
        %get3A_574 = tpu.vector_load %arg13[%get3A_572, %get3A_573] {strides = array<i32>} : memref<128x128xf32, #tpu.memory_space<vmem>>, vector<1x16xf32>,
        %get3A_575 = vector.shape_cast %get3A_574 : vector<1x16xf32> to vector<16xf32>
        %mul3A_576 = arith.mulf %get3A_575, %gather3A_567 : vector<16xf32>
        %swap3A_577 = arith.index_cast %add3A_571 : i32 to index
        %swap3A_578 = arith.constant 0 : index
        %swap3A_579 = tpu.vector_load %arg13[%swap3A_577, %swap3A_578] {strides = array<i32>} : memref<128x128xf32, #tpu.memory_space<vmem>>, vector<1x16xf32>,
        %swap3A_580 = vector.shape_cast %swap3A_579 : vector<1x16xf32> to vector<16xf32>
        %swap3A_581 = vector.shape_cast %mul3A_576 : vector<16xf32> to vector<1x16xf32>
        tpu.vector_store %arg13[%swap3A_577, %swap3A_578], %swap3A_581 {strides = array<i32>} : memref<128x128xf32, #tpu.memory_space<vmem>>, vector<1x16xf32>,
        %get3A_582 = arith.index_cast %add3A_571 : i32 to index
        %get3A_583 = arith.constant 16 : index
        %get3A_584 = tpu.vector_load %arg13[%get3A_582, %get3A_583] {strides = array<i32>} : memref<128x128xf32, #tpu.memory_space<vmem>>, vector<1x16xf32>,
        %get3A_585 = vector.shape_cast %get3A_584 : vector<1x16xf32> to vector<16xf32>
        %mul3A_586 = arith.mulf %get3A_585, %gather3A_567 : vector<16xf32>
        %swap3A_587 = arith.index_cast %add3A_571 : i32 to index
        %swap3A_588 = arith.constant 16 : index
        %swap3A_589 = tpu.vector_load %arg13[%swap3A_587, %swap3A_588] {strides = array<i32>} : memref<128x128xf32, #tpu.memory_space<vmem>>, vector<1x16xf32>,
        %swap3A_590 = vector.shape_cast %swap3A_589 : vector<1x16xf32> to vector<16xf32>
        %swap3A_591 = vector.shape_cast %mul3A_586 : vector<16xf32> to vector<1x16xf32>
        tpu.vector_store %arg13[%swap3A_587, %swap3A_588], %swap3A_591 {strides = array<i32>} : memref<128x128xf32, #tpu.memory_space<vmem>>, vector<1x16xf32>,
        %get3A_592 = arith.index_cast %add3A_571 : i32 to index
        %get3A_593 = arith.constant 32 : index
        %get3A_594 = tpu.vector_load %arg13[%get3A_592, %get3A_593] {strides = array<i32>} : memref<128x128xf32, #tpu.memory_space<vmem>>, vector<1x16xf32>,
        %get3A_595 = vector.shape_cast %get3A_594 : vector<1x16xf32> to vector<16xf32>
        %mul3A_596 = arith.mulf %get3A_595, %gather3A_567 : vector<16xf32>
        %swap3A_597 = arith.index_cast %add3A_571 : i32 to index
        %swap3A_598 = arith.constant 32 : index
        %swap3A_599 = tpu.vector_load %arg13[%swap3A_597, %swap3A_598] {strides = array<i32>} : memref<128x128xf32, #tpu.memory_space<vmem>>, vector<1x16xf32>,
        %swap3A_600 = vector.shape_cast %swap3A_599 : vector<1x16xf32> to vector<16xf32>
        %swap3A_601 = vector.shape_cast %mul3A_596 : vector<16xf32> to vector<1x16xf32>
        tpu.vector_store %arg13[%swap3A_597, %swap3A_598], %swap3A_601 {strides = array<i32>} : memref<128x128xf32, #tpu.memory_space<vmem>>, vector<1x16xf32>,
        %get3A_602 = arith.index_cast %add3A_571 : i32 to index
        %get3A_603 = arith.constant 48 : index
        %get3A_604 = tpu.vector_load %arg13[%get3A_602, %get3A_603] {strides = array<i32>} : memref<128x128xf32, #tpu.memory_space<vmem>>, vector<1x16xf32>,
        %get3A_605 = vector.shape_cast %get3A_604 : vector<1x16xf32> to vector<16xf32>
        %mul3A_606 = arith.mulf %get3A_605, %gather3A_567 : vector<16xf32>
        %swap3A_607 = arith.index_cast %add3A_571 : i32 to index
        %swap3A_608 = arith.constant 48 : index
        %swap3A_609 = tpu.vector_load %arg13[%swap3A_607, %swap3A_608] {strides = array<i32>} : memref<128x128xf32, #tpu.memory_space<vmem>>, vector<1x16xf32>,
        %swap3A_610 = vector.shape_cast %swap3A_609 : vector<1x16xf32> to vector<16xf32>
        %swap3A_611 = vector.shape_cast %mul3A_606 : vector<16xf32> to vector<1x16xf32>
        tpu.vector_store %arg13[%swap3A_607, %swap3A_608], %swap3A_611 {strides = array<i32>} : memref<128x128xf32, #tpu.memory_space<vmem>>, vector<1x16xf32>,
        %get3A_612 = arith.index_cast %add3A_571 : i32 to index
        %get3A_613 = arith.constant 64 : index
        %get3A_614 = tpu.vector_load %arg13[%get3A_612, %get3A_613] {strides = array<i32>} : memref<128x128xf32, #tpu.memory_space<vmem>>, vector<1x16xf32>,
        %get3A_615 = vector.shape_cast %get3A_614 : vector<1x16xf32> to vector<16xf32>
        %mul3A_616 = arith.mulf %get3A_615, %gather3A_567 : vector<16xf32>
        %swap3A_617 = arith.index_cast %add3A_571 : i32 to index
        %swap3A_618 = arith.constant 64 : index
        %swap3A_619 = tpu.vector_load %arg13[%swap3A_617, %swap3A_618] {strides = array<i32>} : memref<128x128xf32, #tpu.memory_space<vmem>>, vector<1x16xf32>,
        %swap3A_620 = vector.shape_cast %swap3A_619 : vector<1x16xf32> to vector<16xf32>
        %swap3A_621 = vector.shape_cast %mul3A_616 : vector<16xf32> to vector<1x16xf32>
        tpu.vector_store %arg13[%swap3A_617, %swap3A_618], %swap3A_621 {strides = array<i32>} : memref<128x128xf32, #tpu.memory_space<vmem>>, vector<1x16xf32>,
        %get3A_622 = arith.index_cast %add3A_571 : i32 to index
        %get3A_623 = arith.constant 80 : index
        %get3A_624 = tpu.vector_load %arg13[%get3A_622, %get3A_623] {strides = array<i32>} : memref<128x128xf32, #tpu.memory_space<vmem>>, vector<1x16xf32>,
        %get3A_625 = vector.shape_cast %get3A_624 : vector<1x16xf32> to vector<16xf32>
        %mul3A_626 = arith.mulf %get3A_625, %gather3A_567 : vector<16xf32>
        %swap3A_627 = arith.index_cast %add3A_571 : i32 to index
        %swap3A_628 = arith.constant 80 : index
        %swap3A_629 = tpu.vector_load %arg13[%swap3A_627, %swap3A_628] {strides = array<i32>} : memref<128x128xf32, #tpu.memory_space<vmem>>, vector<1x16xf32>,
        %swap3A_630 = vector.shape_cast %swap3A_629 : vector<1x16xf32> to vector<16xf32>
        %swap3A_631 = vector.shape_cast %mul3A_626 : vector<16xf32> to vector<1x16xf32>
        tpu.vector_store %arg13[%swap3A_627, %swap3A_628], %swap3A_631 {strides = array<i32>} : memref<128x128xf32, #tpu.memory_space<vmem>>, vector<1x16xf32>,
        %get3A_632 = arith.index_cast %add3A_571 : i32 to index
        %get3A_633 = arith.constant 96 : index
        %get3A_634 = tpu.vector_load %arg13[%get3A_632, %get3A_633] {strides = array<i32>} : memref<128x128xf32, #tpu.memory_space<vmem>>, vector<1x16xf32>,
        %get3A_635 = vector.shape_cast %get3A_634 : vector<1x16xf32> to vector<16xf32>
        %mul3A_636 = arith.mulf %get3A_635, %gather3A_567 : vector<16xf32>
        %swap3A_637 = arith.index_cast %add3A_571 : i32 to index
        %swap3A_638 = arith.constant 96 : index
        %swap3A_639 = tpu.vector_load %arg13[%swap3A_637, %swap3A_638] {strides = array<i32>} : memref<128x128xf32, #tpu.memory_space<vmem>>, vector<1x16xf32>,
        %swap3A_640 = vector.shape_cast %swap3A_639 : vector<1x16xf32> to vector<16xf32>
        %swap3A_641 = vector.shape_cast %mul3A_636 : vector<16xf32> to vector<1x16xf32>
        tpu.vector_store %arg13[%swap3A_637, %swap3A_638], %swap3A_641 {strides = array<i32>} : memref<128x128xf32, #tpu.memory_space<vmem>>, vector<1x16xf32>,
        %get3A_642 = arith.index_cast %add3A_571 : i32 to index
        %get3A_643 = arith.constant 112 : index
        %get3A_644 = tpu.vector_load %arg13[%get3A_642, %get3A_643] {strides = array<i32>} : memref<128x128xf32, #tpu.memory_space<vmem>>, vector<1x16xf32>,
        %get3A_645 = vector.shape_cast %get3A_644 : vector<1x16xf32> to vector<16xf32>
        %mul3A_646 = arith.mulf %get3A_645, %gather3A_567 : vector<16xf32>
        %swap3A_647 = arith.index_cast %add3A_571 : i32 to index
        %swap3A_648 = arith.constant 112 : index
        %swap3A_649 = tpu.vector_load %arg13[%swap3A_647, %swap3A_648] {strides = array<i32>} : memref<128x128xf32, #tpu.memory_space<vmem>>, vector<1x16xf32>,
        %swap3A_650 = vector.shape_cast %swap3A_649 : vector<1x16xf32> to vector<16xf32>
        %swap3A_651 = vector.shape_cast %mul3A_646 : vector<16xf32> to vector<1x16xf32>
        tpu.vector_store %arg13[%swap3A_647, %swap3A_648], %swap3A_651 {strides = array<i32>} : memref<128x128xf32, #tpu.memory_space<vmem>>, vector<1x16xf32>,
        %broadcast_in_dim3A_652 = arith.constant 5 : i32
        %broadcast_in_dim3A_653 = vector.broadcast %broadcast_in_dim3A_652 : i32 to vector<16xi32>
        %lt3A_654 = arith.constant 0 : i32
        %lt3A_655 = vector.broadcast %lt3A_654 : i32 to vector<16xi32>
        %lt3A_656 = arith.cmpi slt, %broadcast_in_dim3A_653, %lt3A_655 : vector<16xi32>
        %add3A_657 = arith.constant 16 : i32
        %add3A_658 = vector.broadcast %add3A_657 : i32 to vector<16xi32>
        %add3A_659 = arith.addi %broadcast_in_dim3A_653, %add3A_658 : vector<16xi32>
        %select_n3A_660 = arith.select %lt3A_656, %add3A_659, %broadcast_in_dim3A_653 : vector<16xi1>, vector<16xi32>
        %broadcast_in_dim3A_661 = vector.shape_cast %select_n3A_660 : vector<16xi32> to vector<16x1xi32>
        %gather3A_662 = vector.shape_cast %broadcast_in_dim3A_661 : vector<16x1xi32> to vector<16xi32>
        %gather3A_663 = tpu.dynamic_gather %get3A_172[%gather3A_662] in [0] : vector<16xf32>, vector<16xi32> -> vector<16xf32>
        %mul3A_664 = arith.constant 16 : i32
        %mul3A_665 = arith.muli %mul3A_664, %scan3A_167 : i32
        %add3A_666 = arith.constant 5 : i32
        %add3A_667 = arith.addi %mul3A_665, %add3A_666 : i32
        %get3A_668 = arith.index_cast %add3A_667 : i32 to index
        %get3A_669 = arith.constant 0 : index
        %get3A_670 = tpu.vector_load %arg13[%get3A_668, %get3A_669] {strides = array<i32>} : memref<128x128xf32, #tpu.memory_space<vmem>>, vector<1x16xf32>,
        %get3A_671 = vector.shape_cast %get3A_670 : vector<1x16xf32> to vector<16xf32>
        %mul3A_672 = arith.mulf %get3A_671, %gather3A_663 : vector<16xf32>
        %swap3A_673 = arith.index_cast %add3A_667 : i32 to index
        %swap3A_674 = arith.constant 0 : index
        %swap3A_675 = tpu.vector_load %arg13[%swap3A_673, %swap3A_674] {strides = array<i32>} : memref<128x128xf32, #tpu.memory_space<vmem>>, vector<1x16xf32>,
        %swap3A_676 = vector.shape_cast %swap3A_675 : vector<1x16xf32> to vector<16xf32>
        %swap3A_677 = vector.shape_cast %mul3A_672 : vector<16xf32> to vector<1x16xf32>
        tpu.vector_store %arg13[%swap3A_673, %swap3A_674], %swap3A_677 {strides = array<i32>} : memref<128x128xf32, #tpu.memory_space<vmem>>, vector<1x16xf32>,
        %get3A_678 = arith.index_cast %add3A_667 : i32 to index
        %get3A_679 = arith.constant 16 : index
        %get3A_680 = tpu.vector_load %arg13[%get3A_678, %get3A_679] {strides = array<i32>} : memref<128x128xf32, #tpu.memory_space<vmem>>, vector<1x16xf32>,
        %get3A_681 = vector.shape_cast %get3A_680 : vector<1x16xf32> to vector<16xf32>
        %mul3A_682 = arith.mulf %get3A_681, %gather3A_663 : vector<16xf32>
        %swap3A_683 = arith.index_cast %add3A_667 : i32 to index
        %swap3A_684 = arith.constant 16 : index
        %swap3A_685 = tpu.vector_load %arg13[%swap3A_683, %swap3A_684] {strides = array<i32>} : memref<128x128xf32, #tpu.memory_space<vmem>>, vector<1x16xf32>,
        %swap3A_686 = vector.shape_cast %swap3A_685 : vector<1x16xf32> to vector<16xf32>
        %swap3A_687 = vector.shape_cast %mul3A_682 : vector<16xf32> to vector<1x16xf32>
        tpu.vector_store %arg13[%swap3A_683, %swap3A_684], %swap3A_687 {strides = array<i32>} : memref<128x128xf32, #tpu.memory_space<vmem>>, vector<1x16xf32>,
        %get3A_688 = arith.index_cast %add3A_667 : i32 to index
        %get3A_689 = arith.constant 32 : index
        %get3A_690 = tpu.vector_load %arg13[%get3A_688, %get3A_689] {strides = array<i32>} : memref<128x128xf32, #tpu.memory_space<vmem>>, vector<1x16xf32>,
        %get3A_691 = vector.shape_cast %get3A_690 : vector<1x16xf32> to vector<16xf32>
        %mul3A_692 = arith.mulf %get3A_691, %gather3A_663 : vector<16xf32>
        %swap3A_693 = arith.index_cast %add3A_667 : i32 to index
        %swap3A_694 = arith.constant 32 : index
        %swap3A_695 = tpu.vector_load %arg13[%swap3A_693, %swap3A_694] {strides = array<i32>} : memref<128x128xf32, #tpu.memory_space<vmem>>, vector<1x16xf32>,
        %swap3A_696 = vector.shape_cast %swap3A_695 : vector<1x16xf32> to vector<16xf32>
        %swap3A_697 = vector.shape_cast %mul3A_692 : vector<16xf32> to vector<1x16xf32>
        tpu.vector_store %arg13[%swap3A_693, %swap3A_694], %swap3A_697 {strides = array<i32>} : memref<128x128xf32, #tpu.memory_space<vmem>>, vector<1x16xf32>,
        %get3A_698 = arith.index_cast %add3A_667 : i32 to index
        %get3A_699 = arith.constant 48 : index
        %get3A_700 = tpu.vector_load %arg13[%get3A_698, %get3A_699] {strides = array<i32>} : memref<128x128xf32, #tpu.memory_space<vmem>>, vector<1x16xf32>,
        %get3A_701 = vector.shape_cast %get3A_700 : vector<1x16xf32> to vector<16xf32>
        %mul3A_702 = arith.mulf %get3A_701, %gather3A_663 : vector<16xf32>
        %swap3A_703 = arith.index_cast %add3A_667 : i32 to index
        %swap3A_704 = arith.constant 48 : index
        %swap3A_705 = tpu.vector_load %arg13[%swap3A_703, %swap3A_704] {strides = array<i32>} : memref<128x128xf32, #tpu.memory_space<vmem>>, vector<1x16xf32>,
        %swap3A_706 = vector.shape_cast %swap3A_705 : vector<1x16xf32> to vector<16xf32>
        %swap3A_707 = vector.shape_cast %mul3A_702 : vector<16xf32> to vector<1x16xf32>
        tpu.vector_store %arg13[%swap3A_703, %swap3A_704], %swap3A_707 {strides = array<i32>} : memref<128x128xf32, #tpu.memory_space<vmem>>, vector<1x16xf32>,
        %get3A_708 = arith.index_cast %add3A_667 : i32 to index
        %get3A_709 = arith.constant 64 : index
        %get3A_710 = tpu.vector_load %arg13[%get3A_708, %get3A_709] {strides = array<i32>} : memref<128x128xf32, #tpu.memory_space<vmem>>, vector<1x16xf32>,
        %get3A_711 = vector.shape_cast %get3A_710 : vector<1x16xf32> to vector<16xf32>
        %mul3A_712 = arith.mulf %get3A_711, %gather3A_663 : vector<16xf32>
        %swap3A_713 = arith.index_cast %add3A_667 : i32 to index
        %swap3A_714 = arith.constant 64 : index
        %swap3A_715 = tpu.vector_load %arg13[%swap3A_713, %swap3A_714] {strides = array<i32>} : memref<128x128xf32, #tpu.memory_space<vmem>>, vector<1x16xf32>,
        %swap3A_716 = vector.shape_cast %swap3A_715 : vector<1x16xf32> to vector<16xf32>
        %swap3A_717 = vector.shape_cast %mul3A_712 : vector<16xf32> to vector<1x16xf32>
        tpu.vector_store %arg13[%swap3A_713, %swap3A_714], %swap3A_717 {strides = array<i32>} : memref<128x128xf32, #tpu.memory_space<vmem>>, vector<1x16xf32>,
        %get3A_718 = arith.index_cast %add3A_667 : i32 to index
        %get3A_719 = arith.constant 80 : index
        %get3A_720 = tpu.vector_load %arg13[%get3A_718, %get3A_719] {strides = array<i32>} : memref<128x128xf32, #tpu.memory_space<vmem>>, vector<1x16xf32>,
        %get3A_721 = vector.shape_cast %get3A_720 : vector<1x16xf32> to vector<16xf32>
        %mul3A_722 = arith.mulf %get3A_721, %gather3A_663 : vector<16xf32>
        %swap3A_723 = arith.index_cast %add3A_667 : i32 to index
        %swap3A_724 = arith.constant 80 : index
        %swap3A_725 = tpu.vector_load %arg13[%swap3A_723, %swap3A_724] {strides = array<i32>} : memref<128x128xf32, #tpu.memory_space<vmem>>, vector<1x16xf32>,
        %swap3A_726 = vector.shape_cast %swap3A_725 : vector<1x16xf32> to vector<16xf32>
        %swap3A_727 = vector.shape_cast %mul3A_722 : vector<16xf32> to vector<1x16xf32>
        tpu.vector_store %arg13[%swap3A_723, %swap3A_724], %swap3A_727 {strides = array<i32>} : memref<128x128xf32, #tpu.memory_space<vmem>>, vector<1x16xf32>,
        %get3A_728 = arith.index_cast %add3A_667 : i32 to index
        %get3A_729 = arith.constant 96 : index
        %get3A_730 = tpu.vector_load %arg13[%get3A_728, %get3A_729] {strides = array<i32>} : memref<128x128xf32, #tpu.memory_space<vmem>>, vector<1x16xf32>,
        %get3A_731 = vector.shape_cast %get3A_730 : vector<1x16xf32> to vector<16xf32>
        %mul3A_732 = arith.mulf %get3A_731, %gather3A_663 : vector<16xf32>
        %swap3A_733 = arith.index_cast %add3A_667 : i32 to index
        %swap3A_734 = arith.constant 96 : index
        %swap3A_735 = tpu.vector_load %arg13[%swap3A_733, %swap3A_734] {strides = array<i32>} : memref<128x128xf32, #tpu.memory_space<vmem>>, vector<1x16xf32>,
        %swap3A_736 = vector.shape_cast %swap3A_735 : vector<1x16xf32> to vector<16xf32>
        %swap3A_737 = vector.shape_cast %mul3A_732 : vector<16xf32> to vector<1x16xf32>
        tpu.vector_store %arg13[%swap3A_733, %swap3A_734], %swap3A_737 {strides = array<i32>} : memref<128x128xf32, #tpu.memory_space<vmem>>, vector<1x16xf32>,
        %get3A_738 = arith.index_cast %add3A_667 : i32 to index
        %get3A_739 = arith.constant 112 : index
        %get3A_740 = tpu.vector_load %arg13[%get3A_738, %get3A_739] {strides = array<i32>} : memref<128x128xf32, #tpu.memory_space<vmem>>, vector<1x16xf32>,
        %get3A_741 = vector.shape_cast %get3A_740 : vector<1x16xf32> to vector<16xf32>
        %mul3A_742 = arith.mulf %get3A_741, %gather3A_663 : vector<16xf32>
        %swap3A_743 = arith.index_cast %add3A_667 : i32 to index
        %swap3A_744 = arith.constant 112 : index
        %swap3A_745 = tpu.vector_load %arg13[%swap3A_743, %swap3A_744] {strides = array<i32>} : memref<128x128xf32, #tpu.memory_space<vmem>>, vector<1x16xf32>,
        %swap3A_746 = vector.shape_cast %swap3A_745 : vector<1x16xf32> to vector<16xf32>
        %swap3A_747 = vector.shape_cast %mul3A_742 : vector<16xf32> to vector<1x16xf32>
        tpu.vector_store %arg13[%swap3A_743, %swap3A_744], %swap3A_747 {strides = array<i32>} : memref<128x128xf32, #tpu.memory_space<vmem>>, vector<1x16xf32>,
        %broadcast_in_dim3A_748 = arith.constant 6 : i32
        %broadcast_in_dim3A_749 = vector.broadcast %broadcast_in_dim3A_748 : i32 to vector<16xi32>
        %lt3A_750 = arith.constant 0 : i32
        %lt3A_751 = vector.broadcast %lt3A_750 : i32 to vector<16xi32>
        %lt3A_752 = arith.cmpi slt, %broadcast_in_dim3A_749, %lt3A_751 : vector<16xi32>
        %add3A_753 = arith.constant 16 : i32
        %add3A_754 = vector.broadcast %add3A_753 : i32 to vector<16xi32>
        %add3A_755 = arith.addi %broadcast_in_dim3A_749, %add3A_754 : vector<16xi32>
        %select_n3A_756 = arith.select %lt3A_752, %add3A_755, %broadcast_in_dim3A_749 : vector<16xi1>, vector<16xi32>
        %broadcast_in_dim3A_757 = vector.shape_cast %select_n3A_756 : vector<16xi32> to vector<16x1xi32>
        %gather3A_758 = vector.shape_cast %broadcast_in_dim3A_757 : vector<16x1xi32> to vector<16xi32>
        %gather3A_759 = tpu.dynamic_gather %get3A_172[%gather3A_758] in [0] : vector<16xf32>, vector<16xi32> -> vector<16xf32>
        %mul3A_760 = arith.constant 16 : i32
        %mul3A_761 = arith.muli %mul3A_760, %scan3A_167 : i32
        %add3A_762 = arith.constant 6 : i32
        %add3A_763 = arith.addi %mul3A_761, %add3A_762 : i32
        %get3A_764 = arith.index_cast %add3A_763 : i32 to index
        %get3A_765 = arith.constant 0 : index
        %get3A_766 = tpu.vector_load %arg13[%get3A_764, %get3A_765] {strides = array<i32>} : memref<128x128xf32, #tpu.memory_space<vmem>>, vector<1x16xf32>,
        %get3A_767 = vector.shape_cast %get3A_766 : vector<1x16xf32> to vector<16xf32>
        %mul3A_768 = arith.mulf %get3A_767, %gather3A_759 : vector<16xf32>
        %swap3A_769 = arith.index_cast %add3A_763 : i32 to index
        %swap3A_770 = arith.constant 0 : index
        %swap3A_771 = tpu.vector_load %arg13[%swap3A_769, %swap3A_770] {strides = array<i32>} : memref<128x128xf32, #tpu.memory_space<vmem>>, vector<1x16xf32>,
        %swap3A_772 = vector.shape_cast %swap3A_771 : vector<1x16xf32> to vector<16xf32>
        %swap3A_773 = vector.shape_cast %mul3A_768 : vector<16xf32> to vector<1x16xf32>
        tpu.vector_store %arg13[%swap3A_769, %swap3A_770], %swap3A_773 {strides = array<i32>} : memref<128x128xf32, #tpu.memory_space<vmem>>, vector<1x16xf32>,
        %get3A_774 = arith.index_cast %add3A_763 : i32 to index
        %get3A_775 = arith.constant 16 : index
        %get3A_776 = tpu.vector_load %arg13[%get3A_774, %get3A_775] {strides = array<i32>} : memref<128x128xf32, #tpu.memory_space<vmem>>, vector<1x16xf32>,
        %get3A_777 = vector.shape_cast %get3A_776 : vector<1x16xf32> to vector<16xf32>
        %mul3A_778 = arith.mulf %get3A_777, %gather3A_759 : vector<16xf32>
        %swap3A_779 = arith.index_cast %add3A_763 : i32 to index
        %swap3A_780 = arith.constant 16 : index
        %swap3A_781 = tpu.vector_load %arg13[%swap3A_779, %swap3A_780] {strides = array<i32>} : memref<128x128xf32, #tpu.memory_space<vmem>>, vector<1x16xf32>,
        %swap3A_782 = vector.shape_cast %swap3A_781 : vector<1x16xf32> to vector<16xf32>
        %swap3A_783 = vector.shape_cast %mul3A_778 : vector<16xf32> to vector<1x16xf32>
        tpu.vector_store %arg13[%swap3A_779, %swap3A_780], %swap3A_783 {strides = array<i32>} : memref<128x128xf32, #tpu.memory_space<vmem>>, vector<1x16xf32>,
        %get3A_784 = arith.index_cast %add3A_763 : i32 to index
        %get3A_785 = arith.constant 32 : index
        %get3A_786 = tpu.vector_load %arg13[%get3A_784, %get3A_785] {strides = array<i32>} : memref<128x128xf32, #tpu.memory_space<vmem>>, vector<1x16xf32>,
        %get3A_787 = vector.shape_cast %get3A_786 : vector<1x16xf32> to vector<16xf32>
        %mul3A_788 = arith.mulf %get3A_787, %gather3A_759 : vector<16xf32>
        %swap3A_789 = arith.index_cast %add3A_763 : i32 to index
        %swap3A_790 = arith.constant 32 : index
        %swap3A_791 = tpu.vector_load %arg13[%swap3A_789, %swap3A_790] {strides = array<i32>} : memref<128x128xf32, #tpu.memory_space<vmem>>, vector<1x16xf32>,
        %swap3A_792 = vector.shape_cast %swap3A_791 : vector<1x16xf32> to vector<16xf32>
        %swap3A_793 = vector.shape_cast %mul3A_788 : vector<16xf32> to vector<1x16xf32>
        tpu.vector_store %arg13[%swap3A_789, %swap3A_790], %swap3A_793 {strides = array<i32>} : memref<128x128xf32, #tpu.memory_space<vmem>>, vector<1x16xf32>,
        %get3A_794 = arith.index_cast %add3A_763 : i32 to index
        %get3A_795 = arith.constant 48 : index
        %get3A_796 = tpu.vector_load %arg13[%get3A_794, %get3A_795] {strides = array<i32>} : memref<128x128xf32, #tpu.memory_space<vmem>>, vector<1x16xf32>,
        %get3A_797 = vector.shape_cast %get3A_796 : vector<1x16xf32> to vector<16xf32>
        %mul3A_798 = arith.mulf %get3A_797, %gather3A_759 : vector<16xf32>
        %swap3A_799 = arith.index_cast %add3A_763 : i32 to index
        %swap3A_800 = arith.constant 48 : index
        %swap3A_801 = tpu.vector_load %arg13[%swap3A_799, %swap3A_800] {strides = array<i32>} : memref<128x128xf32, #tpu.memory_space<vmem>>, vector<1x16xf32>,
        %swap3A_802 = vector.shape_cast %swap3A_801 : vector<1x16xf32> to vector<16xf32>
        %swap3A_803 = vector.shape_cast %mul3A_798 : vector<16xf32> to vector<1x16xf32>
        tpu.vector_store %arg13[%swap3A_799, %swap3A_800], %swap3A_803 {strides = array<i32>} : memref<128x128xf32, #tpu.memory_space<vmem>>, vector<1x16xf32>,
        %get3A_804 = arith.index_cast %add3A_763 : i32 to index
        %get3A_805 = arith.constant 64 : index
        %get3A_806 = tpu.vector_load %arg13[%get3A_804, %get3A_805] {strides = array<i32>} : memref<128x128xf32, #tpu.memory_space<vmem>>, vector<1x16xf32>,
        %get3A_807 = vector.shape_cast %get3A_806 : vector<1x16xf32> to vector<16xf32>
        %mul3A_808 = arith.mulf %get3A_807, %gather3A_759 : vector<16xf32>
        %swap3A_809 = arith.index_cast %add3A_763 : i32 to index
        %swap3A_810 = arith.constant 64 : index
        %swap3A_811 = tpu.vector_load %arg13[%swap3A_809, %swap3A_810] {strides = array<i32>} : memref<128x128xf32, #tpu.memory_space<vmem>>, vector<1x16xf32>,
        %swap3A_812 = vector.shape_cast %swap3A_811 : vector<1x16xf32> to vector<16xf32>
        %swap3A_813 = vector.shape_cast %mul3A_808 : vector<16xf32> to vector<1x16xf32>
        tpu.vector_store %arg13[%swap3A_809, %swap3A_810], %swap3A_813 {strides = array<i32>} : memref<128x128xf32, #tpu.memory_space<vmem>>, vector<1x16xf32>,
        %get3A_814 = arith.index_cast %add3A_763 : i32 to index
        %get3A_815 = arith.constant 80 : index
        %get3A_816 = tpu.vector_load %arg13[%get3A_814, %get3A_815] {strides = array<i32>} : memref<128x128xf32, #tpu.memory_space<vmem>>, vector<1x16xf32>,
        %get3A_817 = vector.shape_cast %get3A_816 : vector<1x16xf32> to vector<16xf32>
        %mul3A_818 = arith.mulf %get3A_817, %gather3A_759 : vector<16xf32>
        %swap3A_819 = arith.index_cast %add3A_763 : i32 to index
        %swap3A_820 = arith.constant 80 : index
        %swap3A_821 = tpu.vector_load %arg13[%swap3A_819, %swap3A_820] {strides = array<i32>} : memref<128x128xf32, #tpu.memory_space<vmem>>, vector<1x16xf32>,
        %swap3A_822 = vector.shape_cast %swap3A_821 : vector<1x16xf32> to vector<16xf32>
        %swap3A_823 = vector.shape_cast %mul3A_818 : vector<16xf32> to vector<1x16xf32>
        tpu.vector_store %arg13[%swap3A_819, %swap3A_820], %swap3A_823 {strides = array<i32>} : memref<128x128xf32, #tpu.memory_space<vmem>>, vector<1x16xf32>,
        %get3A_824 = arith.index_cast %add3A_763 : i32 to index
        %get3A_825 = arith.constant 96 : index
        %get3A_826 = tpu.vector_load %arg13[%get3A_824, %get3A_825] {strides = array<i32>} : memref<128x128xf32, #tpu.memory_space<vmem>>, vector<1x16xf32>,
        %get3A_827 = vector.shape_cast %get3A_826 : vector<1x16xf32> to vector<16xf32>
        %mul3A_828 = arith.mulf %get3A_827, %gather3A_759 : vector<16xf32>
        %swap3A_829 = arith.index_cast %add3A_763 : i32 to index
        %swap3A_830 = arith.constant 96 : index
        %swap3A_831 = tpu.vector_load %arg13[%swap3A_829, %swap3A_830] {strides = array<i32>} : memref<128x128xf32, #tpu.memory_space<vmem>>, vector<1x16xf32>,
        %swap3A_832 = vector.shape_cast %swap3A_831 : vector<1x16xf32> to vector<16xf32>
        %swap3A_833 = vector.shape_cast %mul3A_828 : vector<16xf32> to vector<1x16xf32>
        tpu.vector_store %arg13[%swap3A_829, %swap3A_830], %swap3A_833 {strides = array<i32>} : memref<128x128xf32, #tpu.memory_space<vmem>>, vector<1x16xf32>,
        %get3A_834 = arith.index_cast %add3A_763 : i32 to index
        %get3A_835 = arith.constant 112 : index
        %get3A_836 = tpu.vector_load %arg13[%get3A_834, %get3A_835] {strides = array<i32>} : memref<128x128xf32, #tpu.memory_space<vmem>>, vector<1x16xf32>,
        %get3A_837 = vector.shape_cast %get3A_836 : vector<1x16xf32> to vector<16xf32>
        %mul3A_838 = arith.mulf %get3A_837, %gather3A_759 : vector<16xf32>
        %swap3A_839 = arith.index_cast %add3A_763 : i32 to index
        %swap3A_840 = arith.constant 112 : index
        %swap3A_841 = tpu.vector_load %arg13[%swap3A_839, %swap3A_840] {strides = array<i32>} : memref<128x128xf32, #tpu.memory_space<vmem>>, vector<1x16xf32>,
        %swap3A_842 = vector.shape_cast %swap3A_841 : vector<1x16xf32> to vector<16xf32>
        %swap3A_843 = vector.shape_cast %mul3A_838 : vector<16xf32> to vector<1x16xf32>
        tpu.vector_store %arg13[%swap3A_839, %swap3A_840], %swap3A_843 {strides = array<i32>} : memref<128x128xf32, #tpu.memory_space<vmem>>, vector<1x16xf32>,
        %broadcast_in_dim3A_844 = arith.constant 7 : i32
        %broadcast_in_dim3A_845 = vector.broadcast %broadcast_in_dim3A_844 : i32 to vector<16xi32>
        %lt3A_846 = arith.constant 0 : i32
        %lt3A_847 = vector.broadcast %lt3A_846 : i32 to vector<16xi32>
        %lt3A_848 = arith.cmpi slt, %broadcast_in_dim3A_845, %lt3A_847 : vector<16xi32>
        %add3A_849 = arith.constant 16 : i32
        %add3A_850 = vector.broadcast %add3A_849 : i32 to vector<16xi32>
        %add3A_851 = arith.addi %broadcast_in_dim3A_845, %add3A_850 : vector<16xi32>
        %select_n3A_852 = arith.select %lt3A_848, %add3A_851, %broadcast_in_dim3A_845 : vector<16xi1>, vector<16xi32>
        %broadcast_in_dim3A_853 = vector.shape_cast %select_n3A_852 : vector<16xi32> to vector<16x1xi32>
        %gather3A_854 = vector.shape_cast %broadcast_in_dim3A_853 : vector<16x1xi32> to vector<16xi32>
        %gather3A_855 = tpu.dynamic_gather %get3A_172[%gather3A_854] in [0] : vector<16xf32>, vector<16xi32> -> vector<16xf32>
        %mul3A_856 = arith.constant 16 : i32
        %mul3A_857 = arith.muli %mul3A_856, %scan3A_167 : i32
        %add3A_858 = arith.constant 7 : i32
        %add3A_859 = arith.addi %mul3A_857, %add3A_858 : i32
        %get3A_860 = arith.index_cast %add3A_859 : i32 to index
        %get3A_861 = arith.constant 0 : index
        %get3A_862 = tpu.vector_load %arg13[%get3A_860, %get3A_861] {strides = array<i32>} : memref<128x128xf32, #tpu.memory_space<vmem>>, vector<1x16xf32>,
        %get3A_863 = vector.shape_cast %get3A_862 : vector<1x16xf32> to vector<16xf32>
        %mul3A_864 = arith.mulf %get3A_863, %gather3A_855 : vector<16xf32>
        %swap3A_865 = arith.index_cast %add3A_859 : i32 to index
        %swap3A_866 = arith.constant 0 : index
        %swap3A_867 = tpu.vector_load %arg13[%swap3A_865, %swap3A_866] {strides = array<i32>} : memref<128x128xf32, #tpu.memory_space<vmem>>, vector<1x16xf32>,
        %swap3A_868 = vector.shape_cast %swap3A_867 : vector<1x16xf32> to vector<16xf32>
        %swap3A_869 = vector.shape_cast %mul3A_864 : vector<16xf32> to vector<1x16xf32>
        tpu.vector_store %arg13[%swap3A_865, %swap3A_866], %swap3A_869 {strides = array<i32>} : memref<128x128xf32, #tpu.memory_space<vmem>>, vector<1x16xf32>,
        %get3A_870 = arith.index_cast %add3A_859 : i32 to index
        %get3A_871 = arith.constant 16 : index
        %get3A_872 = tpu.vector_load %arg13[%get3A_870, %get3A_871] {strides = array<i32>} : memref<128x128xf32, #tpu.memory_space<vmem>>, vector<1x16xf32>,
        %get3A_873 = vector.shape_cast %get3A_872 : vector<1x16xf32> to vector<16xf32>
        %mul3A_874 = arith.mulf %get3A_873, %gather3A_855 : vector<16xf32>
        %swap3A_875 = arith.index_cast %add3A_859 : i32 to index
        %swap3A_876 = arith.constant 16 : index
        %swap3A_877 = tpu.vector_load %arg13[%swap3A_875, %swap3A_876] {strides = array<i32>} : memref<128x128xf32, #tpu.memory_space<vmem>>, vector<1x16xf32>,
        %swap3A_878 = vector.shape_cast %swap3A_877 : vector<1x16xf32> to vector<16xf32>
        %swap3A_879 = vector.shape_cast %mul3A_874 : vector<16xf32> to vector<1x16xf32>
        tpu.vector_store %arg13[%swap3A_875, %swap3A_876], %swap3A_879 {strides = array<i32>} : memref<128x128xf32, #tpu.memory_space<vmem>>, vector<1x16xf32>,
        %get3A_880 = arith.index_cast %add3A_859 : i32 to index
        %get3A_881 = arith.constant 32 : index
        %get3A_882 = tpu.vector_load %arg13[%get3A_880, %get3A_881] {strides = array<i32>} : memref<128x128xf32, #tpu.memory_space<vmem>>, vector<1x16xf32>,
        %get3A_883 = vector.shape_cast %get3A_882 : vector<1x16xf32> to vector<16xf32>
        %mul3A_884 = arith.mulf %get3A_883, %gather3A_855 : vector<16xf32>
        %swap3A_885 = arith.index_cast %add3A_859 : i32 to index
        %swap3A_886 = arith.constant 32 : index
        %swap3A_887 = tpu.vector_load %arg13[%swap3A_885, %swap3A_886] {strides = array<i32>} : memref<128x128xf32, #tpu.memory_space<vmem>>, vector<1x16xf32>,
        %swap3A_888 = vector.shape_cast %swap3A_887 : vector<1x16xf32> to vector<16xf32>
        %swap3A_889 = vector.shape_cast %mul3A_884 : vector<16xf32> to vector<1x16xf32>
        tpu.vector_store %arg13[%swap3A_885, %swap3A_886], %swap3A_889 {strides = array<i32>} : memref<128x128xf32, #tpu.memory_space<vmem>>, vector<1x16xf32>,
        %get3A_890 = arith.index_cast %add3A_859 : i32 to index
        %get3A_891 = arith.constant 48 : index
        %get3A_892 = tpu.vector_load %arg13[%get3A_890, %get3A_891] {strides = array<i32>} : memref<128x128xf32, #tpu.memory_space<vmem>>, vector<1x16xf32>,
        %get3A_893 = vector.shape_cast %get3A_892 : vector<1x16xf32> to vector<16xf32>
        %mul3A_894 = arith.mulf %get3A_893, %gather3A_855 : vector<16xf32>
        %swap3A_895 = arith.index_cast %add3A_859 : i32 to index
        %swap3A_896 = arith.constant 48 : index
        %swap3A_897 = tpu.vector_load %arg13[%swap3A_895, %swap3A_896] {strides = array<i32>} : memref<128x128xf32, #tpu.memory_space<vmem>>, vector<1x16xf32>,
        %swap3A_898 = vector.shape_cast %swap3A_897 : vector<1x16xf32> to vector<16xf32>
        %swap3A_899 = vector.shape_cast %mul3A_894 : vector<16xf32> to vector<1x16xf32>
        tpu.vector_store %arg13[%swap3A_895, %swap3A_896], %swap3A_899 {strides = array<i32>} : memref<128x128xf32, #tpu.memory_space<vmem>>, vector<1x16xf32>,
        %get3A_900 = arith.index_cast %add3A_859 : i32 to index
        %get3A_901 = arith.constant 64 : index
        %get3A_902 = tpu.vector_load %arg13[%get3A_900, %get3A_901] {strides = array<i32>} : memref<128x128xf32, #tpu.memory_space<vmem>>, vector<1x16xf32>,
        %get3A_903 = vector.shape_cast %get3A_902 : vector<1x16xf32> to vector<16xf32>
        %mul3A_904 = arith.mulf %get3A_903, %gather3A_855 : vector<16xf32>
        %swap3A_905 = arith.index_cast %add3A_859 : i32 to index
        %swap3A_906 = arith.constant 64 : index
        %swap3A_907 = tpu.vector_load %arg13[%swap3A_905, %swap3A_906] {strides = array<i32>} : memref<128x128xf32, #tpu.memory_space<vmem>>, vector<1x16xf32>,
        %swap3A_908 = vector.shape_cast %swap3A_907 : vector<1x16xf32> to vector<16xf32>
        %swap3A_909 = vector.shape_cast %mul3A_904 : vector<16xf32> to vector<1x16xf32>
        tpu.vector_store %arg13[%swap3A_905, %swap3A_906], %swap3A_909 {strides = array<i32>} : memref<128x128xf32, #tpu.memory_space<vmem>>, vector<1x16xf32>,
        %get3A_910 = arith.index_cast %add3A_859 : i32 to index
        %get3A_911 = arith.constant 80 : index
        %get3A_912 = tpu.vector_load %arg13[%get3A_910, %get3A_911] {strides = array<i32>} : memref<128x128xf32, #tpu.memory_space<vmem>>, vector<1x16xf32>,
        %get3A_913 = vector.shape_cast %get3A_912 : vector<1x16xf32> to vector<16xf32>
        %mul3A_914 = arith.mulf %get3A_913, %gather3A_855 : vector<16xf32>
        %swap3A_915 = arith.index_cast %add3A_859 : i32 to index
        %swap3A_916 = arith.constant 80 : index
        %swap3A_917 = tpu.vector_load %arg13[%swap3A_915, %swap3A_916] {strides = array<i32>} : memref<128x128xf32, #tpu.memory_space<vmem>>, vector<1x16xf32>,
        %swap3A_918 = vector.shape_cast %swap3A_917 : vector<1x16xf32> to vector<16xf32>
        %swap3A_919 = vector.shape_cast %mul3A_914 : vector<16xf32> to vector<1x16xf32>
        tpu.vector_store %arg13[%swap3A_915, %swap3A_916], %swap3A_919 {strides = array<i32>} : memref<128x128xf32, #tpu.memory_space<vmem>>, vector<1x16xf32>,
        %get3A_920 = arith.index_cast %add3A_859 : i32 to index
        %get3A_921 = arith.constant 96 : index
        %get3A_922 = tpu.vector_load %arg13[%get3A_920, %get3A_921] {strides = array<i32>} : memref<128x128xf32, #tpu.memory_space<vmem>>, vector<1x16xf32>,
        %get3A_923 = vector.shape_cast %get3A_922 : vector<1x16xf32> to vector<16xf32>
        %mul3A_924 = arith.mulf %get3A_923, %gather3A_855 : vector<16xf32>
        %swap3A_925 = arith.index_cast %add3A_859 : i32 to index
        %swap3A_926 = arith.constant 96 : index
        %swap3A_927 = tpu.vector_load %arg13[%swap3A_925, %swap3A_926] {strides = array<i32>} : memref<128x128xf32, #tpu.memory_space<vmem>>, vector<1x16xf32>,
        %swap3A_928 = vector.shape_cast %swap3A_927 : vector<1x16xf32> to vector<16xf32>
        %swap3A_929 = vector.shape_cast %mul3A_924 : vector<16xf32> to vector<1x16xf32>
        tpu.vector_store %arg13[%swap3A_925, %swap3A_926], %swap3A_929 {strides = array<i32>} : memref<128x128xf32, #tpu.memory_space<vmem>>, vector<1x16xf32>,
        %get3A_930 = arith.index_cast %add3A_859 : i32 to index
        %get3A_931 = arith.constant 112 : index
        %get3A_932 = tpu.vector_load %arg13[%get3A_930, %get3A_931] {strides = array<i32>} : memref<128x128xf32, #tpu.memory_space<vmem>>, vector<1x16xf32>,
        %get3A_933 = vector.shape_cast %get3A_932 : vector<1x16xf32> to vector<16xf32>
        %mul3A_934 = arith.mulf %get3A_933, %gather3A_855 : vector<16xf32>
        %swap3A_935 = arith.index_cast %add3A_859 : i32 to index
        %swap3A_936 = arith.constant 112 : index
        %swap3A_937 = tpu.vector_load %arg13[%swap3A_935, %swap3A_936] {strides = array<i32>} : memref<128x128xf32, #tpu.memory_space<vmem>>, vector<1x16xf32>,
        %swap3A_938 = vector.shape_cast %swap3A_937 : vector<1x16xf32> to vector<16xf32>
        %swap3A_939 = vector.shape_cast %mul3A_934 : vector<16xf32> to vector<1x16xf32>
        tpu.vector_store %arg13[%swap3A_935, %swap3A_936], %swap3A_939 {strides = array<i32>} : memref<128x128xf32, #tpu.memory_space<vmem>>, vector<1x16xf32>,
        %broadcast_in_dim3A_940 = arith.constant 8 : i32
        %broadcast_in_dim3A_941 = vector.broadcast %broadcast_in_dim3A_940 : i32 to vector<16xi32>
        %lt3A_942 = arith.constant 0 : i32
        %lt3A_943 = vector.broadcast %lt3A_942 : i32 to vector<16xi32>
        %lt3A_944 = arith.cmpi slt, %broadcast_in_dim3A_941, %lt3A_943 : vector<16xi32>
        %add3A_945 = arith.constant 16 : i32
        %add3A_946 = vector.broadcast %add3A_945 : i32 to vector<16xi32>
        %add3A_947 = arith.addi %broadcast_in_dim3A_941, %add3A_946 : vector<16xi32>
        %select_n3A_948 = arith.select %lt3A_944, %add3A_947, %broadcast_in_dim3A_941 : vector<16xi1>, vector<16xi32>
        %broadcast_in_dim3A_949 = vector.shape_cast %select_n3A_948 : vector<16xi32> to vector<16x1xi32>
        %gather3A_950 = vector.shape_cast %broadcast_in_dim3A_949 : vector<16x1xi32> to vector<16xi32>
        %gather3A_951 = tpu.dynamic_gather %get3A_172[%gather3A_950] in [0] : vector<16xf32>, vector<16xi32> -> vector<16xf32>
        %mul3A_952 = arith.constant 16 : i32
        %mul3A_953 = arith.muli %mul3A_952, %scan3A_167 : i32
        %add3A_954 = arith.constant 8 : i32
        %add3A_955 = arith.addi %mul3A_953, %add3A_954 : i32
        %get3A_956 = arith.index_cast %add3A_955 : i32 to index
        %get3A_957 = arith.constant 0 : index
        %get3A_958 = tpu.vector_load %arg13[%get3A_956, %get3A_957] {strides = array<i32>} : memref<128x128xf32, #tpu.memory_space<vmem>>, vector<1x16xf32>,
        %get3A_959 = vector.shape_cast %get3A_958 : vector<1x16xf32> to vector<16xf32>
        %mul3A_960 = arith.mulf %get3A_959, %gather3A_951 : vector<16xf32>
        %swap3A_961 = arith.index_cast %add3A_955 : i32 to index
        %swap3A_962 = arith.constant 0 : index
        %swap3A_963 = tpu.vector_load %arg13[%swap3A_961, %swap3A_962] {strides = array<i32>} : memref<128x128xf32, #tpu.memory_space<vmem>>, vector<1x16xf32>,
        %swap3A_964 = vector.shape_cast %swap3A_963 : vector<1x16xf32> to vector<16xf32>
        %swap3A_965 = vector.shape_cast %mul3A_960 : vector<16xf32> to vector<1x16xf32>
        tpu.vector_store %arg13[%swap3A_961, %swap3A_962], %swap3A_965 {strides = array<i32>} : memref<128x128xf32, #tpu.memory_space<vmem>>, vector<1x16xf32>,
        %get3A_966 = arith.index_cast %add3A_955 : i32 to index
        %get3A_967 = arith.constant 16 : index
        %get3A_968 = tpu.vector_load %arg13[%get3A_966, %get3A_967] {strides = array<i32>} : memref<128x128xf32, #tpu.memory_space<vmem>>, vector<1x16xf32>,
        %get3A_969 = vector.shape_cast %get3A_968 : vector<1x16xf32> to vector<16xf32>
        %mul3A_970 = arith.mulf %get3A_969, %gather3A_951 : vector<16xf32>
        %swap3A_971 = arith.index_cast %add3A_955 : i32 to index
        %swap3A_972 = arith.constant 16 : index
        %swap3A_973 = tpu.vector_load %arg13[%swap3A_971, %swap3A_972] {strides = array<i32>} : memref<128x128xf32, #tpu.memory_space<vmem>>, vector<1x16xf32>,
        %swap3A_974 = vector.shape_cast %swap3A_973 : vector<1x16xf32> to vector<16xf32>
        %swap3A_975 = vector.shape_cast %mul3A_970 : vector<16xf32> to vector<1x16xf32>
        tpu.vector_store %arg13[%swap3A_971, %swap3A_972], %swap3A_975 {strides = array<i32>} : memref<128x128xf32, #tpu.memory_space<vmem>>, vector<1x16xf32>,
        %get3A_976 = arith.index_cast %add3A_955 : i32 to index
        %get3A_977 = arith.constant 32 : index
        %get3A_978 = tpu.vector_load %arg13[%get3A_976, %get3A_977] {strides = array<i32>} : memref<128x128xf32, #tpu.memory_space<vmem>>, vector<1x16xf32>,
        %get3A_979 = vector.shape_cast %get3A_978 : vector<1x16xf32> to vector<16xf32>
        %mul3A_980 = arith.mulf %get3A_979, %gather3A_951 : vector<16xf32>
        %swap3A_981 = arith.index_cast %add3A_955 : i32 to index
        %swap3A_982 = arith.constant 32 : index
        %swap3A_983 = tpu.vector_load %arg13[%swap3A_981, %swap3A_982] {strides = array<i32>} : memref<128x128xf32, #tpu.memory_space<vmem>>, vector<1x16xf32>,
        %swap3A_984 = vector.shape_cast %swap3A_983 : vector<1x16xf32> to vector<16xf32>
        %swap3A_985 = vector.shape_cast %mul3A_980 : vector<16xf32> to vector<1x16xf32>
        tpu.vector_store %arg13[%swap3A_981, %swap3A_982], %swap3A_985 {strides = array<i32>} : memref<128x128xf32, #tpu.memory_space<vmem>>, vector<1x16xf32>,
        %get3A_986 = arith.index_cast %add3A_955 : i32 to index
        %get3A_987 = arith.constant 48 : index
        %get3A_988 = tpu.vector_load %arg13[%get3A_986, %get3A_987] {strides = array<i32>} : memref<128x128xf32, #tpu.memory_space<vmem>>, vector<1x16xf32>,
        %get3A_989 = vector.shape_cast %get3A_988 : vector<1x16xf32> to vector<16xf32>
        %mul3A_990 = arith.mulf %get3A_989, %gather3A_951 : vector<16xf32>
        %swap3A_991 = arith.index_cast %add3A_955 : i32 to index
        %swap3A_992 = arith.constant 48 : index
        %swap3A_993 = tpu.vector_load %arg13[%swap3A_991, %swap3A_992] {strides = array<i32>} : memref<128x128xf32, #tpu.memory_space<vmem>>, vector<1x16xf32>,
        %swap3A_994 = vector.shape_cast %swap3A_993 : vector<1x16xf32> to vector<16xf32>
        %swap3A_995 = vector.shape_cast %mul3A_990 : vector<16xf32> to vector<1x16xf32>
        tpu.vector_store %arg13[%swap3A_991, %swap3A_992], %swap3A_995 {strides = array<i32>} : memref<128x128xf32, #tpu.memory_space<vmem>>, vector<1x16xf32>,
        %get3A_996 = arith.index_cast %add3A_955 : i32 to index
        %get3A_997 = arith.constant 64 : index
        %get3A_998 = tpu.vector_load %arg13[%get3A_996, %get3A_997] {strides = array<i32>} : memref<128x128xf32, #tpu.memory_space<vmem>>, vector<1x16xf32>,
        %get3A_999 = vector.shape_cast %get3A_998 : vector<1x16xf32> to vector<16xf32>
        %mul3A_1000 = arith.mulf %get3A_999, %gather3A_951 : vector<16xf32>
        %swap3A_1001 = arith.index_cast %add3A_955 : i32 to index
        %swap3A_1002 = arith.constant 64 : index
        %swap3A_1003 = tpu.vector_load %arg13[%swap3A_1001, %swap3A_1002] {strides = array<i32>} : memref<128x128xf32, #tpu.memory_space<vmem>>, vector<1x16xf32>,
        %swap3A_1004 = vector.shape_cast %swap3A_1003 : vector<1x16xf32> to vector<16xf32>
        %swap3A_1005 = vector.shape_cast %mul3A_1000 : vector<16xf32> to vector<1x16xf32>
        tpu.vector_store %arg13[%swap3A_1001, %swap3A_1002], %swap3A_1005 {strides = array<i32>} : memref<128x128xf32, #tpu.memory_space<vmem>>, vector<1x16xf32>,
        %get3A_1006 = arith.index_cast %add3A_955 : i32 to index
        %get3A_1007 = arith.constant 80 : index
        %get3A_1008 = tpu.vector_load %arg13[%get3A_1006, %get3A_1007] {strides = array<i32>} : memref<128x128xf32, #tpu.memory_space<vmem>>, vector<1x16xf32>,
        %get3A_1009 = vector.shape_cast %get3A_1008 : vector<1x16xf32> to vector<16xf32>
        %mul3A_1010 = arith.mulf %get3A_1009, %gather3A_951 : vector<16xf32>
        %swap3A_1011 = arith.index_cast %add3A_955 : i32 to index
        %swap3A_1012 = arith.constant 80 : index
        %swap3A_1013 = tpu.vector_load %arg13[%swap3A_1011, %swap3A_1012] {strides = array<i32>} : memref<128x128xf32, #tpu.memory_space<vmem>>, vector<1x16xf32>,
        %swap3A_1014 = vector.shape_cast %swap3A_1013 : vector<1x16xf32> to vector<16xf32>
        %swap3A_1015 = vector.shape_cast %mul3A_1010 : vector<16xf32> to vector<1x16xf32>
        tpu.vector_store %arg13[%swap3A_1011, %swap3A_1012], %swap3A_1015 {strides = array<i32>} : memref<128x128xf32, #tpu.memory_space<vmem>>, vector<1x16xf32>,
        %get3A_1016 = arith.index_cast %add3A_955 : i32 to index
        %get3A_1017 = arith.constant 96 : index
        %get3A_1018 = tpu.vector_load %arg13[%get3A_1016, %get3A_1017] {strides = array<i32>} : memref<128x128xf32, #tpu.memory_space<vmem>>, vector<1x16xf32>,
        %get3A_1019 = vector.shape_cast %get3A_1018 : vector<1x16xf32> to vector<16xf32>
        %mul3A_1020 = arith.mulf %get3A_1019, %gather3A_951 : vector<16xf32>
        %swap3A_1021 = arith.index_cast %add3A_955 : i32 to index
        %swap3A_1022 = arith.constant 96 : index
        %swap3A_1023 = tpu.vector_load %arg13[%swap3A_1021, %swap3A_1022] {strides = array<i32>} : memref<128x128xf32, #tpu.memory_space<vmem>>, vector<1x16xf32>,
        %swap3A_1024 = vector.shape_cast %swap3A_1023 : vector<1x16xf32> to vector<16xf32>
        %swap3A_1025 = vector.shape_cast %mul3A_1020 : vector<16xf32> to vector<1x16xf32>
        tpu.vector_store %arg13[%swap3A_1021, %swap3A_1022], %swap3A_1025 {strides = array<i32>} : memref<128x128xf32, #tpu.memory_space<vmem>>, vector<1x16xf32>,
        %get3A_1026 = arith.index_cast %add3A_955 : i32 to index
        %get3A_1027 = arith.constant 112 : index
        %get3A_1028 = tpu.vector_load %arg13[%get3A_1026, %get3A_1027] {strides = array<i32>} : memref<128x128xf32, #tpu.memory_space<vmem>>, vector<1x16xf32>,
        %get3A_1029 = vector.shape_cast %get3A_1028 : vector<1x16xf32> to vector<16xf32>
        %mul3A_1030 = arith.mulf %get3A_1029, %gather3A_951 : vector<16xf32>
        %swap3A_1031 = arith.index_cast %add3A_955 : i32 to index
        %swap3A_1032 = arith.constant 112 : index
        %swap3A_1033 = tpu.vector_load %arg13[%swap3A_1031, %swap3A_1032] {strides = array<i32>} : memref<128x128xf32, #tpu.memory_space<vmem>>, vector<1x16xf32>,
        %swap3A_1034 = vector.shape_cast %swap3A_1033 : vector<1x16xf32> to vector<16xf32>
        %swap3A_1035 = vector.shape_cast %mul3A_1030 : vector<16xf32> to vector<1x16xf32>
        tpu.vector_store %arg13[%swap3A_1031, %swap3A_1032], %swap3A_1035 {strides = array<i32>} : memref<128x128xf32, #tpu.memory_space<vmem>>, vector<1x16xf32>,
        %broadcast_in_dim3A_1036 = arith.constant 9 : i32
        %broadcast_in_dim3A_1037 = vector.broadcast %broadcast_in_dim3A_1036 : i32 to vector<16xi32>
        %lt3A_1038 = arith.constant 0 : i32
        %lt3A_1039 = vector.broadcast %lt3A_1038 : i32 to vector<16xi32>
        %lt3A_1040 = arith.cmpi slt, %broadcast_in_dim3A_1037, %lt3A_1039 : vector<16xi32>
        %add3A_1041 = arith.constant 16 : i32
        %add3A_1042 = vector.broadcast %add3A_1041 : i32 to vector<16xi32>
        %add3A_1043 = arith.addi %broadcast_in_dim3A_1037, %add3A_1042 : vector<16xi32>
        %select_n3A_1044 = arith.select %lt3A_1040, %add3A_1043, %broadcast_in_dim3A_1037 : vector<16xi1>, vector<16xi32>
        %broadcast_in_dim3A_1045 = vector.shape_cast %select_n3A_1044 : vector<16xi32> to vector<16x1xi32>
        %gather3A_1046 = vector.shape_cast %broadcast_in_dim3A_1045 : vector<16x1xi32> to vector<16xi32>
        %gather3A_1047 = tpu.dynamic_gather %get3A_172[%gather3A_1046] in [0] : vector<16xf32>, vector<16xi32> -> vector<16xf32>
        %mul3A_1048 = arith.constant 16 : i32
        %mul3A_1049 = arith.muli %mul3A_1048, %scan3A_167 : i32
        %add3A_1050 = arith.constant 9 : i32
        %add3A_1051 = arith.addi %mul3A_1049, %add3A_1050 : i32
        %get3A_1052 = arith.index_cast %add3A_1051 : i32 to index
        %get3A_1053 = arith.constant 0 : index
        %get3A_1054 = tpu.vector_load %arg13[%get3A_1052, %get3A_1053] {strides = array<i32>} : memref<128x128xf32, #tpu.memory_space<vmem>>, vector<1x16xf32>,
        %get3A_1055 = vector.shape_cast %get3A_1054 : vector<1x16xf32> to vector<16xf32>
        %mul3A_1056 = arith.mulf %get3A_1055, %gather3A_1047 : vector<16xf32>
        %swap3A_1057 = arith.index_cast %add3A_1051 : i32 to index
        %swap3A_1058 = arith.constant 0 : index
        %swap3A_1059 = tpu.vector_load %arg13[%swap3A_1057, %swap3A_1058] {strides = array<i32>} : memref<128x128xf32, #tpu.memory_space<vmem>>, vector<1x16xf32>,
        %swap3A_1060 = vector.shape_cast %swap3A_1059 : vector<1x16xf32> to vector<16xf32>
        %swap3A_1061 = vector.shape_cast %mul3A_1056 : vector<16xf32> to vector<1x16xf32>
        tpu.vector_store %arg13[%swap3A_1057, %swap3A_1058], %swap3A_1061 {strides = array<i32>} : memref<128x128xf32, #tpu.memory_space<vmem>>, vector<1x16xf32>,
        %get3A_1062 = arith.index_cast %add3A_1051 : i32 to index
        %get3A_1063 = arith.constant 16 : index
        %get3A_1064 = tpu.vector_load %arg13[%get3A_1062, %get3A_1063] {strides = array<i32>} : memref<128x128xf32, #tpu.memory_space<vmem>>, vector<1x16xf32>,
        %get3A_1065 = vector.shape_cast %get3A_1064 : vector<1x16xf32> to vector<16xf32>
        %mul3A_1066 = arith.mulf %get3A_1065, %gather3A_1047 : vector<16xf32>
        %swap3A_1067 = arith.index_cast %add3A_1051 : i32 to index
        %swap3A_1068 = arith.constant 16 : index
        %swap3A_1069 = tpu.vector_load %arg13[%swap3A_1067, %swap3A_1068] {strides = array<i32>} : memref<128x128xf32, #tpu.memory_space<vmem>>, vector<1x16xf32>,
        %swap3A_1070 = vector.shape_cast %swap3A_1069 : vector<1x16xf32> to vector<16xf32>
        %swap3A_1071 = vector.shape_cast %mul3A_1066 : vector<16xf32> to vector<1x16xf32>
        tpu.vector_store %arg13[%swap3A_1067, %swap3A_1068], %swap3A_1071 {strides = array<i32>} : memref<128x128xf32, #tpu.memory_space<vmem>>, vector<1x16xf32>,
        %get3A_1072 = arith.index_cast %add3A_1051 : i32 to index
        %get3A_1073 = arith.constant 32 : index
        %get3A_1074 = tpu.vector_load %arg13[%get3A_1072, %get3A_1073] {strides = array<i32>} : memref<128x128xf32, #tpu.memory_space<vmem>>, vector<1x16xf32>,
        %get3A_1075 = vector.shape_cast %get3A_1074 : vector<1x16xf32> to vector<16xf32>
        %mul3A_1076 = arith.mulf %get3A_1075, %gather3A_1047 : vector<16xf32>
        %swap3A_1077 = arith.index_cast %add3A_1051 : i32 to index
        %swap3A_1078 = arith.constant 32 : index
        %swap3A_1079 = tpu.vector_load %arg13[%swap3A_1077, %swap3A_1078] {strides = array<i32>} : memref<128x128xf32, #tpu.memory_space<vmem>>, vector<1x16xf32>,
        %swap3A_1080 = vector.shape_cast %swap3A_1079 : vector<1x16xf32> to vector<16xf32>
        %swap3A_1081 = vector.shape_cast %mul3A_1076 : vector<16xf32> to vector<1x16xf32>
        tpu.vector_store %arg13[%swap3A_1077, %swap3A_1078], %swap3A_1081 {strides = array<i32>} : memref<128x128xf32, #tpu.memory_space<vmem>>, vector<1x16xf32>,
        %get3A_1082 = arith.index_cast %add3A_1051 : i32 to index
        %get3A_1083 = arith.constant 48 : index
        %get3A_1084 = tpu.vector_load %arg13[%get3A_1082, %get3A_1083] {strides = array<i32>} : memref<128x128xf32, #tpu.memory_space<vmem>>, vector<1x16xf32>,
        %get3A_1085 = vector.shape_cast %get3A_1084 : vector<1x16xf32> to vector<16xf32>
        %mul3A_1086 = arith.mulf %get3A_1085, %gather3A_1047 : vector<16xf32>
        %swap3A_1087 = arith.index_cast %add3A_1051 : i32 to index
        %swap3A_1088 = arith.constant 48 : index
        %swap3A_1089 = tpu.vector_load %arg13[%swap3A_1087, %swap3A_1088] {strides = array<i32>} : memref<128x128xf32, #tpu.memory_space<vmem>>, vector<1x16xf32>,
        %swap3A_1090 = vector.shape_cast %swap3A_1089 : vector<1x16xf32> to vector<16xf32>
        %swap3A_1091 = vector.shape_cast %mul3A_1086 : vector<16xf32> to vector<1x16xf32>
        tpu.vector_store %arg13[%swap3A_1087, %swap3A_1088], %swap3A_1091 {strides = array<i32>} : memref<128x128xf32, #tpu.memory_space<vmem>>, vector<1x16xf32>,
        %get3A_1092 = arith.index_cast %add3A_1051 : i32 to index
        %get3A_1093 = arith.constant 64 : index
        %get3A_1094 = tpu.vector_load %arg13[%get3A_1092, %get3A_1093] {strides = array<i32>} : memref<128x128xf32, #tpu.memory_space<vmem>>, vector<1x16xf32>,
        %get3A_1095 = vector.shape_cast %get3A_1094 : vector<1x16xf32> to vector<16xf32>
        %mul3A_1096 = arith.mulf %get3A_1095, %gather3A_1047 : vector<16xf32>
        %swap3A_1097 = arith.index_cast %add3A_1051 : i32 to index
        %swap3A_1098 = arith.constant 64 : index
        %swap3A_1099 = tpu.vector_load %arg13[%swap3A_1097, %swap3A_1098] {strides = array<i32>} : memref<128x128xf32, #tpu.memory_space<vmem>>, vector<1x16xf32>,
        %swap3A_1100 = vector.shape_cast %swap3A_1099 : vector<1x16xf32> to vector<16xf32>
        %swap3A_1101 = vector.shape_cast %mul3A_1096 : vector<16xf32> to vector<1x16xf32>
        tpu.vector_store %arg13[%swap3A_1097, %swap3A_1098], %swap3A_1101 {strides = array<i32>} : memref<128x128xf32, #tpu.memory_space<vmem>>, vector<1x16xf32>,
        %get3A_1102 = arith.index_cast %add3A_1051 : i32 to index
        %get3A_1103 = arith.constant 80 : index
        %get3A_1104 = tpu.vector_load %arg13[%get3A_1102, %get3A_1103] {strides = array<i32>} : memref<128x128xf32, #tpu.memory_space<vmem>>, vector<1x16xf32>,
        %get3A_1105 = vector.shape_cast %get3A_1104 : vector<1x16xf32> to vector<16xf32>
        %mul3A_1106 = arith.mulf %get3A_1105, %gather3A_1047 : vector<16xf32>
        %swap3A_1107 = arith.index_cast %add3A_1051 : i32 to index
        %swap3A_1108 = arith.constant 80 : index
        %swap3A_1109 = tpu.vector_load %arg13[%swap3A_1107, %swap3A_1108] {strides = array<i32>} : memref<128x128xf32, #tpu.memory_space<vmem>>, vector<1x16xf32>,
        %swap3A_1110 = vector.shape_cast %swap3A_1109 : vector<1x16xf32> to vector<16xf32>
        %swap3A_1111 = vector.shape_cast %mul3A_1106 : vector<16xf32> to vector<1x16xf32>
        tpu.vector_store %arg13[%swap3A_1107, %swap3A_1108], %swap3A_1111 {strides = array<i32>} : memref<128x128xf32, #tpu.memory_space<vmem>>, vector<1x16xf32>,
        %get3A_1112 = arith.index_cast %add3A_1051 : i32 to index
        %get3A_1113 = arith.constant 96 : index
        %get3A_1114 = tpu.vector_load %arg13[%get3A_1112, %get3A_1113] {strides = array<i32>} : memref<128x128xf32, #tpu.memory_space<vmem>>, vector<1x16xf32>,
        %get3A_1115 = vector.shape_cast %get3A_1114 : vector<1x16xf32> to vector<16xf32>
        %mul3A_1116 = arith.mulf %get3A_1115, %gather3A_1047 : vector<16xf32>
        %swap3A_1117 = arith.index_cast %add3A_1051 : i32 to index
        %swap3A_1118 = arith.constant 96 : index
        %swap3A_1119 = tpu.vector_load %arg13[%swap3A_1117, %swap3A_1118] {strides = array<i32>} : memref<128x128xf32, #tpu.memory_space<vmem>>, vector<1x16xf32>,
        %swap3A_1120 = vector.shape_cast %swap3A_1119 : vector<1x16xf32> to vector<16xf32>
        %swap3A_1121 = vector.shape_cast %mul3A_1116 : vector<16xf32> to vector<1x16xf32>
        tpu.vector_store %arg13[%swap3A_1117, %swap3A_1118], %swap3A_1121 {strides = array<i32>} : memref<128x128xf32, #tpu.memory_space<vmem>>, vector<1x16xf32>,
        %get3A_1122 = arith.index_cast %add3A_1051 : i32 to index
        %get3A_1123 = arith.constant 112 : index
        %get3A_1124 = tpu.vector_load %arg13[%get3A_1122, %get3A_1123] {strides = array<i32>} : memref<128x128xf32, #tpu.memory_space<vmem>>, vector<1x16xf32>,
        %get3A_1125 = vector.shape_cast %get3A_1124 : vector<1x16xf32> to vector<16xf32>
        %mul3A_1126 = arith.mulf %get3A_1125, %gather3A_1047 : vector<16xf32>
        %swap3A_1127 = arith.index_cast %add3A_1051 : i32 to index
        %swap3A_1128 = arith.constant 112 : index
        %swap3A_1129 = tpu.vector_load %arg13[%swap3A_1127, %swap3A_1128] {strides = array<i32>} : memref<128x128xf32, #tpu.memory_space<vmem>>, vector<1x16xf32>,
        %swap3A_1130 = vector.shape_cast %swap3A_1129 : vector<1x16xf32> to vector<16xf32>
        %swap3A_1131 = vector.shape_cast %mul3A_1126 : vector<16xf32> to vector<1x16xf32>
        tpu.vector_store %arg13[%swap3A_1127, %swap3A_1128], %swap3A_1131 {strides = array<i32>} : memref<128x128xf32, #tpu.memory_space<vmem>>, vector<1x16xf32>,
        %broadcast_in_dim3A_1132 = arith.constant 10 : i32
        %broadcast_in_dim3A_1133 = vector.broadcast %broadcast_in_dim3A_1132 : i32 to vector<16xi32>
        %lt3A_1134 = arith.constant 0 : i32
        %lt3A_1135 = vector.broadcast %lt3A_1134 : i32 to vector<16xi32>
        %lt3A_1136 = arith.cmpi slt, %broadcast_in_dim3A_1133, %lt3A_1135 : vector<16xi32>
        %add3A_1137 = arith.constant 16 : i32
        %add3A_1138 = vector.broadcast %add3A_1137 : i32 to vector<16xi32>
        %add3A_1139 = arith.addi %broadcast_in_dim3A_1133, %add3A_1138 : vector<16xi32>
        %select_n3A_1140 = arith.select %lt3A_1136, %add3A_1139, %broadcast_in_dim3A_1133 : vector<16xi1>, vector<16xi32>
        %broadcast_in_dim3A_1141 = vector.shape_cast %select_n3A_1140 : vector<16xi32> to vector<16x1xi32>
        %gather3A_1142 = vector.shape_cast %broadcast_in_dim3A_1141 : vector<16x1xi32> to vector<16xi32>
        %gather3A_1143 = tpu.dynamic_gather %get3A_172[%gather3A_1142] in [0] : vector<16xf32>, vector<16xi32> -> vector<16xf32>
        %mul3A_1144 = arith.constant 16 : i32
        %mul3A_1145 = arith.muli %mul3A_1144, %scan3A_167 : i32
        %add3A_1146 = arith.constant 10 : i32
        %add3A_1147 = arith.addi %mul3A_1145, %add3A_1146 : i32
        %get3A_1148 = arith.index_cast %add3A_1147 : i32 to index
        %get3A_1149 = arith.constant 0 : index
        %get3A_1150 = tpu.vector_load %arg13[%get3A_1148, %get3A_1149] {strides = array<i32>} : memref<128x128xf32, #tpu.memory_space<vmem>>, vector<1x16xf32>,
        %get3A_1151 = vector.shape_cast %get3A_1150 : vector<1x16xf32> to vector<16xf32>
        %mul3A_1152 = arith.mulf %get3A_1151, %gather3A_1143 : vector<16xf32>
        %swap3A_1153 = arith.index_cast %add3A_1147 : i32 to index
        %swap3A_1154 = arith.constant 0 : index
        %swap3A_1155 = tpu.vector_load %arg13[%swap3A_1153, %swap3A_1154] {strides = array<i32>} : memref<128x128xf32, #tpu.memory_space<vmem>>, vector<1x16xf32>,
        %swap3A_1156 = vector.shape_cast %swap3A_1155 : vector<1x16xf32> to vector<16xf32>
        %swap3A_1157 = vector.shape_cast %mul3A_1152 : vector<16xf32> to vector<1x16xf32>
        tpu.vector_store %arg13[%swap3A_1153, %swap3A_1154], %swap3A_1157 {strides = array<i32>} : memref<128x128xf32, #tpu.memory_space<vmem>>, vector<1x16xf32>,
        %get3A_1158 = arith.index_cast %add3A_1147 : i32 to index
        %get3A_1159 = arith.constant 16 : index
        %get3A_1160 = tpu.vector_load %arg13[%get3A_1158, %get3A_1159] {strides = array<i32>} : memref<128x128xf32, #tpu.memory_space<vmem>>, vector<1x16xf32>,
        %get3A_1161 = vector.shape_cast %get3A_1160 : vector<1x16xf32> to vector<16xf32>
        %mul3A_1162 = arith.mulf %get3A_1161, %gather3A_1143 : vector<16xf32>
        %swap3A_1163 = arith.index_cast %add3A_1147 : i32 to index
        %swap3A_1164 = arith.constant 16 : index
        %swap3A_1165 = tpu.vector_load %arg13[%swap3A_1163, %swap3A_1164] {strides = array<i32>} : memref<128x128xf32, #tpu.memory_space<vmem>>, vector<1x16xf32>,
        %swap3A_1166 = vector.shape_cast %swap3A_1165 : vector<1x16xf32> to vector<16xf32>
        %swap3A_1167 = vector.shape_cast %mul3A_1162 : vector<16xf32> to vector<1x16xf32>
        tpu.vector_store %arg13[%swap3A_1163, %swap3A_1164], %swap3A_1167 {strides = array<i32>} : memref<128x128xf32, #tpu.memory_space<vmem>>, vector<1x16xf32>,
        %get3A_1168 = arith.index_cast %add3A_1147 : i32 to index
        %get3A_1169 = arith.constant 32 : index
        %get3A_1170 = tpu.vector_load %arg13[%get3A_1168, %get3A_1169] {strides = array<i32>} : memref<128x128xf32, #tpu.memory_space<vmem>>, vector<1x16xf32>,
        %get3A_1171 = vector.shape_cast %get3A_1170 : vector<1x16xf32> to vector<16xf32>
        %mul3A_1172 = arith.mulf %get3A_1171, %gather3A_1143 : vector<16xf32>
        %swap3A_1173 = arith.index_cast %add3A_1147 : i32 to index
        %swap3A_1174 = arith.constant 32 : index
        %swap3A_1175 = tpu.vector_load %arg13[%swap3A_1173, %swap3A_1174] {strides = array<i32>} : memref<128x128xf32, #tpu.memory_space<vmem>>, vector<1x16xf32>,
        %swap3A_1176 = vector.shape_cast %swap3A_1175 : vector<1x16xf32> to vector<16xf32>
        %swap3A_1177 = vector.shape_cast %mul3A_1172 : vector<16xf32> to vector<1x16xf32>
        tpu.vector_store %arg13[%swap3A_1173, %swap3A_1174], %swap3A_1177 {strides = array<i32>} : memref<128x128xf32, #tpu.memory_space<vmem>>, vector<1x16xf32>,
        %get3A_1178 = arith.index_cast %add3A_1147 : i32 to index
        %get3A_1179 = arith.constant 48 : index
        %get3A_1180 = tpu.vector_load %arg13[%get3A_1178, %get3A_1179] {strides = array<i32>} : memref<128x128xf32, #tpu.memory_space<vmem>>, vector<1x16xf32>,
        %get3A_1181 = vector.shape_cast %get3A_1180 : vector<1x16xf32> to vector<16xf32>
        %mul3A_1182 = arith.mulf %get3A_1181, %gather3A_1143 : vector<16xf32>
        %swap3A_1183 = arith.index_cast %add3A_1147 : i32 to index
        %swap3A_1184 = arith.constant 48 : index
        %swap3A_1185 = tpu.vector_load %arg13[%swap3A_1183, %swap3A_1184] {strides = array<i32>} : memref<128x128xf32, #tpu.memory_space<vmem>>, vector<1x16xf32>,
        %swap3A_1186 = vector.shape_cast %swap3A_1185 : vector<1x16xf32> to vector<16xf32>
        %swap3A_1187 = vector.shape_cast %mul3A_1182 : vector<16xf32> to vector<1x16xf32>
        tpu.vector_store %arg13[%swap3A_1183, %swap3A_1184], %swap3A_1187 {strides = array<i32>} : memref<128x128xf32, #tpu.memory_space<vmem>>, vector<1x16xf32>,
        %get3A_1188 = arith.index_cast %add3A_1147 : i32 to index
        %get3A_1189 = arith.constant 64 : index
        %get3A_1190 = tpu.vector_load %arg13[%get3A_1188, %get3A_1189] {strides = array<i32>} : memref<128x128xf32, #tpu.memory_space<vmem>>, vector<1x16xf32>,
        %get3A_1191 = vector.shape_cast %get3A_1190 : vector<1x16xf32> to vector<16xf32>
        %mul3A_1192 = arith.mulf %get3A_1191, %gather3A_1143 : vector<16xf32>
        %swap3A_1193 = arith.index_cast %add3A_1147 : i32 to index
        %swap3A_1194 = arith.constant 64 : index
        %swap3A_1195 = tpu.vector_load %arg13[%swap3A_1193, %swap3A_1194] {strides = array<i32>} : memref<128x128xf32, #tpu.memory_space<vmem>>, vector<1x16xf32>,
        %swap3A_1196 = vector.shape_cast %swap3A_1195 : vector<1x16xf32> to vector<16xf32>
        %swap3A_1197 = vector.shape_cast %mul3A_1192 : vector<16xf32> to vector<1x16xf32>
        tpu.vector_store %arg13[%swap3A_1193, %swap3A_1194], %swap3A_1197 {strides = array<i32>} : memref<128x128xf32, #tpu.memory_space<vmem>>, vector<1x16xf32>,
        %get3A_1198 = arith.index_cast %add3A_1147 : i32 to index
        %get3A_1199 = arith.constant 80 : index
        %get3A_1200 = tpu.vector_load %arg13[%get3A_1198, %get3A_1199] {strides = array<i32>} : memref<128x128xf32, #tpu.memory_space<vmem>>, vector<1x16xf32>,
        %get3A_1201 = vector.shape_cast %get3A_1200 : vector<1x16xf32> to vector<16xf32>
        %mul3A_1202 = arith.mulf %get3A_1201, %gather3A_1143 : vector<16xf32>
        %swap3A_1203 = arith.index_cast %add3A_1147 : i32 to index
        %swap3A_1204 = arith.constant 80 : index
        %swap3A_1205 = tpu.vector_load %arg13[%swap3A_1203, %swap3A_1204] {strides = array<i32>} : memref<128x128xf32, #tpu.memory_space<vmem>>, vector<1x16xf32>,
        %swap3A_1206 = vector.shape_cast %swap3A_1205 : vector<1x16xf32> to vector<16xf32>
        %swap3A_1207 = vector.shape_cast %mul3A_1202 : vector<16xf32> to vector<1x16xf32>
        tpu.vector_store %arg13[%swap3A_1203, %swap3A_1204], %swap3A_1207 {strides = array<i32>} : memref<128x128xf32, #tpu.memory_space<vmem>>, vector<1x16xf32>,
        %get3A_1208 = arith.index_cast %add3A_1147 : i32 to index
        %get3A_1209 = arith.constant 96 : index
        %get3A_1210 = tpu.vector_load %arg13[%get3A_1208, %get3A_1209] {strides = array<i32>} : memref<128x128xf32, #tpu.memory_space<vmem>>, vector<1x16xf32>,
        %get3A_1211 = vector.shape_cast %get3A_1210 : vector<1x16xf32> to vector<16xf32>
        %mul3A_1212 = arith.mulf %get3A_1211, %gather3A_1143 : vector<16xf32>
        %swap3A_1213 = arith.index_cast %add3A_1147 : i32 to index
        %swap3A_1214 = arith.constant 96 : index
        %swap3A_1215 = tpu.vector_load %arg13[%swap3A_1213, %swap3A_1214] {strides = array<i32>} : memref<128x128xf32, #tpu.memory_space<vmem>>, vector<1x16xf32>,
        %swap3A_1216 = vector.shape_cast %swap3A_1215 : vector<1x16xf32> to vector<16xf32>
        %swap3A_1217 = vector.shape_cast %mul3A_1212 : vector<16xf32> to vector<1x16xf32>
        tpu.vector_store %arg13[%swap3A_1213, %swap3A_1214], %swap3A_1217 {strides = array<i32>} : memref<128x128xf32, #tpu.memory_space<vmem>>, vector<1x16xf32>,
        %get3A_1218 = arith.index_cast %add3A_1147 : i32 to index
        %get3A_1219 = arith.constant 112 : index
        %get3A_1220 = tpu.vector_load %arg13[%get3A_1218, %get3A_1219] {strides = array<i32>} : memref<128x128xf32, #tpu.memory_space<vmem>>, vector<1x16xf32>,
        %get3A_1221 = vector.shape_cast %get3A_1220 : vector<1x16xf32> to vector<16xf32>
        %mul3A_1222 = arith.mulf %get3A_1221, %gather3A_1143 : vector<16xf32>
        %swap3A_1223 = arith.index_cast %add3A_1147 : i32 to index
        %swap3A_1224 = arith.constant 112 : index
        %swap3A_1225 = tpu.vector_load %arg13[%swap3A_1223, %swap3A_1224] {strides = array<i32>} : memref<128x128xf32, #tpu.memory_space<vmem>>, vector<1x16xf32>,
        %swap3A_1226 = vector.shape_cast %swap3A_1225 : vector<1x16xf32> to vector<16xf32>
        %swap3A_1227 = vector.shape_cast %mul3A_1222 : vector<16xf32> to vector<1x16xf32>
        tpu.vector_store %arg13[%swap3A_1223, %swap3A_1224], %swap3A_1227 {strides = array<i32>} : memref<128x128xf32, #tpu.memory_space<vmem>>, vector<1x16xf32>,
        %broadcast_in_dim3A_1228 = arith.constant 11 : i32
        %broadcast_in_dim3A_1229 = vector.broadcast %broadcast_in_dim3A_1228 : i32 to vector<16xi32>
        %lt3A_1230 = arith.constant 0 : i32
        %lt3A_1231 = vector.broadcast %lt3A_1230 : i32 to vector<16xi32>
        %lt3A_1232 = arith.cmpi slt, %broadcast_in_dim3A_1229, %lt3A_1231 : vector<16xi32>
        %add3A_1233 = arith.constant 16 : i32
        %add3A_1234 = vector.broadcast %add3A_1233 : i32 to vector<16xi32>
        %add3A_1235 = arith.addi %broadcast_in_dim3A_1229, %add3A_1234 : vector<16xi32>
        %select_n3A_1236 = arith.select %lt3A_1232, %add3A_1235, %broadcast_in_dim3A_1229 : vector<16xi1>, vector<16xi32>
        %broadcast_in_dim3A_1237 = vector.shape_cast %select_n3A_1236 : vector<16xi32> to vector<16x1xi32>
        %gather3A_1238 = vector.shape_cast %broadcast_in_dim3A_1237 : vector<16x1xi32> to vector<16xi32>
        %gather3A_1239 = tpu.dynamic_gather %get3A_172[%gather3A_1238] in [0] : vector<16xf32>, vector<16xi32> -> vector<16xf32>
        %mul3A_1240 = arith.constant 16 : i32
        %mul3A_1241 = arith.muli %mul3A_1240, %scan3A_167 : i32
        %add3A_1242 = arith.constant 11 : i32
        %add3A_1243 = arith.addi %mul3A_1241, %add3A_1242 : i32
        %get3A_1244 = arith.index_cast %add3A_1243 : i32 to index
        %get3A_1245 = arith.constant 0 : index
        %get3A_1246 = tpu.vector_load %arg13[%get3A_1244, %get3A_1245] {strides = array<i32>} : memref<128x128xf32, #tpu.memory_space<vmem>>, vector<1x16xf32>,
        %get3A_1247 = vector.shape_cast %get3A_1246 : vector<1x16xf32> to vector<16xf32>
        %mul3A_1248 = arith.mulf %get3A_1247, %gather3A_1239 : vector<16xf32>
        %swap3A_1249 = arith.index_cast %add3A_1243 : i32 to index
        %swap3A_1250 = arith.constant 0 : index
        %swap3A_1251 = tpu.vector_load %arg13[%swap3A_1249, %swap3A_1250] {strides = array<i32>} : memref<128x128xf32, #tpu.memory_space<vmem>>, vector<1x16xf32>,
        %swap3A_1252 = vector.shape_cast %swap3A_1251 : vector<1x16xf32> to vector<16xf32>
        %swap3A_1253 = vector.shape_cast %mul3A_1248 : vector<16xf32> to vector<1x16xf32>
        tpu.vector_store %arg13[%swap3A_1249, %swap3A_1250], %swap3A_1253 {strides = array<i32>} : memref<128x128xf32, #tpu.memory_space<vmem>>, vector<1x16xf32>,
        %get3A_1254 = arith.index_cast %add3A_1243 : i32 to index
        %get3A_1255 = arith.constant 16 : index
        %get3A_1256 = tpu.vector_load %arg13[%get3A_1254, %get3A_1255] {strides = array<i32>} : memref<128x128xf32, #tpu.memory_space<vmem>>, vector<1x16xf32>,
        %get3A_1257 = vector.shape_cast %get3A_1256 : vector<1x16xf32> to vector<16xf32>
        %mul3A_1258 = arith.mulf %get3A_1257, %gather3A_1239 : vector<16xf32>
        %swap3A_1259 = arith.index_cast %add3A_1243 : i32 to index
        %swap3A_1260 = arith.constant 16 : index
        %swap3A_1261 = tpu.vector_load %arg13[%swap3A_1259, %swap3A_1260] {strides = array<i32>} : memref<128x128xf32, #tpu.memory_space<vmem>>, vector<1x16xf32>,
        %swap3A_1262 = vector.shape_cast %swap3A_1261 : vector<1x16xf32> to vector<16xf32>
        %swap3A_1263 = vector.shape_cast %mul3A_1258 : vector<16xf32> to vector<1x16xf32>
        tpu.vector_store %arg13[%swap3A_1259, %swap3A_1260], %swap3A_1263 {strides = array<i32>} : memref<128x128xf32, #tpu.memory_space<vmem>>, vector<1x16xf32>,
        %get3A_1264 = arith.index_cast %add3A_1243 : i32 to index
        %get3A_1265 = arith.constant 32 : index
        %get3A_1266 = tpu.vector_load %arg13[%get3A_1264, %get3A_1265] {strides = array<i32>} : memref<128x128xf32, #tpu.memory_space<vmem>>, vector<1x16xf32>,
        %get3A_1267 = vector.shape_cast %get3A_1266 : vector<1x16xf32> to vector<16xf32>
        %mul3A_1268 = arith.mulf %get3A_1267, %gather3A_1239 : vector<16xf32>
        %swap3A_1269 = arith.index_cast %add3A_1243 : i32 to index
        %swap3A_1270 = arith.constant 32 : index
        %swap3A_1271 = tpu.vector_load %arg13[%swap3A_1269, %swap3A_1270] {strides = array<i32>} : memref<128x128xf32, #tpu.memory_space<vmem>>, vector<1x16xf32>,
        %swap3A_1272 = vector.shape_cast %swap3A_1271 : vector<1x16xf32> to vector<16xf32>
        %swap3A_1273 = vector.shape_cast %mul3A_1268 : vector<16xf32> to vector<1x16xf32>
        tpu.vector_store %arg13[%swap3A_1269, %swap3A_1270], %swap3A_1273 {strides = array<i32>} : memref<128x128xf32, #tpu.memory_space<vmem>>, vector<1x16xf32>,
        %get3A_1274 = arith.index_cast %add3A_1243 : i32 to index
        %get3A_1275 = arith.constant 48 : index
        %get3A_1276 = tpu.vector_load %arg13[%get3A_1274, %get3A_1275] {strides = array<i32>} : memref<128x128xf32, #tpu.memory_space<vmem>>, vector<1x16xf32>,
        %get3A_1277 = vector.shape_cast %get3A_1276 : vector<1x16xf32> to vector<16xf32>
        %mul3A_1278 = arith.mulf %get3A_1277, %gather3A_1239 : vector<16xf32>
        %swap3A_1279 = arith.index_cast %add3A_1243 : i32 to index
        %swap3A_1280 = arith.constant 48 : index
        %swap3A_1281 = tpu.vector_load %arg13[%swap3A_1279, %swap3A_1280] {strides = array<i32>} : memref<128x128xf32, #tpu.memory_space<vmem>>, vector<1x16xf32>,
        %swap3A_1282 = vector.shape_cast %swap3A_1281 : vector<1x16xf32> to vector<16xf32>
        %swap3A_1283 = vector.shape_cast %mul3A_1278 : vector<16xf32> to vector<1x16xf32>
        tpu.vector_store %arg13[%swap3A_1279, %swap3A_1280], %swap3A_1283 {strides = array<i32>} : memref<128x128xf32, #tpu.memory_space<vmem>>, vector<1x16xf32>,
        %get3A_1284 = arith.index_cast %add3A_1243 : i32 to index
        %get3A_1285 = arith.constant 64 : index
        %get3A_1286 = tpu.vector_load %arg13[%get3A_1284, %get3A_1285] {strides = array<i32>} : memref<128x128xf32, #tpu.memory_space<vmem>>, vector<1x16xf32>,
        %get3A_1287 = vector.shape_cast %get3A_1286 : vector<1x16xf32> to vector<16xf32>
        %mul3A_1288 = arith.mulf %get3A_1287, %gather3A_1239 : vector<16xf32>
        %swap3A_1289 = arith.index_cast %add3A_1243 : i32 to index
        %swap3A_1290 = arith.constant 64 : index
        %swap3A_1291 = tpu.vector_load %arg13[%swap3A_1289, %swap3A_1290] {strides = array<i32>} : memref<128x128xf32, #tpu.memory_space<vmem>>, vector<1x16xf32>,
        %swap3A_1292 = vector.shape_cast %swap3A_1291 : vector<1x16xf32> to vector<16xf32>
        %swap3A_1293 = vector.shape_cast %mul3A_1288 : vector<16xf32> to vector<1x16xf32>
        tpu.vector_store %arg13[%swap3A_1289, %swap3A_1290], %swap3A_1293 {strides = array<i32>} : memref<128x128xf32, #tpu.memory_space<vmem>>, vector<1x16xf32>,
        %get3A_1294 = arith.index_cast %add3A_1243 : i32 to index
        %get3A_1295 = arith.constant 80 : index
        %get3A_1296 = tpu.vector_load %arg13[%get3A_1294, %get3A_1295] {strides = array<i32>} : memref<128x128xf32, #tpu.memory_space<vmem>>, vector<1x16xf32>,
        %get3A_1297 = vector.shape_cast %get3A_1296 : vector<1x16xf32> to vector<16xf32>
        %mul3A_1298 = arith.mulf %get3A_1297, %gather3A_1239 : vector<16xf32>
        %swap3A_1299 = arith.index_cast %add3A_1243 : i32 to index
        %swap3A_1300 = arith.constant 80 : index
        %swap3A_1301 = tpu.vector_load %arg13[%swap3A_1299, %swap3A_1300] {strides = array<i32>} : memref<128x128xf32, #tpu.memory_space<vmem>>, vector<1x16xf32>,
        %swap3A_1302 = vector.shape_cast %swap3A_1301 : vector<1x16xf32> to vector<16xf32>
        %swap3A_1303 = vector.shape_cast %mul3A_1298 : vector<16xf32> to vector<1x16xf32>
        tpu.vector_store %arg13[%swap3A_1299, %swap3A_1300], %swap3A_1303 {strides = array<i32>} : memref<128x128xf32, #tpu.memory_space<vmem>>, vector<1x16xf32>,
        %get3A_1304 = arith.index_cast %add3A_1243 : i32 to index
        %get3A_1305 = arith.constant 96 : index
        %get3A_1306 = tpu.vector_load %arg13[%get3A_1304, %get3A_1305] {strides = array<i32>} : memref<128x128xf32, #tpu.memory_space<vmem>>, vector<1x16xf32>,
        %get3A_1307 = vector.shape_cast %get3A_1306 : vector<1x16xf32> to vector<16xf32>
        %mul3A_1308 = arith.mulf %get3A_1307, %gather3A_1239 : vector<16xf32>
        %swap3A_1309 = arith.index_cast %add3A_1243 : i32 to index
        %swap3A_1310 = arith.constant 96 : index
        %swap3A_1311 = tpu.vector_load %arg13[%swap3A_1309, %swap3A_1310] {strides = array<i32>} : memref<128x128xf32, #tpu.memory_space<vmem>>, vector<1x16xf32>,
        %swap3A_1312 = vector.shape_cast %swap3A_1311 : vector<1x16xf32> to vector<16xf32>
        %swap3A_1313 = vector.shape_cast %mul3A_1308 : vector<16xf32> to vector<1x16xf32>
        tpu.vector_store %arg13[%swap3A_1309, %swap3A_1310], %swap3A_1313 {strides = array<i32>} : memref<128x128xf32, #tpu.memory_space<vmem>>, vector<1x16xf32>,
        %get3A_1314 = arith.index_cast %add3A_1243 : i32 to index
        %get3A_1315 = arith.constant 112 : index
        %get3A_1316 = tpu.vector_load %arg13[%get3A_1314, %get3A_1315] {strides = array<i32>} : memref<128x128xf32, #tpu.memory_space<vmem>>, vector<1x16xf32>,
        %get3A_1317 = vector.shape_cast %get3A_1316 : vector<1x16xf32> to vector<16xf32>
        %mul3A_1318 = arith.mulf %get3A_1317, %gather3A_1239 : vector<16xf32>
        %swap3A_1319 = arith.index_cast %add3A_1243 : i32 to index
        %swap3A_1320 = arith.constant 112 : index
        %swap3A_1321 = tpu.vector_load %arg13[%swap3A_1319, %swap3A_1320] {strides = array<i32>} : memref<128x128xf32, #tpu.memory_space<vmem>>, vector<1x16xf32>,
        %swap3A_1322 = vector.shape_cast %swap3A_1321 : vector<1x16xf32> to vector<16xf32>
        %swap3A_1323 = vector.shape_cast %mul3A_1318 : vector<16xf32> to vector<1x16xf32>
        tpu.vector_store %arg13[%swap3A_1319, %swap3A_1320], %swap3A_1323 {strides = array<i32>} : memref<128x128xf32, #tpu.memory_space<vmem>>, vector<1x16xf32>,
        %broadcast_in_dim3A_1324 = arith.constant 12 : i32
        %broadcast_in_dim3A_1325 = vector.broadcast %broadcast_in_dim3A_1324 : i32 to vector<16xi32>
        %lt3A_1326 = arith.constant 0 : i32
        %lt3A_1327 = vector.broadcast %lt3A_1326 : i32 to vector<16xi32>
        %lt3A_1328 = arith.cmpi slt, %broadcast_in_dim3A_1325, %lt3A_1327 : vector<16xi32>
        %add3A_1329 = arith.constant 16 : i32
        %add3A_1330 = vector.broadcast %add3A_1329 : i32 to vector<16xi32>
        %add3A_1331 = arith.addi %broadcast_in_dim3A_1325, %add3A_1330 : vector<16xi32>
        %select_n3A_1332 = arith.select %lt3A_1328, %add3A_1331, %broadcast_in_dim3A_1325 : vector<16xi1>, vector<16xi32>
        %broadcast_in_dim3A_1333 = vector.shape_cast %select_n3A_1332 : vector<16xi32> to vector<16x1xi32>
        %gather3A_1334 = vector.shape_cast %broadcast_in_dim3A_1333 : vector<16x1xi32> to vector<16xi32>
        %gather3A_1335 = tpu.dynamic_gather %get3A_172[%gather3A_1334] in [0] : vector<16xf32>, vector<16xi32> -> vector<16xf32>
        %mul3A_1336 = arith.constant 16 : i32
        %mul3A_1337 = arith.muli %mul3A_1336, %scan3A_167 : i32
        %add3A_1338 = arith.constant 12 : i32
        %add3A_1339 = arith.addi %mul3A_1337, %add3A_1338 : i32
        %get3A_1340 = arith.index_cast %add3A_1339 : i32 to index
        %get3A_1341 = arith.constant 0 : index
        %get3A_1342 = tpu.vector_load %arg13[%get3A_1340, %get3A_1341] {strides = array<i32>} : memref<128x128xf32, #tpu.memory_space<vmem>>, vector<1x16xf32>,
        %get3A_1343 = vector.shape_cast %get3A_1342 : vector<1x16xf32> to vector<16xf32>
        %mul3A_1344 = arith.mulf %get3A_1343, %gather3A_1335 : vector<16xf32>
        %swap3A_1345 = arith.index_cast %add3A_1339 : i32 to index
        %swap3A_1346 = arith.constant 0 : index
        %swap3A_1347 = tpu.vector_load %arg13[%swap3A_1345, %swap3A_1346] {strides = array<i32>} : memref<128x128xf32, #tpu.memory_space<vmem>>, vector<1x16xf32>,
        %swap3A_1348 = vector.shape_cast %swap3A_1347 : vector<1x16xf32> to vector<16xf32>
        %swap3A_1349 = vector.shape_cast %mul3A_1344 : vector<16xf32> to vector<1x16xf32>
        tpu.vector_store %arg13[%swap3A_1345, %swap3A_1346], %swap3A_1349 {strides = array<i32>} : memref<128x128xf32, #tpu.memory_space<vmem>>, vector<1x16xf32>,
        %get3A_1350 = arith.index_cast %add3A_1339 : i32 to index
        %get3A_1351 = arith.constant 16 : index
        %get3A_1352 = tpu.vector_load %arg13[%get3A_1350, %get3A_1351] {strides = array<i32>} : memref<128x128xf32, #tpu.memory_space<vmem>>, vector<1x16xf32>,
        %get3A_1353 = vector.shape_cast %get3A_1352 : vector<1x16xf32> to vector<16xf32>
        %mul3A_1354 = arith.mulf %get3A_1353, %gather3A_1335 : vector<16xf32>
        %swap3A_1355 = arith.index_cast %add3A_1339 : i32 to index
        %swap3A_1356 = arith.constant 16 : index
        %swap3A_1357 = tpu.vector_load %arg13[%swap3A_1355, %swap3A_1356] {strides = array<i32>} : memref<128x128xf32, #tpu.memory_space<vmem>>, vector<1x16xf32>,
        %swap3A_1358 = vector.shape_cast %swap3A_1357 : vector<1x16xf32> to vector<16xf32>
        %swap3A_1359 = vector.shape_cast %mul3A_1354 : vector<16xf32> to vector<1x16xf32>
        tpu.vector_store %arg13[%swap3A_1355, %swap3A_1356], %swap3A_1359 {strides = array<i32>} : memref<128x128xf32, #tpu.memory_space<vmem>>, vector<1x16xf32>,
        %get3A_1360 = arith.index_cast %add3A_1339 : i32 to index
        %get3A_1361 = arith.constant 32 : index
        %get3A_1362 = tpu.vector_load %arg13[%get3A_1360, %get3A_1361] {strides = array<i32>} : memref<128x128xf32, #tpu.memory_space<vmem>>, vector<1x16xf32>,
        %get3A_1363 = vector.shape_cast %get3A_1362 : vector<1x16xf32> to vector<16xf32>
        %mul3A_1364 = arith.mulf %get3A_1363, %gather3A_1335 : vector<16xf32>
        %swap3A_1365 = arith.index_cast %add3A_1339 : i32 to index
        %swap3A_1366 = arith.constant 32 : index
        %swap3A_1367 = tpu.vector_load %arg13[%swap3A_1365, %swap3A_1366] {strides = array<i32>} : memref<128x128xf32, #tpu.memory_space<vmem>>, vector<1x16xf32>,
        %swap3A_1368 = vector.shape_cast %swap3A_1367 : vector<1x16xf32> to vector<16xf32>
        %swap3A_1369 = vector.shape_cast %mul3A_1364 : vector<16xf32> to vector<1x16xf32>
        tpu.vector_store %arg13[%swap3A_1365, %swap3A_1366], %swap3A_1369 {strides = array<i32>} : memref<128x128xf32, #tpu.memory_space<vmem>>, vector<1x16xf32>,
        %get3A_1370 = arith.index_cast %add3A_1339 : i32 to index
        %get3A_1371 = arith.constant 48 : index
        %get3A_1372 = tpu.vector_load %arg13[%get3A_1370, %get3A_1371] {strides = array<i32>} : memref<128x128xf32, #tpu.memory_space<vmem>>, vector<1x16xf32>,
        %get3A_1373 = vector.shape_cast %get3A_1372 : vector<1x16xf32> to vector<16xf32>
        %mul3A_1374 = arith.mulf %get3A_1373, %gather3A_1335 : vector<16xf32>
        %swap3A_1375 = arith.index_cast %add3A_1339 : i32 to index
        %swap3A_1376 = arith.constant 48 : index
        %swap3A_1377 = tpu.vector_load %arg13[%swap3A_1375, %swap3A_1376] {strides = array<i32>} : memref<128x128xf32, #tpu.memory_space<vmem>>, vector<1x16xf32>,
        %swap3A_1378 = vector.shape_cast %swap3A_1377 : vector<1x16xf32> to vector<16xf32>
        %swap3A_1379 = vector.shape_cast %mul3A_1374 : vector<16xf32> to vector<1x16xf32>
        tpu.vector_store %arg13[%swap3A_1375, %swap3A_1376], %swap3A_1379 {strides = array<i32>} : memref<128x128xf32, #tpu.memory_space<vmem>>, vector<1x16xf32>,
        %get3A_1380 = arith.index_cast %add3A_1339 : i32 to index
        %get3A_1381 = arith.constant 64 : index
        %get3A_1382 = tpu.vector_load %arg13[%get3A_1380, %get3A_1381] {strides = array<i32>} : memref<128x128xf32, #tpu.memory_space<vmem>>, vector<1x16xf32>,
        %get3A_1383 = vector.shape_cast %get3A_1382 : vector<1x16xf32> to vector<16xf32>
        %mul3A_1384 = arith.mulf %get3A_1383, %gather3A_1335 : vector<16xf32>
        %swap3A_1385 = arith.index_cast %add3A_1339 : i32 to index
        %swap3A_1386 = arith.constant 64 : index
        %swap3A_1387 = tpu.vector_load %arg13[%swap3A_1385, %swap3A_1386] {strides = array<i32>} : memref<128x128xf32, #tpu.memory_space<vmem>>, vector<1x16xf32>,
        %swap3A_1388 = vector.shape_cast %swap3A_1387 : vector<1x16xf32> to vector<16xf32>
        %swap3A_1389 = vector.shape_cast %mul3A_1384 : vector<16xf32> to vector<1x16xf32>
        tpu.vector_store %arg13[%swap3A_1385, %swap3A_1386], %swap3A_1389 {strides = array<i32>} : memref<128x128xf32, #tpu.memory_space<vmem>>, vector<1x16xf32>,
        %get3A_1390 = arith.index_cast %add3A_1339 : i32 to index
        %get3A_1391 = arith.constant 80 : index
        %get3A_1392 = tpu.vector_load %arg13[%get3A_1390, %get3A_1391] {strides = array<i32>} : memref<128x128xf32, #tpu.memory_space<vmem>>, vector<1x16xf32>,
        %get3A_1393 = vector.shape_cast %get3A_1392 : vector<1x16xf32> to vector<16xf32>
        %mul3A_1394 = arith.mulf %get3A_1393, %gather3A_1335 : vector<16xf32>
        %swap3A_1395 = arith.index_cast %add3A_1339 : i32 to index
        %swap3A_1396 = arith.constant 80 : index
        %swap3A_1397 = tpu.vector_load %arg13[%swap3A_1395, %swap3A_1396] {strides = array<i32>} : memref<128x128xf32, #tpu.memory_space<vmem>>, vector<1x16xf32>,
        %swap3A_1398 = vector.shape_cast %swap3A_1397 : vector<1x16xf32> to vector<16xf32>
        %swap3A_1399 = vector.shape_cast %mul3A_1394 : vector<16xf32> to vector<1x16xf32>
        tpu.vector_store %arg13[%swap3A_1395, %swap3A_1396], %swap3A_1399 {strides = array<i32>} : memref<128x128xf32, #tpu.memory_space<vmem>>, vector<1x16xf32>,
        %get3A_1400 = arith.index_cast %add3A_1339 : i32 to index
        %get3A_1401 = arith.constant 96 : index
        %get3A_1402 = tpu.vector_load %arg13[%get3A_1400, %get3A_1401] {strides = array<i32>} : memref<128x128xf32, #tpu.memory_space<vmem>>, vector<1x16xf32>,
        %get3A_1403 = vector.shape_cast %get3A_1402 : vector<1x16xf32> to vector<16xf32>
        %mul3A_1404 = arith.mulf %get3A_1403, %gather3A_1335 : vector<16xf32>
        %swap3A_1405 = arith.index_cast %add3A_1339 : i32 to index
        %swap3A_1406 = arith.constant 96 : index
        %swap3A_1407 = tpu.vector_load %arg13[%swap3A_1405, %swap3A_1406] {strides = array<i32>} : memref<128x128xf32, #tpu.memory_space<vmem>>, vector<1x16xf32>,
        %swap3A_1408 = vector.shape_cast %swap3A_1407 : vector<1x16xf32> to vector<16xf32>
        %swap3A_1409 = vector.shape_cast %mul3A_1404 : vector<16xf32> to vector<1x16xf32>
        tpu.vector_store %arg13[%swap3A_1405, %swap3A_1406], %swap3A_1409 {strides = array<i32>} : memref<128x128xf32, #tpu.memory_space<vmem>>, vector<1x16xf32>,
        %get3A_1410 = arith.index_cast %add3A_1339 : i32 to index
        %get3A_1411 = arith.constant 112 : index
        %get3A_1412 = tpu.vector_load %arg13[%get3A_1410, %get3A_1411] {strides = array<i32>} : memref<128x128xf32, #tpu.memory_space<vmem>>, vector<1x16xf32>,
        %get3A_1413 = vector.shape_cast %get3A_1412 : vector<1x16xf32> to vector<16xf32>
        %mul3A_1414 = arith.mulf %get3A_1413, %gather3A_1335 : vector<16xf32>
        %swap3A_1415 = arith.index_cast %add3A_1339 : i32 to index
        %swap3A_1416 = arith.constant 112 : index
        %swap3A_1417 = tpu.vector_load %arg13[%swap3A_1415, %swap3A_1416] {strides = array<i32>} : memref<128x128xf32, #tpu.memory_space<vmem>>, vector<1x16xf32>,
        %swap3A_1418 = vector.shape_cast %swap3A_1417 : vector<1x16xf32> to vector<16xf32>
        %swap3A_1419 = vector.shape_cast %mul3A_1414 : vector<16xf32> to vector<1x16xf32>
        tpu.vector_store %arg13[%swap3A_1415, %swap3A_1416], %swap3A_1419 {strides = array<i32>} : memref<128x128xf32, #tpu.memory_space<vmem>>, vector<1x16xf32>,
        %broadcast_in_dim3A_1420 = arith.constant 13 : i32
        %broadcast_in_dim3A_1421 = vector.broadcast %broadcast_in_dim3A_1420 : i32 to vector<16xi32>
        %lt3A_1422 = arith.constant 0 : i32
        %lt3A_1423 = vector.broadcast %lt3A_1422 : i32 to vector<16xi32>
        %lt3A_1424 = arith.cmpi slt, %broadcast_in_dim3A_1421, %lt3A_1423 : vector<16xi32>
        %add3A_1425 = arith.constant 16 : i32
        %add3A_1426 = vector.broadcast %add3A_1425 : i32 to vector<16xi32>
        %add3A_1427 = arith.addi %broadcast_in_dim3A_1421, %add3A_1426 : vector<16xi32>
        %select_n3A_1428 = arith.select %lt3A_1424, %add3A_1427, %broadcast_in_dim3A_1421 : vector<16xi1>, vector<16xi32>
        %broadcast_in_dim3A_1429 = vector.shape_cast %select_n3A_1428 : vector<16xi32> to vector<16x1xi32>
        %gather3A_1430 = vector.shape_cast %broadcast_in_dim3A_1429 : vector<16x1xi32> to vector<16xi32>
        %gather3A_1431 = tpu.dynamic_gather %get3A_172[%gather3A_1430] in [0] : vector<16xf32>, vector<16xi32> -> vector<16xf32>
        %mul3A_1432 = arith.constant 16 : i32
        %mul3A_1433 = arith.muli %mul3A_1432, %scan3A_167 : i32
        %add3A_1434 = arith.constant 13 : i32
        %add3A_1435 = arith.addi %mul3A_1433, %add3A_1434 : i32
        %get3A_1436 = arith.index_cast %add3A_1435 : i32 to index
        %get3A_1437 = arith.constant 0 : index
        %get3A_1438 = tpu.vector_load %arg13[%get3A_1436, %get3A_1437] {strides = array<i32>} : memref<128x128xf32, #tpu.memory_space<vmem>>, vector<1x16xf32>,
        %get3A_1439 = vector.shape_cast %get3A_1438 : vector<1x16xf32> to vector<16xf32>
        %mul3A_1440 = arith.mulf %get3A_1439, %gather3A_1431 : vector<16xf32>
        %swap3A_1441 = arith.index_cast %add3A_1435 : i32 to index
        %swap3A_1442 = arith.constant 0 : index
        %swap3A_1443 = tpu.vector_load %arg13[%swap3A_1441, %swap3A_1442] {strides = array<i32>} : memref<128x128xf32, #tpu.memory_space<vmem>>, vector<1x16xf32>,
        %swap3A_1444 = vector.shape_cast %swap3A_1443 : vector<1x16xf32> to vector<16xf32>
        %swap3A_1445 = vector.shape_cast %mul3A_1440 : vector<16xf32> to vector<1x16xf32>
        tpu.vector_store %arg13[%swap3A_1441, %swap3A_1442], %swap3A_1445 {strides = array<i32>} : memref<128x128xf32, #tpu.memory_space<vmem>>, vector<1x16xf32>,
        %get3A_1446 = arith.index_cast %add3A_1435 : i32 to index
        %get3A_1447 = arith.constant 16 : index
        %get3A_1448 = tpu.vector_load %arg13[%get3A_1446, %get3A_1447] {strides = array<i32>} : memref<128x128xf32, #tpu.memory_space<vmem>>, vector<1x16xf32>,
        %get3A_1449 = vector.shape_cast %get3A_1448 : vector<1x16xf32> to vector<16xf32>
        %mul3A_1450 = arith.mulf %get3A_1449, %gather3A_1431 : vector<16xf32>
        %swap3A_1451 = arith.index_cast %add3A_1435 : i32 to index
        %swap3A_1452 = arith.constant 16 : index
        %swap3A_1453 = tpu.vector_load %arg13[%swap3A_1451, %swap3A_1452] {strides = array<i32>} : memref<128x128xf32, #tpu.memory_space<vmem>>, vector<1x16xf32>,
        %swap3A_1454 = vector.shape_cast %swap3A_1453 : vector<1x16xf32> to vector<16xf32>
        %swap3A_1455 = vector.shape_cast %mul3A_1450 : vector<16xf32> to vector<1x16xf32>
        tpu.vector_store %arg13[%swap3A_1451, %swap3A_1452], %swap3A_1455 {strides = array<i32>} : memref<128x128xf32, #tpu.memory_space<vmem>>, vector<1x16xf32>,
        %get3A_1456 = arith.index_cast %add3A_1435 : i32 to index
        %get3A_1457 = arith.constant 32 : index
        %get3A_1458 = tpu.vector_load %arg13[%get3A_1456, %get3A_1457] {strides = array<i32>} : memref<128x128xf32, #tpu.memory_space<vmem>>, vector<1x16xf32>,
        %get3A_1459 = vector.shape_cast %get3A_1458 : vector<1x16xf32> to vector<16xf32>
        %mul3A_1460 = arith.mulf %get3A_1459, %gather3A_1431 : vector<16xf32>
        %swap3A_1461 = arith.index_cast %add3A_1435 : i32 to index
        %swap3A_1462 = arith.constant 32 : index
        %swap3A_1463 = tpu.vector_load %arg13[%swap3A_1461, %swap3A_1462] {strides = array<i32>} : memref<128x128xf32, #tpu.memory_space<vmem>>, vector<1x16xf32>,
        %swap3A_1464 = vector.shape_cast %swap3A_1463 : vector<1x16xf32> to vector<16xf32>
        %swap3A_1465 = vector.shape_cast %mul3A_1460 : vector<16xf32> to vector<1x16xf32>
        tpu.vector_store %arg13[%swap3A_1461, %swap3A_1462], %swap3A_1465 {strides = array<i32>} : memref<128x128xf32, #tpu.memory_space<vmem>>, vector<1x16xf32>,
        %get3A_1466 = arith.index_cast %add3A_1435 : i32 to index
        %get3A_1467 = arith.constant 48 : index
        %get3A_1468 = tpu.vector_load %arg13[%get3A_1466, %get3A_1467] {strides = array<i32>} : memref<128x128xf32, #tpu.memory_space<vmem>>, vector<1x16xf32>,
        %get3A_1469 = vector.shape_cast %get3A_1468 : vector<1x16xf32> to vector<16xf32>
        %mul3A_1470 = arith.mulf %get3A_1469, %gather3A_1431 : vector<16xf32>
        %swap3A_1471 = arith.index_cast %add3A_1435 : i32 to index
        %swap3A_1472 = arith.constant 48 : index
        %swap3A_1473 = tpu.vector_load %arg13[%swap3A_1471, %swap3A_1472] {strides = array<i32>} : memref<128x128xf32, #tpu.memory_space<vmem>>, vector<1x16xf32>,
        %swap3A_1474 = vector.shape_cast %swap3A_1473 : vector<1x16xf32> to vector<16xf32>
        %swap3A_1475 = vector.shape_cast %mul3A_1470 : vector<16xf32> to vector<1x16xf32>
        tpu.vector_store %arg13[%swap3A_1471, %swap3A_1472], %swap3A_1475 {strides = array<i32>} : memref<128x128xf32, #tpu.memory_space<vmem>>, vector<1x16xf32>,
        %get3A_1476 = arith.index_cast %add3A_1435 : i32 to index
        %get3A_1477 = arith.constant 64 : index
        %get3A_1478 = tpu.vector_load %arg13[%get3A_1476, %get3A_1477] {strides = array<i32>} : memref<128x128xf32, #tpu.memory_space<vmem>>, vector<1x16xf32>,
        %get3A_1479 = vector.shape_cast %get3A_1478 : vector<1x16xf32> to vector<16xf32>
        %mul3A_1480 = arith.mulf %get3A_1479, %gather3A_1431 : vector<16xf32>
        %swap3A_1481 = arith.index_cast %add3A_1435 : i32 to index
        %swap3A_1482 = arith.constant 64 : index
        %swap3A_1483 = tpu.vector_load %arg13[%swap3A_1481, %swap3A_1482] {strides = array<i32>} : memref<128x128xf32, #tpu.memory_space<vmem>>, vector<1x16xf32>,
        %swap3A_1484 = vector.shape_cast %swap3A_1483 : vector<1x16xf32> to vector<16xf32>
        %swap3A_1485 = vector.shape_cast %mul3A_1480 : vector<16xf32> to vector<1x16xf32>
        tpu.vector_store %arg13[%swap3A_1481, %swap3A_1482], %swap3A_1485 {strides = array<i32>} : memref<128x128xf32, #tpu.memory_space<vmem>>, vector<1x16xf32>,
        %get3A_1486 = arith.index_cast %add3A_1435 : i32 to index
        %get3A_1487 = arith.constant 80 : index
        %get3A_1488 = tpu.vector_load %arg13[%get3A_1486, %get3A_1487] {strides = array<i32>} : memref<128x128xf32, #tpu.memory_space<vmem>>, vector<1x16xf32>,
        %get3A_1489 = vector.shape_cast %get3A_1488 : vector<1x16xf32> to vector<16xf32>
        %mul3A_1490 = arith.mulf %get3A_1489, %gather3A_1431 : vector<16xf32>
        %swap3A_1491 = arith.index_cast %add3A_1435 : i32 to index
        %swap3A_1492 = arith.constant 80 : index
        %swap3A_1493 = tpu.vector_load %arg13[%swap3A_1491, %swap3A_1492] {strides = array<i32>} : memref<128x128xf32, #tpu.memory_space<vmem>>, vector<1x16xf32>,
        %swap3A_1494 = vector.shape_cast %swap3A_1493 : vector<1x16xf32> to vector<16xf32>
        %swap3A_1495 = vector.shape_cast %mul3A_1490 : vector<16xf32> to vector<1x16xf32>
        tpu.vector_store %arg13[%swap3A_1491, %swap3A_1492], %swap3A_1495 {strides = array<i32>} : memref<128x128xf32, #tpu.memory_space<vmem>>, vector<1x16xf32>,
        %get3A_1496 = arith.index_cast %add3A_1435 : i32 to index
        %get3A_1497 = arith.constant 96 : index
        %get3A_1498 = tpu.vector_load %arg13[%get3A_1496, %get3A_1497] {strides = array<i32>} : memref<128x128xf32, #tpu.memory_space<vmem>>, vector<1x16xf32>,
        %get3A_1499 = vector.shape_cast %get3A_1498 : vector<1x16xf32> to vector<16xf32>
        %mul3A_1500 = arith.mulf %get3A_1499, %gather3A_1431 : vector<16xf32>
        %swap3A_1501 = arith.index_cast %add3A_1435 : i32 to index
        %swap3A_1502 = arith.constant 96 : index
        %swap3A_1503 = tpu.vector_load %arg13[%swap3A_1501, %swap3A_1502] {strides = array<i32>} : memref<128x128xf32, #tpu.memory_space<vmem>>, vector<1x16xf32>,
        %swap3A_1504 = vector.shape_cast %swap3A_1503 : vector<1x16xf32> to vector<16xf32>
        %swap3A_1505 = vector.shape_cast %mul3A_1500 : vector<16xf32> to vector<1x16xf32>
        tpu.vector_store %arg13[%swap3A_1501, %swap3A_1502], %swap3A_1505 {strides = array<i32>} : memref<128x128xf32, #tpu.memory_space<vmem>>, vector<1x16xf32>,
        %get3A_1506 = arith.index_cast %add3A_1435 : i32 to index
        %get3A_1507 = arith.constant 112 : index
        %get3A_1508 = tpu.vector_load %arg13[%get3A_1506, %get3A_1507] {strides = array<i32>} : memref<128x128xf32, #tpu.memory_space<vmem>>, vector<1x16xf32>,
        %get3A_1509 = vector.shape_cast %get3A_1508 : vector<1x16xf32> to vector<16xf32>
        %mul3A_1510 = arith.mulf %get3A_1509, %gather3A_1431 : vector<16xf32>
        %swap3A_1511 = arith.index_cast %add3A_1435 : i32 to index
        %swap3A_1512 = arith.constant 112 : index
        %swap3A_1513 = tpu.vector_load %arg13[%swap3A_1511, %swap3A_1512] {strides = array<i32>} : memref<128x128xf32, #tpu.memory_space<vmem>>, vector<1x16xf32>,
        %swap3A_1514 = vector.shape_cast %swap3A_1513 : vector<1x16xf32> to vector<16xf32>
        %swap3A_1515 = vector.shape_cast %mul3A_1510 : vector<16xf32> to vector<1x16xf32>
        tpu.vector_store %arg13[%swap3A_1511, %swap3A_1512], %swap3A_1515 {strides = array<i32>} : memref<128x128xf32, #tpu.memory_space<vmem>>, vector<1x16xf32>,
        %broadcast_in_dim3A_1516 = arith.constant 14 : i32
        %broadcast_in_dim3A_1517 = vector.broadcast %broadcast_in_dim3A_1516 : i32 to vector<16xi32>
        %lt3A_1518 = arith.constant 0 : i32
        %lt3A_1519 = vector.broadcast %lt3A_1518 : i32 to vector<16xi32>
        %lt3A_1520 = arith.cmpi slt, %broadcast_in_dim3A_1517, %lt3A_1519 : vector<16xi32>
        %add3A_1521 = arith.constant 16 : i32
        %add3A_1522 = vector.broadcast %add3A_1521 : i32 to vector<16xi32>
        %add3A_1523 = arith.addi %broadcast_in_dim3A_1517, %add3A_1522 : vector<16xi32>
        %select_n3A_1524 = arith.select %lt3A_1520, %add3A_1523, %broadcast_in_dim3A_1517 : vector<16xi1>, vector<16xi32>
        %broadcast_in_dim3A_1525 = vector.shape_cast %select_n3A_1524 : vector<16xi32> to vector<16x1xi32>
        %gather3A_1526 = vector.shape_cast %broadcast_in_dim3A_1525 : vector<16x1xi32> to vector<16xi32>
        %gather3A_1527 = tpu.dynamic_gather %get3A_172[%gather3A_1526] in [0] : vector<16xf32>, vector<16xi32> -> vector<16xf32>
        %mul3A_1528 = arith.constant 16 : i32
        %mul3A_1529 = arith.muli %mul3A_1528, %scan3A_167 : i32
        %add3A_1530 = arith.constant 14 : i32
        %add3A_1531 = arith.addi %mul3A_1529, %add3A_1530 : i32
        %get3A_1532 = arith.index_cast %add3A_1531 : i32 to index
        %get3A_1533 = arith.constant 0 : index
        %get3A_1534 = tpu.vector_load %arg13[%get3A_1532, %get3A_1533] {strides = array<i32>} : memref<128x128xf32, #tpu.memory_space<vmem>>, vector<1x16xf32>,
        %get3A_1535 = vector.shape_cast %get3A_1534 : vector<1x16xf32> to vector<16xf32>
        %mul3A_1536 = arith.mulf %get3A_1535, %gather3A_1527 : vector<16xf32>
        %swap3A_1537 = arith.index_cast %add3A_1531 : i32 to index
        %swap3A_1538 = arith.constant 0 : index
        %swap3A_1539 = tpu.vector_load %arg13[%swap3A_1537, %swap3A_1538] {strides = array<i32>} : memref<128x128xf32, #tpu.memory_space<vmem>>, vector<1x16xf32>,
        %swap3A_1540 = vector.shape_cast %swap3A_1539 : vector<1x16xf32> to vector<16xf32>
        %swap3A_1541 = vector.shape_cast %mul3A_1536 : vector<16xf32> to vector<1x16xf32>
        tpu.vector_store %arg13[%swap3A_1537, %swap3A_1538], %swap3A_1541 {strides = array<i32>} : memref<128x128xf32, #tpu.memory_space<vmem>>, vector<1x16xf32>,
        %get3A_1542 = arith.index_cast %add3A_1531 : i32 to index
        %get3A_1543 = arith.constant 16 : index
        %get3A_1544 = tpu.vector_load %arg13[%get3A_1542, %get3A_1543] {strides = array<i32>} : memref<128x128xf32, #tpu.memory_space<vmem>>, vector<1x16xf32>,
        %get3A_1545 = vector.shape_cast %get3A_1544 : vector<1x16xf32> to vector<16xf32>
        %mul3A_1546 = arith.mulf %get3A_1545, %gather3A_1527 : vector<16xf32>
        %swap3A_1547 = arith.index_cast %add3A_1531 : i32 to index
        %swap3A_1548 = arith.constant 16 : index
        %swap3A_1549 = tpu.vector_load %arg13[%swap3A_1547, %swap3A_1548] {strides = array<i32>} : memref<128x128xf32, #tpu.memory_space<vmem>>, vector<1x16xf32>,
        %swap3A_1550 = vector.shape_cast %swap3A_1549 : vector<1x16xf32> to vector<16xf32>
        %swap3A_1551 = vector.shape_cast %mul3A_1546 : vector<16xf32> to vector<1x16xf32>
        tpu.vector_store %arg13[%swap3A_1547, %swap3A_1548], %swap3A_1551 {strides = array<i32>} : memref<128x128xf32, #tpu.memory_space<vmem>>, vector<1x16xf32>,
        %get3A_1552 = arith.index_cast %add3A_1531 : i32 to index
        %get3A_1553 = arith.constant 32 : index
        %get3A_1554 = tpu.vector_load %arg13[%get3A_1552, %get3A_1553] {strides = array<i32>} : memref<128x128xf32, #tpu.memory_space<vmem>>, vector<1x16xf32>,
        %get3A_1555 = vector.shape_cast %get3A_1554 : vector<1x16xf32> to vector<16xf32>
        %mul3A_1556 = arith.mulf %get3A_1555, %gather3A_1527 : vector<16xf32>
        %swap3A_1557 = arith.index_cast %add3A_1531 : i32 to index
        %swap3A_1558 = arith.constant 32 : index
        %swap3A_1559 = tpu.vector_load %arg13[%swap3A_1557, %swap3A_1558] {strides = array<i32>} : memref<128x128xf32, #tpu.memory_space<vmem>>, vector<1x16xf32>,
        %swap3A_1560 = vector.shape_cast %swap3A_1559 : vector<1x16xf32> to vector<16xf32>
        %swap3A_1561 = vector.shape_cast %mul3A_1556 : vector<16xf32> to vector<1x16xf32>
        tpu.vector_store %arg13[%swap3A_1557, %swap3A_1558], %swap3A_1561 {strides = array<i32>} : memref<128x128xf32, #tpu.memory_space<vmem>>, vector<1x16xf32>,
        %get3A_1562 = arith.index_cast %add3A_1531 : i32 to index
        %get3A_1563 = arith.constant 48 : index
        %get3A_1564 = tpu.vector_load %arg13[%get3A_1562, %get3A_1563] {strides = array<i32>} : memref<128x128xf32, #tpu.memory_space<vmem>>, vector<1x16xf32>,
        %get3A_1565 = vector.shape_cast %get3A_1564 : vector<1x16xf32> to vector<16xf32>
        %mul3A_1566 = arith.mulf %get3A_1565, %gather3A_1527 : vector<16xf32>
        %swap3A_1567 = arith.index_cast %add3A_1531 : i32 to index
        %swap3A_1568 = arith.constant 48 : index
        %swap3A_1569 = tpu.vector_load %arg13[%swap3A_1567, %swap3A_1568] {strides = array<i32>} : memref<128x128xf32, #tpu.memory_space<vmem>>, vector<1x16xf32>,
        %swap3A_1570 = vector.shape_cast %swap3A_1569 : vector<1x16xf32> to vector<16xf32>
        %swap3A_1571 = vector.shape_cast %mul3A_1566 : vector<16xf32> to vector<1x16xf32>
        tpu.vector_store %arg13[%swap3A_1567, %swap3A_1568], %swap3A_1571 {strides = array<i32>} : memref<128x128xf32, #tpu.memory_space<vmem>>, vector<1x16xf32>,
        %get3A_1572 = arith.index_cast %add3A_1531 : i32 to index
        %get3A_1573 = arith.constant 64 : index
        %get3A_1574 = tpu.vector_load %arg13[%get3A_1572, %get3A_1573] {strides = array<i32>} : memref<128x128xf32, #tpu.memory_space<vmem>>, vector<1x16xf32>,
        %get3A_1575 = vector.shape_cast %get3A_1574 : vector<1x16xf32> to vector<16xf32>
        %mul3A_1576 = arith.mulf %get3A_1575, %gather3A_1527 : vector<16xf32>
        %swap3A_1577 = arith.index_cast %add3A_1531 : i32 to index
        %swap3A_1578 = arith.constant 64 : index
        %swap3A_1579 = tpu.vector_load %arg13[%swap3A_1577, %swap3A_1578] {strides = array<i32>} : memref<128x128xf32, #tpu.memory_space<vmem>>, vector<1x16xf32>,
        %swap3A_1580 = vector.shape_cast %swap3A_1579 : vector<1x16xf32> to vector<16xf32>
        %swap3A_1581 = vector.shape_cast %mul3A_1576 : vector<16xf32> to vector<1x16xf32>
        tpu.vector_store %arg13[%swap3A_1577, %swap3A_1578], %swap3A_1581 {strides = array<i32>} : memref<128x128xf32, #tpu.memory_space<vmem>>, vector<1x16xf32>,
        %get3A_1582 = arith.index_cast %add3A_1531 : i32 to index
        %get3A_1583 = arith.constant 80 : index
        %get3A_1584 = tpu.vector_load %arg13[%get3A_1582, %get3A_1583] {strides = array<i32>} : memref<128x128xf32, #tpu.memory_space<vmem>>, vector<1x16xf32>,
        %get3A_1585 = vector.shape_cast %get3A_1584 : vector<1x16xf32> to vector<16xf32>
        %mul3A_1586 = arith.mulf %get3A_1585, %gather3A_1527 : vector<16xf32>
        %swap3A_1587 = arith.index_cast %add3A_1531 : i32 to index
        %swap3A_1588 = arith.constant 80 : index
        %swap3A_1589 = tpu.vector_load %arg13[%swap3A_1587, %swap3A_1588] {strides = array<i32>} : memref<128x128xf32, #tpu.memory_space<vmem>>, vector<1x16xf32>,
        %swap3A_1590 = vector.shape_cast %swap3A_1589 : vector<1x16xf32> to vector<16xf32>
        %swap3A_1591 = vector.shape_cast %mul3A_1586 : vector<16xf32> to vector<1x16xf32>
        tpu.vector_store %arg13[%swap3A_1587, %swap3A_1588], %swap3A_1591 {strides = array<i32>} : memref<128x128xf32, #tpu.memory_space<vmem>>, vector<1x16xf32>,
        %get3A_1592 = arith.index_cast %add3A_1531 : i32 to index
        %get3A_1593 = arith.constant 96 : index
        %get3A_1594 = tpu.vector_load %arg13[%get3A_1592, %get3A_1593] {strides = array<i32>} : memref<128x128xf32, #tpu.memory_space<vmem>>, vector<1x16xf32>,
        %get3A_1595 = vector.shape_cast %get3A_1594 : vector<1x16xf32> to vector<16xf32>
        %mul3A_1596 = arith.mulf %get3A_1595, %gather3A_1527 : vector<16xf32>
        %swap3A_1597 = arith.index_cast %add3A_1531 : i32 to index
        %swap3A_1598 = arith.constant 96 : index
        %swap3A_1599 = tpu.vector_load %arg13[%swap3A_1597, %swap3A_1598] {strides = array<i32>} : memref<128x128xf32, #tpu.memory_space<vmem>>, vector<1x16xf32>,
        %swap3A_1600 = vector.shape_cast %swap3A_1599 : vector<1x16xf32> to vector<16xf32>
        %swap3A_1601 = vector.shape_cast %mul3A_1596 : vector<16xf32> to vector<1x16xf32>
        tpu.vector_store %arg13[%swap3A_1597, %swap3A_1598], %swap3A_1601 {strides = array<i32>} : memref<128x128xf32, #tpu.memory_space<vmem>>, vector<1x16xf32>,
        %get3A_1602 = arith.index_cast %add3A_1531 : i32 to index
        %get3A_1603 = arith.constant 112 : index
        %get3A_1604 = tpu.vector_load %arg13[%get3A_1602, %get3A_1603] {strides = array<i32>} : memref<128x128xf32, #tpu.memory_space<vmem>>, vector<1x16xf32>,
        %get3A_1605 = vector.shape_cast %get3A_1604 : vector<1x16xf32> to vector<16xf32>
        %mul3A_1606 = arith.mulf %get3A_1605, %gather3A_1527 : vector<16xf32>
        %swap3A_1607 = arith.index_cast %add3A_1531 : i32 to index
        %swap3A_1608 = arith.constant 112 : index
        %swap3A_1609 = tpu.vector_load %arg13[%swap3A_1607, %swap3A_1608] {strides = array<i32>} : memref<128x128xf32, #tpu.memory_space<vmem>>, vector<1x16xf32>,
        %swap3A_1610 = vector.shape_cast %swap3A_1609 : vector<1x16xf32> to vector<16xf32>
        %swap3A_1611 = vector.shape_cast %mul3A_1606 : vector<16xf32> to vector<1x16xf32>
        tpu.vector_store %arg13[%swap3A_1607, %swap3A_1608], %swap3A_1611 {strides = array<i32>} : memref<128x128xf32, #tpu.memory_space<vmem>>, vector<1x16xf32>,
        %broadcast_in_dim3A_1612 = arith.constant 15 : i32
        %broadcast_in_dim3A_1613 = vector.broadcast %broadcast_in_dim3A_1612 : i32 to vector<16xi32>
        %lt3A_1614 = arith.constant 0 : i32
        %lt3A_1615 = vector.broadcast %lt3A_1614 : i32 to vector<16xi32>
        %lt3A_1616 = arith.cmpi slt, %broadcast_in_dim3A_1613, %lt3A_1615 : vector<16xi32>
        %add3A_1617 = arith.constant 16 : i32
        %add3A_1618 = vector.broadcast %add3A_1617 : i32 to vector<16xi32>
        %add3A_1619 = arith.addi %broadcast_in_dim3A_1613, %add3A_1618 : vector<16xi32>
        %select_n3A_1620 = arith.select %lt3A_1616, %add3A_1619, %broadcast_in_dim3A_1613 : vector<16xi1>, vector<16xi32>
        %broadcast_in_dim3A_1621 = vector.shape_cast %select_n3A_1620 : vector<16xi32> to vector<16x1xi32>
        %gather3A_1622 = vector.shape_cast %broadcast_in_dim3A_1621 : vector<16x1xi32> to vector<16xi32>
        %gather3A_1623 = tpu.dynamic_gather %get3A_172[%gather3A_1622] in [0] : vector<16xf32>, vector<16xi32> -> vector<16xf32>
        %mul3A_1624 = arith.constant 16 : i32
        %mul3A_1625 = arith.muli %mul3A_1624, %scan3A_167 : i32
        %add3A_1626 = arith.constant 15 : i32
        %add3A_1627 = arith.addi %mul3A_1625, %add3A_1626 : i32
        %get3A_1628 = arith.index_cast %add3A_1627 : i32 to index
        %get3A_1629 = arith.constant 0 : index
        %get3A_1630 = tpu.vector_load %arg13[%get3A_1628, %get3A_1629] {strides = array<i32>} : memref<128x128xf32, #tpu.memory_space<vmem>>, vector<1x16xf32>,
        %get3A_1631 = vector.shape_cast %get3A_1630 : vector<1x16xf32> to vector<16xf32>
        %mul3A_1632 = arith.mulf %get3A_1631, %gather3A_1623 : vector<16xf32>
        %swap3A_1633 = arith.index_cast %add3A_1627 : i32 to index
        %swap3A_1634 = arith.constant 0 : index
        %swap3A_1635 = tpu.vector_load %arg13[%swap3A_1633, %swap3A_1634] {strides = array<i32>} : memref<128x128xf32, #tpu.memory_space<vmem>>, vector<1x16xf32>,
        %swap3A_1636 = vector.shape_cast %swap3A_1635 : vector<1x16xf32> to vector<16xf32>
        %swap3A_1637 = vector.shape_cast %mul3A_1632 : vector<16xf32> to vector<1x16xf32>
        tpu.vector_store %arg13[%swap3A_1633, %swap3A_1634], %swap3A_1637 {strides = array<i32>} : memref<128x128xf32, #tpu.memory_space<vmem>>, vector<1x16xf32>,
        %get3A_1638 = arith.index_cast %add3A_1627 : i32 to index
        %get3A_1639 = arith.constant 16 : index
        %get3A_1640 = tpu.vector_load %arg13[%get3A_1638, %get3A_1639] {strides = array<i32>} : memref<128x128xf32, #tpu.memory_space<vmem>>, vector<1x16xf32>,
        %get3A_1641 = vector.shape_cast %get3A_1640 : vector<1x16xf32> to vector<16xf32>
        %mul3A_1642 = arith.mulf %get3A_1641, %gather3A_1623 : vector<16xf32>
        %swap3A_1643 = arith.index_cast %add3A_1627 : i32 to index
        %swap3A_1644 = arith.constant 16 : index
        %swap3A_1645 = tpu.vector_load %arg13[%swap3A_1643, %swap3A_1644] {strides = array<i32>} : memref<128x128xf32, #tpu.memory_space<vmem>>, vector<1x16xf32>,
        %swap3A_1646 = vector.shape_cast %swap3A_1645 : vector<1x16xf32> to vector<16xf32>
        %swap3A_1647 = vector.shape_cast %mul3A_1642 : vector<16xf32> to vector<1x16xf32>
        tpu.vector_store %arg13[%swap3A_1643, %swap3A_1644], %swap3A_1647 {strides = array<i32>} : memref<128x128xf32, #tpu.memory_space<vmem>>, vector<1x16xf32>,
        %get3A_1648 = arith.index_cast %add3A_1627 : i32 to index
        %get3A_1649 = arith.constant 32 : index
        %get3A_1650 = tpu.vector_load %arg13[%get3A_1648, %get3A_1649] {strides = array<i32>} : memref<128x128xf32, #tpu.memory_space<vmem>>, vector<1x16xf32>,
        %get3A_1651 = vector.shape_cast %get3A_1650 : vector<1x16xf32> to vector<16xf32>
        %mul3A_1652 = arith.mulf %get3A_1651, %gather3A_1623 : vector<16xf32>
        %swap3A_1653 = arith.index_cast %add3A_1627 : i32 to index
        %swap3A_1654 = arith.constant 32 : index
        %swap3A_1655 = tpu.vector_load %arg13[%swap3A_1653, %swap3A_1654] {strides = array<i32>} : memref<128x128xf32, #tpu.memory_space<vmem>>, vector<1x16xf32>,
        %swap3A_1656 = vector.shape_cast %swap3A_1655 : vector<1x16xf32> to vector<16xf32>
        %swap3A_1657 = vector.shape_cast %mul3A_1652 : vector<16xf32> to vector<1x16xf32>
        tpu.vector_store %arg13[%swap3A_1653, %swap3A_1654], %swap3A_1657 {strides = array<i32>} : memref<128x128xf32, #tpu.memory_space<vmem>>, vector<1x16xf32>,
        %get3A_1658 = arith.index_cast %add3A_1627 : i32 to index
        %get3A_1659 = arith.constant 48 : index
        %get3A_1660 = tpu.vector_load %arg13[%get3A_1658, %get3A_1659] {strides = array<i32>} : memref<128x128xf32, #tpu.memory_space<vmem>>, vector<1x16xf32>,
        %get3A_1661 = vector.shape_cast %get3A_1660 : vector<1x16xf32> to vector<16xf32>
        %mul3A_1662 = arith.mulf %get3A_1661, %gather3A_1623 : vector<16xf32>
        %swap3A_1663 = arith.index_cast %add3A_1627 : i32 to index
        %swap3A_1664 = arith.constant 48 : index
        %swap3A_1665 = tpu.vector_load %arg13[%swap3A_1663, %swap3A_1664] {strides = array<i32>} : memref<128x128xf32, #tpu.memory_space<vmem>>, vector<1x16xf32>,
        %swap3A_1666 = vector.shape_cast %swap3A_1665 : vector<1x16xf32> to vector<16xf32>
        %swap3A_1667 = vector.shape_cast %mul3A_1662 : vector<16xf32> to vector<1x16xf32>
        tpu.vector_store %arg13[%swap3A_1663, %swap3A_1664], %swap3A_1667 {strides = array<i32>} : memref<128x128xf32, #tpu.memory_space<vmem>>, vector<1x16xf32>,
        %get3A_1668 = arith.index_cast %add3A_1627 : i32 to index
        %get3A_1669 = arith.constant 64 : index
        %get3A_1670 = tpu.vector_load %arg13[%get3A_1668, %get3A_1669] {strides = array<i32>} : memref<128x128xf32, #tpu.memory_space<vmem>>, vector<1x16xf32>,
        %get3A_1671 = vector.shape_cast %get3A_1670 : vector<1x16xf32> to vector<16xf32>
        %mul3A_1672 = arith.mulf %get3A_1671, %gather3A_1623 : vector<16xf32>
        %swap3A_1673 = arith.index_cast %add3A_1627 : i32 to index
        %swap3A_1674 = arith.constant 64 : index
        %swap3A_1675 = tpu.vector_load %arg13[%swap3A_1673, %swap3A_1674] {strides = array<i32>} : memref<128x128xf32, #tpu.memory_space<vmem>>, vector<1x16xf32>,
        %swap3A_1676 = vector.shape_cast %swap3A_1675 : vector<1x16xf32> to vector<16xf32>
        %swap3A_1677 = vector.shape_cast %mul3A_1672 : vector<16xf32> to vector<1x16xf32>
        tpu.vector_store %arg13[%swap3A_1673, %swap3A_1674], %swap3A_1677 {strides = array<i32>} : memref<128x128xf32, #tpu.memory_space<vmem>>, vector<1x16xf32>,
        %get3A_1678 = arith.index_cast %add3A_1627 : i32 to index
        %get3A_1679 = arith.constant 80 : index
        %get3A_1680 = tpu.vector_load %arg13[%get3A_1678, %get3A_1679] {strides = array<i32>} : memref<128x128xf32, #tpu.memory_space<vmem>>, vector<1x16xf32>,
        %get3A_1681 = vector.shape_cast %get3A_1680 : vector<1x16xf32> to vector<16xf32>
        %mul3A_1682 = arith.mulf %get3A_1681, %gather3A_1623 : vector<16xf32>
        %swap3A_1683 = arith.index_cast %add3A_1627 : i32 to index
        %swap3A_1684 = arith.constant 80 : index
        %swap3A_1685 = tpu.vector_load %arg13[%swap3A_1683, %swap3A_1684] {strides = array<i32>} : memref<128x128xf32, #tpu.memory_space<vmem>>, vector<1x16xf32>,
        %swap3A_1686 = vector.shape_cast %swap3A_1685 : vector<1x16xf32> to vector<16xf32>
        %swap3A_1687 = vector.shape_cast %mul3A_1682 : vector<16xf32> to vector<1x16xf32>
        tpu.vector_store %arg13[%swap3A_1683, %swap3A_1684], %swap3A_1687 {strides = array<i32>} : memref<128x128xf32, #tpu.memory_space<vmem>>, vector<1x16xf32>,
        %get3A_1688 = arith.index_cast %add3A_1627 : i32 to index
        %get3A_1689 = arith.constant 96 : index
        %get3A_1690 = tpu.vector_load %arg13[%get3A_1688, %get3A_1689] {strides = array<i32>} : memref<128x128xf32, #tpu.memory_space<vmem>>, vector<1x16xf32>,
        %get3A_1691 = vector.shape_cast %get3A_1690 : vector<1x16xf32> to vector<16xf32>
        %mul3A_1692 = arith.mulf %get3A_1691, %gather3A_1623 : vector<16xf32>
        %swap3A_1693 = arith.index_cast %add3A_1627 : i32 to index
        %swap3A_1694 = arith.constant 96 : index
        %swap3A_1695 = tpu.vector_load %arg13[%swap3A_1693, %swap3A_1694] {strides = array<i32>} : memref<128x128xf32, #tpu.memory_space<vmem>>, vector<1x16xf32>,
        %swap3A_1696 = vector.shape_cast %swap3A_1695 : vector<1x16xf32> to vector<16xf32>
        %swap3A_1697 = vector.shape_cast %mul3A_1692 : vector<16xf32> to vector<1x16xf32>
        tpu.vector_store %arg13[%swap3A_1693, %swap3A_1694], %swap3A_1697 {strides = array<i32>} : memref<128x128xf32, #tpu.memory_space<vmem>>, vector<1x16xf32>,
        %get3A_1698 = arith.index_cast %add3A_1627 : i32 to index
        %get3A_1699 = arith.constant 112 : index
        %get3A_1700 = tpu.vector_load %arg13[%get3A_1698, %get3A_1699] {strides = array<i32>} : memref<128x128xf32, #tpu.memory_space<vmem>>, vector<1x16xf32>,
        %get3A_1701 = vector.shape_cast %get3A_1700 : vector<1x16xf32> to vector<16xf32>
        %mul3A_1702 = arith.mulf %get3A_1701, %gather3A_1623 : vector<16xf32>
        %swap3A_1703 = arith.index_cast %add3A_1627 : i32 to index
        %swap3A_1704 = arith.constant 112 : index
        %swap3A_1705 = tpu.vector_load %arg13[%swap3A_1703, %swap3A_1704] {strides = array<i32>} : memref<128x128xf32, #tpu.memory_space<vmem>>, vector<1x16xf32>,
        %swap3A_1706 = vector.shape_cast %swap3A_1705 : vector<1x16xf32> to vector<16xf32>
        %swap3A_1707 = vector.shape_cast %mul3A_1702 : vector<16xf32> to vector<1x16xf32>
        tpu.vector_store %arg13[%swap3A_1703, %swap3A_1704], %swap3A_1707 {strides = array<i32>} : memref<128x128xf32, #tpu.memory_space<vmem>>, vector<1x16xf32>,
      }
      %scan3A_166 = arith.constant 8 : i32
      "tpu.region"() ({
        %run_scoped3A = tpu.sem_alloc : memref<!tpu.dma_semaphore, #tpu.memory_space<semaphore_mem>>
        %dma_start3A = arith.constant 0 : i32
        %dma_start3A_167 = arith.constant 0 : i32
        %dma_start3A_168 = tpu.memref_slice %arg15[%dma_start3A, %dma_start3A_167] : memref<10240x128xf32, #tpu.memory_space<vmem_shared>> -> memref<10240x128xf32, #tpu.memory_space<vmem_shared>>
        tpu.enqueue_indirect_dma source(%arg13 : memref<128x128xf32, #tpu.memory_space<vmem>>) target(%dma_start3A_168 : memref<10240x128xf32, #tpu.memory_space<vmem_shared>>) offsets(%arg10 : memref<128xi32, #tpu.memory_space<vmem>>) semaphore(%run_scoped3A : memref<!tpu.dma_semaphore, #tpu.memory_space<semaphore_mem>>) {add = true}
        %dma_wait3A = arith.constant 0 : i32
        %dma_wait3A_169 = arith.constant 0 : i32
        %dma_wait3A_170 = tpu.memref_slice %arg15[%dma_wait3A, %dma_wait3A_169] : memref<10240x128xf32, #tpu.memory_space<vmem_shared>> -> memref<10240x128xf32, #tpu.memory_space<vmem_shared>>
        tpu.wait_indirect_dma semaphore(%run_scoped3A : memref<!tpu.dma_semaphore, #tpu.memory_space<semaphore_mem>>) src(%arg13 : memref<128x128xf32, #tpu.memory_space<vmem>>) dst(%dma_wait3A_170 : memref<10240x128xf32, #tpu.memory_space<vmem_shared>>)
        tpu.yield
      }) : () -> ()
    }
    %while3A_39 = arith.constant 1 : i32
    scf.for %while3A_45 = %while3A_37 to %while3A_33 step %while3A_39  : i32 {
      %mul3A_46 = arith.constant 32 : i32
      %mul3A_47 = arith.muli %mul3A_46, %while3A_45 : i32
      %add3A_48 = arith.addi %add3A, %mul3A_47 : i32
      %mul3A_49 = arith.constant 128 : i32
      %mul3A_50 = arith.muli %add3A_48, %mul3A_49 : i32
      "tpu.region"() ({
        %run_scoped3A = tpu.sem_alloc : memref<!tpu.dma_semaphore, #tpu.memory_space<semaphore_mem>>
        %dma_start3A = tpu.memref_slice %arg3[%mul3A_50] : memref<320000xi32, #tpu.memory_space<hbm>> -> memref<128xi32, #tpu.memory_space<hbm>>
        %dma_start3A_167 = tpu.memref_slice %arg3[%mul3A_50] : memref<320000xi32, #tpu.memory_space<hbm>> -> memref<128xi32, #tpu.memory_space<hbm>>
        tpu.enqueue_dma source(%dma_start3A_167 : memref<128xi32, #tpu.memory_space<hbm>>) target(%arg8 : memref<128xi32, #tpu.memory_space<vmem>>) target_semaphore(%run_scoped3A : memref<!tpu.dma_semaphore, #tpu.memory_space<semaphore_mem>>)
        %dma_wait3A = tpu.memref_slice %arg3[%mul3A_50] : memref<320000xi32, #tpu.memory_space<hbm>> -> memref<128xi32, #tpu.memory_space<hbm>>
        %dma_wait3A_168 = tpu.memref_slice %arg3[%mul3A_50] : memref<320000xi32, #tpu.memory_space<hbm>> -> memref<128xi32, #tpu.memory_space<hbm>>
        tpu.wait_dma2 semaphore(%run_scoped3A : memref<!tpu.dma_semaphore, #tpu.memory_space<semaphore_mem>>) src(%dma_wait3A_168 : memref<128xi32, #tpu.memory_space<hbm>>) dst(%arg8 : memref<128xi32, #tpu.memory_space<vmem>>)
        tpu.yield
      }) : () -> ()
      "tpu.region"() ({
        %run_scoped3A = tpu.sem_alloc : memref<!tpu.dma_semaphore, #tpu.memory_space<semaphore_mem>>
        %dma_start3A = tpu.memref_slice %arg4[%mul3A_50] : memref<320000xi32, #tpu.memory_space<hbm>> -> memref<128xi32, #tpu.memory_space<hbm>>
        %dma_start3A_167 = tpu.memref_slice %arg4[%mul3A_50] : memref<320000xi32, #tpu.memory_space<hbm>> -> memref<128xi32, #tpu.memory_space<hbm>>
        tpu.enqueue_dma source(%dma_start3A_167 : memref<128xi32, #tpu.memory_space<hbm>>) target(%arg9 : memref<128xi32, #tpu.memory_space<vmem>>) target_semaphore(%run_scoped3A : memref<!tpu.dma_semaphore, #tpu.memory_space<semaphore_mem>>)
        %dma_wait3A = tpu.memref_slice %arg4[%mul3A_50] : memref<320000xi32, #tpu.memory_space<hbm>> -> memref<128xi32, #tpu.memory_space<hbm>>
        %dma_wait3A_168 = tpu.memref_slice %arg4[%mul3A_50] : memref<320000xi32, #tpu.memory_space<hbm>> -> memref<128xi32, #tpu.memory_space<hbm>>
        tpu.wait_dma2 semaphore(%run_scoped3A : memref<!tpu.dma_semaphore, #tpu.memory_space<semaphore_mem>>) src(%dma_wait3A_168 : memref<128xi32, #tpu.memory_space<hbm>>) dst(%arg9 : memref<128xi32, #tpu.memory_space<vmem>>)
        tpu.yield
      }) : () -> ()
      "tpu.region"() ({
        %run_scoped3A = tpu.sem_alloc : memref<!tpu.dma_semaphore, #tpu.memory_space<semaphore_mem>>
        %dma_start3A = tpu.memref_slice %arg5[%mul3A_50] : memref<320000xi32, #tpu.memory_space<hbm>> -> memref<128xi32, #tpu.memory_space<hbm>>
        %dma_start3A_167 = tpu.memref_slice %arg5[%mul3A_50] : memref<320000xi32, #tpu.memory_space<hbm>> -> memref<128xi32, #tpu.memory_space<hbm>>
        tpu.enqueue_dma source(%dma_start3A_167 : memref<128xi32, #tpu.memory_space<hbm>>) target(%arg10 : memref<128xi32, #tpu.memory_space<vmem>>) target_semaphore(%run_scoped3A : memref<!tpu.dma_semaphore, #tpu.memory_space<semaphore_mem>>)
        %dma_wait3A = tpu.memref_slice %arg5[%mul3A_50] : memref<320000xi32, #tpu.memory_space<hbm>> -> memref<128xi32, #tpu.memory_space<hbm>>
        %dma_wait3A_168 = tpu.memref_slice %arg5[%mul3A_50] : memref<320000xi32, #tpu.memory_space<hbm>> -> memref<128xi32, #tpu.memory_space<hbm>>
        tpu.wait_dma2 semaphore(%run_scoped3A : memref<!tpu.dma_semaphore, #tpu.memory_space<semaphore_mem>>) src(%dma_wait3A_168 : memref<128xi32, #tpu.memory_space<hbm>>) dst(%arg10 : memref<128xi32, #tpu.memory_space<vmem>>)
        tpu.yield
      }) : () -> ()
      "tpu.region"() ({
        %run_scoped3A = tpu.sem_alloc : memref<!tpu.dma_semaphore, #tpu.memory_space<semaphore_mem>>
        %dma_start3A = tpu.memref_slice %arg6[%mul3A_50] : memref<320000xf32, #tpu.memory_space<hbm>> -> memref<128xf32, #tpu.memory_space<hbm>>
        %dma_start3A_167 = tpu.memref_slice %arg6[%mul3A_50] : memref<320000xf32, #tpu.memory_space<hbm>> -> memref<128xf32, #tpu.memory_space<hbm>>
        tpu.enqueue_dma source(%dma_start3A_167 : memref<128xf32, #tpu.memory_space<hbm>>) target(%arg11 : memref<128xf32, #tpu.memory_space<vmem>>) target_semaphore(%run_scoped3A : memref<!tpu.dma_semaphore, #tpu.memory_space<semaphore_mem>>)
        %dma_wait3A = tpu.memref_slice %arg6[%mul3A_50] : memref<320000xf32, #tpu.memory_space<hbm>> -> memref<128xf32, #tpu.memory_space<hbm>>
        %dma_wait3A_168 = tpu.memref_slice %arg6[%mul3A_50] : memref<320000xf32, #tpu.memory_space<hbm>> -> memref<128xf32, #tpu.memory_space<hbm>>
        tpu.wait_dma2 semaphore(%run_scoped3A : memref<!tpu.dma_semaphore, #tpu.memory_space<semaphore_mem>>) src(%dma_wait3A_168 : memref<128xf32, #tpu.memory_space<hbm>>) dst(%arg11 : memref<128xf32, #tpu.memory_space<vmem>>)
        tpu.yield
      }) : () -> ()
      %get3A = arith.constant 0 : index
      %get3A_51 = tpu.vector_load %arg9[%get3A] {strides = array<i32>} : memref<128xi32, #tpu.memory_space<vmem>>, vector<16xi32>,
      %get3A_52 = vector.shape_cast %get3A_51 : vector<16xi32> to vector<16xi32>
      %mul3A_53 = arith.constant 10000 : i32
      %mul3A_54 = vector.broadcast %mul3A_53 : i32 to vector<16xi32>
      %mul3A_55 = arith.muli %get3A_52, %mul3A_54 : vector<16xi32>
      %get3A_56 = arith.constant 0 : index
      %get3A_57 = tpu.vector_load %arg8[%get3A_56] {strides = array<i32>} : memref<128xi32, #tpu.memory_space<vmem>>, vector<16xi32>,
      %get3A_58 = vector.shape_cast %get3A_57 : vector<16xi32> to vector<16xi32>
      %add3A_59 = arith.addi %mul3A_55, %get3A_58 : vector<16xi32>
      %swap3A = arith.constant 0 : index
      %swap3A_60 = tpu.vector_load %arg12[%swap3A] {strides = array<i32>} : memref<128xi32, #tpu.memory_space<vmem>>, vector<16xi32>,
      %swap3A_61 = vector.shape_cast %swap3A_60 : vector<16xi32> to vector<16xi32>
      %swap3A_62 = vector.shape_cast %add3A_59 : vector<16xi32> to vector<16xi32>
      tpu.vector_store %arg12[%swap3A], %swap3A_62 {strides = array<i32>} : memref<128xi32, #tpu.memory_space<vmem>>, vector<16xi32>,
      %get3A_63 = arith.constant 16 : index
      %get3A_64 = tpu.vector_load %arg9[%get3A_63] {strides = array<i32>} : memref<128xi32, #tpu.memory_space<vmem>>, vector<16xi32>,
      %get3A_65 = vector.shape_cast %get3A_64 : vector<16xi32> to vector<16xi32>
      %mul3A_66 = arith.constant 10000 : i32
      %mul3A_67 = vector.broadcast %mul3A_66 : i32 to vector<16xi32>
      %mul3A_68 = arith.muli %get3A_65, %mul3A_67 : vector<16xi32>
      %get3A_69 = arith.constant 16 : index
      %get3A_70 = tpu.vector_load %arg8[%get3A_69] {strides = array<i32>} : memref<128xi32, #tpu.memory_space<vmem>>, vector<16xi32>,
      %get3A_71 = vector.shape_cast %get3A_70 : vector<16xi32> to vector<16xi32>
      %add3A_72 = arith.addi %mul3A_68, %get3A_71 : vector<16xi32>
      %swap3A_73 = arith.constant 16 : index
      %swap3A_74 = tpu.vector_load %arg12[%swap3A_73] {strides = array<i32>} : memref<128xi32, #tpu.memory_space<vmem>>, vector<16xi32>,
      %swap3A_75 = vector.shape_cast %swap3A_74 : vector<16xi32> to vector<16xi32>
      %swap3A_76 = vector.shape_cast %add3A_72 : vector<16xi32> to vector<16xi32>
      tpu.vector_store %arg12[%swap3A_73], %swap3A_76 {strides = array<i32>} : memref<128xi32, #tpu.memory_space<vmem>>, vector<16xi32>,
      %get3A_77 = arith.constant 32 : index
      %get3A_78 = tpu.vector_load %arg9[%get3A_77] {strides = array<i32>} : memref<128xi32, #tpu.memory_space<vmem>>, vector<16xi32>,
      %get3A_79 = vector.shape_cast %get3A_78 : vector<16xi32> to vector<16xi32>
      %mul3A_80 = arith.constant 10000 : i32
      %mul3A_81 = vector.broadcast %mul3A_80 : i32 to vector<16xi32>
      %mul3A_82 = arith.muli %get3A_79, %mul3A_81 : vector<16xi32>
      %get3A_83 = arith.constant 32 : index
      %get3A_84 = tpu.vector_load %arg8[%get3A_83] {strides = array<i32>} : memref<128xi32, #tpu.memory_space<vmem>>, vector<16xi32>,
      %get3A_85 = vector.shape_cast %get3A_84 : vector<16xi32> to vector<16xi32>
      %add3A_86 = arith.addi %mul3A_82, %get3A_85 : vector<16xi32>
      %swap3A_87 = arith.constant 32 : index
      %swap3A_88 = tpu.vector_load %arg12[%swap3A_87] {strides = array<i32>} : memref<128xi32, #tpu.memory_space<vmem>>, vector<16xi32>,
      %swap3A_89 = vector.shape_cast %swap3A_88 : vector<16xi32> to vector<16xi32>
      %swap3A_90 = vector.shape_cast %add3A_86 : vector<16xi32> to vector<16xi32>
      tpu.vector_store %arg12[%swap3A_87], %swap3A_90 {strides = array<i32>} : memref<128xi32, #tpu.memory_space<vmem>>, vector<16xi32>,
      %get3A_91 = arith.constant 48 : index
      %get3A_92 = tpu.vector_load %arg9[%get3A_91] {strides = array<i32>} : memref<128xi32, #tpu.memory_space<vmem>>, vector<16xi32>,
      %get3A_93 = vector.shape_cast %get3A_92 : vector<16xi32> to vector<16xi32>
      %mul3A_94 = arith.constant 10000 : i32
      %mul3A_95 = vector.broadcast %mul3A_94 : i32 to vector<16xi32>
      %mul3A_96 = arith.muli %get3A_93, %mul3A_95 : vector<16xi32>
      %get3A_97 = arith.constant 48 : index
      %get3A_98 = tpu.vector_load %arg8[%get3A_97] {strides = array<i32>} : memref<128xi32, #tpu.memory_space<vmem>>, vector<16xi32>,
      %get3A_99 = vector.shape_cast %get3A_98 : vector<16xi32> to vector<16xi32>
      %add3A_100 = arith.addi %mul3A_96, %get3A_99 : vector<16xi32>
      %swap3A_101 = arith.constant 48 : index
      %swap3A_102 = tpu.vector_load %arg12[%swap3A_101] {strides = array<i32>} : memref<128xi32, #tpu.memory_space<vmem>>, vector<16xi32>,
      %swap3A_103 = vector.shape_cast %swap3A_102 : vector<16xi32> to vector<16xi32>
      %swap3A_104 = vector.shape_cast %add3A_100 : vector<16xi32> to vector<16xi32>
      tpu.vector_store %arg12[%swap3A_101], %swap3A_104 {strides = array<i32>} : memref<128xi32, #tpu.memory_space<vmem>>, vector<16xi32>,
      %get3A_105 = arith.constant 64 : index
      %get3A_106 = tpu.vector_load %arg9[%get3A_105] {strides = array<i32>} : memref<128xi32, #tpu.memory_space<vmem>>, vector<16xi32>,
      %get3A_107 = vector.shape_cast %get3A_106 : vector<16xi32> to vector<16xi32>
      %mul3A_108 = arith.constant 10000 : i32
      %mul3A_109 = vector.broadcast %mul3A_108 : i32 to vector<16xi32>
      %mul3A_110 = arith.muli %get3A_107, %mul3A_109 : vector<16xi32>
      %get3A_111 = arith.constant 64 : index
      %get3A_112 = tpu.vector_load %arg8[%get3A_111] {strides = array<i32>} : memref<128xi32, #tpu.memory_space<vmem>>, vector<16xi32>,
      %get3A_113 = vector.shape_cast %get3A_112 : vector<16xi32> to vector<16xi32>
      %add3A_114 = arith.addi %mul3A_110, %get3A_113 : vector<16xi32>
      %swap3A_115 = arith.constant 64 : index
      %swap3A_116 = tpu.vector_load %arg12[%swap3A_115] {strides = array<i32>} : memref<128xi32, #tpu.memory_space<vmem>>, vector<16xi32>,
      %swap3A_117 = vector.shape_cast %swap3A_116 : vector<16xi32> to vector<16xi32>
      %swap3A_118 = vector.shape_cast %add3A_114 : vector<16xi32> to vector<16xi32>
      tpu.vector_store %arg12[%swap3A_115], %swap3A_118 {strides = array<i32>} : memref<128xi32, #tpu.memory_space<vmem>>, vector<16xi32>,
      %get3A_119 = arith.constant 80 : index
      %get3A_120 = tpu.vector_load %arg9[%get3A_119] {strides = array<i32>} : memref<128xi32, #tpu.memory_space<vmem>>, vector<16xi32>,
      %get3A_121 = vector.shape_cast %get3A_120 : vector<16xi32> to vector<16xi32>
      %mul3A_122 = arith.constant 10000 : i32
      %mul3A_123 = vector.broadcast %mul3A_122 : i32 to vector<16xi32>
      %mul3A_124 = arith.muli %get3A_121, %mul3A_123 : vector<16xi32>
      %get3A_125 = arith.constant 80 : index
      %get3A_126 = tpu.vector_load %arg8[%get3A_125] {strides = array<i32>} : memref<128xi32, #tpu.memory_space<vmem>>, vector<16xi32>,
      %get3A_127 = vector.shape_cast %get3A_126 : vector<16xi32> to vector<16xi32>
      %add3A_128 = arith.addi %mul3A_124, %get3A_127 : vector<16xi32>
      %swap3A_129 = arith.constant 80 : index
      %swap3A_130 = tpu.vector_load %arg12[%swap3A_129] {strides = array<i32>} : memref<128xi32, #tpu.memory_space<vmem>>, vector<16xi32>,
      %swap3A_131 = vector.shape_cast %swap3A_130 : vector<16xi32> to vector<16xi32>
      %swap3A_132 = vector.shape_cast %add3A_128 : vector<16xi32> to vector<16xi32>
      tpu.vector_store %arg12[%swap3A_129], %swap3A_132 {strides = array<i32>} : memref<128xi32, #tpu.memory_space<vmem>>, vector<16xi32>,
      %get3A_133 = arith.constant 96 : index
      %get3A_134 = tpu.vector_load %arg9[%get3A_133] {strides = array<i32>} : memref<128xi32, #tpu.memory_space<vmem>>, vector<16xi32>,
      %get3A_135 = vector.shape_cast %get3A_134 : vector<16xi32> to vector<16xi32>
      %mul3A_136 = arith.constant 10000 : i32
      %mul3A_137 = vector.broadcast %mul3A_136 : i32 to vector<16xi32>
      %mul3A_138 = arith.muli %get3A_135, %mul3A_137 : vector<16xi32>
      %get3A_139 = arith.constant 96 : index
      %get3A_140 = tpu.vector_load %arg8[%get3A_139] {strides = array<i32>} : memref<128xi32, #tpu.memory_space<vmem>>, vector<16xi32>,
      %get3A_141 = vector.shape_cast %get3A_140 : vector<16xi32> to vector<16xi32>
      %add3A_142 = arith.addi %mul3A_138, %get3A_141 : vector<16xi32>
      %swap3A_143 = arith.constant 96 : index
      %swap3A_144 = tpu.vector_load %arg12[%swap3A_143] {strides = array<i32>} : memref<128xi32, #tpu.memory_space<vmem>>, vector<16xi32>,
      %swap3A_145 = vector.shape_cast %swap3A_144 : vector<16xi32> to vector<16xi32>
      %swap3A_146 = vector.shape_cast %add3A_142 : vector<16xi32> to vector<16xi32>
      tpu.vector_store %arg12[%swap3A_143], %swap3A_146 {strides = array<i32>} : memref<128xi32, #tpu.memory_space<vmem>>, vector<16xi32>,
      %get3A_147 = arith.constant 112 : index
      %get3A_148 = tpu.vector_load %arg9[%get3A_147] {strides = array<i32>} : memref<128xi32, #tpu.memory_space<vmem>>, vector<16xi32>,
      %get3A_149 = vector.shape_cast %get3A_148 : vector<16xi32> to vector<16xi32>
      %mul3A_150 = arith.constant 10000 : i32
      %mul3A_151 = vector.broadcast %mul3A_150 : i32 to vector<16xi32>
      %mul3A_152 = arith.muli %get3A_149, %mul3A_151 : vector<16xi32>
      %get3A_153 = arith.constant 112 : index
      %get3A_154 = tpu.vector_load %arg8[%get3A_153] {strides = array<i32>} : memref<128xi32, #tpu.memory_space<vmem>>, vector<16xi32>,
      %get3A_155 = vector.shape_cast %get3A_154 : vector<16xi32> to vector<16xi32>
      %add3A_156 = arith.addi %mul3A_152, %get3A_155 : vector<16xi32>
      %swap3A_157 = arith.constant 112 : index
      %swap3A_158 = tpu.vector_load %arg12[%swap3A_157] {strides = array<i32>} : memref<128xi32, #tpu.memory_space<vmem>>, vector<16xi32>,
      %swap3A_159 = vector.shape_cast %swap3A_158 : vector<16xi32> to vector<16xi32>
      %swap3A_160 = vector.shape_cast %add3A_156 : vector<16xi32> to vector<16xi32>
      tpu.vector_store %arg12[%swap3A_157], %swap3A_160 {strides = array<i32>} : memref<128xi32, #tpu.memory_space<vmem>>, vector<16xi32>,
      "tpu.region"() ({
        %run_scoped3A = tpu.sem_alloc : memref<!tpu.dma_semaphore, #tpu.memory_space<semaphore_mem>>
        %dma_start3A = arith.constant 0 : i32
        %dma_start3A_167 = arith.constant 0 : i32
        %dma_start3A_168 = tpu.memref_slice %arg2[%dma_start3A, %dma_start3A_167] : memref<160000x128xf32, #tpu.memory_space<hbm>> -> memref<160000x128xf32, #tpu.memory_space<hbm>>
        tpu.enqueue_indirect_dma source(%dma_start3A_168 : memref<160000x128xf32, #tpu.memory_space<hbm>>) target(%arg13 : memref<128x128xf32, #tpu.memory_space<vmem>>) offsets(%arg12 : memref<128xi32, #tpu.memory_space<vmem>>) semaphore(%run_scoped3A : memref<!tpu.dma_semaphore, #tpu.memory_space<semaphore_mem>>)
        %dma_wait3A = arith.constant 0 : i32
        %dma_wait3A_169 = arith.constant 0 : i32
        %dma_wait3A_170 = tpu.memref_slice %arg2[%dma_wait3A, %dma_wait3A_169] : memref<160000x128xf32, #tpu.memory_space<hbm>> -> memref<160000x128xf32, #tpu.memory_space<hbm>>
        tpu.wait_indirect_dma semaphore(%run_scoped3A : memref<!tpu.dma_semaphore, #tpu.memory_space<semaphore_mem>>) src(%dma_wait3A_170 : memref<160000x128xf32, #tpu.memory_space<hbm>>) dst(%arg13 : memref<128x128xf32, #tpu.memory_space<vmem>>)
        tpu.yield
      }) : () -> ()
      %scan3A_161 = arith.constant 0 : i32
      %scan3A_162 = arith.constant 0 : i32
      %scan3A_163 = arith.constant 8 : i32
      %scan3A_164 = arith.addi %scan3A_162, %scan3A_163 : i32
      %scan3A_165 = arith.constant 1 : i32
      scf.for %scan3A_167 = %scan3A_162 to %scan3A_164 step %scan3A_165  : i32 {
        %mul3A_168 = arith.constant 16 : i32
        %mul3A_169 = arith.muli %mul3A_168, %scan3A_167 : i32
        %get3A_170 = arith.index_cast %mul3A_169 : i32 to index
        %get3A_171 = tpu.vector_load %arg11[%get3A_170] {strides = array<i32>} : memref<128xf32, #tpu.memory_space<vmem>>, vector<16xf32>,
        %get3A_172 = vector.shape_cast %get3A_171 : vector<16xf32> to vector<16xf32>
        %broadcast_in_dim3A_173 = arith.constant 0 : i32
        %broadcast_in_dim3A_174 = vector.broadcast %broadcast_in_dim3A_173 : i32 to vector<16xi32>
        %lt3A_175 = arith.constant 0 : i32
        %lt3A_176 = vector.broadcast %lt3A_175 : i32 to vector<16xi32>
        %lt3A_177 = arith.cmpi slt, %broadcast_in_dim3A_174, %lt3A_176 : vector<16xi32>
        %add3A_178 = arith.constant 16 : i32
        %add3A_179 = vector.broadcast %add3A_178 : i32 to vector<16xi32>
        %add3A_180 = arith.addi %broadcast_in_dim3A_174, %add3A_179 : vector<16xi32>
        %select_n3A_181 = arith.select %lt3A_177, %add3A_180, %broadcast_in_dim3A_174 : vector<16xi1>, vector<16xi32>
        %broadcast_in_dim3A_182 = vector.shape_cast %select_n3A_181 : vector<16xi32> to vector<16x1xi32>
        %gather3A = vector.shape_cast %broadcast_in_dim3A_182 : vector<16x1xi32> to vector<16xi32>
        %gather3A_183 = tpu.dynamic_gather %get3A_172[%gather3A] in [0] : vector<16xf32>, vector<16xi32> -> vector<16xf32>
        %mul3A_184 = arith.constant 16 : i32
        %mul3A_185 = arith.muli %mul3A_184, %scan3A_167 : i32
        %add3A_186 = arith.constant 0 : i32
        %add3A_187 = arith.addi %mul3A_185, %add3A_186 : i32
        %get3A_188 = arith.index_cast %add3A_187 : i32 to index
        %get3A_189 = arith.constant 0 : index
        %get3A_190 = tpu.vector_load %arg13[%get3A_188, %get3A_189] {strides = array<i32>} : memref<128x128xf32, #tpu.memory_space<vmem>>, vector<1x16xf32>,
        %get3A_191 = vector.shape_cast %get3A_190 : vector<1x16xf32> to vector<16xf32>
        %mul3A_192 = arith.mulf %get3A_191, %gather3A_183 : vector<16xf32>
        %swap3A_193 = arith.index_cast %add3A_187 : i32 to index
        %swap3A_194 = arith.constant 0 : index
        %swap3A_195 = tpu.vector_load %arg13[%swap3A_193, %swap3A_194] {strides = array<i32>} : memref<128x128xf32, #tpu.memory_space<vmem>>, vector<1x16xf32>,
        %swap3A_196 = vector.shape_cast %swap3A_195 : vector<1x16xf32> to vector<16xf32>
        %swap3A_197 = vector.shape_cast %mul3A_192 : vector<16xf32> to vector<1x16xf32>
        tpu.vector_store %arg13[%swap3A_193, %swap3A_194], %swap3A_197 {strides = array<i32>} : memref<128x128xf32, #tpu.memory_space<vmem>>, vector<1x16xf32>,
        %get3A_198 = arith.index_cast %add3A_187 : i32 to index
        %get3A_199 = arith.constant 16 : index
        %get3A_200 = tpu.vector_load %arg13[%get3A_198, %get3A_199] {strides = array<i32>} : memref<128x128xf32, #tpu.memory_space<vmem>>, vector<1x16xf32>,
        %get3A_201 = vector.shape_cast %get3A_200 : vector<1x16xf32> to vector<16xf32>
        %mul3A_202 = arith.mulf %get3A_201, %gather3A_183 : vector<16xf32>
        %swap3A_203 = arith.index_cast %add3A_187 : i32 to index
        %swap3A_204 = arith.constant 16 : index
        %swap3A_205 = tpu.vector_load %arg13[%swap3A_203, %swap3A_204] {strides = array<i32>} : memref<128x128xf32, #tpu.memory_space<vmem>>, vector<1x16xf32>,
        %swap3A_206 = vector.shape_cast %swap3A_205 : vector<1x16xf32> to vector<16xf32>
        %swap3A_207 = vector.shape_cast %mul3A_202 : vector<16xf32> to vector<1x16xf32>
        tpu.vector_store %arg13[%swap3A_203, %swap3A_204], %swap3A_207 {strides = array<i32>} : memref<128x128xf32, #tpu.memory_space<vmem>>, vector<1x16xf32>,
        %get3A_208 = arith.index_cast %add3A_187 : i32 to index
        %get3A_209 = arith.constant 32 : index
        %get3A_210 = tpu.vector_load %arg13[%get3A_208, %get3A_209] {strides = array<i32>} : memref<128x128xf32, #tpu.memory_space<vmem>>, vector<1x16xf32>,
        %get3A_211 = vector.shape_cast %get3A_210 : vector<1x16xf32> to vector<16xf32>
        %mul3A_212 = arith.mulf %get3A_211, %gather3A_183 : vector<16xf32>
        %swap3A_213 = arith.index_cast %add3A_187 : i32 to index
        %swap3A_214 = arith.constant 32 : index
        %swap3A_215 = tpu.vector_load %arg13[%swap3A_213, %swap3A_214] {strides = array<i32>} : memref<128x128xf32, #tpu.memory_space<vmem>>, vector<1x16xf32>,
        %swap3A_216 = vector.shape_cast %swap3A_215 : vector<1x16xf32> to vector<16xf32>
        %swap3A_217 = vector.shape_cast %mul3A_212 : vector<16xf32> to vector<1x16xf32>
        tpu.vector_store %arg13[%swap3A_213, %swap3A_214], %swap3A_217 {strides = array<i32>} : memref<128x128xf32, #tpu.memory_space<vmem>>, vector<1x16xf32>,
        %get3A_218 = arith.index_cast %add3A_187 : i32 to index
        %get3A_219 = arith.constant 48 : index
        %get3A_220 = tpu.vector_load %arg13[%get3A_218, %get3A_219] {strides = array<i32>} : memref<128x128xf32, #tpu.memory_space<vmem>>, vector<1x16xf32>,
        %get3A_221 = vector.shape_cast %get3A_220 : vector<1x16xf32> to vector<16xf32>
        %mul3A_222 = arith.mulf %get3A_221, %gather3A_183 : vector<16xf32>
        %swap3A_223 = arith.index_cast %add3A_187 : i32 to index
        %swap3A_224 = arith.constant 48 : index
        %swap3A_225 = tpu.vector_load %arg13[%swap3A_223, %swap3A_224] {strides = array<i32>} : memref<128x128xf32, #tpu.memory_space<vmem>>, vector<1x16xf32>,
        %swap3A_226 = vector.shape_cast %swap3A_225 : vector<1x16xf32> to vector<16xf32>
        %swap3A_227 = vector.shape_cast %mul3A_222 : vector<16xf32> to vector<1x16xf32>
        tpu.vector_store %arg13[%swap3A_223, %swap3A_224], %swap3A_227 {strides = array<i32>} : memref<128x128xf32, #tpu.memory_space<vmem>>, vector<1x16xf32>,
        %get3A_228 = arith.index_cast %add3A_187 : i32 to index
        %get3A_229 = arith.constant 64 : index
        %get3A_230 = tpu.vector_load %arg13[%get3A_228, %get3A_229] {strides = array<i32>} : memref<128x128xf32, #tpu.memory_space<vmem>>, vector<1x16xf32>,
        %get3A_231 = vector.shape_cast %get3A_230 : vector<1x16xf32> to vector<16xf32>
        %mul3A_232 = arith.mulf %get3A_231, %gather3A_183 : vector<16xf32>
        %swap3A_233 = arith.index_cast %add3A_187 : i32 to index
        %swap3A_234 = arith.constant 64 : index
        %swap3A_235 = tpu.vector_load %arg13[%swap3A_233, %swap3A_234] {strides = array<i32>} : memref<128x128xf32, #tpu.memory_space<vmem>>, vector<1x16xf32>,
        %swap3A_236 = vector.shape_cast %swap3A_235 : vector<1x16xf32> to vector<16xf32>
        %swap3A_237 = vector.shape_cast %mul3A_232 : vector<16xf32> to vector<1x16xf32>
        tpu.vector_store %arg13[%swap3A_233, %swap3A_234], %swap3A_237 {strides = array<i32>} : memref<128x128xf32, #tpu.memory_space<vmem>>, vector<1x16xf32>,
        %get3A_238 = arith.index_cast %add3A_187 : i32 to index
        %get3A_239 = arith.constant 80 : index
        %get3A_240 = tpu.vector_load %arg13[%get3A_238, %get3A_239] {strides = array<i32>} : memref<128x128xf32, #tpu.memory_space<vmem>>, vector<1x16xf32>,
        %get3A_241 = vector.shape_cast %get3A_240 : vector<1x16xf32> to vector<16xf32>
        %mul3A_242 = arith.mulf %get3A_241, %gather3A_183 : vector<16xf32>
        %swap3A_243 = arith.index_cast %add3A_187 : i32 to index
        %swap3A_244 = arith.constant 80 : index
        %swap3A_245 = tpu.vector_load %arg13[%swap3A_243, %swap3A_244] {strides = array<i32>} : memref<128x128xf32, #tpu.memory_space<vmem>>, vector<1x16xf32>,
        %swap3A_246 = vector.shape_cast %swap3A_245 : vector<1x16xf32> to vector<16xf32>
        %swap3A_247 = vector.shape_cast %mul3A_242 : vector<16xf32> to vector<1x16xf32>
        tpu.vector_store %arg13[%swap3A_243, %swap3A_244], %swap3A_247 {strides = array<i32>} : memref<128x128xf32, #tpu.memory_space<vmem>>, vector<1x16xf32>,
        %get3A_248 = arith.index_cast %add3A_187 : i32 to index
        %get3A_249 = arith.constant 96 : index
        %get3A_250 = tpu.vector_load %arg13[%get3A_248, %get3A_249] {strides = array<i32>} : memref<128x128xf32, #tpu.memory_space<vmem>>, vector<1x16xf32>,
        %get3A_251 = vector.shape_cast %get3A_250 : vector<1x16xf32> to vector<16xf32>
        %mul3A_252 = arith.mulf %get3A_251, %gather3A_183 : vector<16xf32>
        %swap3A_253 = arith.index_cast %add3A_187 : i32 to index
        %swap3A_254 = arith.constant 96 : index
        %swap3A_255 = tpu.vector_load %arg13[%swap3A_253, %swap3A_254] {strides = array<i32>} : memref<128x128xf32, #tpu.memory_space<vmem>>, vector<1x16xf32>,
        %swap3A_256 = vector.shape_cast %swap3A_255 : vector<1x16xf32> to vector<16xf32>
        %swap3A_257 = vector.shape_cast %mul3A_252 : vector<16xf32> to vector<1x16xf32>
        tpu.vector_store %arg13[%swap3A_253, %swap3A_254], %swap3A_257 {strides = array<i32>} : memref<128x128xf32, #tpu.memory_space<vmem>>, vector<1x16xf32>,
        %get3A_258 = arith.index_cast %add3A_187 : i32 to index
        %get3A_259 = arith.constant 112 : index
        %get3A_260 = tpu.vector_load %arg13[%get3A_258, %get3A_259] {strides = array<i32>} : memref<128x128xf32, #tpu.memory_space<vmem>>, vector<1x16xf32>,
        %get3A_261 = vector.shape_cast %get3A_260 : vector<1x16xf32> to vector<16xf32>
        %mul3A_262 = arith.mulf %get3A_261, %gather3A_183 : vector<16xf32>
        %swap3A_263 = arith.index_cast %add3A_187 : i32 to index
        %swap3A_264 = arith.constant 112 : index
        %swap3A_265 = tpu.vector_load %arg13[%swap3A_263, %swap3A_264] {strides = array<i32>} : memref<128x128xf32, #tpu.memory_space<vmem>>, vector<1x16xf32>,
        %swap3A_266 = vector.shape_cast %swap3A_265 : vector<1x16xf32> to vector<16xf32>
        %swap3A_267 = vector.shape_cast %mul3A_262 : vector<16xf32> to vector<1x16xf32>
        tpu.vector_store %arg13[%swap3A_263, %swap3A_264], %swap3A_267 {strides = array<i32>} : memref<128x128xf32, #tpu.memory_space<vmem>>, vector<1x16xf32>,
        %broadcast_in_dim3A_268 = arith.constant 1 : i32
        %broadcast_in_dim3A_269 = vector.broadcast %broadcast_in_dim3A_268 : i32 to vector<16xi32>
        %lt3A_270 = arith.constant 0 : i32
        %lt3A_271 = vector.broadcast %lt3A_270 : i32 to vector<16xi32>
        %lt3A_272 = arith.cmpi slt, %broadcast_in_dim3A_269, %lt3A_271 : vector<16xi32>
        %add3A_273 = arith.constant 16 : i32
        %add3A_274 = vector.broadcast %add3A_273 : i32 to vector<16xi32>
        %add3A_275 = arith.addi %broadcast_in_dim3A_269, %add3A_274 : vector<16xi32>
        %select_n3A_276 = arith.select %lt3A_272, %add3A_275, %broadcast_in_dim3A_269 : vector<16xi1>, vector<16xi32>
        %broadcast_in_dim3A_277 = vector.shape_cast %select_n3A_276 : vector<16xi32> to vector<16x1xi32>
        %gather3A_278 = vector.shape_cast %broadcast_in_dim3A_277 : vector<16x1xi32> to vector<16xi32>
        %gather3A_279 = tpu.dynamic_gather %get3A_172[%gather3A_278] in [0] : vector<16xf32>, vector<16xi32> -> vector<16xf32>
        %mul3A_280 = arith.constant 16 : i32
        %mul3A_281 = arith.muli %mul3A_280, %scan3A_167 : i32
        %add3A_282 = arith.constant 1 : i32
        %add3A_283 = arith.addi %mul3A_281, %add3A_282 : i32
        %get3A_284 = arith.index_cast %add3A_283 : i32 to index
        %get3A_285 = arith.constant 0 : index
        %get3A_286 = tpu.vector_load %arg13[%get3A_284, %get3A_285] {strides = array<i32>} : memref<128x128xf32, #tpu.memory_space<vmem>>, vector<1x16xf32>,
        %get3A_287 = vector.shape_cast %get3A_286 : vector<1x16xf32> to vector<16xf32>
        %mul3A_288 = arith.mulf %get3A_287, %gather3A_279 : vector<16xf32>
        %swap3A_289 = arith.index_cast %add3A_283 : i32 to index
        %swap3A_290 = arith.constant 0 : index
        %swap3A_291 = tpu.vector_load %arg13[%swap3A_289, %swap3A_290] {strides = array<i32>} : memref<128x128xf32, #tpu.memory_space<vmem>>, vector<1x16xf32>,
        %swap3A_292 = vector.shape_cast %swap3A_291 : vector<1x16xf32> to vector<16xf32>
        %swap3A_293 = vector.shape_cast %mul3A_288 : vector<16xf32> to vector<1x16xf32>
        tpu.vector_store %arg13[%swap3A_289, %swap3A_290], %swap3A_293 {strides = array<i32>} : memref<128x128xf32, #tpu.memory_space<vmem>>, vector<1x16xf32>,
        %get3A_294 = arith.index_cast %add3A_283 : i32 to index
        %get3A_295 = arith.constant 16 : index
        %get3A_296 = tpu.vector_load %arg13[%get3A_294, %get3A_295] {strides = array<i32>} : memref<128x128xf32, #tpu.memory_space<vmem>>, vector<1x16xf32>,
        %get3A_297 = vector.shape_cast %get3A_296 : vector<1x16xf32> to vector<16xf32>
        %mul3A_298 = arith.mulf %get3A_297, %gather3A_279 : vector<16xf32>
        %swap3A_299 = arith.index_cast %add3A_283 : i32 to index
        %swap3A_300 = arith.constant 16 : index
        %swap3A_301 = tpu.vector_load %arg13[%swap3A_299, %swap3A_300] {strides = array<i32>} : memref<128x128xf32, #tpu.memory_space<vmem>>, vector<1x16xf32>,
        %swap3A_302 = vector.shape_cast %swap3A_301 : vector<1x16xf32> to vector<16xf32>
        %swap3A_303 = vector.shape_cast %mul3A_298 : vector<16xf32> to vector<1x16xf32>
        tpu.vector_store %arg13[%swap3A_299, %swap3A_300], %swap3A_303 {strides = array<i32>} : memref<128x128xf32, #tpu.memory_space<vmem>>, vector<1x16xf32>,
        %get3A_304 = arith.index_cast %add3A_283 : i32 to index
        %get3A_305 = arith.constant 32 : index
        %get3A_306 = tpu.vector_load %arg13[%get3A_304, %get3A_305] {strides = array<i32>} : memref<128x128xf32, #tpu.memory_space<vmem>>, vector<1x16xf32>,
        %get3A_307 = vector.shape_cast %get3A_306 : vector<1x16xf32> to vector<16xf32>
        %mul3A_308 = arith.mulf %get3A_307, %gather3A_279 : vector<16xf32>
        %swap3A_309 = arith.index_cast %add3A_283 : i32 to index
        %swap3A_310 = arith.constant 32 : index
        %swap3A_311 = tpu.vector_load %arg13[%swap3A_309, %swap3A_310] {strides = array<i32>} : memref<128x128xf32, #tpu.memory_space<vmem>>, vector<1x16xf32>,
        %swap3A_312 = vector.shape_cast %swap3A_311 : vector<1x16xf32> to vector<16xf32>
        %swap3A_313 = vector.shape_cast %mul3A_308 : vector<16xf32> to vector<1x16xf32>
        tpu.vector_store %arg13[%swap3A_309, %swap3A_310], %swap3A_313 {strides = array<i32>} : memref<128x128xf32, #tpu.memory_space<vmem>>, vector<1x16xf32>,
        %get3A_314 = arith.index_cast %add3A_283 : i32 to index
        %get3A_315 = arith.constant 48 : index
        %get3A_316 = tpu.vector_load %arg13[%get3A_314, %get3A_315] {strides = array<i32>} : memref<128x128xf32, #tpu.memory_space<vmem>>, vector<1x16xf32>,
        %get3A_317 = vector.shape_cast %get3A_316 : vector<1x16xf32> to vector<16xf32>
        %mul3A_318 = arith.mulf %get3A_317, %gather3A_279 : vector<16xf32>
        %swap3A_319 = arith.index_cast %add3A_283 : i32 to index
        %swap3A_320 = arith.constant 48 : index
        %swap3A_321 = tpu.vector_load %arg13[%swap3A_319, %swap3A_320] {strides = array<i32>} : memref<128x128xf32, #tpu.memory_space<vmem>>, vector<1x16xf32>,
        %swap3A_322 = vector.shape_cast %swap3A_321 : vector<1x16xf32> to vector<16xf32>
        %swap3A_323 = vector.shape_cast %mul3A_318 : vector<16xf32> to vector<1x16xf32>
        tpu.vector_store %arg13[%swap3A_319, %swap3A_320], %swap3A_323 {strides = array<i32>} : memref<128x128xf32, #tpu.memory_space<vmem>>, vector<1x16xf32>,
        %get3A_324 = arith.index_cast %add3A_283 : i32 to index
        %get3A_325 = arith.constant 64 : index
        %get3A_326 = tpu.vector_load %arg13[%get3A_324, %get3A_325] {strides = array<i32>} : memref<128x128xf32, #tpu.memory_space<vmem>>, vector<1x16xf32>,
        %get3A_327 = vector.shape_cast %get3A_326 : vector<1x16xf32> to vector<16xf32>
        %mul3A_328 = arith.mulf %get3A_327, %gather3A_279 : vector<16xf32>
        %swap3A_329 = arith.index_cast %add3A_283 : i32 to index
        %swap3A_330 = arith.constant 64 : index
        %swap3A_331 = tpu.vector_load %arg13[%swap3A_329, %swap3A_330] {strides = array<i32>} : memref<128x128xf32, #tpu.memory_space<vmem>>, vector<1x16xf32>,
        %swap3A_332 = vector.shape_cast %swap3A_331 : vector<1x16xf32> to vector<16xf32>
        %swap3A_333 = vector.shape_cast %mul3A_328 : vector<16xf32> to vector<1x16xf32>
        tpu.vector_store %arg13[%swap3A_329, %swap3A_330], %swap3A_333 {strides = array<i32>} : memref<128x128xf32, #tpu.memory_space<vmem>>, vector<1x16xf32>,
        %get3A_334 = arith.index_cast %add3A_283 : i32 to index
        %get3A_335 = arith.constant 80 : index
        %get3A_336 = tpu.vector_load %arg13[%get3A_334, %get3A_335] {strides = array<i32>} : memref<128x128xf32, #tpu.memory_space<vmem>>, vector<1x16xf32>,
        %get3A_337 = vector.shape_cast %get3A_336 : vector<1x16xf32> to vector<16xf32>
        %mul3A_338 = arith.mulf %get3A_337, %gather3A_279 : vector<16xf32>
        %swap3A_339 = arith.index_cast %add3A_283 : i32 to index
        %swap3A_340 = arith.constant 80 : index
        %swap3A_341 = tpu.vector_load %arg13[%swap3A_339, %swap3A_340] {strides = array<i32>} : memref<128x128xf32, #tpu.memory_space<vmem>>, vector<1x16xf32>,
        %swap3A_342 = vector.shape_cast %swap3A_341 : vector<1x16xf32> to vector<16xf32>
        %swap3A_343 = vector.shape_cast %mul3A_338 : vector<16xf32> to vector<1x16xf32>
        tpu.vector_store %arg13[%swap3A_339, %swap3A_340], %swap3A_343 {strides = array<i32>} : memref<128x128xf32, #tpu.memory_space<vmem>>, vector<1x16xf32>,
        %get3A_344 = arith.index_cast %add3A_283 : i32 to index
        %get3A_345 = arith.constant 96 : index
        %get3A_346 = tpu.vector_load %arg13[%get3A_344, %get3A_345] {strides = array<i32>} : memref<128x128xf32, #tpu.memory_space<vmem>>, vector<1x16xf32>,
        %get3A_347 = vector.shape_cast %get3A_346 : vector<1x16xf32> to vector<16xf32>
        %mul3A_348 = arith.mulf %get3A_347, %gather3A_279 : vector<16xf32>
        %swap3A_349 = arith.index_cast %add3A_283 : i32 to index
        %swap3A_350 = arith.constant 96 : index
        %swap3A_351 = tpu.vector_load %arg13[%swap3A_349, %swap3A_350] {strides = array<i32>} : memref<128x128xf32, #tpu.memory_space<vmem>>, vector<1x16xf32>,
        %swap3A_352 = vector.shape_cast %swap3A_351 : vector<1x16xf32> to vector<16xf32>
        %swap3A_353 = vector.shape_cast %mul3A_348 : vector<16xf32> to vector<1x16xf32>
        tpu.vector_store %arg13[%swap3A_349, %swap3A_350], %swap3A_353 {strides = array<i32>} : memref<128x128xf32, #tpu.memory_space<vmem>>, vector<1x16xf32>,
        %get3A_354 = arith.index_cast %add3A_283 : i32 to index
        %get3A_355 = arith.constant 112 : index
        %get3A_356 = tpu.vector_load %arg13[%get3A_354, %get3A_355] {strides = array<i32>} : memref<128x128xf32, #tpu.memory_space<vmem>>, vector<1x16xf32>,
        %get3A_357 = vector.shape_cast %get3A_356 : vector<1x16xf32> to vector<16xf32>
        %mul3A_358 = arith.mulf %get3A_357, %gather3A_279 : vector<16xf32>
        %swap3A_359 = arith.index_cast %add3A_283 : i32 to index
        %swap3A_360 = arith.constant 112 : index
        %swap3A_361 = tpu.vector_load %arg13[%swap3A_359, %swap3A_360] {strides = array<i32>} : memref<128x128xf32, #tpu.memory_space<vmem>>, vector<1x16xf32>,
        %swap3A_362 = vector.shape_cast %swap3A_361 : vector<1x16xf32> to vector<16xf32>
        %swap3A_363 = vector.shape_cast %mul3A_358 : vector<16xf32> to vector<1x16xf32>
        tpu.vector_store %arg13[%swap3A_359, %swap3A_360], %swap3A_363 {strides = array<i32>} : memref<128x128xf32, #tpu.memory_space<vmem>>, vector<1x16xf32>,
        %broadcast_in_dim3A_364 = arith.constant 2 : i32
        %broadcast_in_dim3A_365 = vector.broadcast %broadcast_in_dim3A_364 : i32 to vector<16xi32>
        %lt3A_366 = arith.constant 0 : i32
        %lt3A_367 = vector.broadcast %lt3A_366 : i32 to vector<16xi32>
        %lt3A_368 = arith.cmpi slt, %broadcast_in_dim3A_365, %lt3A_367 : vector<16xi32>
        %add3A_369 = arith.constant 16 : i32
        %add3A_370 = vector.broadcast %add3A_369 : i32 to vector<16xi32>
        %add3A_371 = arith.addi %broadcast_in_dim3A_365, %add3A_370 : vector<16xi32>
        %select_n3A_372 = arith.select %lt3A_368, %add3A_371, %broadcast_in_dim3A_365 : vector<16xi1>, vector<16xi32>
        %broadcast_in_dim3A_373 = vector.shape_cast %select_n3A_372 : vector<16xi32> to vector<16x1xi32>
        %gather3A_374 = vector.shape_cast %broadcast_in_dim3A_373 : vector<16x1xi32> to vector<16xi32>
        %gather3A_375 = tpu.dynamic_gather %get3A_172[%gather3A_374] in [0] : vector<16xf32>, vector<16xi32> -> vector<16xf32>
        %mul3A_376 = arith.constant 16 : i32
        %mul3A_377 = arith.muli %mul3A_376, %scan3A_167 : i32
        %add3A_378 = arith.constant 2 : i32
        %add3A_379 = arith.addi %mul3A_377, %add3A_378 : i32
        %get3A_380 = arith.index_cast %add3A_379 : i32 to index
        %get3A_381 = arith.constant 0 : index
        %get3A_382 = tpu.vector_load %arg13[%get3A_380, %get3A_381] {strides = array<i32>} : memref<128x128xf32, #tpu.memory_space<vmem>>, vector<1x16xf32>,
        %get3A_383 = vector.shape_cast %get3A_382 : vector<1x16xf32> to vector<16xf32>
        %mul3A_384 = arith.mulf %get3A_383, %gather3A_375 : vector<16xf32>
        %swap3A_385 = arith.index_cast %add3A_379 : i32 to index
        %swap3A_386 = arith.constant 0 : index
        %swap3A_387 = tpu.vector_load %arg13[%swap3A_385, %swap3A_386] {strides = array<i32>} : memref<128x128xf32, #tpu.memory_space<vmem>>, vector<1x16xf32>,
        %swap3A_388 = vector.shape_cast %swap3A_387 : vector<1x16xf32> to vector<16xf32>
        %swap3A_389 = vector.shape_cast %mul3A_384 : vector<16xf32> to vector<1x16xf32>
        tpu.vector_store %arg13[%swap3A_385, %swap3A_386], %swap3A_389 {strides = array<i32>} : memref<128x128xf32, #tpu.memory_space<vmem>>, vector<1x16xf32>,
        %get3A_390 = arith.index_cast %add3A_379 : i32 to index
        %get3A_391 = arith.constant 16 : index
        %get3A_392 = tpu.vector_load %arg13[%get3A_390, %get3A_391] {strides = array<i32>} : memref<128x128xf32, #tpu.memory_space<vmem>>, vector<1x16xf32>,
        %get3A_393 = vector.shape_cast %get3A_392 : vector<1x16xf32> to vector<16xf32>
        %mul3A_394 = arith.mulf %get3A_393, %gather3A_375 : vector<16xf32>
        %swap3A_395 = arith.index_cast %add3A_379 : i32 to index
        %swap3A_396 = arith.constant 16 : index
        %swap3A_397 = tpu.vector_load %arg13[%swap3A_395, %swap3A_396] {strides = array<i32>} : memref<128x128xf32, #tpu.memory_space<vmem>>, vector<1x16xf32>,
        %swap3A_398 = vector.shape_cast %swap3A_397 : vector<1x16xf32> to vector<16xf32>
        %swap3A_399 = vector.shape_cast %mul3A_394 : vector<16xf32> to vector<1x16xf32>
        tpu.vector_store %arg13[%swap3A_395, %swap3A_396], %swap3A_399 {strides = array<i32>} : memref<128x128xf32, #tpu.memory_space<vmem>>, vector<1x16xf32>,
        %get3A_400 = arith.index_cast %add3A_379 : i32 to index
        %get3A_401 = arith.constant 32 : index
        %get3A_402 = tpu.vector_load %arg13[%get3A_400, %get3A_401] {strides = array<i32>} : memref<128x128xf32, #tpu.memory_space<vmem>>, vector<1x16xf32>,
        %get3A_403 = vector.shape_cast %get3A_402 : vector<1x16xf32> to vector<16xf32>
        %mul3A_404 = arith.mulf %get3A_403, %gather3A_375 : vector<16xf32>
        %swap3A_405 = arith.index_cast %add3A_379 : i32 to index
        %swap3A_406 = arith.constant 32 : index
        %swap3A_407 = tpu.vector_load %arg13[%swap3A_405, %swap3A_406] {strides = array<i32>} : memref<128x128xf32, #tpu.memory_space<vmem>>, vector<1x16xf32>,
        %swap3A_408 = vector.shape_cast %swap3A_407 : vector<1x16xf32> to vector<16xf32>
        %swap3A_409 = vector.shape_cast %mul3A_404 : vector<16xf32> to vector<1x16xf32>
        tpu.vector_store %arg13[%swap3A_405, %swap3A_406], %swap3A_409 {strides = array<i32>} : memref<128x128xf32, #tpu.memory_space<vmem>>, vector<1x16xf32>,
        %get3A_410 = arith.index_cast %add3A_379 : i32 to index
        %get3A_411 = arith.constant 48 : index
        %get3A_412 = tpu.vector_load %arg13[%get3A_410, %get3A_411] {strides = array<i32>} : memref<128x128xf32, #tpu.memory_space<vmem>>, vector<1x16xf32>,
        %get3A_413 = vector.shape_cast %get3A_412 : vector<1x16xf32> to vector<16xf32>
        %mul3A_414 = arith.mulf %get3A_413, %gather3A_375 : vector<16xf32>
        %swap3A_415 = arith.index_cast %add3A_379 : i32 to index
        %swap3A_416 = arith.constant 48 : index
        %swap3A_417 = tpu.vector_load %arg13[%swap3A_415, %swap3A_416] {strides = array<i32>} : memref<128x128xf32, #tpu.memory_space<vmem>>, vector<1x16xf32>,
        %swap3A_418 = vector.shape_cast %swap3A_417 : vector<1x16xf32> to vector<16xf32>
        %swap3A_419 = vector.shape_cast %mul3A_414 : vector<16xf32> to vector<1x16xf32>
        tpu.vector_store %arg13[%swap3A_415, %swap3A_416], %swap3A_419 {strides = array<i32>} : memref<128x128xf32, #tpu.memory_space<vmem>>, vector<1x16xf32>,
        %get3A_420 = arith.index_cast %add3A_379 : i32 to index
        %get3A_421 = arith.constant 64 : index
        %get3A_422 = tpu.vector_load %arg13[%get3A_420, %get3A_421] {strides = array<i32>} : memref<128x128xf32, #tpu.memory_space<vmem>>, vector<1x16xf32>,
        %get3A_423 = vector.shape_cast %get3A_422 : vector<1x16xf32> to vector<16xf32>
        %mul3A_424 = arith.mulf %get3A_423, %gather3A_375 : vector<16xf32>
        %swap3A_425 = arith.index_cast %add3A_379 : i32 to index
        %swap3A_426 = arith.constant 64 : index
        %swap3A_427 = tpu.vector_load %arg13[%swap3A_425, %swap3A_426] {strides = array<i32>} : memref<128x128xf32, #tpu.memory_space<vmem>>, vector<1x16xf32>,
        %swap3A_428 = vector.shape_cast %swap3A_427 : vector<1x16xf32> to vector<16xf32>
        %swap3A_429 = vector.shape_cast %mul3A_424 : vector<16xf32> to vector<1x16xf32>
        tpu.vector_store %arg13[%swap3A_425, %swap3A_426], %swap3A_429 {strides = array<i32>} : memref<128x128xf32, #tpu.memory_space<vmem>>, vector<1x16xf32>,
        %get3A_430 = arith.index_cast %add3A_379 : i32 to index
        %get3A_431 = arith.constant 80 : index
        %get3A_432 = tpu.vector_load %arg13[%get3A_430, %get3A_431] {strides = array<i32>} : memref<128x128xf32, #tpu.memory_space<vmem>>, vector<1x16xf32>,
        %get3A_433 = vector.shape_cast %get3A_432 : vector<1x16xf32> to vector<16xf32>
        %mul3A_434 = arith.mulf %get3A_433, %gather3A_375 : vector<16xf32>
        %swap3A_435 = arith.index_cast %add3A_379 : i32 to index
        %swap3A_436 = arith.constant 80 : index
        %swap3A_437 = tpu.vector_load %arg13[%swap3A_435, %swap3A_436] {strides = array<i32>} : memref<128x128xf32, #tpu.memory_space<vmem>>, vector<1x16xf32>,
        %swap3A_438 = vector.shape_cast %swap3A_437 : vector<1x16xf32> to vector<16xf32>
        %swap3A_439 = vector.shape_cast %mul3A_434 : vector<16xf32> to vector<1x16xf32>
        tpu.vector_store %arg13[%swap3A_435, %swap3A_436], %swap3A_439 {strides = array<i32>} : memref<128x128xf32, #tpu.memory_space<vmem>>, vector<1x16xf32>,
        %get3A_440 = arith.index_cast %add3A_379 : i32 to index
        %get3A_441 = arith.constant 96 : index
        %get3A_442 = tpu.vector_load %arg13[%get3A_440, %get3A_441] {strides = array<i32>} : memref<128x128xf32, #tpu.memory_space<vmem>>, vector<1x16xf32>,
        %get3A_443 = vector.shape_cast %get3A_442 : vector<1x16xf32> to vector<16xf32>
        %mul3A_444 = arith.mulf %get3A_443, %gather3A_375 : vector<16xf32>
        %swap3A_445 = arith.index_cast %add3A_379 : i32 to index
        %swap3A_446 = arith.constant 96 : index
        %swap3A_447 = tpu.vector_load %arg13[%swap3A_445, %swap3A_446] {strides = array<i32>} : memref<128x128xf32, #tpu.memory_space<vmem>>, vector<1x16xf32>,
        %swap3A_448 = vector.shape_cast %swap3A_447 : vector<1x16xf32> to vector<16xf32>
        %swap3A_449 = vector.shape_cast %mul3A_444 : vector<16xf32> to vector<1x16xf32>
        tpu.vector_store %arg13[%swap3A_445, %swap3A_446], %swap3A_449 {strides = array<i32>} : memref<128x128xf32, #tpu.memory_space<vmem>>, vector<1x16xf32>,
        %get3A_450 = arith.index_cast %add3A_379 : i32 to index
        %get3A_451 = arith.constant 112 : index
        %get3A_452 = tpu.vector_load %arg13[%get3A_450, %get3A_451] {strides = array<i32>} : memref<128x128xf32, #tpu.memory_space<vmem>>, vector<1x16xf32>,
        %get3A_453 = vector.shape_cast %get3A_452 : vector<1x16xf32> to vector<16xf32>
        %mul3A_454 = arith.mulf %get3A_453, %gather3A_375 : vector<16xf32>
        %swap3A_455 = arith.index_cast %add3A_379 : i32 to index
        %swap3A_456 = arith.constant 112 : index
        %swap3A_457 = tpu.vector_load %arg13[%swap3A_455, %swap3A_456] {strides = array<i32>} : memref<128x128xf32, #tpu.memory_space<vmem>>, vector<1x16xf32>,
        %swap3A_458 = vector.shape_cast %swap3A_457 : vector<1x16xf32> to vector<16xf32>
        %swap3A_459 = vector.shape_cast %mul3A_454 : vector<16xf32> to vector<1x16xf32>
        tpu.vector_store %arg13[%swap3A_455, %swap3A_456], %swap3A_459 {strides = array<i32>} : memref<128x128xf32, #tpu.memory_space<vmem>>, vector<1x16xf32>,
        %broadcast_in_dim3A_460 = arith.constant 3 : i32
        %broadcast_in_dim3A_461 = vector.broadcast %broadcast_in_dim3A_460 : i32 to vector<16xi32>
        %lt3A_462 = arith.constant 0 : i32
        %lt3A_463 = vector.broadcast %lt3A_462 : i32 to vector<16xi32>
        %lt3A_464 = arith.cmpi slt, %broadcast_in_dim3A_461, %lt3A_463 : vector<16xi32>
        %add3A_465 = arith.constant 16 : i32
        %add3A_466 = vector.broadcast %add3A_465 : i32 to vector<16xi32>
        %add3A_467 = arith.addi %broadcast_in_dim3A_461, %add3A_466 : vector<16xi32>
        %select_n3A_468 = arith.select %lt3A_464, %add3A_467, %broadcast_in_dim3A_461 : vector<16xi1>, vector<16xi32>
        %broadcast_in_dim3A_469 = vector.shape_cast %select_n3A_468 : vector<16xi32> to vector<16x1xi32>
        %gather3A_470 = vector.shape_cast %broadcast_in_dim3A_469 : vector<16x1xi32> to vector<16xi32>
        %gather3A_471 = tpu.dynamic_gather %get3A_172[%gather3A_470] in [0] : vector<16xf32>, vector<16xi32> -> vector<16xf32>
        %mul3A_472 = arith.constant 16 : i32
        %mul3A_473 = arith.muli %mul3A_472, %scan3A_167 : i32
        %add3A_474 = arith.constant 3 : i32
        %add3A_475 = arith.addi %mul3A_473, %add3A_474 : i32
        %get3A_476 = arith.index_cast %add3A_475 : i32 to index
        %get3A_477 = arith.constant 0 : index
        %get3A_478 = tpu.vector_load %arg13[%get3A_476, %get3A_477] {strides = array<i32>} : memref<128x128xf32, #tpu.memory_space<vmem>>, vector<1x16xf32>,
        %get3A_479 = vector.shape_cast %get3A_478 : vector<1x16xf32> to vector<16xf32>
        %mul3A_480 = arith.mulf %get3A_479, %gather3A_471 : vector<16xf32>
        %swap3A_481 = arith.index_cast %add3A_475 : i32 to index
        %swap3A_482 = arith.constant 0 : index
        %swap3A_483 = tpu.vector_load %arg13[%swap3A_481, %swap3A_482] {strides = array<i32>} : memref<128x128xf32, #tpu.memory_space<vmem>>, vector<1x16xf32>,
        %swap3A_484 = vector.shape_cast %swap3A_483 : vector<1x16xf32> to vector<16xf32>
        %swap3A_485 = vector.shape_cast %mul3A_480 : vector<16xf32> to vector<1x16xf32>
        tpu.vector_store %arg13[%swap3A_481, %swap3A_482], %swap3A_485 {strides = array<i32>} : memref<128x128xf32, #tpu.memory_space<vmem>>, vector<1x16xf32>,
        %get3A_486 = arith.index_cast %add3A_475 : i32 to index
        %get3A_487 = arith.constant 16 : index
        %get3A_488 = tpu.vector_load %arg13[%get3A_486, %get3A_487] {strides = array<i32>} : memref<128x128xf32, #tpu.memory_space<vmem>>, vector<1x16xf32>,
        %get3A_489 = vector.shape_cast %get3A_488 : vector<1x16xf32> to vector<16xf32>
        %mul3A_490 = arith.mulf %get3A_489, %gather3A_471 : vector<16xf32>
        %swap3A_491 = arith.index_cast %add3A_475 : i32 to index
        %swap3A_492 = arith.constant 16 : index
        %swap3A_493 = tpu.vector_load %arg13[%swap3A_491, %swap3A_492] {strides = array<i32>} : memref<128x128xf32, #tpu.memory_space<vmem>>, vector<1x16xf32>,
        %swap3A_494 = vector.shape_cast %swap3A_493 : vector<1x16xf32> to vector<16xf32>
        %swap3A_495 = vector.shape_cast %mul3A_490 : vector<16xf32> to vector<1x16xf32>
        tpu.vector_store %arg13[%swap3A_491, %swap3A_492], %swap3A_495 {strides = array<i32>} : memref<128x128xf32, #tpu.memory_space<vmem>>, vector<1x16xf32>,
        %get3A_496 = arith.index_cast %add3A_475 : i32 to index
        %get3A_497 = arith.constant 32 : index
        %get3A_498 = tpu.vector_load %arg13[%get3A_496, %get3A_497] {strides = array<i32>} : memref<128x128xf32, #tpu.memory_space<vmem>>, vector<1x16xf32>,
        %get3A_499 = vector.shape_cast %get3A_498 : vector<1x16xf32> to vector<16xf32>
        %mul3A_500 = arith.mulf %get3A_499, %gather3A_471 : vector<16xf32>
        %swap3A_501 = arith.index_cast %add3A_475 : i32 to index
        %swap3A_502 = arith.constant 32 : index
        %swap3A_503 = tpu.vector_load %arg13[%swap3A_501, %swap3A_502] {strides = array<i32>} : memref<128x128xf32, #tpu.memory_space<vmem>>, vector<1x16xf32>,
        %swap3A_504 = vector.shape_cast %swap3A_503 : vector<1x16xf32> to vector<16xf32>
        %swap3A_505 = vector.shape_cast %mul3A_500 : vector<16xf32> to vector<1x16xf32>
        tpu.vector_store %arg13[%swap3A_501, %swap3A_502], %swap3A_505 {strides = array<i32>} : memref<128x128xf32, #tpu.memory_space<vmem>>, vector<1x16xf32>,
        %get3A_506 = arith.index_cast %add3A_475 : i32 to index
        %get3A_507 = arith.constant 48 : index
        %get3A_508 = tpu.vector_load %arg13[%get3A_506, %get3A_507] {strides = array<i32>} : memref<128x128xf32, #tpu.memory_space<vmem>>, vector<1x16xf32>,
        %get3A_509 = vector.shape_cast %get3A_508 : vector<1x16xf32> to vector<16xf32>
        %mul3A_510 = arith.mulf %get3A_509, %gather3A_471 : vector<16xf32>
        %swap3A_511 = arith.index_cast %add3A_475 : i32 to index
        %swap3A_512 = arith.constant 48 : index
        %swap3A_513 = tpu.vector_load %arg13[%swap3A_511, %swap3A_512] {strides = array<i32>} : memref<128x128xf32, #tpu.memory_space<vmem>>, vector<1x16xf32>,
        %swap3A_514 = vector.shape_cast %swap3A_513 : vector<1x16xf32> to vector<16xf32>
        %swap3A_515 = vector.shape_cast %mul3A_510 : vector<16xf32> to vector<1x16xf32>
        tpu.vector_store %arg13[%swap3A_511, %swap3A_512], %swap3A_515 {strides = array<i32>} : memref<128x128xf32, #tpu.memory_space<vmem>>, vector<1x16xf32>,
        %get3A_516 = arith.index_cast %add3A_475 : i32 to index
        %get3A_517 = arith.constant 64 : index
        %get3A_518 = tpu.vector_load %arg13[%get3A_516, %get3A_517] {strides = array<i32>} : memref<128x128xf32, #tpu.memory_space<vmem>>, vector<1x16xf32>,
        %get3A_519 = vector.shape_cast %get3A_518 : vector<1x16xf32> to vector<16xf32>
        %mul3A_520 = arith.mulf %get3A_519, %gather3A_471 : vector<16xf32>
        %swap3A_521 = arith.index_cast %add3A_475 : i32 to index
        %swap3A_522 = arith.constant 64 : index
        %swap3A_523 = tpu.vector_load %arg13[%swap3A_521, %swap3A_522] {strides = array<i32>} : memref<128x128xf32, #tpu.memory_space<vmem>>, vector<1x16xf32>,
        %swap3A_524 = vector.shape_cast %swap3A_523 : vector<1x16xf32> to vector<16xf32>
        %swap3A_525 = vector.shape_cast %mul3A_520 : vector<16xf32> to vector<1x16xf32>
        tpu.vector_store %arg13[%swap3A_521, %swap3A_522], %swap3A_525 {strides = array<i32>} : memref<128x128xf32, #tpu.memory_space<vmem>>, vector<1x16xf32>,
        %get3A_526 = arith.index_cast %add3A_475 : i32 to index
        %get3A_527 = arith.constant 80 : index
        %get3A_528 = tpu.vector_load %arg13[%get3A_526, %get3A_527] {strides = array<i32>} : memref<128x128xf32, #tpu.memory_space<vmem>>, vector<1x16xf32>,
        %get3A_529 = vector.shape_cast %get3A_528 : vector<1x16xf32> to vector<16xf32>
        %mul3A_530 = arith.mulf %get3A_529, %gather3A_471 : vector<16xf32>
        %swap3A_531 = arith.index_cast %add3A_475 : i32 to index
        %swap3A_532 = arith.constant 80 : index
        %swap3A_533 = tpu.vector_load %arg13[%swap3A_531, %swap3A_532] {strides = array<i32>} : memref<128x128xf32, #tpu.memory_space<vmem>>, vector<1x16xf32>,
        %swap3A_534 = vector.shape_cast %swap3A_533 : vector<1x16xf32> to vector<16xf32>
        %swap3A_535 = vector.shape_cast %mul3A_530 : vector<16xf32> to vector<1x16xf32>
        tpu.vector_store %arg13[%swap3A_531, %swap3A_532], %swap3A_535 {strides = array<i32>} : memref<128x128xf32, #tpu.memory_space<vmem>>, vector<1x16xf32>,
        %get3A_536 = arith.index_cast %add3A_475 : i32 to index
        %get3A_537 = arith.constant 96 : index
        %get3A_538 = tpu.vector_load %arg13[%get3A_536, %get3A_537] {strides = array<i32>} : memref<128x128xf32, #tpu.memory_space<vmem>>, vector<1x16xf32>,
        %get3A_539 = vector.shape_cast %get3A_538 : vector<1x16xf32> to vector<16xf32>
        %mul3A_540 = arith.mulf %get3A_539, %gather3A_471 : vector<16xf32>
        %swap3A_541 = arith.index_cast %add3A_475 : i32 to index
        %swap3A_542 = arith.constant 96 : index
        %swap3A_543 = tpu.vector_load %arg13[%swap3A_541, %swap3A_542] {strides = array<i32>} : memref<128x128xf32, #tpu.memory_space<vmem>>, vector<1x16xf32>,
        %swap3A_544 = vector.shape_cast %swap3A_543 : vector<1x16xf32> to vector<16xf32>
        %swap3A_545 = vector.shape_cast %mul3A_540 : vector<16xf32> to vector<1x16xf32>
        tpu.vector_store %arg13[%swap3A_541, %swap3A_542], %swap3A_545 {strides = array<i32>} : memref<128x128xf32, #tpu.memory_space<vmem>>, vector<1x16xf32>,
        %get3A_546 = arith.index_cast %add3A_475 : i32 to index
        %get3A_547 = arith.constant 112 : index
        %get3A_548 = tpu.vector_load %arg13[%get3A_546, %get3A_547] {strides = array<i32>} : memref<128x128xf32, #tpu.memory_space<vmem>>, vector<1x16xf32>,
        %get3A_549 = vector.shape_cast %get3A_548 : vector<1x16xf32> to vector<16xf32>
        %mul3A_550 = arith.mulf %get3A_549, %gather3A_471 : vector<16xf32>
        %swap3A_551 = arith.index_cast %add3A_475 : i32 to index
        %swap3A_552 = arith.constant 112 : index
        %swap3A_553 = tpu.vector_load %arg13[%swap3A_551, %swap3A_552] {strides = array<i32>} : memref<128x128xf32, #tpu.memory_space<vmem>>, vector<1x16xf32>,
        %swap3A_554 = vector.shape_cast %swap3A_553 : vector<1x16xf32> to vector<16xf32>
        %swap3A_555 = vector.shape_cast %mul3A_550 : vector<16xf32> to vector<1x16xf32>
        tpu.vector_store %arg13[%swap3A_551, %swap3A_552], %swap3A_555 {strides = array<i32>} : memref<128x128xf32, #tpu.memory_space<vmem>>, vector<1x16xf32>,
        %broadcast_in_dim3A_556 = arith.constant 4 : i32
        %broadcast_in_dim3A_557 = vector.broadcast %broadcast_in_dim3A_556 : i32 to vector<16xi32>
        %lt3A_558 = arith.constant 0 : i32
        %lt3A_559 = vector.broadcast %lt3A_558 : i32 to vector<16xi32>
        %lt3A_560 = arith.cmpi slt, %broadcast_in_dim3A_557, %lt3A_559 : vector<16xi32>
        %add3A_561 = arith.constant 16 : i32
        %add3A_562 = vector.broadcast %add3A_561 : i32 to vector<16xi32>
        %add3A_563 = arith.addi %broadcast_in_dim3A_557, %add3A_562 : vector<16xi32>
        %select_n3A_564 = arith.select %lt3A_560, %add3A_563, %broadcast_in_dim3A_557 : vector<16xi1>, vector<16xi32>
        %broadcast_in_dim3A_565 = vector.shape_cast %select_n3A_564 : vector<16xi32> to vector<16x1xi32>
        %gather3A_566 = vector.shape_cast %broadcast_in_dim3A_565 : vector<16x1xi32> to vector<16xi32>
        %gather3A_567 = tpu.dynamic_gather %get3A_172[%gather3A_566] in [0] : vector<16xf32>, vector<16xi32> -> vector<16xf32>
        %mul3A_568 = arith.constant 16 : i32
        %mul3A_569 = arith.muli %mul3A_568, %scan3A_167 : i32
        %add3A_570 = arith.constant 4 : i32
        %add3A_571 = arith.addi %mul3A_569, %add3A_570 : i32
        %get3A_572 = arith.index_cast %add3A_571 : i32 to index
        %get3A_573 = arith.constant 0 : index
        %get3A_574 = tpu.vector_load %arg13[%get3A_572, %get3A_573] {strides = array<i32>} : memref<128x128xf32, #tpu.memory_space<vmem>>, vector<1x16xf32>,
        %get3A_575 = vector.shape_cast %get3A_574 : vector<1x16xf32> to vector<16xf32>
        %mul3A_576 = arith.mulf %get3A_575, %gather3A_567 : vector<16xf32>
        %swap3A_577 = arith.index_cast %add3A_571 : i32 to index
        %swap3A_578 = arith.constant 0 : index
        %swap3A_579 = tpu.vector_load %arg13[%swap3A_577, %swap3A_578] {strides = array<i32>} : memref<128x128xf32, #tpu.memory_space<vmem>>, vector<1x16xf32>,
        %swap3A_580 = vector.shape_cast %swap3A_579 : vector<1x16xf32> to vector<16xf32>
        %swap3A_581 = vector.shape_cast %mul3A_576 : vector<16xf32> to vector<1x16xf32>
        tpu.vector_store %arg13[%swap3A_577, %swap3A_578], %swap3A_581 {strides = array<i32>} : memref<128x128xf32, #tpu.memory_space<vmem>>, vector<1x16xf32>,
        %get3A_582 = arith.index_cast %add3A_571 : i32 to index
        %get3A_583 = arith.constant 16 : index
        %get3A_584 = tpu.vector_load %arg13[%get3A_582, %get3A_583] {strides = array<i32>} : memref<128x128xf32, #tpu.memory_space<vmem>>, vector<1x16xf32>,
        %get3A_585 = vector.shape_cast %get3A_584 : vector<1x16xf32> to vector<16xf32>
        %mul3A_586 = arith.mulf %get3A_585, %gather3A_567 : vector<16xf32>
        %swap3A_587 = arith.index_cast %add3A_571 : i32 to index
        %swap3A_588 = arith.constant 16 : index
        %swap3A_589 = tpu.vector_load %arg13[%swap3A_587, %swap3A_588] {strides = array<i32>} : memref<128x128xf32, #tpu.memory_space<vmem>>, vector<1x16xf32>,
        %swap3A_590 = vector.shape_cast %swap3A_589 : vector<1x16xf32> to vector<16xf32>
        %swap3A_591 = vector.shape_cast %mul3A_586 : vector<16xf32> to vector<1x16xf32>
        tpu.vector_store %arg13[%swap3A_587, %swap3A_588], %swap3A_591 {strides = array<i32>} : memref<128x128xf32, #tpu.memory_space<vmem>>, vector<1x16xf32>,
        %get3A_592 = arith.index_cast %add3A_571 : i32 to index
        %get3A_593 = arith.constant 32 : index
        %get3A_594 = tpu.vector_load %arg13[%get3A_592, %get3A_593] {strides = array<i32>} : memref<128x128xf32, #tpu.memory_space<vmem>>, vector<1x16xf32>,
        %get3A_595 = vector.shape_cast %get3A_594 : vector<1x16xf32> to vector<16xf32>
        %mul3A_596 = arith.mulf %get3A_595, %gather3A_567 : vector<16xf32>
        %swap3A_597 = arith.index_cast %add3A_571 : i32 to index
        %swap3A_598 = arith.constant 32 : index
        %swap3A_599 = tpu.vector_load %arg13[%swap3A_597, %swap3A_598] {strides = array<i32>} : memref<128x128xf32, #tpu.memory_space<vmem>>, vector<1x16xf32>,
        %swap3A_600 = vector.shape_cast %swap3A_599 : vector<1x16xf32> to vector<16xf32>
        %swap3A_601 = vector.shape_cast %mul3A_596 : vector<16xf32> to vector<1x16xf32>
        tpu.vector_store %arg13[%swap3A_597, %swap3A_598], %swap3A_601 {strides = array<i32>} : memref<128x128xf32, #tpu.memory_space<vmem>>, vector<1x16xf32>,
        %get3A_602 = arith.index_cast %add3A_571 : i32 to index
        %get3A_603 = arith.constant 48 : index
        %get3A_604 = tpu.vector_load %arg13[%get3A_602, %get3A_603] {strides = array<i32>} : memref<128x128xf32, #tpu.memory_space<vmem>>, vector<1x16xf32>,
        %get3A_605 = vector.shape_cast %get3A_604 : vector<1x16xf32> to vector<16xf32>
        %mul3A_606 = arith.mulf %get3A_605, %gather3A_567 : vector<16xf32>
        %swap3A_607 = arith.index_cast %add3A_571 : i32 to index
        %swap3A_608 = arith.constant 48 : index
        %swap3A_609 = tpu.vector_load %arg13[%swap3A_607, %swap3A_608] {strides = array<i32>} : memref<128x128xf32, #tpu.memory_space<vmem>>, vector<1x16xf32>,
        %swap3A_610 = vector.shape_cast %swap3A_609 : vector<1x16xf32> to vector<16xf32>
        %swap3A_611 = vector.shape_cast %mul3A_606 : vector<16xf32> to vector<1x16xf32>
        tpu.vector_store %arg13[%swap3A_607, %swap3A_608], %swap3A_611 {strides = array<i32>} : memref<128x128xf32, #tpu.memory_space<vmem>>, vector<1x16xf32>,
        %get3A_612 = arith.index_cast %add3A_571 : i32 to index
        %get3A_613 = arith.constant 64 : index
        %get3A_614 = tpu.vector_load %arg13[%get3A_612, %get3A_613] {strides = array<i32>} : memref<128x128xf32, #tpu.memory_space<vmem>>, vector<1x16xf32>,
        %get3A_615 = vector.shape_cast %get3A_614 : vector<1x16xf32> to vector<16xf32>
        %mul3A_616 = arith.mulf %get3A_615, %gather3A_567 : vector<16xf32>
        %swap3A_617 = arith.index_cast %add3A_571 : i32 to index
        %swap3A_618 = arith.constant 64 : index
        %swap3A_619 = tpu.vector_load %arg13[%swap3A_617, %swap3A_618] {strides = array<i32>} : memref<128x128xf32, #tpu.memory_space<vmem>>, vector<1x16xf32>,
        %swap3A_620 = vector.shape_cast %swap3A_619 : vector<1x16xf32> to vector<16xf32>
        %swap3A_621 = vector.shape_cast %mul3A_616 : vector<16xf32> to vector<1x16xf32>
        tpu.vector_store %arg13[%swap3A_617, %swap3A_618], %swap3A_621 {strides = array<i32>} : memref<128x128xf32, #tpu.memory_space<vmem>>, vector<1x16xf32>,
        %get3A_622 = arith.index_cast %add3A_571 : i32 to index
        %get3A_623 = arith.constant 80 : index
        %get3A_624 = tpu.vector_load %arg13[%get3A_622, %get3A_623] {strides = array<i32>} : memref<128x128xf32, #tpu.memory_space<vmem>>, vector<1x16xf32>,
        %get3A_625 = vector.shape_cast %get3A_624 : vector<1x16xf32> to vector<16xf32>
        %mul3A_626 = arith.mulf %get3A_625, %gather3A_567 : vector<16xf32>
        %swap3A_627 = arith.index_cast %add3A_571 : i32 to index
        %swap3A_628 = arith.constant 80 : index
        %swap3A_629 = tpu.vector_load %arg13[%swap3A_627, %swap3A_628] {strides = array<i32>} : memref<128x128xf32, #tpu.memory_space<vmem>>, vector<1x16xf32>,
        %swap3A_630 = vector.shape_cast %swap3A_629 : vector<1x16xf32> to vector<16xf32>
        %swap3A_631 = vector.shape_cast %mul3A_626 : vector<16xf32> to vector<1x16xf32>
        tpu.vector_store %arg13[%swap3A_627, %swap3A_628], %swap3A_631 {strides = array<i32>} : memref<128x128xf32, #tpu.memory_space<vmem>>, vector<1x16xf32>,
        %get3A_632 = arith.index_cast %add3A_571 : i32 to index
        %get3A_633 = arith.constant 96 : index
        %get3A_634 = tpu.vector_load %arg13[%get3A_632, %get3A_633] {strides = array<i32>} : memref<128x128xf32, #tpu.memory_space<vmem>>, vector<1x16xf32>,
        %get3A_635 = vector.shape_cast %get3A_634 : vector<1x16xf32> to vector<16xf32>
        %mul3A_636 = arith.mulf %get3A_635, %gather3A_567 : vector<16xf32>
        %swap3A_637 = arith.index_cast %add3A_571 : i32 to index
        %swap3A_638 = arith.constant 96 : index
        %swap3A_639 = tpu.vector_load %arg13[%swap3A_637, %swap3A_638] {strides = array<i32>} : memref<128x128xf32, #tpu.memory_space<vmem>>, vector<1x16xf32>,
        %swap3A_640 = vector.shape_cast %swap3A_639 : vector<1x16xf32> to vector<16xf32>
        %swap3A_641 = vector.shape_cast %mul3A_636 : vector<16xf32> to vector<1x16xf32>
        tpu.vector_store %arg13[%swap3A_637, %swap3A_638], %swap3A_641 {strides = array<i32>} : memref<128x128xf32, #tpu.memory_space<vmem>>, vector<1x16xf32>,
        %get3A_642 = arith.index_cast %add3A_571 : i32 to index
        %get3A_643 = arith.constant 112 : index
        %get3A_644 = tpu.vector_load %arg13[%get3A_642, %get3A_643] {strides = array<i32>} : memref<128x128xf32, #tpu.memory_space<vmem>>, vector<1x16xf32>,
        %get3A_645 = vector.shape_cast %get3A_644 : vector<1x16xf32> to vector<16xf32>
        %mul3A_646 = arith.mulf %get3A_645, %gather3A_567 : vector<16xf32>
        %swap3A_647 = arith.index_cast %add3A_571 : i32 to index
        %swap3A_648 = arith.constant 112 : index
        %swap3A_649 = tpu.vector_load %arg13[%swap3A_647, %swap3A_648] {strides = array<i32>} : memref<128x128xf32, #tpu.memory_space<vmem>>, vector<1x16xf32>,
        %swap3A_650 = vector.shape_cast %swap3A_649 : vector<1x16xf32> to vector<16xf32>
        %swap3A_651 = vector.shape_cast %mul3A_646 : vector<16xf32> to vector<1x16xf32>
        tpu.vector_store %arg13[%swap3A_647, %swap3A_648], %swap3A_651 {strides = array<i32>} : memref<128x128xf32, #tpu.memory_space<vmem>>, vector<1x16xf32>,
        %broadcast_in_dim3A_652 = arith.constant 5 : i32
        %broadcast_in_dim3A_653 = vector.broadcast %broadcast_in_dim3A_652 : i32 to vector<16xi32>
        %lt3A_654 = arith.constant 0 : i32
        %lt3A_655 = vector.broadcast %lt3A_654 : i32 to vector<16xi32>
        %lt3A_656 = arith.cmpi slt, %broadcast_in_dim3A_653, %lt3A_655 : vector<16xi32>
        %add3A_657 = arith.constant 16 : i32
        %add3A_658 = vector.broadcast %add3A_657 : i32 to vector<16xi32>
        %add3A_659 = arith.addi %broadcast_in_dim3A_653, %add3A_658 : vector<16xi32>
        %select_n3A_660 = arith.select %lt3A_656, %add3A_659, %broadcast_in_dim3A_653 : vector<16xi1>, vector<16xi32>
        %broadcast_in_dim3A_661 = vector.shape_cast %select_n3A_660 : vector<16xi32> to vector<16x1xi32>
        %gather3A_662 = vector.shape_cast %broadcast_in_dim3A_661 : vector<16x1xi32> to vector<16xi32>
        %gather3A_663 = tpu.dynamic_gather %get3A_172[%gather3A_662] in [0] : vector<16xf32>, vector<16xi32> -> vector<16xf32>
        %mul3A_664 = arith.constant 16 : i32
        %mul3A_665 = arith.muli %mul3A_664, %scan3A_167 : i32
        %add3A_666 = arith.constant 5 : i32
        %add3A_667 = arith.addi %mul3A_665, %add3A_666 : i32
        %get3A_668 = arith.index_cast %add3A_667 : i32 to index
        %get3A_669 = arith.constant 0 : index
        %get3A_670 = tpu.vector_load %arg13[%get3A_668, %get3A_669] {strides = array<i32>} : memref<128x128xf32, #tpu.memory_space<vmem>>, vector<1x16xf32>,
        %get3A_671 = vector.shape_cast %get3A_670 : vector<1x16xf32> to vector<16xf32>
        %mul3A_672 = arith.mulf %get3A_671, %gather3A_663 : vector<16xf32>
        %swap3A_673 = arith.index_cast %add3A_667 : i32 to index
        %swap3A_674 = arith.constant 0 : index
        %swap3A_675 = tpu.vector_load %arg13[%swap3A_673, %swap3A_674] {strides = array<i32>} : memref<128x128xf32, #tpu.memory_space<vmem>>, vector<1x16xf32>,
        %swap3A_676 = vector.shape_cast %swap3A_675 : vector<1x16xf32> to vector<16xf32>
        %swap3A_677 = vector.shape_cast %mul3A_672 : vector<16xf32> to vector<1x16xf32>
        tpu.vector_store %arg13[%swap3A_673, %swap3A_674], %swap3A_677 {strides = array<i32>} : memref<128x128xf32, #tpu.memory_space<vmem>>, vector<1x16xf32>,
        %get3A_678 = arith.index_cast %add3A_667 : i32 to index
        %get3A_679 = arith.constant 16 : index
        %get3A_680 = tpu.vector_load %arg13[%get3A_678, %get3A_679] {strides = array<i32>} : memref<128x128xf32, #tpu.memory_space<vmem>>, vector<1x16xf32>,
        %get3A_681 = vector.shape_cast %get3A_680 : vector<1x16xf32> to vector<16xf32>
        %mul3A_682 = arith.mulf %get3A_681, %gather3A_663 : vector<16xf32>
        %swap3A_683 = arith.index_cast %add3A_667 : i32 to index
        %swap3A_684 = arith.constant 16 : index
        %swap3A_685 = tpu.vector_load %arg13[%swap3A_683, %swap3A_684] {strides = array<i32>} : memref<128x128xf32, #tpu.memory_space<vmem>>, vector<1x16xf32>,
        %swap3A_686 = vector.shape_cast %swap3A_685 : vector<1x16xf32> to vector<16xf32>
        %swap3A_687 = vector.shape_cast %mul3A_682 : vector<16xf32> to vector<1x16xf32>
        tpu.vector_store %arg13[%swap3A_683, %swap3A_684], %swap3A_687 {strides = array<i32>} : memref<128x128xf32, #tpu.memory_space<vmem>>, vector<1x16xf32>,
        %get3A_688 = arith.index_cast %add3A_667 : i32 to index
        %get3A_689 = arith.constant 32 : index
        %get3A_690 = tpu.vector_load %arg13[%get3A_688, %get3A_689] {strides = array<i32>} : memref<128x128xf32, #tpu.memory_space<vmem>>, vector<1x16xf32>,
        %get3A_691 = vector.shape_cast %get3A_690 : vector<1x16xf32> to vector<16xf32>
        %mul3A_692 = arith.mulf %get3A_691, %gather3A_663 : vector<16xf32>
        %swap3A_693 = arith.index_cast %add3A_667 : i32 to index
        %swap3A_694 = arith.constant 32 : index
        %swap3A_695 = tpu.vector_load %arg13[%swap3A_693, %swap3A_694] {strides = array<i32>} : memref<128x128xf32, #tpu.memory_space<vmem>>, vector<1x16xf32>,
        %swap3A_696 = vector.shape_cast %swap3A_695 : vector<1x16xf32> to vector<16xf32>
        %swap3A_697 = vector.shape_cast %mul3A_692 : vector<16xf32> to vector<1x16xf32>
        tpu.vector_store %arg13[%swap3A_693, %swap3A_694], %swap3A_697 {strides = array<i32>} : memref<128x128xf32, #tpu.memory_space<vmem>>, vector<1x16xf32>,
        %get3A_698 = arith.index_cast %add3A_667 : i32 to index
        %get3A_699 = arith.constant 48 : index
        %get3A_700 = tpu.vector_load %arg13[%get3A_698, %get3A_699] {strides = array<i32>} : memref<128x128xf32, #tpu.memory_space<vmem>>, vector<1x16xf32>,
        %get3A_701 = vector.shape_cast %get3A_700 : vector<1x16xf32> to vector<16xf32>
        %mul3A_702 = arith.mulf %get3A_701, %gather3A_663 : vector<16xf32>
        %swap3A_703 = arith.index_cast %add3A_667 : i32 to index
        %swap3A_704 = arith.constant 48 : index
        %swap3A_705 = tpu.vector_load %arg13[%swap3A_703, %swap3A_704] {strides = array<i32>} : memref<128x128xf32, #tpu.memory_space<vmem>>, vector<1x16xf32>,
        %swap3A_706 = vector.shape_cast %swap3A_705 : vector<1x16xf32> to vector<16xf32>
        %swap3A_707 = vector.shape_cast %mul3A_702 : vector<16xf32> to vector<1x16xf32>
        tpu.vector_store %arg13[%swap3A_703, %swap3A_704], %swap3A_707 {strides = array<i32>} : memref<128x128xf32, #tpu.memory_space<vmem>>, vector<1x16xf32>,
        %get3A_708 = arith.index_cast %add3A_667 : i32 to index
        %get3A_709 = arith.constant 64 : index
        %get3A_710 = tpu.vector_load %arg13[%get3A_708, %get3A_709] {strides = array<i32>} : memref<128x128xf32, #tpu.memory_space<vmem>>, vector<1x16xf32>,
        %get3A_711 = vector.shape_cast %get3A_710 : vector<1x16xf32> to vector<16xf32>
        %mul3A_712 = arith.mulf %get3A_711, %gather3A_663 : vector<16xf32>
        %swap3A_713 = arith.index_cast %add3A_667 : i32 to index
        %swap3A_714 = arith.constant 64 : index
        %swap3A_715 = tpu.vector_load %arg13[%swap3A_713, %swap3A_714] {strides = array<i32>} : memref<128x128xf32, #tpu.memory_space<vmem>>, vector<1x16xf32>,
        %swap3A_716 = vector.shape_cast %swap3A_715 : vector<1x16xf32> to vector<16xf32>
        %swap3A_717 = vector.shape_cast %mul3A_712 : vector<16xf32> to vector<1x16xf32>
        tpu.vector_store %arg13[%swap3A_713, %swap3A_714], %swap3A_717 {strides = array<i32>} : memref<128x128xf32, #tpu.memory_space<vmem>>, vector<1x16xf32>,
        %get3A_718 = arith.index_cast %add3A_667 : i32 to index
        %get3A_719 = arith.constant 80 : index
        %get3A_720 = tpu.vector_load %arg13[%get3A_718, %get3A_719] {strides = array<i32>} : memref<128x128xf32, #tpu.memory_space<vmem>>, vector<1x16xf32>,
        %get3A_721 = vector.shape_cast %get3A_720 : vector<1x16xf32> to vector<16xf32>
        %mul3A_722 = arith.mulf %get3A_721, %gather3A_663 : vector<16xf32>
        %swap3A_723 = arith.index_cast %add3A_667 : i32 to index
        %swap3A_724 = arith.constant 80 : index
        %swap3A_725 = tpu.vector_load %arg13[%swap3A_723, %swap3A_724] {strides = array<i32>} : memref<128x128xf32, #tpu.memory_space<vmem>>, vector<1x16xf32>,
        %swap3A_726 = vector.shape_cast %swap3A_725 : vector<1x16xf32> to vector<16xf32>
        %swap3A_727 = vector.shape_cast %mul3A_722 : vector<16xf32> to vector<1x16xf32>
        tpu.vector_store %arg13[%swap3A_723, %swap3A_724], %swap3A_727 {strides = array<i32>} : memref<128x128xf32, #tpu.memory_space<vmem>>, vector<1x16xf32>,
        %get3A_728 = arith.index_cast %add3A_667 : i32 to index
        %get3A_729 = arith.constant 96 : index
        %get3A_730 = tpu.vector_load %arg13[%get3A_728, %get3A_729] {strides = array<i32>} : memref<128x128xf32, #tpu.memory_space<vmem>>, vector<1x16xf32>,
        %get3A_731 = vector.shape_cast %get3A_730 : vector<1x16xf32> to vector<16xf32>
        %mul3A_732 = arith.mulf %get3A_731, %gather3A_663 : vector<16xf32>
        %swap3A_733 = arith.index_cast %add3A_667 : i32 to index
        %swap3A_734 = arith.constant 96 : index
        %swap3A_735 = tpu.vector_load %arg13[%swap3A_733, %swap3A_734] {strides = array<i32>} : memref<128x128xf32, #tpu.memory_space<vmem>>, vector<1x16xf32>,
        %swap3A_736 = vector.shape_cast %swap3A_735 : vector<1x16xf32> to vector<16xf32>
        %swap3A_737 = vector.shape_cast %mul3A_732 : vector<16xf32> to vector<1x16xf32>
        tpu.vector_store %arg13[%swap3A_733, %swap3A_734], %swap3A_737 {strides = array<i32>} : memref<128x128xf32, #tpu.memory_space<vmem>>, vector<1x16xf32>,
        %get3A_738 = arith.index_cast %add3A_667 : i32 to index
        %get3A_739 = arith.constant 112 : index
        %get3A_740 = tpu.vector_load %arg13[%get3A_738, %get3A_739] {strides = array<i32>} : memref<128x128xf32, #tpu.memory_space<vmem>>, vector<1x16xf32>,
        %get3A_741 = vector.shape_cast %get3A_740 : vector<1x16xf32> to vector<16xf32>
        %mul3A_742 = arith.mulf %get3A_741, %gather3A_663 : vector<16xf32>
        %swap3A_743 = arith.index_cast %add3A_667 : i32 to index
        %swap3A_744 = arith.constant 112 : index
        %swap3A_745 = tpu.vector_load %arg13[%swap3A_743, %swap3A_744] {strides = array<i32>} : memref<128x128xf32, #tpu.memory_space<vmem>>, vector<1x16xf32>,
        %swap3A_746 = vector.shape_cast %swap3A_745 : vector<1x16xf32> to vector<16xf32>
        %swap3A_747 = vector.shape_cast %mul3A_742 : vector<16xf32> to vector<1x16xf32>
        tpu.vector_store %arg13[%swap3A_743, %swap3A_744], %swap3A_747 {strides = array<i32>} : memref<128x128xf32, #tpu.memory_space<vmem>>, vector<1x16xf32>,
        %broadcast_in_dim3A_748 = arith.constant 6 : i32
        %broadcast_in_dim3A_749 = vector.broadcast %broadcast_in_dim3A_748 : i32 to vector<16xi32>
        %lt3A_750 = arith.constant 0 : i32
        %lt3A_751 = vector.broadcast %lt3A_750 : i32 to vector<16xi32>
        %lt3A_752 = arith.cmpi slt, %broadcast_in_dim3A_749, %lt3A_751 : vector<16xi32>
        %add3A_753 = arith.constant 16 : i32
        %add3A_754 = vector.broadcast %add3A_753 : i32 to vector<16xi32>
        %add3A_755 = arith.addi %broadcast_in_dim3A_749, %add3A_754 : vector<16xi32>
        %select_n3A_756 = arith.select %lt3A_752, %add3A_755, %broadcast_in_dim3A_749 : vector<16xi1>, vector<16xi32>
        %broadcast_in_dim3A_757 = vector.shape_cast %select_n3A_756 : vector<16xi32> to vector<16x1xi32>
        %gather3A_758 = vector.shape_cast %broadcast_in_dim3A_757 : vector<16x1xi32> to vector<16xi32>
        %gather3A_759 = tpu.dynamic_gather %get3A_172[%gather3A_758] in [0] : vector<16xf32>, vector<16xi32> -> vector<16xf32>
        %mul3A_760 = arith.constant 16 : i32
        %mul3A_761 = arith.muli %mul3A_760, %scan3A_167 : i32
        %add3A_762 = arith.constant 6 : i32
        %add3A_763 = arith.addi %mul3A_761, %add3A_762 : i32
        %get3A_764 = arith.index_cast %add3A_763 : i32 to index
        %get3A_765 = arith.constant 0 : index
        %get3A_766 = tpu.vector_load %arg13[%get3A_764, %get3A_765] {strides = array<i32>} : memref<128x128xf32, #tpu.memory_space<vmem>>, vector<1x16xf32>,
        %get3A_767 = vector.shape_cast %get3A_766 : vector<1x16xf32> to vector<16xf32>
        %mul3A_768 = arith.mulf %get3A_767, %gather3A_759 : vector<16xf32>
        %swap3A_769 = arith.index_cast %add3A_763 : i32 to index
        %swap3A_770 = arith.constant 0 : index
        %swap3A_771 = tpu.vector_load %arg13[%swap3A_769, %swap3A_770] {strides = array<i32>} : memref<128x128xf32, #tpu.memory_space<vmem>>, vector<1x16xf32>,
        %swap3A_772 = vector.shape_cast %swap3A_771 : vector<1x16xf32> to vector<16xf32>
        %swap3A_773 = vector.shape_cast %mul3A_768 : vector<16xf32> to vector<1x16xf32>
        tpu.vector_store %arg13[%swap3A_769, %swap3A_770], %swap3A_773 {strides = array<i32>} : memref<128x128xf32, #tpu.memory_space<vmem>>, vector<1x16xf32>,
        %get3A_774 = arith.index_cast %add3A_763 : i32 to index
        %get3A_775 = arith.constant 16 : index
        %get3A_776 = tpu.vector_load %arg13[%get3A_774, %get3A_775] {strides = array<i32>} : memref<128x128xf32, #tpu.memory_space<vmem>>, vector<1x16xf32>,
        %get3A_777 = vector.shape_cast %get3A_776 : vector<1x16xf32> to vector<16xf32>
        %mul3A_778 = arith.mulf %get3A_777, %gather3A_759 : vector<16xf32>
        %swap3A_779 = arith.index_cast %add3A_763 : i32 to index
        %swap3A_780 = arith.constant 16 : index
        %swap3A_781 = tpu.vector_load %arg13[%swap3A_779, %swap3A_780] {strides = array<i32>} : memref<128x128xf32, #tpu.memory_space<vmem>>, vector<1x16xf32>,
        %swap3A_782 = vector.shape_cast %swap3A_781 : vector<1x16xf32> to vector<16xf32>
        %swap3A_783 = vector.shape_cast %mul3A_778 : vector<16xf32> to vector<1x16xf32>
        tpu.vector_store %arg13[%swap3A_779, %swap3A_780], %swap3A_783 {strides = array<i32>} : memref<128x128xf32, #tpu.memory_space<vmem>>, vector<1x16xf32>,
        %get3A_784 = arith.index_cast %add3A_763 : i32 to index
        %get3A_785 = arith.constant 32 : index
        %get3A_786 = tpu.vector_load %arg13[%get3A_784, %get3A_785] {strides = array<i32>} : memref<128x128xf32, #tpu.memory_space<vmem>>, vector<1x16xf32>,
        %get3A_787 = vector.shape_cast %get3A_786 : vector<1x16xf32> to vector<16xf32>
        %mul3A_788 = arith.mulf %get3A_787, %gather3A_759 : vector<16xf32>
        %swap3A_789 = arith.index_cast %add3A_763 : i32 to index
        %swap3A_790 = arith.constant 32 : index
        %swap3A_791 = tpu.vector_load %arg13[%swap3A_789, %swap3A_790] {strides = array<i32>} : memref<128x128xf32, #tpu.memory_space<vmem>>, vector<1x16xf32>,
        %swap3A_792 = vector.shape_cast %swap3A_791 : vector<1x16xf32> to vector<16xf32>
        %swap3A_793 = vector.shape_cast %mul3A_788 : vector<16xf32> to vector<1x16xf32>
        tpu.vector_store %arg13[%swap3A_789, %swap3A_790], %swap3A_793 {strides = array<i32>} : memref<128x128xf32, #tpu.memory_space<vmem>>, vector<1x16xf32>,
        %get3A_794 = arith.index_cast %add3A_763 : i32 to index
        %get3A_795 = arith.constant 48 : index
        %get3A_796 = tpu.vector_load %arg13[%get3A_794, %get3A_795] {strides = array<i32>} : memref<128x128xf32, #tpu.memory_space<vmem>>, vector<1x16xf32>,
        %get3A_797 = vector.shape_cast %get3A_796 : vector<1x16xf32> to vector<16xf32>
        %mul3A_798 = arith.mulf %get3A_797, %gather3A_759 : vector<16xf32>
        %swap3A_799 = arith.index_cast %add3A_763 : i32 to index
        %swap3A_800 = arith.constant 48 : index
        %swap3A_801 = tpu.vector_load %arg13[%swap3A_799, %swap3A_800] {strides = array<i32>} : memref<128x128xf32, #tpu.memory_space<vmem>>, vector<1x16xf32>,
        %swap3A_802 = vector.shape_cast %swap3A_801 : vector<1x16xf32> to vector<16xf32>
        %swap3A_803 = vector.shape_cast %mul3A_798 : vector<16xf32> to vector<1x16xf32>
        tpu.vector_store %arg13[%swap3A_799, %swap3A_800], %swap3A_803 {strides = array<i32>} : memref<128x128xf32, #tpu.memory_space<vmem>>, vector<1x16xf32>,
        %get3A_804 = arith.index_cast %add3A_763 : i32 to index
        %get3A_805 = arith.constant 64 : index
        %get3A_806 = tpu.vector_load %arg13[%get3A_804, %get3A_805] {strides = array<i32>} : memref<128x128xf32, #tpu.memory_space<vmem>>, vector<1x16xf32>,
        %get3A_807 = vector.shape_cast %get3A_806 : vector<1x16xf32> to vector<16xf32>
        %mul3A_808 = arith.mulf %get3A_807, %gather3A_759 : vector<16xf32>
        %swap3A_809 = arith.index_cast %add3A_763 : i32 to index
        %swap3A_810 = arith.constant 64 : index
        %swap3A_811 = tpu.vector_load %arg13[%swap3A_809, %swap3A_810] {strides = array<i32>} : memref<128x128xf32, #tpu.memory_space<vmem>>, vector<1x16xf32>,
        %swap3A_812 = vector.shape_cast %swap3A_811 : vector<1x16xf32> to vector<16xf32>
        %swap3A_813 = vector.shape_cast %mul3A_808 : vector<16xf32> to vector<1x16xf32>
        tpu.vector_store %arg13[%swap3A_809, %swap3A_810], %swap3A_813 {strides = array<i32>} : memref<128x128xf32, #tpu.memory_space<vmem>>, vector<1x16xf32>,
        %get3A_814 = arith.index_cast %add3A_763 : i32 to index
        %get3A_815 = arith.constant 80 : index
        %get3A_816 = tpu.vector_load %arg13[%get3A_814, %get3A_815] {strides = array<i32>} : memref<128x128xf32, #tpu.memory_space<vmem>>, vector<1x16xf32>,
        %get3A_817 = vector.shape_cast %get3A_816 : vector<1x16xf32> to vector<16xf32>
        %mul3A_818 = arith.mulf %get3A_817, %gather3A_759 : vector<16xf32>
        %swap3A_819 = arith.index_cast %add3A_763 : i32 to index
        %swap3A_820 = arith.constant 80 : index
        %swap3A_821 = tpu.vector_load %arg13[%swap3A_819, %swap3A_820] {strides = array<i32>} : memref<128x128xf32, #tpu.memory_space<vmem>>, vector<1x16xf32>,
        %swap3A_822 = vector.shape_cast %swap3A_821 : vector<1x16xf32> to vector<16xf32>
        %swap3A_823 = vector.shape_cast %mul3A_818 : vector<16xf32> to vector<1x16xf32>
        tpu.vector_store %arg13[%swap3A_819, %swap3A_820], %swap3A_823 {strides = array<i32>} : memref<128x128xf32, #tpu.memory_space<vmem>>, vector<1x16xf32>,
        %get3A_824 = arith.index_cast %add3A_763 : i32 to index
        %get3A_825 = arith.constant 96 : index
        %get3A_826 = tpu.vector_load %arg13[%get3A_824, %get3A_825] {strides = array<i32>} : memref<128x128xf32, #tpu.memory_space<vmem>>, vector<1x16xf32>,
        %get3A_827 = vector.shape_cast %get3A_826 : vector<1x16xf32> to vector<16xf32>
        %mul3A_828 = arith.mulf %get3A_827, %gather3A_759 : vector<16xf32>
        %swap3A_829 = arith.index_cast %add3A_763 : i32 to index
        %swap3A_830 = arith.constant 96 : index
        %swap3A_831 = tpu.vector_load %arg13[%swap3A_829, %swap3A_830] {strides = array<i32>} : memref<128x128xf32, #tpu.memory_space<vmem>>, vector<1x16xf32>,
        %swap3A_832 = vector.shape_cast %swap3A_831 : vector<1x16xf32> to vector<16xf32>
        %swap3A_833 = vector.shape_cast %mul3A_828 : vector<16xf32> to vector<1x16xf32>
        tpu.vector_store %arg13[%swap3A_829, %swap3A_830], %swap3A_833 {strides = array<i32>} : memref<128x128xf32, #tpu.memory_space<vmem>>, vector<1x16xf32>,
        %get3A_834 = arith.index_cast %add3A_763 : i32 to index
        %get3A_835 = arith.constant 112 : index
        %get3A_836 = tpu.vector_load %arg13[%get3A_834, %get3A_835] {strides = array<i32>} : memref<128x128xf32, #tpu.memory_space<vmem>>, vector<1x16xf32>,
        %get3A_837 = vector.shape_cast %get3A_836 : vector<1x16xf32> to vector<16xf32>
        %mul3A_838 = arith.mulf %get3A_837, %gather3A_759 : vector<16xf32>
        %swap3A_839 = arith.index_cast %add3A_763 : i32 to index
        %swap3A_840 = arith.constant 112 : index
        %swap3A_841 = tpu.vector_load %arg13[%swap3A_839, %swap3A_840] {strides = array<i32>} : memref<128x128xf32, #tpu.memory_space<vmem>>, vector<1x16xf32>,
        %swap3A_842 = vector.shape_cast %swap3A_841 : vector<1x16xf32> to vector<16xf32>
        %swap3A_843 = vector.shape_cast %mul3A_838 : vector<16xf32> to vector<1x16xf32>
        tpu.vector_store %arg13[%swap3A_839, %swap3A_840], %swap3A_843 {strides = array<i32>} : memref<128x128xf32, #tpu.memory_space<vmem>>, vector<1x16xf32>,
        %broadcast_in_dim3A_844 = arith.constant 7 : i32
        %broadcast_in_dim3A_845 = vector.broadcast %broadcast_in_dim3A_844 : i32 to vector<16xi32>
        %lt3A_846 = arith.constant 0 : i32
        %lt3A_847 = vector.broadcast %lt3A_846 : i32 to vector<16xi32>
        %lt3A_848 = arith.cmpi slt, %broadcast_in_dim3A_845, %lt3A_847 : vector<16xi32>
        %add3A_849 = arith.constant 16 : i32
        %add3A_850 = vector.broadcast %add3A_849 : i32 to vector<16xi32>
        %add3A_851 = arith.addi %broadcast_in_dim3A_845, %add3A_850 : vector<16xi32>
        %select_n3A_852 = arith.select %lt3A_848, %add3A_851, %broadcast_in_dim3A_845 : vector<16xi1>, vector<16xi32>
        %broadcast_in_dim3A_853 = vector.shape_cast %select_n3A_852 : vector<16xi32> to vector<16x1xi32>
        %gather3A_854 = vector.shape_cast %broadcast_in_dim3A_853 : vector<16x1xi32> to vector<16xi32>
        %gather3A_855 = tpu.dynamic_gather %get3A_172[%gather3A_854] in [0] : vector<16xf32>, vector<16xi32> -> vector<16xf32>
        %mul3A_856 = arith.constant 16 : i32
        %mul3A_857 = arith.muli %mul3A_856, %scan3A_167 : i32
        %add3A_858 = arith.constant 7 : i32
        %add3A_859 = arith.addi %mul3A_857, %add3A_858 : i32
        %get3A_860 = arith.index_cast %add3A_859 : i32 to index
        %get3A_861 = arith.constant 0 : index
        %get3A_862 = tpu.vector_load %arg13[%get3A_860, %get3A_861] {strides = array<i32>} : memref<128x128xf32, #tpu.memory_space<vmem>>, vector<1x16xf32>,
        %get3A_863 = vector.shape_cast %get3A_862 : vector<1x16xf32> to vector<16xf32>
        %mul3A_864 = arith.mulf %get3A_863, %gather3A_855 : vector<16xf32>
        %swap3A_865 = arith.index_cast %add3A_859 : i32 to index
        %swap3A_866 = arith.constant 0 : index
        %swap3A_867 = tpu.vector_load %arg13[%swap3A_865, %swap3A_866] {strides = array<i32>} : memref<128x128xf32, #tpu.memory_space<vmem>>, vector<1x16xf32>,
        %swap3A_868 = vector.shape_cast %swap3A_867 : vector<1x16xf32> to vector<16xf32>
        %swap3A_869 = vector.shape_cast %mul3A_864 : vector<16xf32> to vector<1x16xf32>
        tpu.vector_store %arg13[%swap3A_865, %swap3A_866], %swap3A_869 {strides = array<i32>} : memref<128x128xf32, #tpu.memory_space<vmem>>, vector<1x16xf32>,
        %get3A_870 = arith.index_cast %add3A_859 : i32 to index
        %get3A_871 = arith.constant 16 : index
        %get3A_872 = tpu.vector_load %arg13[%get3A_870, %get3A_871] {strides = array<i32>} : memref<128x128xf32, #tpu.memory_space<vmem>>, vector<1x16xf32>,
        %get3A_873 = vector.shape_cast %get3A_872 : vector<1x16xf32> to vector<16xf32>
        %mul3A_874 = arith.mulf %get3A_873, %gather3A_855 : vector<16xf32>
        %swap3A_875 = arith.index_cast %add3A_859 : i32 to index
        %swap3A_876 = arith.constant 16 : index
        %swap3A_877 = tpu.vector_load %arg13[%swap3A_875, %swap3A_876] {strides = array<i32>} : memref<128x128xf32, #tpu.memory_space<vmem>>, vector<1x16xf32>,
        %swap3A_878 = vector.shape_cast %swap3A_877 : vector<1x16xf32> to vector<16xf32>
        %swap3A_879 = vector.shape_cast %mul3A_874 : vector<16xf32> to vector<1x16xf32>
        tpu.vector_store %arg13[%swap3A_875, %swap3A_876], %swap3A_879 {strides = array<i32>} : memref<128x128xf32, #tpu.memory_space<vmem>>, vector<1x16xf32>,
        %get3A_880 = arith.index_cast %add3A_859 : i32 to index
        %get3A_881 = arith.constant 32 : index
        %get3A_882 = tpu.vector_load %arg13[%get3A_880, %get3A_881] {strides = array<i32>} : memref<128x128xf32, #tpu.memory_space<vmem>>, vector<1x16xf32>,
        %get3A_883 = vector.shape_cast %get3A_882 : vector<1x16xf32> to vector<16xf32>
        %mul3A_884 = arith.mulf %get3A_883, %gather3A_855 : vector<16xf32>
        %swap3A_885 = arith.index_cast %add3A_859 : i32 to index
        %swap3A_886 = arith.constant 32 : index
        %swap3A_887 = tpu.vector_load %arg13[%swap3A_885, %swap3A_886] {strides = array<i32>} : memref<128x128xf32, #tpu.memory_space<vmem>>, vector<1x16xf32>,
        %swap3A_888 = vector.shape_cast %swap3A_887 : vector<1x16xf32> to vector<16xf32>
        %swap3A_889 = vector.shape_cast %mul3A_884 : vector<16xf32> to vector<1x16xf32>
        tpu.vector_store %arg13[%swap3A_885, %swap3A_886], %swap3A_889 {strides = array<i32>} : memref<128x128xf32, #tpu.memory_space<vmem>>, vector<1x16xf32>,
        %get3A_890 = arith.index_cast %add3A_859 : i32 to index
        %get3A_891 = arith.constant 48 : index
        %get3A_892 = tpu.vector_load %arg13[%get3A_890, %get3A_891] {strides = array<i32>} : memref<128x128xf32, #tpu.memory_space<vmem>>, vector<1x16xf32>,
        %get3A_893 = vector.shape_cast %get3A_892 : vector<1x16xf32> to vector<16xf32>
        %mul3A_894 = arith.mulf %get3A_893, %gather3A_855 : vector<16xf32>
        %swap3A_895 = arith.index_cast %add3A_859 : i32 to index
        %swap3A_896 = arith.constant 48 : index
        %swap3A_897 = tpu.vector_load %arg13[%swap3A_895, %swap3A_896] {strides = array<i32>} : memref<128x128xf32, #tpu.memory_space<vmem>>, vector<1x16xf32>,
        %swap3A_898 = vector.shape_cast %swap3A_897 : vector<1x16xf32> to vector<16xf32>
        %swap3A_899 = vector.shape_cast %mul3A_894 : vector<16xf32> to vector<1x16xf32>
        tpu.vector_store %arg13[%swap3A_895, %swap3A_896], %swap3A_899 {strides = array<i32>} : memref<128x128xf32, #tpu.memory_space<vmem>>, vector<1x16xf32>,
        %get3A_900 = arith.index_cast %add3A_859 : i32 to index
        %get3A_901 = arith.constant 64 : index
        %get3A_902 = tpu.vector_load %arg13[%get3A_900, %get3A_901] {strides = array<i32>} : memref<128x128xf32, #tpu.memory_space<vmem>>, vector<1x16xf32>,
        %get3A_903 = vector.shape_cast %get3A_902 : vector<1x16xf32> to vector<16xf32>
        %mul3A_904 = arith.mulf %get3A_903, %gather3A_855 : vector<16xf32>
        %swap3A_905 = arith.index_cast %add3A_859 : i32 to index
        %swap3A_906 = arith.constant 64 : index
        %swap3A_907 = tpu.vector_load %arg13[%swap3A_905, %swap3A_906] {strides = array<i32>} : memref<128x128xf32, #tpu.memory_space<vmem>>, vector<1x16xf32>,
        %swap3A_908 = vector.shape_cast %swap3A_907 : vector<1x16xf32> to vector<16xf32>
        %swap3A_909 = vector.shape_cast %mul3A_904 : vector<16xf32> to vector<1x16xf32>
        tpu.vector_store %arg13[%swap3A_905, %swap3A_906], %swap3A_909 {strides = array<i32>} : memref<128x128xf32, #tpu.memory_space<vmem>>, vector<1x16xf32>,
        %get3A_910 = arith.index_cast %add3A_859 : i32 to index
        %get3A_911 = arith.constant 80 : index
        %get3A_912 = tpu.vector_load %arg13[%get3A_910, %get3A_911] {strides = array<i32>} : memref<128x128xf32, #tpu.memory_space<vmem>>, vector<1x16xf32>,
        %get3A_913 = vector.shape_cast %get3A_912 : vector<1x16xf32> to vector<16xf32>
        %mul3A_914 = arith.mulf %get3A_913, %gather3A_855 : vector<16xf32>
        %swap3A_915 = arith.index_cast %add3A_859 : i32 to index
        %swap3A_916 = arith.constant 80 : index
        %swap3A_917 = tpu.vector_load %arg13[%swap3A_915, %swap3A_916] {strides = array<i32>} : memref<128x128xf32, #tpu.memory_space<vmem>>, vector<1x16xf32>,
        %swap3A_918 = vector.shape_cast %swap3A_917 : vector<1x16xf32> to vector<16xf32>
        %swap3A_919 = vector.shape_cast %mul3A_914 : vector<16xf32> to vector<1x16xf32>
        tpu.vector_store %arg13[%swap3A_915, %swap3A_916], %swap3A_919 {strides = array<i32>} : memref<128x128xf32, #tpu.memory_space<vmem>>, vector<1x16xf32>,
        %get3A_920 = arith.index_cast %add3A_859 : i32 to index
        %get3A_921 = arith.constant 96 : index
        %get3A_922 = tpu.vector_load %arg13[%get3A_920, %get3A_921] {strides = array<i32>} : memref<128x128xf32, #tpu.memory_space<vmem>>, vector<1x16xf32>,
        %get3A_923 = vector.shape_cast %get3A_922 : vector<1x16xf32> to vector<16xf32>
        %mul3A_924 = arith.mulf %get3A_923, %gather3A_855 : vector<16xf32>
        %swap3A_925 = arith.index_cast %add3A_859 : i32 to index
        %swap3A_926 = arith.constant 96 : index
        %swap3A_927 = tpu.vector_load %arg13[%swap3A_925, %swap3A_926] {strides = array<i32>} : memref<128x128xf32, #tpu.memory_space<vmem>>, vector<1x16xf32>,
        %swap3A_928 = vector.shape_cast %swap3A_927 : vector<1x16xf32> to vector<16xf32>
        %swap3A_929 = vector.shape_cast %mul3A_924 : vector<16xf32> to vector<1x16xf32>
        tpu.vector_store %arg13[%swap3A_925, %swap3A_926], %swap3A_929 {strides = array<i32>} : memref<128x128xf32, #tpu.memory_space<vmem>>, vector<1x16xf32>,
        %get3A_930 = arith.index_cast %add3A_859 : i32 to index
        %get3A_931 = arith.constant 112 : index
        %get3A_932 = tpu.vector_load %arg13[%get3A_930, %get3A_931] {strides = array<i32>} : memref<128x128xf32, #tpu.memory_space<vmem>>, vector<1x16xf32>,
        %get3A_933 = vector.shape_cast %get3A_932 : vector<1x16xf32> to vector<16xf32>
        %mul3A_934 = arith.mulf %get3A_933, %gather3A_855 : vector<16xf32>
        %swap3A_935 = arith.index_cast %add3A_859 : i32 to index
        %swap3A_936 = arith.constant 112 : index
        %swap3A_937 = tpu.vector_load %arg13[%swap3A_935, %swap3A_936] {strides = array<i32>} : memref<128x128xf32, #tpu.memory_space<vmem>>, vector<1x16xf32>,
        %swap3A_938 = vector.shape_cast %swap3A_937 : vector<1x16xf32> to vector<16xf32>
        %swap3A_939 = vector.shape_cast %mul3A_934 : vector<16xf32> to vector<1x16xf32>
        tpu.vector_store %arg13[%swap3A_935, %swap3A_936], %swap3A_939 {strides = array<i32>} : memref<128x128xf32, #tpu.memory_space<vmem>>, vector<1x16xf32>,
        %broadcast_in_dim3A_940 = arith.constant 8 : i32
        %broadcast_in_dim3A_941 = vector.broadcast %broadcast_in_dim3A_940 : i32 to vector<16xi32>
        %lt3A_942 = arith.constant 0 : i32
        %lt3A_943 = vector.broadcast %lt3A_942 : i32 to vector<16xi32>
        %lt3A_944 = arith.cmpi slt, %broadcast_in_dim3A_941, %lt3A_943 : vector<16xi32>
        %add3A_945 = arith.constant 16 : i32
        %add3A_946 = vector.broadcast %add3A_945 : i32 to vector<16xi32>
        %add3A_947 = arith.addi %broadcast_in_dim3A_941, %add3A_946 : vector<16xi32>
        %select_n3A_948 = arith.select %lt3A_944, %add3A_947, %broadcast_in_dim3A_941 : vector<16xi1>, vector<16xi32>
        %broadcast_in_dim3A_949 = vector.shape_cast %select_n3A_948 : vector<16xi32> to vector<16x1xi32>
        %gather3A_950 = vector.shape_cast %broadcast_in_dim3A_949 : vector<16x1xi32> to vector<16xi32>
        %gather3A_951 = tpu.dynamic_gather %get3A_172[%gather3A_950] in [0] : vector<16xf32>, vector<16xi32> -> vector<16xf32>
        %mul3A_952 = arith.constant 16 : i32
        %mul3A_953 = arith.muli %mul3A_952, %scan3A_167 : i32
        %add3A_954 = arith.constant 8 : i32
        %add3A_955 = arith.addi %mul3A_953, %add3A_954 : i32
        %get3A_956 = arith.index_cast %add3A_955 : i32 to index
        %get3A_957 = arith.constant 0 : index
        %get3A_958 = tpu.vector_load %arg13[%get3A_956, %get3A_957] {strides = array<i32>} : memref<128x128xf32, #tpu.memory_space<vmem>>, vector<1x16xf32>,
        %get3A_959 = vector.shape_cast %get3A_958 : vector<1x16xf32> to vector<16xf32>
        %mul3A_960 = arith.mulf %get3A_959, %gather3A_951 : vector<16xf32>
        %swap3A_961 = arith.index_cast %add3A_955 : i32 to index
        %swap3A_962 = arith.constant 0 : index
        %swap3A_963 = tpu.vector_load %arg13[%swap3A_961, %swap3A_962] {strides = array<i32>} : memref<128x128xf32, #tpu.memory_space<vmem>>, vector<1x16xf32>,
        %swap3A_964 = vector.shape_cast %swap3A_963 : vector<1x16xf32> to vector<16xf32>
        %swap3A_965 = vector.shape_cast %mul3A_960 : vector<16xf32> to vector<1x16xf32>
        tpu.vector_store %arg13[%swap3A_961, %swap3A_962], %swap3A_965 {strides = array<i32>} : memref<128x128xf32, #tpu.memory_space<vmem>>, vector<1x16xf32>,
        %get3A_966 = arith.index_cast %add3A_955 : i32 to index
        %get3A_967 = arith.constant 16 : index
        %get3A_968 = tpu.vector_load %arg13[%get3A_966, %get3A_967] {strides = array<i32>} : memref<128x128xf32, #tpu.memory_space<vmem>>, vector<1x16xf32>,
        %get3A_969 = vector.shape_cast %get3A_968 : vector<1x16xf32> to vector<16xf32>
        %mul3A_970 = arith.mulf %get3A_969, %gather3A_951 : vector<16xf32>
        %swap3A_971 = arith.index_cast %add3A_955 : i32 to index
        %swap3A_972 = arith.constant 16 : index
        %swap3A_973 = tpu.vector_load %arg13[%swap3A_971, %swap3A_972] {strides = array<i32>} : memref<128x128xf32, #tpu.memory_space<vmem>>, vector<1x16xf32>,
        %swap3A_974 = vector.shape_cast %swap3A_973 : vector<1x16xf32> to vector<16xf32>
        %swap3A_975 = vector.shape_cast %mul3A_970 : vector<16xf32> to vector<1x16xf32>
        tpu.vector_store %arg13[%swap3A_971, %swap3A_972], %swap3A_975 {strides = array<i32>} : memref<128x128xf32, #tpu.memory_space<vmem>>, vector<1x16xf32>,
        %get3A_976 = arith.index_cast %add3A_955 : i32 to index
        %get3A_977 = arith.constant 32 : index
        %get3A_978 = tpu.vector_load %arg13[%get3A_976, %get3A_977] {strides = array<i32>} : memref<128x128xf32, #tpu.memory_space<vmem>>, vector<1x16xf32>,
        %get3A_979 = vector.shape_cast %get3A_978 : vector<1x16xf32> to vector<16xf32>
        %mul3A_980 = arith.mulf %get3A_979, %gather3A_951 : vector<16xf32>
        %swap3A_981 = arith.index_cast %add3A_955 : i32 to index
        %swap3A_982 = arith.constant 32 : index
        %swap3A_983 = tpu.vector_load %arg13[%swap3A_981, %swap3A_982] {strides = array<i32>} : memref<128x128xf32, #tpu.memory_space<vmem>>, vector<1x16xf32>,
        %swap3A_984 = vector.shape_cast %swap3A_983 : vector<1x16xf32> to vector<16xf32>
        %swap3A_985 = vector.shape_cast %mul3A_980 : vector<16xf32> to vector<1x16xf32>
        tpu.vector_store %arg13[%swap3A_981, %swap3A_982], %swap3A_985 {strides = array<i32>} : memref<128x128xf32, #tpu.memory_space<vmem>>, vector<1x16xf32>,
        %get3A_986 = arith.index_cast %add3A_955 : i32 to index
        %get3A_987 = arith.constant 48 : index
        %get3A_988 = tpu.vector_load %arg13[%get3A_986, %get3A_987] {strides = array<i32>} : memref<128x128xf32, #tpu.memory_space<vmem>>, vector<1x16xf32>,
        %get3A_989 = vector.shape_cast %get3A_988 : vector<1x16xf32> to vector<16xf32>
        %mul3A_990 = arith.mulf %get3A_989, %gather3A_951 : vector<16xf32>
        %swap3A_991 = arith.index_cast %add3A_955 : i32 to index
        %swap3A_992 = arith.constant 48 : index
        %swap3A_993 = tpu.vector_load %arg13[%swap3A_991, %swap3A_992] {strides = array<i32>} : memref<128x128xf32, #tpu.memory_space<vmem>>, vector<1x16xf32>,
        %swap3A_994 = vector.shape_cast %swap3A_993 : vector<1x16xf32> to vector<16xf32>
        %swap3A_995 = vector.shape_cast %mul3A_990 : vector<16xf32> to vector<1x16xf32>
        tpu.vector_store %arg13[%swap3A_991, %swap3A_992], %swap3A_995 {strides = array<i32>} : memref<128x128xf32, #tpu.memory_space<vmem>>, vector<1x16xf32>,
        %get3A_996 = arith.index_cast %add3A_955 : i32 to index
        %get3A_997 = arith.constant 64 : index
        %get3A_998 = tpu.vector_load %arg13[%get3A_996, %get3A_997] {strides = array<i32>} : memref<128x128xf32, #tpu.memory_space<vmem>>, vector<1x16xf32>,
        %get3A_999 = vector.shape_cast %get3A_998 : vector<1x16xf32> to vector<16xf32>
        %mul3A_1000 = arith.mulf %get3A_999, %gather3A_951 : vector<16xf32>
        %swap3A_1001 = arith.index_cast %add3A_955 : i32 to index
        %swap3A_1002 = arith.constant 64 : index
        %swap3A_1003 = tpu.vector_load %arg13[%swap3A_1001, %swap3A_1002] {strides = array<i32>} : memref<128x128xf32, #tpu.memory_space<vmem>>, vector<1x16xf32>,
        %swap3A_1004 = vector.shape_cast %swap3A_1003 : vector<1x16xf32> to vector<16xf32>
        %swap3A_1005 = vector.shape_cast %mul3A_1000 : vector<16xf32> to vector<1x16xf32>
        tpu.vector_store %arg13[%swap3A_1001, %swap3A_1002], %swap3A_1005 {strides = array<i32>} : memref<128x128xf32, #tpu.memory_space<vmem>>, vector<1x16xf32>,
        %get3A_1006 = arith.index_cast %add3A_955 : i32 to index
        %get3A_1007 = arith.constant 80 : index
        %get3A_1008 = tpu.vector_load %arg13[%get3A_1006, %get3A_1007] {strides = array<i32>} : memref<128x128xf32, #tpu.memory_space<vmem>>, vector<1x16xf32>,
        %get3A_1009 = vector.shape_cast %get3A_1008 : vector<1x16xf32> to vector<16xf32>
        %mul3A_1010 = arith.mulf %get3A_1009, %gather3A_951 : vector<16xf32>
        %swap3A_1011 = arith.index_cast %add3A_955 : i32 to index
        %swap3A_1012 = arith.constant 80 : index
        %swap3A_1013 = tpu.vector_load %arg13[%swap3A_1011, %swap3A_1012] {strides = array<i32>} : memref<128x128xf32, #tpu.memory_space<vmem>>, vector<1x16xf32>,
        %swap3A_1014 = vector.shape_cast %swap3A_1013 : vector<1x16xf32> to vector<16xf32>
        %swap3A_1015 = vector.shape_cast %mul3A_1010 : vector<16xf32> to vector<1x16xf32>
        tpu.vector_store %arg13[%swap3A_1011, %swap3A_1012], %swap3A_1015 {strides = array<i32>} : memref<128x128xf32, #tpu.memory_space<vmem>>, vector<1x16xf32>,
        %get3A_1016 = arith.index_cast %add3A_955 : i32 to index
        %get3A_1017 = arith.constant 96 : index
        %get3A_1018 = tpu.vector_load %arg13[%get3A_1016, %get3A_1017] {strides = array<i32>} : memref<128x128xf32, #tpu.memory_space<vmem>>, vector<1x16xf32>,
        %get3A_1019 = vector.shape_cast %get3A_1018 : vector<1x16xf32> to vector<16xf32>
        %mul3A_1020 = arith.mulf %get3A_1019, %gather3A_951 : vector<16xf32>
        %swap3A_1021 = arith.index_cast %add3A_955 : i32 to index
        %swap3A_1022 = arith.constant 96 : index
        %swap3A_1023 = tpu.vector_load %arg13[%swap3A_1021, %swap3A_1022] {strides = array<i32>} : memref<128x128xf32, #tpu.memory_space<vmem>>, vector<1x16xf32>,
        %swap3A_1024 = vector.shape_cast %swap3A_1023 : vector<1x16xf32> to vector<16xf32>
        %swap3A_1025 = vector.shape_cast %mul3A_1020 : vector<16xf32> to vector<1x16xf32>
        tpu.vector_store %arg13[%swap3A_1021, %swap3A_1022], %swap3A_1025 {strides = array<i32>} : memref<128x128xf32, #tpu.memory_space<vmem>>, vector<1x16xf32>,
        %get3A_1026 = arith.index_cast %add3A_955 : i32 to index
        %get3A_1027 = arith.constant 112 : index
        %get3A_1028 = tpu.vector_load %arg13[%get3A_1026, %get3A_1027] {strides = array<i32>} : memref<128x128xf32, #tpu.memory_space<vmem>>, vector<1x16xf32>,
        %get3A_1029 = vector.shape_cast %get3A_1028 : vector<1x16xf32> to vector<16xf32>
        %mul3A_1030 = arith.mulf %get3A_1029, %gather3A_951 : vector<16xf32>
        %swap3A_1031 = arith.index_cast %add3A_955 : i32 to index
        %swap3A_1032 = arith.constant 112 : index
        %swap3A_1033 = tpu.vector_load %arg13[%swap3A_1031, %swap3A_1032] {strides = array<i32>} : memref<128x128xf32, #tpu.memory_space<vmem>>, vector<1x16xf32>,
        %swap3A_1034 = vector.shape_cast %swap3A_1033 : vector<1x16xf32> to vector<16xf32>
        %swap3A_1035 = vector.shape_cast %mul3A_1030 : vector<16xf32> to vector<1x16xf32>
        tpu.vector_store %arg13[%swap3A_1031, %swap3A_1032], %swap3A_1035 {strides = array<i32>} : memref<128x128xf32, #tpu.memory_space<vmem>>, vector<1x16xf32>,
        %broadcast_in_dim3A_1036 = arith.constant 9 : i32
        %broadcast_in_dim3A_1037 = vector.broadcast %broadcast_in_dim3A_1036 : i32 to vector<16xi32>
        %lt3A_1038 = arith.constant 0 : i32
        %lt3A_1039 = vector.broadcast %lt3A_1038 : i32 to vector<16xi32>
        %lt3A_1040 = arith.cmpi slt, %broadcast_in_dim3A_1037, %lt3A_1039 : vector<16xi32>
        %add3A_1041 = arith.constant 16 : i32
        %add3A_1042 = vector.broadcast %add3A_1041 : i32 to vector<16xi32>
        %add3A_1043 = arith.addi %broadcast_in_dim3A_1037, %add3A_1042 : vector<16xi32>
        %select_n3A_1044 = arith.select %lt3A_1040, %add3A_1043, %broadcast_in_dim3A_1037 : vector<16xi1>, vector<16xi32>
        %broadcast_in_dim3A_1045 = vector.shape_cast %select_n3A_1044 : vector<16xi32> to vector<16x1xi32>
        %gather3A_1046 = vector.shape_cast %broadcast_in_dim3A_1045 : vector<16x1xi32> to vector<16xi32>
        %gather3A_1047 = tpu.dynamic_gather %get3A_172[%gather3A_1046] in [0] : vector<16xf32>, vector<16xi32> -> vector<16xf32>
        %mul3A_1048 = arith.constant 16 : i32
        %mul3A_1049 = arith.muli %mul3A_1048, %scan3A_167 : i32
        %add3A_1050 = arith.constant 9 : i32
        %add3A_1051 = arith.addi %mul3A_1049, %add3A_1050 : i32
        %get3A_1052 = arith.index_cast %add3A_1051 : i32 to index
        %get3A_1053 = arith.constant 0 : index
        %get3A_1054 = tpu.vector_load %arg13[%get3A_1052, %get3A_1053] {strides = array<i32>} : memref<128x128xf32, #tpu.memory_space<vmem>>, vector<1x16xf32>,
        %get3A_1055 = vector.shape_cast %get3A_1054 : vector<1x16xf32> to vector<16xf32>
        %mul3A_1056 = arith.mulf %get3A_1055, %gather3A_1047 : vector<16xf32>
        %swap3A_1057 = arith.index_cast %add3A_1051 : i32 to index
        %swap3A_1058 = arith.constant 0 : index
        %swap3A_1059 = tpu.vector_load %arg13[%swap3A_1057, %swap3A_1058] {strides = array<i32>} : memref<128x128xf32, #tpu.memory_space<vmem>>, vector<1x16xf32>,
        %swap3A_1060 = vector.shape_cast %swap3A_1059 : vector<1x16xf32> to vector<16xf32>
        %swap3A_1061 = vector.shape_cast %mul3A_1056 : vector<16xf32> to vector<1x16xf32>
        tpu.vector_store %arg13[%swap3A_1057, %swap3A_1058], %swap3A_1061 {strides = array<i32>} : memref<128x128xf32, #tpu.memory_space<vmem>>, vector<1x16xf32>,
        %get3A_1062 = arith.index_cast %add3A_1051 : i32 to index
        %get3A_1063 = arith.constant 16 : index
        %get3A_1064 = tpu.vector_load %arg13[%get3A_1062, %get3A_1063] {strides = array<i32>} : memref<128x128xf32, #tpu.memory_space<vmem>>, vector<1x16xf32>,
        %get3A_1065 = vector.shape_cast %get3A_1064 : vector<1x16xf32> to vector<16xf32>
        %mul3A_1066 = arith.mulf %get3A_1065, %gather3A_1047 : vector<16xf32>
        %swap3A_1067 = arith.index_cast %add3A_1051 : i32 to index
        %swap3A_1068 = arith.constant 16 : index
        %swap3A_1069 = tpu.vector_load %arg13[%swap3A_1067, %swap3A_1068] {strides = array<i32>} : memref<128x128xf32, #tpu.memory_space<vmem>>, vector<1x16xf32>,
        %swap3A_1070 = vector.shape_cast %swap3A_1069 : vector<1x16xf32> to vector<16xf32>
        %swap3A_1071 = vector.shape_cast %mul3A_1066 : vector<16xf32> to vector<1x16xf32>
        tpu.vector_store %arg13[%swap3A_1067, %swap3A_1068], %swap3A_1071 {strides = array<i32>} : memref<128x128xf32, #tpu.memory_space<vmem>>, vector<1x16xf32>,
        %get3A_1072 = arith.index_cast %add3A_1051 : i32 to index
        %get3A_1073 = arith.constant 32 : index
        %get3A_1074 = tpu.vector_load %arg13[%get3A_1072, %get3A_1073] {strides = array<i32>} : memref<128x128xf32, #tpu.memory_space<vmem>>, vector<1x16xf32>,
        %get3A_1075 = vector.shape_cast %get3A_1074 : vector<1x16xf32> to vector<16xf32>
        %mul3A_1076 = arith.mulf %get3A_1075, %gather3A_1047 : vector<16xf32>
        %swap3A_1077 = arith.index_cast %add3A_1051 : i32 to index
        %swap3A_1078 = arith.constant 32 : index
        %swap3A_1079 = tpu.vector_load %arg13[%swap3A_1077, %swap3A_1078] {strides = array<i32>} : memref<128x128xf32, #tpu.memory_space<vmem>>, vector<1x16xf32>,
        %swap3A_1080 = vector.shape_cast %swap3A_1079 : vector<1x16xf32> to vector<16xf32>
        %swap3A_1081 = vector.shape_cast %mul3A_1076 : vector<16xf32> to vector<1x16xf32>
        tpu.vector_store %arg13[%swap3A_1077, %swap3A_1078], %swap3A_1081 {strides = array<i32>} : memref<128x128xf32, #tpu.memory_space<vmem>>, vector<1x16xf32>,
        %get3A_1082 = arith.index_cast %add3A_1051 : i32 to index
        %get3A_1083 = arith.constant 48 : index
        %get3A_1084 = tpu.vector_load %arg13[%get3A_1082, %get3A_1083] {strides = array<i32>} : memref<128x128xf32, #tpu.memory_space<vmem>>, vector<1x16xf32>,
        %get3A_1085 = vector.shape_cast %get3A_1084 : vector<1x16xf32> to vector<16xf32>
        %mul3A_1086 = arith.mulf %get3A_1085, %gather3A_1047 : vector<16xf32>
        %swap3A_1087 = arith.index_cast %add3A_1051 : i32 to index
        %swap3A_1088 = arith.constant 48 : index
        %swap3A_1089 = tpu.vector_load %arg13[%swap3A_1087, %swap3A_1088] {strides = array<i32>} : memref<128x128xf32, #tpu.memory_space<vmem>>, vector<1x16xf32>,
        %swap3A_1090 = vector.shape_cast %swap3A_1089 : vector<1x16xf32> to vector<16xf32>
        %swap3A_1091 = vector.shape_cast %mul3A_1086 : vector<16xf32> to vector<1x16xf32>
        tpu.vector_store %arg13[%swap3A_1087, %swap3A_1088], %swap3A_1091 {strides = array<i32>} : memref<128x128xf32, #tpu.memory_space<vmem>>, vector<1x16xf32>,
        %get3A_1092 = arith.index_cast %add3A_1051 : i32 to index
        %get3A_1093 = arith.constant 64 : index
        %get3A_1094 = tpu.vector_load %arg13[%get3A_1092, %get3A_1093] {strides = array<i32>} : memref<128x128xf32, #tpu.memory_space<vmem>>, vector<1x16xf32>,
        %get3A_1095 = vector.shape_cast %get3A_1094 : vector<1x16xf32> to vector<16xf32>
        %mul3A_1096 = arith.mulf %get3A_1095, %gather3A_1047 : vector<16xf32>
        %swap3A_1097 = arith.index_cast %add3A_1051 : i32 to index
        %swap3A_1098 = arith.constant 64 : index
        %swap3A_1099 = tpu.vector_load %arg13[%swap3A_1097, %swap3A_1098] {strides = array<i32>} : memref<128x128xf32, #tpu.memory_space<vmem>>, vector<1x16xf32>,
        %swap3A_1100 = vector.shape_cast %swap3A_1099 : vector<1x16xf32> to vector<16xf32>
        %swap3A_1101 = vector.shape_cast %mul3A_1096 : vector<16xf32> to vector<1x16xf32>
        tpu.vector_store %arg13[%swap3A_1097, %swap3A_1098], %swap3A_1101 {strides = array<i32>} : memref<128x128xf32, #tpu.memory_space<vmem>>, vector<1x16xf32>,
        %get3A_1102 = arith.index_cast %add3A_1051 : i32 to index
        %get3A_1103 = arith.constant 80 : index
        %get3A_1104 = tpu.vector_load %arg13[%get3A_1102, %get3A_1103] {strides = array<i32>} : memref<128x128xf32, #tpu.memory_space<vmem>>, vector<1x16xf32>,
        %get3A_1105 = vector.shape_cast %get3A_1104 : vector<1x16xf32> to vector<16xf32>
        %mul3A_1106 = arith.mulf %get3A_1105, %gather3A_1047 : vector<16xf32>
        %swap3A_1107 = arith.index_cast %add3A_1051 : i32 to index
        %swap3A_1108 = arith.constant 80 : index
        %swap3A_1109 = tpu.vector_load %arg13[%swap3A_1107, %swap3A_1108] {strides = array<i32>} : memref<128x128xf32, #tpu.memory_space<vmem>>, vector<1x16xf32>,
        %swap3A_1110 = vector.shape_cast %swap3A_1109 : vector<1x16xf32> to vector<16xf32>
        %swap3A_1111 = vector.shape_cast %mul3A_1106 : vector<16xf32> to vector<1x16xf32>
        tpu.vector_store %arg13[%swap3A_1107, %swap3A_1108], %swap3A_1111 {strides = array<i32>} : memref<128x128xf32, #tpu.memory_space<vmem>>, vector<1x16xf32>,
        %get3A_1112 = arith.index_cast %add3A_1051 : i32 to index
        %get3A_1113 = arith.constant 96 : index
        %get3A_1114 = tpu.vector_load %arg13[%get3A_1112, %get3A_1113] {strides = array<i32>} : memref<128x128xf32, #tpu.memory_space<vmem>>, vector<1x16xf32>,
        %get3A_1115 = vector.shape_cast %get3A_1114 : vector<1x16xf32> to vector<16xf32>
        %mul3A_1116 = arith.mulf %get3A_1115, %gather3A_1047 : vector<16xf32>
        %swap3A_1117 = arith.index_cast %add3A_1051 : i32 to index
        %swap3A_1118 = arith.constant 96 : index
        %swap3A_1119 = tpu.vector_load %arg13[%swap3A_1117, %swap3A_1118] {strides = array<i32>} : memref<128x128xf32, #tpu.memory_space<vmem>>, vector<1x16xf32>,
        %swap3A_1120 = vector.shape_cast %swap3A_1119 : vector<1x16xf32> to vector<16xf32>
        %swap3A_1121 = vector.shape_cast %mul3A_1116 : vector<16xf32> to vector<1x16xf32>
        tpu.vector_store %arg13[%swap3A_1117, %swap3A_1118], %swap3A_1121 {strides = array<i32>} : memref<128x128xf32, #tpu.memory_space<vmem>>, vector<1x16xf32>,
        %get3A_1122 = arith.index_cast %add3A_1051 : i32 to index
        %get3A_1123 = arith.constant 112 : index
        %get3A_1124 = tpu.vector_load %arg13[%get3A_1122, %get3A_1123] {strides = array<i32>} : memref<128x128xf32, #tpu.memory_space<vmem>>, vector<1x16xf32>,
        %get3A_1125 = vector.shape_cast %get3A_1124 : vector<1x16xf32> to vector<16xf32>
        %mul3A_1126 = arith.mulf %get3A_1125, %gather3A_1047 : vector<16xf32>
        %swap3A_1127 = arith.index_cast %add3A_1051 : i32 to index
        %swap3A_1128 = arith.constant 112 : index
        %swap3A_1129 = tpu.vector_load %arg13[%swap3A_1127, %swap3A_1128] {strides = array<i32>} : memref<128x128xf32, #tpu.memory_space<vmem>>, vector<1x16xf32>,
        %swap3A_1130 = vector.shape_cast %swap3A_1129 : vector<1x16xf32> to vector<16xf32>
        %swap3A_1131 = vector.shape_cast %mul3A_1126 : vector<16xf32> to vector<1x16xf32>
        tpu.vector_store %arg13[%swap3A_1127, %swap3A_1128], %swap3A_1131 {strides = array<i32>} : memref<128x128xf32, #tpu.memory_space<vmem>>, vector<1x16xf32>,
        %broadcast_in_dim3A_1132 = arith.constant 10 : i32
        %broadcast_in_dim3A_1133 = vector.broadcast %broadcast_in_dim3A_1132 : i32 to vector<16xi32>
        %lt3A_1134 = arith.constant 0 : i32
        %lt3A_1135 = vector.broadcast %lt3A_1134 : i32 to vector<16xi32>
        %lt3A_1136 = arith.cmpi slt, %broadcast_in_dim3A_1133, %lt3A_1135 : vector<16xi32>
        %add3A_1137 = arith.constant 16 : i32
        %add3A_1138 = vector.broadcast %add3A_1137 : i32 to vector<16xi32>
        %add3A_1139 = arith.addi %broadcast_in_dim3A_1133, %add3A_1138 : vector<16xi32>
        %select_n3A_1140 = arith.select %lt3A_1136, %add3A_1139, %broadcast_in_dim3A_1133 : vector<16xi1>, vector<16xi32>
        %broadcast_in_dim3A_1141 = vector.shape_cast %select_n3A_1140 : vector<16xi32> to vector<16x1xi32>
        %gather3A_1142 = vector.shape_cast %broadcast_in_dim3A_1141 : vector<16x1xi32> to vector<16xi32>
        %gather3A_1143 = tpu.dynamic_gather %get3A_172[%gather3A_1142] in [0] : vector<16xf32>, vector<16xi32> -> vector<16xf32>
        %mul3A_1144 = arith.constant 16 : i32
        %mul3A_1145 = arith.muli %mul3A_1144, %scan3A_167 : i32
        %add3A_1146 = arith.constant 10 : i32
        %add3A_1147 = arith.addi %mul3A_1145, %add3A_1146 : i32
        %get3A_1148 = arith.index_cast %add3A_1147 : i32 to index
        %get3A_1149 = arith.constant 0 : index
        %get3A_1150 = tpu.vector_load %arg13[%get3A_1148, %get3A_1149] {strides = array<i32>} : memref<128x128xf32, #tpu.memory_space<vmem>>, vector<1x16xf32>,
        %get3A_1151 = vector.shape_cast %get3A_1150 : vector<1x16xf32> to vector<16xf32>
        %mul3A_1152 = arith.mulf %get3A_1151, %gather3A_1143 : vector<16xf32>
        %swap3A_1153 = arith.index_cast %add3A_1147 : i32 to index
        %swap3A_1154 = arith.constant 0 : index
        %swap3A_1155 = tpu.vector_load %arg13[%swap3A_1153, %swap3A_1154] {strides = array<i32>} : memref<128x128xf32, #tpu.memory_space<vmem>>, vector<1x16xf32>,
        %swap3A_1156 = vector.shape_cast %swap3A_1155 : vector<1x16xf32> to vector<16xf32>
        %swap3A_1157 = vector.shape_cast %mul3A_1152 : vector<16xf32> to vector<1x16xf32>
        tpu.vector_store %arg13[%swap3A_1153, %swap3A_1154], %swap3A_1157 {strides = array<i32>} : memref<128x128xf32, #tpu.memory_space<vmem>>, vector<1x16xf32>,
        %get3A_1158 = arith.index_cast %add3A_1147 : i32 to index
        %get3A_1159 = arith.constant 16 : index
        %get3A_1160 = tpu.vector_load %arg13[%get3A_1158, %get3A_1159] {strides = array<i32>} : memref<128x128xf32, #tpu.memory_space<vmem>>, vector<1x16xf32>,
        %get3A_1161 = vector.shape_cast %get3A_1160 : vector<1x16xf32> to vector<16xf32>
        %mul3A_1162 = arith.mulf %get3A_1161, %gather3A_1143 : vector<16xf32>
        %swap3A_1163 = arith.index_cast %add3A_1147 : i32 to index
        %swap3A_1164 = arith.constant 16 : index
        %swap3A_1165 = tpu.vector_load %arg13[%swap3A_1163, %swap3A_1164] {strides = array<i32>} : memref<128x128xf32, #tpu.memory_space<vmem>>, vector<1x16xf32>,
        %swap3A_1166 = vector.shape_cast %swap3A_1165 : vector<1x16xf32> to vector<16xf32>
        %swap3A_1167 = vector.shape_cast %mul3A_1162 : vector<16xf32> to vector<1x16xf32>
        tpu.vector_store %arg13[%swap3A_1163, %swap3A_1164], %swap3A_1167 {strides = array<i32>} : memref<128x128xf32, #tpu.memory_space<vmem>>, vector<1x16xf32>,
        %get3A_1168 = arith.index_cast %add3A_1147 : i32 to index
        %get3A_1169 = arith.constant 32 : index
        %get3A_1170 = tpu.vector_load %arg13[%get3A_1168, %get3A_1169] {strides = array<i32>} : memref<128x128xf32, #tpu.memory_space<vmem>>, vector<1x16xf32>,
        %get3A_1171 = vector.shape_cast %get3A_1170 : vector<1x16xf32> to vector<16xf32>
        %mul3A_1172 = arith.mulf %get3A_1171, %gather3A_1143 : vector<16xf32>
        %swap3A_1173 = arith.index_cast %add3A_1147 : i32 to index
        %swap3A_1174 = arith.constant 32 : index
        %swap3A_1175 = tpu.vector_load %arg13[%swap3A_1173, %swap3A_1174] {strides = array<i32>} : memref<128x128xf32, #tpu.memory_space<vmem>>, vector<1x16xf32>,
        %swap3A_1176 = vector.shape_cast %swap3A_1175 : vector<1x16xf32> to vector<16xf32>
        %swap3A_1177 = vector.shape_cast %mul3A_1172 : vector<16xf32> to vector<1x16xf32>
        tpu.vector_store %arg13[%swap3A_1173, %swap3A_1174], %swap3A_1177 {strides = array<i32>} : memref<128x128xf32, #tpu.memory_space<vmem>>, vector<1x16xf32>,
        %get3A_1178 = arith.index_cast %add3A_1147 : i32 to index
        %get3A_1179 = arith.constant 48 : index
        %get3A_1180 = tpu.vector_load %arg13[%get3A_1178, %get3A_1179] {strides = array<i32>} : memref<128x128xf32, #tpu.memory_space<vmem>>, vector<1x16xf32>,
        %get3A_1181 = vector.shape_cast %get3A_1180 : vector<1x16xf32> to vector<16xf32>
        %mul3A_1182 = arith.mulf %get3A_1181, %gather3A_1143 : vector<16xf32>
        %swap3A_1183 = arith.index_cast %add3A_1147 : i32 to index
        %swap3A_1184 = arith.constant 48 : index
        %swap3A_1185 = tpu.vector_load %arg13[%swap3A_1183, %swap3A_1184] {strides = array<i32>} : memref<128x128xf32, #tpu.memory_space<vmem>>, vector<1x16xf32>,
        %swap3A_1186 = vector.shape_cast %swap3A_1185 : vector<1x16xf32> to vector<16xf32>
        %swap3A_1187 = vector.shape_cast %mul3A_1182 : vector<16xf32> to vector<1x16xf32>
        tpu.vector_store %arg13[%swap3A_1183, %swap3A_1184], %swap3A_1187 {strides = array<i32>} : memref<128x128xf32, #tpu.memory_space<vmem>>, vector<1x16xf32>,
        %get3A_1188 = arith.index_cast %add3A_1147 : i32 to index
        %get3A_1189 = arith.constant 64 : index
        %get3A_1190 = tpu.vector_load %arg13[%get3A_1188, %get3A_1189] {strides = array<i32>} : memref<128x128xf32, #tpu.memory_space<vmem>>, vector<1x16xf32>,
        %get3A_1191 = vector.shape_cast %get3A_1190 : vector<1x16xf32> to vector<16xf32>
        %mul3A_1192 = arith.mulf %get3A_1191, %gather3A_1143 : vector<16xf32>
        %swap3A_1193 = arith.index_cast %add3A_1147 : i32 to index
        %swap3A_1194 = arith.constant 64 : index
        %swap3A_1195 = tpu.vector_load %arg13[%swap3A_1193, %swap3A_1194] {strides = array<i32>} : memref<128x128xf32, #tpu.memory_space<vmem>>, vector<1x16xf32>,
        %swap3A_1196 = vector.shape_cast %swap3A_1195 : vector<1x16xf32> to vector<16xf32>
        %swap3A_1197 = vector.shape_cast %mul3A_1192 : vector<16xf32> to vector<1x16xf32>
        tpu.vector_store %arg13[%swap3A_1193, %swap3A_1194], %swap3A_1197 {strides = array<i32>} : memref<128x128xf32, #tpu.memory_space<vmem>>, vector<1x16xf32>,
        %get3A_1198 = arith.index_cast %add3A_1147 : i32 to index
        %get3A_1199 = arith.constant 80 : index
        %get3A_1200 = tpu.vector_load %arg13[%get3A_1198, %get3A_1199] {strides = array<i32>} : memref<128x128xf32, #tpu.memory_space<vmem>>, vector<1x16xf32>,
        %get3A_1201 = vector.shape_cast %get3A_1200 : vector<1x16xf32> to vector<16xf32>
        %mul3A_1202 = arith.mulf %get3A_1201, %gather3A_1143 : vector<16xf32>
        %swap3A_1203 = arith.index_cast %add3A_1147 : i32 to index
        %swap3A_1204 = arith.constant 80 : index
        %swap3A_1205 = tpu.vector_load %arg13[%swap3A_1203, %swap3A_1204] {strides = array<i32>} : memref<128x128xf32, #tpu.memory_space<vmem>>, vector<1x16xf32>,
        %swap3A_1206 = vector.shape_cast %swap3A_1205 : vector<1x16xf32> to vector<16xf32>
        %swap3A_1207 = vector.shape_cast %mul3A_1202 : vector<16xf32> to vector<1x16xf32>
        tpu.vector_store %arg13[%swap3A_1203, %swap3A_1204], %swap3A_1207 {strides = array<i32>} : memref<128x128xf32, #tpu.memory_space<vmem>>, vector<1x16xf32>,
        %get3A_1208 = arith.index_cast %add3A_1147 : i32 to index
        %get3A_1209 = arith.constant 96 : index
        %get3A_1210 = tpu.vector_load %arg13[%get3A_1208, %get3A_1209] {strides = array<i32>} : memref<128x128xf32, #tpu.memory_space<vmem>>, vector<1x16xf32>,
        %get3A_1211 = vector.shape_cast %get3A_1210 : vector<1x16xf32> to vector<16xf32>
        %mul3A_1212 = arith.mulf %get3A_1211, %gather3A_1143 : vector<16xf32>
        %swap3A_1213 = arith.index_cast %add3A_1147 : i32 to index
        %swap3A_1214 = arith.constant 96 : index
        %swap3A_1215 = tpu.vector_load %arg13[%swap3A_1213, %swap3A_1214] {strides = array<i32>} : memref<128x128xf32, #tpu.memory_space<vmem>>, vector<1x16xf32>,
        %swap3A_1216 = vector.shape_cast %swap3A_1215 : vector<1x16xf32> to vector<16xf32>
        %swap3A_1217 = vector.shape_cast %mul3A_1212 : vector<16xf32> to vector<1x16xf32>
        tpu.vector_store %arg13[%swap3A_1213, %swap3A_1214], %swap3A_1217 {strides = array<i32>} : memref<128x128xf32, #tpu.memory_space<vmem>>, vector<1x16xf32>,
        %get3A_1218 = arith.index_cast %add3A_1147 : i32 to index
        %get3A_1219 = arith.constant 112 : index
        %get3A_1220 = tpu.vector_load %arg13[%get3A_1218, %get3A_1219] {strides = array<i32>} : memref<128x128xf32, #tpu.memory_space<vmem>>, vector<1x16xf32>,
        %get3A_1221 = vector.shape_cast %get3A_1220 : vector<1x16xf32> to vector<16xf32>
        %mul3A_1222 = arith.mulf %get3A_1221, %gather3A_1143 : vector<16xf32>
        %swap3A_1223 = arith.index_cast %add3A_1147 : i32 to index
        %swap3A_1224 = arith.constant 112 : index
        %swap3A_1225 = tpu.vector_load %arg13[%swap3A_1223, %swap3A_1224] {strides = array<i32>} : memref<128x128xf32, #tpu.memory_space<vmem>>, vector<1x16xf32>,
        %swap3A_1226 = vector.shape_cast %swap3A_1225 : vector<1x16xf32> to vector<16xf32>
        %swap3A_1227 = vector.shape_cast %mul3A_1222 : vector<16xf32> to vector<1x16xf32>
        tpu.vector_store %arg13[%swap3A_1223, %swap3A_1224], %swap3A_1227 {strides = array<i32>} : memref<128x128xf32, #tpu.memory_space<vmem>>, vector<1x16xf32>,
        %broadcast_in_dim3A_1228 = arith.constant 11 : i32
        %broadcast_in_dim3A_1229 = vector.broadcast %broadcast_in_dim3A_1228 : i32 to vector<16xi32>
        %lt3A_1230 = arith.constant 0 : i32
        %lt3A_1231 = vector.broadcast %lt3A_1230 : i32 to vector<16xi32>
        %lt3A_1232 = arith.cmpi slt, %broadcast_in_dim3A_1229, %lt3A_1231 : vector<16xi32>
        %add3A_1233 = arith.constant 16 : i32
        %add3A_1234 = vector.broadcast %add3A_1233 : i32 to vector<16xi32>
        %add3A_1235 = arith.addi %broadcast_in_dim3A_1229, %add3A_1234 : vector<16xi32>
        %select_n3A_1236 = arith.select %lt3A_1232, %add3A_1235, %broadcast_in_dim3A_1229 : vector<16xi1>, vector<16xi32>
        %broadcast_in_dim3A_1237 = vector.shape_cast %select_n3A_1236 : vector<16xi32> to vector<16x1xi32>
        %gather3A_1238 = vector.shape_cast %broadcast_in_dim3A_1237 : vector<16x1xi32> to vector<16xi32>
        %gather3A_1239 = tpu.dynamic_gather %get3A_172[%gather3A_1238] in [0] : vector<16xf32>, vector<16xi32> -> vector<16xf32>
        %mul3A_1240 = arith.constant 16 : i32
        %mul3A_1241 = arith.muli %mul3A_1240, %scan3A_167 : i32
        %add3A_1242 = arith.constant 11 : i32
        %add3A_1243 = arith.addi %mul3A_1241, %add3A_1242 : i32
        %get3A_1244 = arith.index_cast %add3A_1243 : i32 to index
        %get3A_1245 = arith.constant 0 : index
        %get3A_1246 = tpu.vector_load %arg13[%get3A_1244, %get3A_1245] {strides = array<i32>} : memref<128x128xf32, #tpu.memory_space<vmem>>, vector<1x16xf32>,
        %get3A_1247 = vector.shape_cast %get3A_1246 : vector<1x16xf32> to vector<16xf32>
        %mul3A_1248 = arith.mulf %get3A_1247, %gather3A_1239 : vector<16xf32>
        %swap3A_1249 = arith.index_cast %add3A_1243 : i32 to index
        %swap3A_1250 = arith.constant 0 : index
        %swap3A_1251 = tpu.vector_load %arg13[%swap3A_1249, %swap3A_1250] {strides = array<i32>} : memref<128x128xf32, #tpu.memory_space<vmem>>, vector<1x16xf32>,
        %swap3A_1252 = vector.shape_cast %swap3A_1251 : vector<1x16xf32> to vector<16xf32>
        %swap3A_1253 = vector.shape_cast %mul3A_1248 : vector<16xf32> to vector<1x16xf32>
        tpu.vector_store %arg13[%swap3A_1249, %swap3A_1250], %swap3A_1253 {strides = array<i32>} : memref<128x128xf32, #tpu.memory_space<vmem>>, vector<1x16xf32>,
        %get3A_1254 = arith.index_cast %add3A_1243 : i32 to index
        %get3A_1255 = arith.constant 16 : index
        %get3A_1256 = tpu.vector_load %arg13[%get3A_1254, %get3A_1255] {strides = array<i32>} : memref<128x128xf32, #tpu.memory_space<vmem>>, vector<1x16xf32>,
        %get3A_1257 = vector.shape_cast %get3A_1256 : vector<1x16xf32> to vector<16xf32>
        %mul3A_1258 = arith.mulf %get3A_1257, %gather3A_1239 : vector<16xf32>
        %swap3A_1259 = arith.index_cast %add3A_1243 : i32 to index
        %swap3A_1260 = arith.constant 16 : index
        %swap3A_1261 = tpu.vector_load %arg13[%swap3A_1259, %swap3A_1260] {strides = array<i32>} : memref<128x128xf32, #tpu.memory_space<vmem>>, vector<1x16xf32>,
        %swap3A_1262 = vector.shape_cast %swap3A_1261 : vector<1x16xf32> to vector<16xf32>
        %swap3A_1263 = vector.shape_cast %mul3A_1258 : vector<16xf32> to vector<1x16xf32>
        tpu.vector_store %arg13[%swap3A_1259, %swap3A_1260], %swap3A_1263 {strides = array<i32>} : memref<128x128xf32, #tpu.memory_space<vmem>>, vector<1x16xf32>,
        %get3A_1264 = arith.index_cast %add3A_1243 : i32 to index
        %get3A_1265 = arith.constant 32 : index
        %get3A_1266 = tpu.vector_load %arg13[%get3A_1264, %get3A_1265] {strides = array<i32>} : memref<128x128xf32, #tpu.memory_space<vmem>>, vector<1x16xf32>,
        %get3A_1267 = vector.shape_cast %get3A_1266 : vector<1x16xf32> to vector<16xf32>
        %mul3A_1268 = arith.mulf %get3A_1267, %gather3A_1239 : vector<16xf32>
        %swap3A_1269 = arith.index_cast %add3A_1243 : i32 to index
        %swap3A_1270 = arith.constant 32 : index
        %swap3A_1271 = tpu.vector_load %arg13[%swap3A_1269, %swap3A_1270] {strides = array<i32>} : memref<128x128xf32, #tpu.memory_space<vmem>>, vector<1x16xf32>,
        %swap3A_1272 = vector.shape_cast %swap3A_1271 : vector<1x16xf32> to vector<16xf32>
        %swap3A_1273 = vector.shape_cast %mul3A_1268 : vector<16xf32> to vector<1x16xf32>
        tpu.vector_store %arg13[%swap3A_1269, %swap3A_1270], %swap3A_1273 {strides = array<i32>} : memref<128x128xf32, #tpu.memory_space<vmem>>, vector<1x16xf32>,
        %get3A_1274 = arith.index_cast %add3A_1243 : i32 to index
        %get3A_1275 = arith.constant 48 : index
        %get3A_1276 = tpu.vector_load %arg13[%get3A_1274, %get3A_1275] {strides = array<i32>} : memref<128x128xf32, #tpu.memory_space<vmem>>, vector<1x16xf32>,
        %get3A_1277 = vector.shape_cast %get3A_1276 : vector<1x16xf32> to vector<16xf32>
        %mul3A_1278 = arith.mulf %get3A_1277, %gather3A_1239 : vector<16xf32>
        %swap3A_1279 = arith.index_cast %add3A_1243 : i32 to index
        %swap3A_1280 = arith.constant 48 : index
        %swap3A_1281 = tpu.vector_load %arg13[%swap3A_1279, %swap3A_1280] {strides = array<i32>} : memref<128x128xf32, #tpu.memory_space<vmem>>, vector<1x16xf32>,
        %swap3A_1282 = vector.shape_cast %swap3A_1281 : vector<1x16xf32> to vector<16xf32>
        %swap3A_1283 = vector.shape_cast %mul3A_1278 : vector<16xf32> to vector<1x16xf32>
        tpu.vector_store %arg13[%swap3A_1279, %swap3A_1280], %swap3A_1283 {strides = array<i32>} : memref<128x128xf32, #tpu.memory_space<vmem>>, vector<1x16xf32>,
        %get3A_1284 = arith.index_cast %add3A_1243 : i32 to index
        %get3A_1285 = arith.constant 64 : index
        %get3A_1286 = tpu.vector_load %arg13[%get3A_1284, %get3A_1285] {strides = array<i32>} : memref<128x128xf32, #tpu.memory_space<vmem>>, vector<1x16xf32>,
        %get3A_1287 = vector.shape_cast %get3A_1286 : vector<1x16xf32> to vector<16xf32>
        %mul3A_1288 = arith.mulf %get3A_1287, %gather3A_1239 : vector<16xf32>
        %swap3A_1289 = arith.index_cast %add3A_1243 : i32 to index
        %swap3A_1290 = arith.constant 64 : index
        %swap3A_1291 = tpu.vector_load %arg13[%swap3A_1289, %swap3A_1290] {strides = array<i32>} : memref<128x128xf32, #tpu.memory_space<vmem>>, vector<1x16xf32>,
        %swap3A_1292 = vector.shape_cast %swap3A_1291 : vector<1x16xf32> to vector<16xf32>
        %swap3A_1293 = vector.shape_cast %mul3A_1288 : vector<16xf32> to vector<1x16xf32>
        tpu.vector_store %arg13[%swap3A_1289, %swap3A_1290], %swap3A_1293 {strides = array<i32>} : memref<128x128xf32, #tpu.memory_space<vmem>>, vector<1x16xf32>,
        %get3A_1294 = arith.index_cast %add3A_1243 : i32 to index
        %get3A_1295 = arith.constant 80 : index
        %get3A_1296 = tpu.vector_load %arg13[%get3A_1294, %get3A_1295] {strides = array<i32>} : memref<128x128xf32, #tpu.memory_space<vmem>>, vector<1x16xf32>,
        %get3A_1297 = vector.shape_cast %get3A_1296 : vector<1x16xf32> to vector<16xf32>
        %mul3A_1298 = arith.mulf %get3A_1297, %gather3A_1239 : vector<16xf32>
        %swap3A_1299 = arith.index_cast %add3A_1243 : i32 to index
        %swap3A_1300 = arith.constant 80 : index
        %swap3A_1301 = tpu.vector_load %arg13[%swap3A_1299, %swap3A_1300] {strides = array<i32>} : memref<128x128xf32, #tpu.memory_space<vmem>>, vector<1x16xf32>,
        %swap3A_1302 = vector.shape_cast %swap3A_1301 : vector<1x16xf32> to vector<16xf32>
        %swap3A_1303 = vector.shape_cast %mul3A_1298 : vector<16xf32> to vector<1x16xf32>
        tpu.vector_store %arg13[%swap3A_1299, %swap3A_1300], %swap3A_1303 {strides = array<i32>} : memref<128x128xf32, #tpu.memory_space<vmem>>, vector<1x16xf32>,
        %get3A_1304 = arith.index_cast %add3A_1243 : i32 to index
        %get3A_1305 = arith.constant 96 : index
        %get3A_1306 = tpu.vector_load %arg13[%get3A_1304, %get3A_1305] {strides = array<i32>} : memref<128x128xf32, #tpu.memory_space<vmem>>, vector<1x16xf32>,
        %get3A_1307 = vector.shape_cast %get3A_1306 : vector<1x16xf32> to vector<16xf32>
        %mul3A_1308 = arith.mulf %get3A_1307, %gather3A_1239 : vector<16xf32>
        %swap3A_1309 = arith.index_cast %add3A_1243 : i32 to index
        %swap3A_1310 = arith.constant 96 : index
        %swap3A_1311 = tpu.vector_load %arg13[%swap3A_1309, %swap3A_1310] {strides = array<i32>} : memref<128x128xf32, #tpu.memory_space<vmem>>, vector<1x16xf32>,
        %swap3A_1312 = vector.shape_cast %swap3A_1311 : vector<1x16xf32> to vector<16xf32>
        %swap3A_1313 = vector.shape_cast %mul3A_1308 : vector<16xf32> to vector<1x16xf32>
        tpu.vector_store %arg13[%swap3A_1309, %swap3A_1310], %swap3A_1313 {strides = array<i32>} : memref<128x128xf32, #tpu.memory_space<vmem>>, vector<1x16xf32>,
        %get3A_1314 = arith.index_cast %add3A_1243 : i32 to index
        %get3A_1315 = arith.constant 112 : index
        %get3A_1316 = tpu.vector_load %arg13[%get3A_1314, %get3A_1315] {strides = array<i32>} : memref<128x128xf32, #tpu.memory_space<vmem>>, vector<1x16xf32>,
        %get3A_1317 = vector.shape_cast %get3A_1316 : vector<1x16xf32> to vector<16xf32>
        %mul3A_1318 = arith.mulf %get3A_1317, %gather3A_1239 : vector<16xf32>
        %swap3A_1319 = arith.index_cast %add3A_1243 : i32 to index
        %swap3A_1320 = arith.constant 112 : index
        %swap3A_1321 = tpu.vector_load %arg13[%swap3A_1319, %swap3A_1320] {strides = array<i32>} : memref<128x128xf32, #tpu.memory_space<vmem>>, vector<1x16xf32>,
        %swap3A_1322 = vector.shape_cast %swap3A_1321 : vector<1x16xf32> to vector<16xf32>
        %swap3A_1323 = vector.shape_cast %mul3A_1318 : vector<16xf32> to vector<1x16xf32>
        tpu.vector_store %arg13[%swap3A_1319, %swap3A_1320], %swap3A_1323 {strides = array<i32>} : memref<128x128xf32, #tpu.memory_space<vmem>>, vector<1x16xf32>,
        %broadcast_in_dim3A_1324 = arith.constant 12 : i32
        %broadcast_in_dim3A_1325 = vector.broadcast %broadcast_in_dim3A_1324 : i32 to vector<16xi32>
        %lt3A_1326 = arith.constant 0 : i32
        %lt3A_1327 = vector.broadcast %lt3A_1326 : i32 to vector<16xi32>
        %lt3A_1328 = arith.cmpi slt, %broadcast_in_dim3A_1325, %lt3A_1327 : vector<16xi32>
        %add3A_1329 = arith.constant 16 : i32
        %add3A_1330 = vector.broadcast %add3A_1329 : i32 to vector<16xi32>
        %add3A_1331 = arith.addi %broadcast_in_dim3A_1325, %add3A_1330 : vector<16xi32>
        %select_n3A_1332 = arith.select %lt3A_1328, %add3A_1331, %broadcast_in_dim3A_1325 : vector<16xi1>, vector<16xi32>
        %broadcast_in_dim3A_1333 = vector.shape_cast %select_n3A_1332 : vector<16xi32> to vector<16x1xi32>
        %gather3A_1334 = vector.shape_cast %broadcast_in_dim3A_1333 : vector<16x1xi32> to vector<16xi32>
        %gather3A_1335 = tpu.dynamic_gather %get3A_172[%gather3A_1334] in [0] : vector<16xf32>, vector<16xi32> -> vector<16xf32>
        %mul3A_1336 = arith.constant 16 : i32
        %mul3A_1337 = arith.muli %mul3A_1336, %scan3A_167 : i32
        %add3A_1338 = arith.constant 12 : i32
        %add3A_1339 = arith.addi %mul3A_1337, %add3A_1338 : i32
        %get3A_1340 = arith.index_cast %add3A_1339 : i32 to index
        %get3A_1341 = arith.constant 0 : index
        %get3A_1342 = tpu.vector_load %arg13[%get3A_1340, %get3A_1341] {strides = array<i32>} : memref<128x128xf32, #tpu.memory_space<vmem>>, vector<1x16xf32>,
        %get3A_1343 = vector.shape_cast %get3A_1342 : vector<1x16xf32> to vector<16xf32>
        %mul3A_1344 = arith.mulf %get3A_1343, %gather3A_1335 : vector<16xf32>
        %swap3A_1345 = arith.index_cast %add3A_1339 : i32 to index
        %swap3A_1346 = arith.constant 0 : index
        %swap3A_1347 = tpu.vector_load %arg13[%swap3A_1345, %swap3A_1346] {strides = array<i32>} : memref<128x128xf32, #tpu.memory_space<vmem>>, vector<1x16xf32>,
        %swap3A_1348 = vector.shape_cast %swap3A_1347 : vector<1x16xf32> to vector<16xf32>
        %swap3A_1349 = vector.shape_cast %mul3A_1344 : vector<16xf32> to vector<1x16xf32>
        tpu.vector_store %arg13[%swap3A_1345, %swap3A_1346], %swap3A_1349 {strides = array<i32>} : memref<128x128xf32, #tpu.memory_space<vmem>>, vector<1x16xf32>,
        %get3A_1350 = arith.index_cast %add3A_1339 : i32 to index
        %get3A_1351 = arith.constant 16 : index
        %get3A_1352 = tpu.vector_load %arg13[%get3A_1350, %get3A_1351] {strides = array<i32>} : memref<128x128xf32, #tpu.memory_space<vmem>>, vector<1x16xf32>,
        %get3A_1353 = vector.shape_cast %get3A_1352 : vector<1x16xf32> to vector<16xf32>
        %mul3A_1354 = arith.mulf %get3A_1353, %gather3A_1335 : vector<16xf32>
        %swap3A_1355 = arith.index_cast %add3A_1339 : i32 to index
        %swap3A_1356 = arith.constant 16 : index
        %swap3A_1357 = tpu.vector_load %arg13[%swap3A_1355, %swap3A_1356] {strides = array<i32>} : memref<128x128xf32, #tpu.memory_space<vmem>>, vector<1x16xf32>,
        %swap3A_1358 = vector.shape_cast %swap3A_1357 : vector<1x16xf32> to vector<16xf32>
        %swap3A_1359 = vector.shape_cast %mul3A_1354 : vector<16xf32> to vector<1x16xf32>
        tpu.vector_store %arg13[%swap3A_1355, %swap3A_1356], %swap3A_1359 {strides = array<i32>} : memref<128x128xf32, #tpu.memory_space<vmem>>, vector<1x16xf32>,
        %get3A_1360 = arith.index_cast %add3A_1339 : i32 to index
        %get3A_1361 = arith.constant 32 : index
        %get3A_1362 = tpu.vector_load %arg13[%get3A_1360, %get3A_1361] {strides = array<i32>} : memref<128x128xf32, #tpu.memory_space<vmem>>, vector<1x16xf32>,
        %get3A_1363 = vector.shape_cast %get3A_1362 : vector<1x16xf32> to vector<16xf32>
        %mul3A_1364 = arith.mulf %get3A_1363, %gather3A_1335 : vector<16xf32>
        %swap3A_1365 = arith.index_cast %add3A_1339 : i32 to index
        %swap3A_1366 = arith.constant 32 : index
        %swap3A_1367 = tpu.vector_load %arg13[%swap3A_1365, %swap3A_1366] {strides = array<i32>} : memref<128x128xf32, #tpu.memory_space<vmem>>, vector<1x16xf32>,
        %swap3A_1368 = vector.shape_cast %swap3A_1367 : vector<1x16xf32> to vector<16xf32>
        %swap3A_1369 = vector.shape_cast %mul3A_1364 : vector<16xf32> to vector<1x16xf32>
        tpu.vector_store %arg13[%swap3A_1365, %swap3A_1366], %swap3A_1369 {strides = array<i32>} : memref<128x128xf32, #tpu.memory_space<vmem>>, vector<1x16xf32>,
        %get3A_1370 = arith.index_cast %add3A_1339 : i32 to index
        %get3A_1371 = arith.constant 48 : index
        %get3A_1372 = tpu.vector_load %arg13[%get3A_1370, %get3A_1371] {strides = array<i32>} : memref<128x128xf32, #tpu.memory_space<vmem>>, vector<1x16xf32>,
        %get3A_1373 = vector.shape_cast %get3A_1372 : vector<1x16xf32> to vector<16xf32>
        %mul3A_1374 = arith.mulf %get3A_1373, %gather3A_1335 : vector<16xf32>
        %swap3A_1375 = arith.index_cast %add3A_1339 : i32 to index
        %swap3A_1376 = arith.constant 48 : index
        %swap3A_1377 = tpu.vector_load %arg13[%swap3A_1375, %swap3A_1376] {strides = array<i32>} : memref<128x128xf32, #tpu.memory_space<vmem>>, vector<1x16xf32>,
        %swap3A_1378 = vector.shape_cast %swap3A_1377 : vector<1x16xf32> to vector<16xf32>
        %swap3A_1379 = vector.shape_cast %mul3A_1374 : vector<16xf32> to vector<1x16xf32>
        tpu.vector_store %arg13[%swap3A_1375, %swap3A_1376], %swap3A_1379 {strides = array<i32>} : memref<128x128xf32, #tpu.memory_space<vmem>>, vector<1x16xf32>,
        %get3A_1380 = arith.index_cast %add3A_1339 : i32 to index
        %get3A_1381 = arith.constant 64 : index
        %get3A_1382 = tpu.vector_load %arg13[%get3A_1380, %get3A_1381] {strides = array<i32>} : memref<128x128xf32, #tpu.memory_space<vmem>>, vector<1x16xf32>,
        %get3A_1383 = vector.shape_cast %get3A_1382 : vector<1x16xf32> to vector<16xf32>
        %mul3A_1384 = arith.mulf %get3A_1383, %gather3A_1335 : vector<16xf32>
        %swap3A_1385 = arith.index_cast %add3A_1339 : i32 to index
        %swap3A_1386 = arith.constant 64 : index
        %swap3A_1387 = tpu.vector_load %arg13[%swap3A_1385, %swap3A_1386] {strides = array<i32>} : memref<128x128xf32, #tpu.memory_space<vmem>>, vector<1x16xf32>,
        %swap3A_1388 = vector.shape_cast %swap3A_1387 : vector<1x16xf32> to vector<16xf32>
        %swap3A_1389 = vector.shape_cast %mul3A_1384 : vector<16xf32> to vector<1x16xf32>
        tpu.vector_store %arg13[%swap3A_1385, %swap3A_1386], %swap3A_1389 {strides = array<i32>} : memref<128x128xf32, #tpu.memory_space<vmem>>, vector<1x16xf32>,
        %get3A_1390 = arith.index_cast %add3A_1339 : i32 to index
        %get3A_1391 = arith.constant 80 : index
        %get3A_1392 = tpu.vector_load %arg13[%get3A_1390, %get3A_1391] {strides = array<i32>} : memref<128x128xf32, #tpu.memory_space<vmem>>, vector<1x16xf32>,
        %get3A_1393 = vector.shape_cast %get3A_1392 : vector<1x16xf32> to vector<16xf32>
        %mul3A_1394 = arith.mulf %get3A_1393, %gather3A_1335 : vector<16xf32>
        %swap3A_1395 = arith.index_cast %add3A_1339 : i32 to index
        %swap3A_1396 = arith.constant 80 : index
        %swap3A_1397 = tpu.vector_load %arg13[%swap3A_1395, %swap3A_1396] {strides = array<i32>} : memref<128x128xf32, #tpu.memory_space<vmem>>, vector<1x16xf32>,
        %swap3A_1398 = vector.shape_cast %swap3A_1397 : vector<1x16xf32> to vector<16xf32>
        %swap3A_1399 = vector.shape_cast %mul3A_1394 : vector<16xf32> to vector<1x16xf32>
        tpu.vector_store %arg13[%swap3A_1395, %swap3A_1396], %swap3A_1399 {strides = array<i32>} : memref<128x128xf32, #tpu.memory_space<vmem>>, vector<1x16xf32>,
        %get3A_1400 = arith.index_cast %add3A_1339 : i32 to index
        %get3A_1401 = arith.constant 96 : index
        %get3A_1402 = tpu.vector_load %arg13[%get3A_1400, %get3A_1401] {strides = array<i32>} : memref<128x128xf32, #tpu.memory_space<vmem>>, vector<1x16xf32>,
        %get3A_1403 = vector.shape_cast %get3A_1402 : vector<1x16xf32> to vector<16xf32>
        %mul3A_1404 = arith.mulf %get3A_1403, %gather3A_1335 : vector<16xf32>
        %swap3A_1405 = arith.index_cast %add3A_1339 : i32 to index
        %swap3A_1406 = arith.constant 96 : index
        %swap3A_1407 = tpu.vector_load %arg13[%swap3A_1405, %swap3A_1406] {strides = array<i32>} : memref<128x128xf32, #tpu.memory_space<vmem>>, vector<1x16xf32>,
        %swap3A_1408 = vector.shape_cast %swap3A_1407 : vector<1x16xf32> to vector<16xf32>
        %swap3A_1409 = vector.shape_cast %mul3A_1404 : vector<16xf32> to vector<1x16xf32>
        tpu.vector_store %arg13[%swap3A_1405, %swap3A_1406], %swap3A_1409 {strides = array<i32>} : memref<128x128xf32, #tpu.memory_space<vmem>>, vector<1x16xf32>,
        %get3A_1410 = arith.index_cast %add3A_1339 : i32 to index
        %get3A_1411 = arith.constant 112 : index
        %get3A_1412 = tpu.vector_load %arg13[%get3A_1410, %get3A_1411] {strides = array<i32>} : memref<128x128xf32, #tpu.memory_space<vmem>>, vector<1x16xf32>,
        %get3A_1413 = vector.shape_cast %get3A_1412 : vector<1x16xf32> to vector<16xf32>
        %mul3A_1414 = arith.mulf %get3A_1413, %gather3A_1335 : vector<16xf32>
        %swap3A_1415 = arith.index_cast %add3A_1339 : i32 to index
        %swap3A_1416 = arith.constant 112 : index
        %swap3A_1417 = tpu.vector_load %arg13[%swap3A_1415, %swap3A_1416] {strides = array<i32>} : memref<128x128xf32, #tpu.memory_space<vmem>>, vector<1x16xf32>,
        %swap3A_1418 = vector.shape_cast %swap3A_1417 : vector<1x16xf32> to vector<16xf32>
        %swap3A_1419 = vector.shape_cast %mul3A_1414 : vector<16xf32> to vector<1x16xf32>
        tpu.vector_store %arg13[%swap3A_1415, %swap3A_1416], %swap3A_1419 {strides = array<i32>} : memref<128x128xf32, #tpu.memory_space<vmem>>, vector<1x16xf32>,
        %broadcast_in_dim3A_1420 = arith.constant 13 : i32
        %broadcast_in_dim3A_1421 = vector.broadcast %broadcast_in_dim3A_1420 : i32 to vector<16xi32>
        %lt3A_1422 = arith.constant 0 : i32
        %lt3A_1423 = vector.broadcast %lt3A_1422 : i32 to vector<16xi32>
        %lt3A_1424 = arith.cmpi slt, %broadcast_in_dim3A_1421, %lt3A_1423 : vector<16xi32>
        %add3A_1425 = arith.constant 16 : i32
        %add3A_1426 = vector.broadcast %add3A_1425 : i32 to vector<16xi32>
        %add3A_1427 = arith.addi %broadcast_in_dim3A_1421, %add3A_1426 : vector<16xi32>
        %select_n3A_1428 = arith.select %lt3A_1424, %add3A_1427, %broadcast_in_dim3A_1421 : vector<16xi1>, vector<16xi32>
        %broadcast_in_dim3A_1429 = vector.shape_cast %select_n3A_1428 : vector<16xi32> to vector<16x1xi32>
        %gather3A_1430 = vector.shape_cast %broadcast_in_dim3A_1429 : vector<16x1xi32> to vector<16xi32>
        %gather3A_1431 = tpu.dynamic_gather %get3A_172[%gather3A_1430] in [0] : vector<16xf32>, vector<16xi32> -> vector<16xf32>
        %mul3A_1432 = arith.constant 16 : i32
        %mul3A_1433 = arith.muli %mul3A_1432, %scan3A_167 : i32
        %add3A_1434 = arith.constant 13 : i32
        %add3A_1435 = arith.addi %mul3A_1433, %add3A_1434 : i32
        %get3A_1436 = arith.index_cast %add3A_1435 : i32 to index
        %get3A_1437 = arith.constant 0 : index
        %get3A_1438 = tpu.vector_load %arg13[%get3A_1436, %get3A_1437] {strides = array<i32>} : memref<128x128xf32, #tpu.memory_space<vmem>>, vector<1x16xf32>,
        %get3A_1439 = vector.shape_cast %get3A_1438 : vector<1x16xf32> to vector<16xf32>
        %mul3A_1440 = arith.mulf %get3A_1439, %gather3A_1431 : vector<16xf32>
        %swap3A_1441 = arith.index_cast %add3A_1435 : i32 to index
        %swap3A_1442 = arith.constant 0 : index
        %swap3A_1443 = tpu.vector_load %arg13[%swap3A_1441, %swap3A_1442] {strides = array<i32>} : memref<128x128xf32, #tpu.memory_space<vmem>>, vector<1x16xf32>,
        %swap3A_1444 = vector.shape_cast %swap3A_1443 : vector<1x16xf32> to vector<16xf32>
        %swap3A_1445 = vector.shape_cast %mul3A_1440 : vector<16xf32> to vector<1x16xf32>
        tpu.vector_store %arg13[%swap3A_1441, %swap3A_1442], %swap3A_1445 {strides = array<i32>} : memref<128x128xf32, #tpu.memory_space<vmem>>, vector<1x16xf32>,
        %get3A_1446 = arith.index_cast %add3A_1435 : i32 to index
        %get3A_1447 = arith.constant 16 : index
        %get3A_1448 = tpu.vector_load %arg13[%get3A_1446, %get3A_1447] {strides = array<i32>} : memref<128x128xf32, #tpu.memory_space<vmem>>, vector<1x16xf32>,
        %get3A_1449 = vector.shape_cast %get3A_1448 : vector<1x16xf32> to vector<16xf32>
        %mul3A_1450 = arith.mulf %get3A_1449, %gather3A_1431 : vector<16xf32>
        %swap3A_1451 = arith.index_cast %add3A_1435 : i32 to index
        %swap3A_1452 = arith.constant 16 : index
        %swap3A_1453 = tpu.vector_load %arg13[%swap3A_1451, %swap3A_1452] {strides = array<i32>} : memref<128x128xf32, #tpu.memory_space<vmem>>, vector<1x16xf32>,
        %swap3A_1454 = vector.shape_cast %swap3A_1453 : vector<1x16xf32> to vector<16xf32>
        %swap3A_1455 = vector.shape_cast %mul3A_1450 : vector<16xf32> to vector<1x16xf32>
        tpu.vector_store %arg13[%swap3A_1451, %swap3A_1452], %swap3A_1455 {strides = array<i32>} : memref<128x128xf32, #tpu.memory_space<vmem>>, vector<1x16xf32>,
        %get3A_1456 = arith.index_cast %add3A_1435 : i32 to index
        %get3A_1457 = arith.constant 32 : index
        %get3A_1458 = tpu.vector_load %arg13[%get3A_1456, %get3A_1457] {strides = array<i32>} : memref<128x128xf32, #tpu.memory_space<vmem>>, vector<1x16xf32>,
        %get3A_1459 = vector.shape_cast %get3A_1458 : vector<1x16xf32> to vector<16xf32>
        %mul3A_1460 = arith.mulf %get3A_1459, %gather3A_1431 : vector<16xf32>
        %swap3A_1461 = arith.index_cast %add3A_1435 : i32 to index
        %swap3A_1462 = arith.constant 32 : index
        %swap3A_1463 = tpu.vector_load %arg13[%swap3A_1461, %swap3A_1462] {strides = array<i32>} : memref<128x128xf32, #tpu.memory_space<vmem>>, vector<1x16xf32>,
        %swap3A_1464 = vector.shape_cast %swap3A_1463 : vector<1x16xf32> to vector<16xf32>
        %swap3A_1465 = vector.shape_cast %mul3A_1460 : vector<16xf32> to vector<1x16xf32>
        tpu.vector_store %arg13[%swap3A_1461, %swap3A_1462], %swap3A_1465 {strides = array<i32>} : memref<128x128xf32, #tpu.memory_space<vmem>>, vector<1x16xf32>,
        %get3A_1466 = arith.index_cast %add3A_1435 : i32 to index
        %get3A_1467 = arith.constant 48 : index
        %get3A_1468 = tpu.vector_load %arg13[%get3A_1466, %get3A_1467] {strides = array<i32>} : memref<128x128xf32, #tpu.memory_space<vmem>>, vector<1x16xf32>,
        %get3A_1469 = vector.shape_cast %get3A_1468 : vector<1x16xf32> to vector<16xf32>
        %mul3A_1470 = arith.mulf %get3A_1469, %gather3A_1431 : vector<16xf32>
        %swap3A_1471 = arith.index_cast %add3A_1435 : i32 to index
        %swap3A_1472 = arith.constant 48 : index
        %swap3A_1473 = tpu.vector_load %arg13[%swap3A_1471, %swap3A_1472] {strides = array<i32>} : memref<128x128xf32, #tpu.memory_space<vmem>>, vector<1x16xf32>,
        %swap3A_1474 = vector.shape_cast %swap3A_1473 : vector<1x16xf32> to vector<16xf32>
        %swap3A_1475 = vector.shape_cast %mul3A_1470 : vector<16xf32> to vector<1x16xf32>
        tpu.vector_store %arg13[%swap3A_1471, %swap3A_1472], %swap3A_1475 {strides = array<i32>} : memref<128x128xf32, #tpu.memory_space<vmem>>, vector<1x16xf32>,
        %get3A_1476 = arith.index_cast %add3A_1435 : i32 to index
        %get3A_1477 = arith.constant 64 : index
        %get3A_1478 = tpu.vector_load %arg13[%get3A_1476, %get3A_1477] {strides = array<i32>} : memref<128x128xf32, #tpu.memory_space<vmem>>, vector<1x16xf32>,
        %get3A_1479 = vector.shape_cast %get3A_1478 : vector<1x16xf32> to vector<16xf32>
        %mul3A_1480 = arith.mulf %get3A_1479, %gather3A_1431 : vector<16xf32>
        %swap3A_1481 = arith.index_cast %add3A_1435 : i32 to index
        %swap3A_1482 = arith.constant 64 : index
        %swap3A_1483 = tpu.vector_load %arg13[%swap3A_1481, %swap3A_1482] {strides = array<i32>} : memref<128x128xf32, #tpu.memory_space<vmem>>, vector<1x16xf32>,
        %swap3A_1484 = vector.shape_cast %swap3A_1483 : vector<1x16xf32> to vector<16xf32>
        %swap3A_1485 = vector.shape_cast %mul3A_1480 : vector<16xf32> to vector<1x16xf32>
        tpu.vector_store %arg13[%swap3A_1481, %swap3A_1482], %swap3A_1485 {strides = array<i32>} : memref<128x128xf32, #tpu.memory_space<vmem>>, vector<1x16xf32>,
        %get3A_1486 = arith.index_cast %add3A_1435 : i32 to index
        %get3A_1487 = arith.constant 80 : index
        %get3A_1488 = tpu.vector_load %arg13[%get3A_1486, %get3A_1487] {strides = array<i32>} : memref<128x128xf32, #tpu.memory_space<vmem>>, vector<1x16xf32>,
        %get3A_1489 = vector.shape_cast %get3A_1488 : vector<1x16xf32> to vector<16xf32>
        %mul3A_1490 = arith.mulf %get3A_1489, %gather3A_1431 : vector<16xf32>
        %swap3A_1491 = arith.index_cast %add3A_1435 : i32 to index
        %swap3A_1492 = arith.constant 80 : index
        %swap3A_1493 = tpu.vector_load %arg13[%swap3A_1491, %swap3A_1492] {strides = array<i32>} : memref<128x128xf32, #tpu.memory_space<vmem>>, vector<1x16xf32>,
        %swap3A_1494 = vector.shape_cast %swap3A_1493 : vector<1x16xf32> to vector<16xf32>
        %swap3A_1495 = vector.shape_cast %mul3A_1490 : vector<16xf32> to vector<1x16xf32>
        tpu.vector_store %arg13[%swap3A_1491, %swap3A_1492], %swap3A_1495 {strides = array<i32>} : memref<128x128xf32, #tpu.memory_space<vmem>>, vector<1x16xf32>,
        %get3A_1496 = arith.index_cast %add3A_1435 : i32 to index
        %get3A_1497 = arith.constant 96 : index
        %get3A_1498 = tpu.vector_load %arg13[%get3A_1496, %get3A_1497] {strides = array<i32>} : memref<128x128xf32, #tpu.memory_space<vmem>>, vector<1x16xf32>,
        %get3A_1499 = vector.shape_cast %get3A_1498 : vector<1x16xf32> to vector<16xf32>
        %mul3A_1500 = arith.mulf %get3A_1499, %gather3A_1431 : vector<16xf32>
        %swap3A_1501 = arith.index_cast %add3A_1435 : i32 to index
        %swap3A_1502 = arith.constant 96 : index
        %swap3A_1503 = tpu.vector_load %arg13[%swap3A_1501, %swap3A_1502] {strides = array<i32>} : memref<128x128xf32, #tpu.memory_space<vmem>>, vector<1x16xf32>,
        %swap3A_1504 = vector.shape_cast %swap3A_1503 : vector<1x16xf32> to vector<16xf32>
        %swap3A_1505 = vector.shape_cast %mul3A_1500 : vector<16xf32> to vector<1x16xf32>
        tpu.vector_store %arg13[%swap3A_1501, %swap3A_1502], %swap3A_1505 {strides = array<i32>} : memref<128x128xf32, #tpu.memory_space<vmem>>, vector<1x16xf32>,
        %get3A_1506 = arith.index_cast %add3A_1435 : i32 to index
        %get3A_1507 = arith.constant 112 : index
        %get3A_1508 = tpu.vector_load %arg13[%get3A_1506, %get3A_1507] {strides = array<i32>} : memref<128x128xf32, #tpu.memory_space<vmem>>, vector<1x16xf32>,
        %get3A_1509 = vector.shape_cast %get3A_1508 : vector<1x16xf32> to vector<16xf32>
        %mul3A_1510 = arith.mulf %get3A_1509, %gather3A_1431 : vector<16xf32>
        %swap3A_1511 = arith.index_cast %add3A_1435 : i32 to index
        %swap3A_1512 = arith.constant 112 : index
        %swap3A_1513 = tpu.vector_load %arg13[%swap3A_1511, %swap3A_1512] {strides = array<i32>} : memref<128x128xf32, #tpu.memory_space<vmem>>, vector<1x16xf32>,
        %swap3A_1514 = vector.shape_cast %swap3A_1513 : vector<1x16xf32> to vector<16xf32>
        %swap3A_1515 = vector.shape_cast %mul3A_1510 : vector<16xf32> to vector<1x16xf32>
        tpu.vector_store %arg13[%swap3A_1511, %swap3A_1512], %swap3A_1515 {strides = array<i32>} : memref<128x128xf32, #tpu.memory_space<vmem>>, vector<1x16xf32>,
        %broadcast_in_dim3A_1516 = arith.constant 14 : i32
        %broadcast_in_dim3A_1517 = vector.broadcast %broadcast_in_dim3A_1516 : i32 to vector<16xi32>
        %lt3A_1518 = arith.constant 0 : i32
        %lt3A_1519 = vector.broadcast %lt3A_1518 : i32 to vector<16xi32>
        %lt3A_1520 = arith.cmpi slt, %broadcast_in_dim3A_1517, %lt3A_1519 : vector<16xi32>
        %add3A_1521 = arith.constant 16 : i32
        %add3A_1522 = vector.broadcast %add3A_1521 : i32 to vector<16xi32>
        %add3A_1523 = arith.addi %broadcast_in_dim3A_1517, %add3A_1522 : vector<16xi32>
        %select_n3A_1524 = arith.select %lt3A_1520, %add3A_1523, %broadcast_in_dim3A_1517 : vector<16xi1>, vector<16xi32>
        %broadcast_in_dim3A_1525 = vector.shape_cast %select_n3A_1524 : vector<16xi32> to vector<16x1xi32>
        %gather3A_1526 = vector.shape_cast %broadcast_in_dim3A_1525 : vector<16x1xi32> to vector<16xi32>
        %gather3A_1527 = tpu.dynamic_gather %get3A_172[%gather3A_1526] in [0] : vector<16xf32>, vector<16xi32> -> vector<16xf32>
        %mul3A_1528 = arith.constant 16 : i32
        %mul3A_1529 = arith.muli %mul3A_1528, %scan3A_167 : i32
        %add3A_1530 = arith.constant 14 : i32
        %add3A_1531 = arith.addi %mul3A_1529, %add3A_1530 : i32
        %get3A_1532 = arith.index_cast %add3A_1531 : i32 to index
        %get3A_1533 = arith.constant 0 : index
        %get3A_1534 = tpu.vector_load %arg13[%get3A_1532, %get3A_1533] {strides = array<i32>} : memref<128x128xf32, #tpu.memory_space<vmem>>, vector<1x16xf32>,
        %get3A_1535 = vector.shape_cast %get3A_1534 : vector<1x16xf32> to vector<16xf32>
        %mul3A_1536 = arith.mulf %get3A_1535, %gather3A_1527 : vector<16xf32>
        %swap3A_1537 = arith.index_cast %add3A_1531 : i32 to index
        %swap3A_1538 = arith.constant 0 : index
        %swap3A_1539 = tpu.vector_load %arg13[%swap3A_1537, %swap3A_1538] {strides = array<i32>} : memref<128x128xf32, #tpu.memory_space<vmem>>, vector<1x16xf32>,
        %swap3A_1540 = vector.shape_cast %swap3A_1539 : vector<1x16xf32> to vector<16xf32>
        %swap3A_1541 = vector.shape_cast %mul3A_1536 : vector<16xf32> to vector<1x16xf32>
        tpu.vector_store %arg13[%swap3A_1537, %swap3A_1538], %swap3A_1541 {strides = array<i32>} : memref<128x128xf32, #tpu.memory_space<vmem>>, vector<1x16xf32>,
        %get3A_1542 = arith.index_cast %add3A_1531 : i32 to index
        %get3A_1543 = arith.constant 16 : index
        %get3A_1544 = tpu.vector_load %arg13[%get3A_1542, %get3A_1543] {strides = array<i32>} : memref<128x128xf32, #tpu.memory_space<vmem>>, vector<1x16xf32>,
        %get3A_1545 = vector.shape_cast %get3A_1544 : vector<1x16xf32> to vector<16xf32>
        %mul3A_1546 = arith.mulf %get3A_1545, %gather3A_1527 : vector<16xf32>
        %swap3A_1547 = arith.index_cast %add3A_1531 : i32 to index
        %swap3A_1548 = arith.constant 16 : index
        %swap3A_1549 = tpu.vector_load %arg13[%swap3A_1547, %swap3A_1548] {strides = array<i32>} : memref<128x128xf32, #tpu.memory_space<vmem>>, vector<1x16xf32>,
        %swap3A_1550 = vector.shape_cast %swap3A_1549 : vector<1x16xf32> to vector<16xf32>
        %swap3A_1551 = vector.shape_cast %mul3A_1546 : vector<16xf32> to vector<1x16xf32>
        tpu.vector_store %arg13[%swap3A_1547, %swap3A_1548], %swap3A_1551 {strides = array<i32>} : memref<128x128xf32, #tpu.memory_space<vmem>>, vector<1x16xf32>,
        %get3A_1552 = arith.index_cast %add3A_1531 : i32 to index
        %get3A_1553 = arith.constant 32 : index
        %get3A_1554 = tpu.vector_load %arg13[%get3A_1552, %get3A_1553] {strides = array<i32>} : memref<128x128xf32, #tpu.memory_space<vmem>>, vector<1x16xf32>,
        %get3A_1555 = vector.shape_cast %get3A_1554 : vector<1x16xf32> to vector<16xf32>
        %mul3A_1556 = arith.mulf %get3A_1555, %gather3A_1527 : vector<16xf32>
        %swap3A_1557 = arith.index_cast %add3A_1531 : i32 to index
        %swap3A_1558 = arith.constant 32 : index
        %swap3A_1559 = tpu.vector_load %arg13[%swap3A_1557, %swap3A_1558] {strides = array<i32>} : memref<128x128xf32, #tpu.memory_space<vmem>>, vector<1x16xf32>,
        %swap3A_1560 = vector.shape_cast %swap3A_1559 : vector<1x16xf32> to vector<16xf32>
        %swap3A_1561 = vector.shape_cast %mul3A_1556 : vector<16xf32> to vector<1x16xf32>
        tpu.vector_store %arg13[%swap3A_1557, %swap3A_1558], %swap3A_1561 {strides = array<i32>} : memref<128x128xf32, #tpu.memory_space<vmem>>, vector<1x16xf32>,
        %get3A_1562 = arith.index_cast %add3A_1531 : i32 to index
        %get3A_1563 = arith.constant 48 : index
        %get3A_1564 = tpu.vector_load %arg13[%get3A_1562, %get3A_1563] {strides = array<i32>} : memref<128x128xf32, #tpu.memory_space<vmem>>, vector<1x16xf32>,
        %get3A_1565 = vector.shape_cast %get3A_1564 : vector<1x16xf32> to vector<16xf32>
        %mul3A_1566 = arith.mulf %get3A_1565, %gather3A_1527 : vector<16xf32>
        %swap3A_1567 = arith.index_cast %add3A_1531 : i32 to index
        %swap3A_1568 = arith.constant 48 : index
        %swap3A_1569 = tpu.vector_load %arg13[%swap3A_1567, %swap3A_1568] {strides = array<i32>} : memref<128x128xf32, #tpu.memory_space<vmem>>, vector<1x16xf32>,
        %swap3A_1570 = vector.shape_cast %swap3A_1569 : vector<1x16xf32> to vector<16xf32>
        %swap3A_1571 = vector.shape_cast %mul3A_1566 : vector<16xf32> to vector<1x16xf32>
        tpu.vector_store %arg13[%swap3A_1567, %swap3A_1568], %swap3A_1571 {strides = array<i32>} : memref<128x128xf32, #tpu.memory_space<vmem>>, vector<1x16xf32>,
        %get3A_1572 = arith.index_cast %add3A_1531 : i32 to index
        %get3A_1573 = arith.constant 64 : index
        %get3A_1574 = tpu.vector_load %arg13[%get3A_1572, %get3A_1573] {strides = array<i32>} : memref<128x128xf32, #tpu.memory_space<vmem>>, vector<1x16xf32>,
        %get3A_1575 = vector.shape_cast %get3A_1574 : vector<1x16xf32> to vector<16xf32>
        %mul3A_1576 = arith.mulf %get3A_1575, %gather3A_1527 : vector<16xf32>
        %swap3A_1577 = arith.index_cast %add3A_1531 : i32 to index
        %swap3A_1578 = arith.constant 64 : index
        %swap3A_1579 = tpu.vector_load %arg13[%swap3A_1577, %swap3A_1578] {strides = array<i32>} : memref<128x128xf32, #tpu.memory_space<vmem>>, vector<1x16xf32>,
        %swap3A_1580 = vector.shape_cast %swap3A_1579 : vector<1x16xf32> to vector<16xf32>
        %swap3A_1581 = vector.shape_cast %mul3A_1576 : vector<16xf32> to vector<1x16xf32>
        tpu.vector_store %arg13[%swap3A_1577, %swap3A_1578], %swap3A_1581 {strides = array<i32>} : memref<128x128xf32, #tpu.memory_space<vmem>>, vector<1x16xf32>,
        %get3A_1582 = arith.index_cast %add3A_1531 : i32 to index
        %get3A_1583 = arith.constant 80 : index
        %get3A_1584 = tpu.vector_load %arg13[%get3A_1582, %get3A_1583] {strides = array<i32>} : memref<128x128xf32, #tpu.memory_space<vmem>>, vector<1x16xf32>,
        %get3A_1585 = vector.shape_cast %get3A_1584 : vector<1x16xf32> to vector<16xf32>
        %mul3A_1586 = arith.mulf %get3A_1585, %gather3A_1527 : vector<16xf32>
        %swap3A_1587 = arith.index_cast %add3A_1531 : i32 to index
        %swap3A_1588 = arith.constant 80 : index
        %swap3A_1589 = tpu.vector_load %arg13[%swap3A_1587, %swap3A_1588] {strides = array<i32>} : memref<128x128xf32, #tpu.memory_space<vmem>>, vector<1x16xf32>,
        %swap3A_1590 = vector.shape_cast %swap3A_1589 : vector<1x16xf32> to vector<16xf32>
        %swap3A_1591 = vector.shape_cast %mul3A_1586 : vector<16xf32> to vector<1x16xf32>
        tpu.vector_store %arg13[%swap3A_1587, %swap3A_1588], %swap3A_1591 {strides = array<i32>} : memref<128x128xf32, #tpu.memory_space<vmem>>, vector<1x16xf32>,
        %get3A_1592 = arith.index_cast %add3A_1531 : i32 to index
        %get3A_1593 = arith.constant 96 : index
        %get3A_1594 = tpu.vector_load %arg13[%get3A_1592, %get3A_1593] {strides = array<i32>} : memref<128x128xf32, #tpu.memory_space<vmem>>, vector<1x16xf32>,
        %get3A_1595 = vector.shape_cast %get3A_1594 : vector<1x16xf32> to vector<16xf32>
        %mul3A_1596 = arith.mulf %get3A_1595, %gather3A_1527 : vector<16xf32>
        %swap3A_1597 = arith.index_cast %add3A_1531 : i32 to index
        %swap3A_1598 = arith.constant 96 : index
        %swap3A_1599 = tpu.vector_load %arg13[%swap3A_1597, %swap3A_1598] {strides = array<i32>} : memref<128x128xf32, #tpu.memory_space<vmem>>, vector<1x16xf32>,
        %swap3A_1600 = vector.shape_cast %swap3A_1599 : vector<1x16xf32> to vector<16xf32>
        %swap3A_1601 = vector.shape_cast %mul3A_1596 : vector<16xf32> to vector<1x16xf32>
        tpu.vector_store %arg13[%swap3A_1597, %swap3A_1598], %swap3A_1601 {strides = array<i32>} : memref<128x128xf32, #tpu.memory_space<vmem>>, vector<1x16xf32>,
        %get3A_1602 = arith.index_cast %add3A_1531 : i32 to index
        %get3A_1603 = arith.constant 112 : index
        %get3A_1604 = tpu.vector_load %arg13[%get3A_1602, %get3A_1603] {strides = array<i32>} : memref<128x128xf32, #tpu.memory_space<vmem>>, vector<1x16xf32>,
        %get3A_1605 = vector.shape_cast %get3A_1604 : vector<1x16xf32> to vector<16xf32>
        %mul3A_1606 = arith.mulf %get3A_1605, %gather3A_1527 : vector<16xf32>
        %swap3A_1607 = arith.index_cast %add3A_1531 : i32 to index
        %swap3A_1608 = arith.constant 112 : index
        %swap3A_1609 = tpu.vector_load %arg13[%swap3A_1607, %swap3A_1608] {strides = array<i32>} : memref<128x128xf32, #tpu.memory_space<vmem>>, vector<1x16xf32>,
        %swap3A_1610 = vector.shape_cast %swap3A_1609 : vector<1x16xf32> to vector<16xf32>
        %swap3A_1611 = vector.shape_cast %mul3A_1606 : vector<16xf32> to vector<1x16xf32>
        tpu.vector_store %arg13[%swap3A_1607, %swap3A_1608], %swap3A_1611 {strides = array<i32>} : memref<128x128xf32, #tpu.memory_space<vmem>>, vector<1x16xf32>,
        %broadcast_in_dim3A_1612 = arith.constant 15 : i32
        %broadcast_in_dim3A_1613 = vector.broadcast %broadcast_in_dim3A_1612 : i32 to vector<16xi32>
        %lt3A_1614 = arith.constant 0 : i32
        %lt3A_1615 = vector.broadcast %lt3A_1614 : i32 to vector<16xi32>
        %lt3A_1616 = arith.cmpi slt, %broadcast_in_dim3A_1613, %lt3A_1615 : vector<16xi32>
        %add3A_1617 = arith.constant 16 : i32
        %add3A_1618 = vector.broadcast %add3A_1617 : i32 to vector<16xi32>
        %add3A_1619 = arith.addi %broadcast_in_dim3A_1613, %add3A_1618 : vector<16xi32>
        %select_n3A_1620 = arith.select %lt3A_1616, %add3A_1619, %broadcast_in_dim3A_1613 : vector<16xi1>, vector<16xi32>
        %broadcast_in_dim3A_1621 = vector.shape_cast %select_n3A_1620 : vector<16xi32> to vector<16x1xi32>
        %gather3A_1622 = vector.shape_cast %broadcast_in_dim3A_1621 : vector<16x1xi32> to vector<16xi32>
        %gather3A_1623 = tpu.dynamic_gather %get3A_172[%gather3A_1622] in [0] : vector<16xf32>, vector<16xi32> -> vector<16xf32>
        %mul3A_1624 = arith.constant 16 : i32
        %mul3A_1625 = arith.muli %mul3A_1624, %scan3A_167 : i32
        %add3A_1626 = arith.constant 15 : i32
        %add3A_1627 = arith.addi %mul3A_1625, %add3A_1626 : i32
        %get3A_1628 = arith.index_cast %add3A_1627 : i32 to index
        %get3A_1629 = arith.constant 0 : index
        %get3A_1630 = tpu.vector_load %arg13[%get3A_1628, %get3A_1629] {strides = array<i32>} : memref<128x128xf32, #tpu.memory_space<vmem>>, vector<1x16xf32>,
        %get3A_1631 = vector.shape_cast %get3A_1630 : vector<1x16xf32> to vector<16xf32>
        %mul3A_1632 = arith.mulf %get3A_1631, %gather3A_1623 : vector<16xf32>
        %swap3A_1633 = arith.index_cast %add3A_1627 : i32 to index
        %swap3A_1634 = arith.constant 0 : index
        %swap3A_1635 = tpu.vector_load %arg13[%swap3A_1633, %swap3A_1634] {strides = array<i32>} : memref<128x128xf32, #tpu.memory_space<vmem>>, vector<1x16xf32>,
        %swap3A_1636 = vector.shape_cast %swap3A_1635 : vector<1x16xf32> to vector<16xf32>
        %swap3A_1637 = vector.shape_cast %mul3A_1632 : vector<16xf32> to vector<1x16xf32>
        tpu.vector_store %arg13[%swap3A_1633, %swap3A_1634], %swap3A_1637 {strides = array<i32>} : memref<128x128xf32, #tpu.memory_space<vmem>>, vector<1x16xf32>,
        %get3A_1638 = arith.index_cast %add3A_1627 : i32 to index
        %get3A_1639 = arith.constant 16 : index
        %get3A_1640 = tpu.vector_load %arg13[%get3A_1638, %get3A_1639] {strides = array<i32>} : memref<128x128xf32, #tpu.memory_space<vmem>>, vector<1x16xf32>,
        %get3A_1641 = vector.shape_cast %get3A_1640 : vector<1x16xf32> to vector<16xf32>
        %mul3A_1642 = arith.mulf %get3A_1641, %gather3A_1623 : vector<16xf32>
        %swap3A_1643 = arith.index_cast %add3A_1627 : i32 to index
        %swap3A_1644 = arith.constant 16 : index
        %swap3A_1645 = tpu.vector_load %arg13[%swap3A_1643, %swap3A_1644] {strides = array<i32>} : memref<128x128xf32, #tpu.memory_space<vmem>>, vector<1x16xf32>,
        %swap3A_1646 = vector.shape_cast %swap3A_1645 : vector<1x16xf32> to vector<16xf32>
        %swap3A_1647 = vector.shape_cast %mul3A_1642 : vector<16xf32> to vector<1x16xf32>
        tpu.vector_store %arg13[%swap3A_1643, %swap3A_1644], %swap3A_1647 {strides = array<i32>} : memref<128x128xf32, #tpu.memory_space<vmem>>, vector<1x16xf32>,
        %get3A_1648 = arith.index_cast %add3A_1627 : i32 to index
        %get3A_1649 = arith.constant 32 : index
        %get3A_1650 = tpu.vector_load %arg13[%get3A_1648, %get3A_1649] {strides = array<i32>} : memref<128x128xf32, #tpu.memory_space<vmem>>, vector<1x16xf32>,
        %get3A_1651 = vector.shape_cast %get3A_1650 : vector<1x16xf32> to vector<16xf32>
        %mul3A_1652 = arith.mulf %get3A_1651, %gather3A_1623 : vector<16xf32>
        %swap3A_1653 = arith.index_cast %add3A_1627 : i32 to index
        %swap3A_1654 = arith.constant 32 : index
        %swap3A_1655 = tpu.vector_load %arg13[%swap3A_1653, %swap3A_1654] {strides = array<i32>} : memref<128x128xf32, #tpu.memory_space<vmem>>, vector<1x16xf32>,
        %swap3A_1656 = vector.shape_cast %swap3A_1655 : vector<1x16xf32> to vector<16xf32>
        %swap3A_1657 = vector.shape_cast %mul3A_1652 : vector<16xf32> to vector<1x16xf32>
        tpu.vector_store %arg13[%swap3A_1653, %swap3A_1654], %swap3A_1657 {strides = array<i32>} : memref<128x128xf32, #tpu.memory_space<vmem>>, vector<1x16xf32>,
        %get3A_1658 = arith.index_cast %add3A_1627 : i32 to index
        %get3A_1659 = arith.constant 48 : index
        %get3A_1660 = tpu.vector_load %arg13[%get3A_1658, %get3A_1659] {strides = array<i32>} : memref<128x128xf32, #tpu.memory_space<vmem>>, vector<1x16xf32>,
        %get3A_1661 = vector.shape_cast %get3A_1660 : vector<1x16xf32> to vector<16xf32>
        %mul3A_1662 = arith.mulf %get3A_1661, %gather3A_1623 : vector<16xf32>
        %swap3A_1663 = arith.index_cast %add3A_1627 : i32 to index
        %swap3A_1664 = arith.constant 48 : index
        %swap3A_1665 = tpu.vector_load %arg13[%swap3A_1663, %swap3A_1664] {strides = array<i32>} : memref<128x128xf32, #tpu.memory_space<vmem>>, vector<1x16xf32>,
        %swap3A_1666 = vector.shape_cast %swap3A_1665 : vector<1x16xf32> to vector<16xf32>
        %swap3A_1667 = vector.shape_cast %mul3A_1662 : vector<16xf32> to vector<1x16xf32>
        tpu.vector_store %arg13[%swap3A_1663, %swap3A_1664], %swap3A_1667 {strides = array<i32>} : memref<128x128xf32, #tpu.memory_space<vmem>>, vector<1x16xf32>,
        %get3A_1668 = arith.index_cast %add3A_1627 : i32 to index
        %get3A_1669 = arith.constant 64 : index
        %get3A_1670 = tpu.vector_load %arg13[%get3A_1668, %get3A_1669] {strides = array<i32>} : memref<128x128xf32, #tpu.memory_space<vmem>>, vector<1x16xf32>,
        %get3A_1671 = vector.shape_cast %get3A_1670 : vector<1x16xf32> to vector<16xf32>
        %mul3A_1672 = arith.mulf %get3A_1671, %gather3A_1623 : vector<16xf32>
        %swap3A_1673 = arith.index_cast %add3A_1627 : i32 to index
        %swap3A_1674 = arith.constant 64 : index
        %swap3A_1675 = tpu.vector_load %arg13[%swap3A_1673, %swap3A_1674] {strides = array<i32>} : memref<128x128xf32, #tpu.memory_space<vmem>>, vector<1x16xf32>,
        %swap3A_1676 = vector.shape_cast %swap3A_1675 : vector<1x16xf32> to vector<16xf32>
        %swap3A_1677 = vector.shape_cast %mul3A_1672 : vector<16xf32> to vector<1x16xf32>
        tpu.vector_store %arg13[%swap3A_1673, %swap3A_1674], %swap3A_1677 {strides = array<i32>} : memref<128x128xf32, #tpu.memory_space<vmem>>, vector<1x16xf32>,
        %get3A_1678 = arith.index_cast %add3A_1627 : i32 to index
        %get3A_1679 = arith.constant 80 : index
        %get3A_1680 = tpu.vector_load %arg13[%get3A_1678, %get3A_1679] {strides = array<i32>} : memref<128x128xf32, #tpu.memory_space<vmem>>, vector<1x16xf32>,
        %get3A_1681 = vector.shape_cast %get3A_1680 : vector<1x16xf32> to vector<16xf32>
        %mul3A_1682 = arith.mulf %get3A_1681, %gather3A_1623 : vector<16xf32>
        %swap3A_1683 = arith.index_cast %add3A_1627 : i32 to index
        %swap3A_1684 = arith.constant 80 : index
        %swap3A_1685 = tpu.vector_load %arg13[%swap3A_1683, %swap3A_1684] {strides = array<i32>} : memref<128x128xf32, #tpu.memory_space<vmem>>, vector<1x16xf32>,
        %swap3A_1686 = vector.shape_cast %swap3A_1685 : vector<1x16xf32> to vector<16xf32>
        %swap3A_1687 = vector.shape_cast %mul3A_1682 : vector<16xf32> to vector<1x16xf32>
        tpu.vector_store %arg13[%swap3A_1683, %swap3A_1684], %swap3A_1687 {strides = array<i32>} : memref<128x128xf32, #tpu.memory_space<vmem>>, vector<1x16xf32>,
        %get3A_1688 = arith.index_cast %add3A_1627 : i32 to index
        %get3A_1689 = arith.constant 96 : index
        %get3A_1690 = tpu.vector_load %arg13[%get3A_1688, %get3A_1689] {strides = array<i32>} : memref<128x128xf32, #tpu.memory_space<vmem>>, vector<1x16xf32>,
        %get3A_1691 = vector.shape_cast %get3A_1690 : vector<1x16xf32> to vector<16xf32>
        %mul3A_1692 = arith.mulf %get3A_1691, %gather3A_1623 : vector<16xf32>
        %swap3A_1693 = arith.index_cast %add3A_1627 : i32 to index
        %swap3A_1694 = arith.constant 96 : index
        %swap3A_1695 = tpu.vector_load %arg13[%swap3A_1693, %swap3A_1694] {strides = array<i32>} : memref<128x128xf32, #tpu.memory_space<vmem>>, vector<1x16xf32>,
        %swap3A_1696 = vector.shape_cast %swap3A_1695 : vector<1x16xf32> to vector<16xf32>
        %swap3A_1697 = vector.shape_cast %mul3A_1692 : vector<16xf32> to vector<1x16xf32>
        tpu.vector_store %arg13[%swap3A_1693, %swap3A_1694], %swap3A_1697 {strides = array<i32>} : memref<128x128xf32, #tpu.memory_space<vmem>>, vector<1x16xf32>,
        %get3A_1698 = arith.index_cast %add3A_1627 : i32 to index
        %get3A_1699 = arith.constant 112 : index
        %get3A_1700 = tpu.vector_load %arg13[%get3A_1698, %get3A_1699] {strides = array<i32>} : memref<128x128xf32, #tpu.memory_space<vmem>>, vector<1x16xf32>,
        %get3A_1701 = vector.shape_cast %get3A_1700 : vector<1x16xf32> to vector<16xf32>
        %mul3A_1702 = arith.mulf %get3A_1701, %gather3A_1623 : vector<16xf32>
        %swap3A_1703 = arith.index_cast %add3A_1627 : i32 to index
        %swap3A_1704 = arith.constant 112 : index
        %swap3A_1705 = tpu.vector_load %arg13[%swap3A_1703, %swap3A_1704] {strides = array<i32>} : memref<128x128xf32, #tpu.memory_space<vmem>>, vector<1x16xf32>,
        %swap3A_1706 = vector.shape_cast %swap3A_1705 : vector<1x16xf32> to vector<16xf32>
        %swap3A_1707 = vector.shape_cast %mul3A_1702 : vector<16xf32> to vector<1x16xf32>
        tpu.vector_store %arg13[%swap3A_1703, %swap3A_1704], %swap3A_1707 {strides = array<i32>} : memref<128x128xf32, #tpu.memory_space<vmem>>, vector<1x16xf32>,
      }
      %scan3A_166 = arith.constant 8 : i32
      "tpu.region"() ({
        %run_scoped3A = tpu.sem_alloc : memref<!tpu.dma_semaphore, #tpu.memory_space<semaphore_mem>>
        %dma_start3A = arith.constant 0 : i32
        %dma_start3A_167 = arith.constant 0 : i32
        %dma_start3A_168 = tpu.memref_slice %arg15[%dma_start3A, %dma_start3A_167] : memref<10240x128xf32, #tpu.memory_space<vmem_shared>> -> memref<10240x128xf32, #tpu.memory_space<vmem_shared>>
        tpu.enqueue_indirect_dma source(%arg13 : memref<128x128xf32, #tpu.memory_space<vmem>>) target(%dma_start3A_168 : memref<10240x128xf32, #tpu.memory_space<vmem_shared>>) offsets(%arg10 : memref<128xi32, #tpu.memory_space<vmem>>) semaphore(%run_scoped3A : memref<!tpu.dma_semaphore, #tpu.memory_space<semaphore_mem>>) {add = true}
        %dma_wait3A = arith.constant 0 : i32
        %dma_wait3A_169 = arith.constant 0 : i32
        %dma_wait3A_170 = tpu.memref_slice %arg15[%dma_wait3A, %dma_wait3A_169] : memref<10240x128xf32, #tpu.memory_space<vmem_shared>> -> memref<10240x128xf32, #tpu.memory_space<vmem_shared>>
        tpu.wait_indirect_dma semaphore(%run_scoped3A : memref<!tpu.dma_semaphore, #tpu.memory_space<semaphore_mem>>) src(%arg13 : memref<128x128xf32, #tpu.memory_space<vmem>>) dst(%dma_wait3A_170 : memref<10240x128xf32, #tpu.memory_space<vmem_shared>>)
        tpu.yield
      }) : () -> ()
    }
    %barrier3A_40 = arith.constant 0 : index
    tpu.barrier barrier_id(%barrier3A_40)
    %mul3A_41 = arith.constant 640 : i32
    %mul3A_42 = arith.muli %arg1, %mul3A_41 : i32
    %mul3A_43 = arith.constant 640 : i32
    %mul3A_44 = arith.muli %arg1, %mul3A_43 : i32
    "tpu.region"() ({
      %run_scoped3A = tpu.sem_alloc : memref<!tpu.dma_semaphore, #tpu.memory_space<semaphore_mem>>
      %dma_start3A = arith.constant 0 : i32
      %dma_start3A_45 = tpu.memref_slice %arg7[%arg0, %mul3A_44, %dma_start3A] : memref<2x10240x128xf32, #tpu.memory_space<hbm>> -> memref<1x640x128xf32, #tpu.memory_space<hbm>>
      %dma_start3A_46 = tpu.memref_squeeze %dma_start3A_45 : memref<1x640x128xf32, #tpu.memory_space<hbm>> -> memref<640x128xf32, #tpu.memory_space<hbm>>
      %dma_start3A_47 = arith.constant 0 : i32
      %dma_start3A_48 = tpu.memref_slice %arg15[%mul3A_42, %dma_start3A_47] : memref<10240x128xf32, #tpu.memory_space<vmem_shared>> -> memref<640x128xf32, #tpu.memory_space<vmem_shared>>
      tpu.enqueue_dma source(%dma_start3A_48 : memref<640x128xf32, #tpu.memory_space<vmem_shared>>) target(%dma_start3A_46 : memref<640x128xf32, #tpu.memory_space<hbm>>) target_semaphore(%run_scoped3A : memref<!tpu.dma_semaphore, #tpu.memory_space<semaphore_mem>>)
      %dma_wait3A = arith.constant 0 : i32
      %dma_wait3A_49 = tpu.memref_slice %arg7[%arg0, %mul3A_44, %dma_wait3A] : memref<2x10240x128xf32, #tpu.memory_space<hbm>> -> memref<1x640x128xf32, #tpu.memory_space<hbm>>
      %dma_wait3A_50 = tpu.memref_squeeze %dma_wait3A_49 : memref<1x640x128xf32, #tpu.memory_space<hbm>> -> memref<640x128xf32, #tpu.memory_space<hbm>>
      %dma_wait3A_51 = arith.constant 0 : i32
      %dma_wait3A_52 = tpu.memref_slice %arg15[%mul3A_42, %dma_wait3A_51] : memref<10240x128xf32, #tpu.memory_space<vmem_shared>> -> memref<640x128xf32, #tpu.memory_space<vmem_shared>>
      tpu.wait_dma2 semaphore(%run_scoped3A : memref<!tpu.dma_semaphore, #tpu.memory_space<semaphore_mem>>) src(%dma_wait3A_52 : memref<640x128xf32, #tpu.memory_space<vmem_shared>>) dst(%dma_wait3A_50 : memref<640x128xf32, #tpu.memory_space<hbm>>)
      tpu.yield
    }) : () -> ()
    return
  }
}

</mosaic_0001>

<sc_bundles>
// kernel: _sc_segsum.3.cloned.1.call-start
scs
__scs_entry_jumppad:
0x0: {  	(pc) =	sbr.rel $0x88, $3  }
0x1: {  	(tag) =	ssettag $0x0;
	lr =	simm.s32 $0x1  }
0x2: {  	[smem:$0x3F9C] =	sst lr;
	_ =	strace $0xD0000000  }
0x3: {  	_ = 	snop  }
0x4: {  	_ = 	snop  }
0x5: {  	_ = 	snop  }
0x6: {  	_ = 	snop  }
0x7: {  	_ = 	snop  }
__scs_overlays_trampoline_lowered:
0x8: {  	[smem:$0x3FAB] =	sst s0  }
0x9: {  	[smem:$0x3FAC] =	sst s1  }
0xa: {  	[smem:$0x3FAD] =	sst s2  }
0xb: {  	[smem:$0x3FAE] =	sst s3  }
0xc: {  	[smem:$0x3FAF] =	sst s4  }
0xd: {  	[smem:$0x3FB0] =	sst s5  }
0xe: {  	[smem:$0x3FB1] =	sst s6  }
0xf: {  	[smem:$0x3FB2] =	sst s7  }
0x10: {  	[smem:$0x3FB3] =	sst s8  }
0x11: {  	[smem:$0x3FB4] =	sst s9;
	s0 =	simm.s32 @!p0 $0x0  }
0x12: {  	s1 =	sld [smem:$0x3F9A];
	s0 =	simm.s32 @p0 $0x1  }
0x13: {  	[smem:$0x3FB5] =	sst s0;
	s0 =	simm.s32 @!p1 $0x0  }
0x14: {  	s2 =	sld [smem:$0x3F99];
	s0 =	simm.s32 @p1 $0x1  }
0x15: {  	[smem:$0x3FB6] =	sst s0;
	s0 =	simm.s32 @!p2 $0x0  }
0x16: {  	s3 =	sld [smem:$0x3FDB];
	s0 =	simm.s32 @p2 $0x1  }
0x17: {  	s4 =	simm.s32 $0x1BF5;
	[smem:$0x3FB8] =	sst s0  }
0x18: {  	s0 =	sld [smem:$0x3F9B];
	_ =	swait.ge [sflag:s4], $0x0  }
0x19: {  	s7 =	sld [smem:$0x3F9C]  }
0x1a: {  	s8 =	sadd.s32 $0xFFFFE003, lr  }
0x1b: {  	s9 =	sadd.s32 $0xFFFFFEF7, lr;
	s5 =	simm.s32 $0xFFFFFFFF;
	p2 =	slt.u32 s8, $0xFFFFF086  }
0x1c: {  	p1 =	slt.u32 s9, $0xF7A;
	s5 =	simm.s32 @!p2 $0x0  }
0x1d: {  	s5 =	simm.s32 @p1 $0x1;
	p0 =	seq.s32 s7, s2  }
0x1e: {  	s7 =	smul.u32 @!p0 $0xF7A, s2;
	p2 =	seq.s32 @!p0 s5, $0x0  }
0x1f: {  	s9 =	smul.u32 $0xF7A, s1;
	s8 =	simm.s32 @!p0 $0x1BF5;
	p2 =	por !p2, p0  }
0x20: {  	[sflag:s8] =	ssyncset.s32 @!p0 $0xFFFFF086;
	s6 =	sadd.s32 @!p0 s3, s7;
	s7 =	simm.s32 @!p0 $0x108  }
0x21: {  	s3 =	sadd.s32 s3, s9;
	s6 =	sadd.s32 @!p0 $0x88, s6;
	s7 =	simm.s32 @p2 $0x1082  }
0x22: {  	[simem:s7], [sflag:s8] =	dma.local @!p0 [hbm:s6], $0xF7A  }
0x23: {  	s9 =	sor.u32 $0xD0000000, s2;
	s6 =	simm.s32 $0x108;
	_ =	swait.ge @!p0 [sflag:s8], $0x0  }
0x24: {  	s3 =	sadd.s32 $0x88, s3;
	s6 =	simm.s32 @!p1 $0x1082;
	[sflag:s4] =	ssyncset.s32 $0xFFFFF086  }
0x25: {  	[simem:s6], [sflag:s4] =	dma.local [hbm:s3], $0xF7A  }
0x26: {  	[smem:$0x3F9C] =	sst s1;
	(tag) =	ssettag s2;
	_ =	strace s9  }
0x27: {  	s1 =	sld [smem:$0x3FAC]  }
0x28: {  	s2 =	sld [smem:$0x3FAD]  }
0x29: {  	s4 =	sld [smem:$0x3FAF]  }
0x2a: {  	p0 =	seq.s32 s5, $0x0;
	s5 =	sld [smem:$0x3FB0]  }
0x2b: {  	s6 =	sld [smem:$0x3FB1]  }
0x2c: {  	s7 =	sld [smem:$0x3FB2]  }
0x2d: {  	s3 =	simm.s32 $0x108;
	s8 =	sld [smem:$0x3FB3]  }
0x2e: {  	s3 =	simm.s32 @!p0 $0x1082;
	s9 =	sld [smem:$0x3FB4]  }
0x2f: {  	lr =	sadd.s32 s0, s3;
	s0 =	sld [smem:$0x3FAB]  }
0x30: {  	s3 =	sld [smem:$0x3FAE]  }
0x31: {  	[smem:$0x3FB7] =	sst s10  }
0x32: {  	s10 =	sld [smem:$0x3FB5];
	_ =	sdelay $0x3  }
0x33: {  	p0 =	seq.s32 s10, $0x1;
	s10 =	sld [smem:$0x3FB7];
	_ =	sdelay $0x3  }
0x34: {  	[smem:$0x3FB7] =	sst s10  }
0x35: {  	s10 =	sld [smem:$0x3FB6];
	_ =	sdelay $0x3  }
0x36: {  	p1 =	seq.s32 s10, $0x1;
	s10 =	sld [smem:$0x3FB7];
	_ =	sdelay $0x3  }
0x37: {  	[smem:$0x3FB7] =	sst s10  }
0x38: {  	s10 =	sld [smem:$0x3FB8]  }
0x39: {  	_ = 	snop;
	(pc) =	sbr.ind lr, $3  }
0x3a: {  	_ = 	snop  }
0x3b: {  	_ = 	snop  }
0x3c: {  	p2 =	seq.s32 s10, $0x1;
	s10 =	sld [smem:$0x3FB7]  }
0x3d: {  	_ =	shalt  }
0x3e: {  	_ =	shalt  }
0x3f: {  	_ =	shalt  }
0x40: {  	_ =	shalt  }
0x41: {  	_ =	shalt  }
0x42: {  	_ =	shalt  }
0x43: {  	_ =	shalt  }
0x44: {  	_ =	shalt  }
0x45: {  	_ =	shalt  }
0x46: {  	_ =	shalt  }
0x47: {  	_ =	shalt  }
0x48: {  	_ =	shalt  }
0x49: {  	_ =	shalt  }
0x4a: {  	_ =	shalt  }
0x4b: {  	_ =	shalt  }
0x4c: {  	_ =	shalt  }
0x4d: {  	_ =	shalt  }
0x4e: {  	_ =	shalt  }
0x4f: {  	_ =	shalt  }
0x50: {  	_ =	shalt  }
0x51: {  	_ =	shalt  }
0x52: {  	_ =	shalt  }
0x53: {  	_ =	shalt  }
0x54: {  	_ =	shalt  }
0x55: {  	_ =	shalt  }
0x56: {  	_ =	shalt  }
0x57: {  	_ =	shalt  }
0x58: {  	_ =	shalt  }
0x59: {  	_ =	shalt  }
0x5a: {  	_ =	shalt  }
0x5b: {  	_ =	shalt  }
0x5c: {  	_ =	shalt  }
0x5d: {  	_ =	shalt  }
0x5e: {  	_ =	shalt  }
0x5f: {  	_ =	shalt  }
0x60: {  	_ =	shalt  }
0x61: {  	_ =	shalt  }
0x62: {  	_ =	shalt  }
0x63: {  	_ =	shalt  }
0x64: {  	_ =	shalt  }
0x65: {  	_ =	shalt  }
0x66: {  	_ =	shalt  }
0x67: {  	_ =	shalt  }
0x68: {  	_ =	shalt  }
0x69: {  	_ =	shalt  }
0x6a: {  	_ =	shalt  }
0x6b: {  	_ =	shalt  }
0x6c: {  	_ =	shalt  }
0x6d: {  	_ =	shalt  }
0x6e: {  	_ =	shalt  }
0x6f: {  	_ =	shalt  }
0x70: {  	_ =	shalt  }
0x71: {  	_ =	shalt  }
0x72: {  	_ =	shalt  }
0x73: {  	_ =	shalt  }
0x74: {  	_ =	shalt  }
0x75: {  	_ =	shalt  }
0x76: {  	_ =	shalt  }
0x77: {  	_ =	shalt  }
0x78: {  	_ =	shalt  }
0x79: {  	_ =	shalt  }
0x7a: {  	_ =	shalt  }
0x7b: {  	_ =	shalt  }
0x7c: {  	_ =	shalt  }
0x7d: {  	_ =	shalt  }
0x7e: {  	_ =	shalt  }
0x7f: {  	_ =	shalt  }
0x80: {  	_ =	shalt  }
0x81: {  	_ =	shalt  }
0x82: {  	_ =	shalt  }
0x83: {  	_ =	shalt  }
0x84: {  	_ =	shalt  }
0x85: {  	_ =	shalt  }
0x86: {  	_ =	shalt  }
0x87: {  	_ =	shalt  }
.Lfunc_end0:
.L_simem_size_0:
called_computation_lowered:
.L_overlay_start_0:
0x88: {  	s2 =	sld [smem:$0x3FD9]  }
0x89: {  	s3 =	sld [smem:$0x3FFE];
	_ =	sdelay $0x1  }
0x8a: {  	s1 =	srdreg.scid  }
0x8b: {  	s0 =	sand.u32 $0x1, s1  }
0x8c: {  	s18 =	sshll.u32 s0, $0xA;
	s2 =	sadd.s32 s3, s2  }
0x8d: {  	s2 =	sadd.s32 s2, s18  }
0x8e: {  	[smem:$0x3FC3] =	sst s2  }
0x8f: {  	_ = 	snop  }
0x90: {  	s2 =	sld [smem:$0x3FC9]  }
0x91: {  	s19 =	sld [smem:$0x3FC8]  }
0x92: {  	s4 =	sld [smem:$0x3FC7]  }
0x93: {  	s5 =	sld [smem:$0x3FC6]  }
0x94: {  	s6 =	sld [smem:$0x3FC5]  }
0x95: {  	s7 =	sld [smem:$0x3FD0];
	(tm) =	ssettm $0x1  }
0x96: {  	s8 =	sld [smem:$0x3FFB];
	_ =	sdelay $0x3  }
0x97: {  	_ =	strace s8  }
0x98: {  	s8 =	sld [smem:$0x3FFC];
	_ =	sdelay $0x3  }
0x99: {  	_ =	strace s8  }
0x9a: {  	s8 =	sld [smem:$0x3FFD];
	_ =	sdelay $0x3  }
0x9b: {  	_ =	strace s8  }
0x9c: {  	_ =	strace $0x8FFFFFFF  }
0x9d: {  	s20 =	sld [smem:$0x3FDB];
	_ =	sdelay $0x1  }
0x9e: {  	s9 =	simm.s32 $_scs_section_size  }
0x9f: {  	s10 =	simm.s32 $_size__tile_overlayer_lowered;
	s11 =	simm.s32 $_tile_overlayer_lowered  }
0xa0: {  	s23 =	simm.s32 $0x1BFF;
	s22 =	sshll.u32 s11, $0x1;
	s8 =	sadd.s32 s9, s20  }
0xa1: {  	s12 =	simm.s32 $0x0;
	s21 =	sshll.u32 s10, $0x1;
	s10 =	sadd.s32 s22, s8  }
0xa2: {  	[timem:s12], [sflag:s23] =	dma.local [hbm:s10], s21  }
0xa3: {  	_ =	swait.ge [sflag:s23], s21  }
0xa4: {  	s9 =	ssub.s32 $0x0, s21;
	[sflag:s23] =	ssyncset.done $0x0  }
0xa5: {  	[sflag:s23] =	ssyncadd.s32 s9;
	_ =	sdelay $0x1  }
0xa6: {  	s24 =	simm.s32 $0x1B8B  }
0xa7: {  	_ =	swait.ge [sflag:s24], $0x1  }
0xa8: {  	[sflag:s24] =	ssyncset.done $0x0  }
0xa9: {  	s25 =	simm.s32 $0x1B8E;
	[sflag:s24] =	ssyncadd.s32 $0xFFFFFFFF  }
0xaa: {  	s26 =	simm.s32 $execute0_lowered;
	[smem:$0x3FD2] =	sst s25  }
0xab: {  	s9 =	sshll.u32 s26, $0x1;
	_ =	strace $0x80000046;
	[dreg:$0x1] =	wrdreg $0xFFFFFFFF  }
0xac: {  	s28 =	simm.s32 $_size_execute0_lowered;
	s8 =	sadd.s32 s8, s9;
	[dreg:$0x0] =	wrdreg $0x0  }
0xad: {  	s9 =	sshll.u32 s28, $0x1;
	[dreg:$0x2] =	wrdreg s8  }
0xae: {  	[dreg:$0x3] =	wrdreg s9  }
0xaf: {  	[dreg:$0x4] =	wrdreg $0xC0  }
0xb0: {  	_ =	task [dreg:s12], $0x5FFFF  }
0xb1: {  	[dreg:$0x1] =	wrdreg $0xFFFFFFFF  }
0xb2: {  	[dreg:$0x0] =	wrdreg $0x60  }
0xb3: {  	[dreg:$0x2] =	wrdreg s2  }
0xb4: {  	[dreg:$0x3] =	wrdreg s19  }
0xb5: {  	[dreg:$0x4] =	wrdreg s4  }
0xb6: {  	[dreg:$0x5] =	wrdreg s5  }
0xb7: {  	[dreg:$0x6] =	wrdreg s6  }
0xb8: {  	[dreg:$0x7] =	wrdreg s7  }
0xb9: {  	[dreg:$0x8] =	wrdreg $0x82800  }
0xba: {  	[dreg:$0x9] =	wrdreg $0x9  }
0xbb: {  	_ =	task.clear_ibuf [dreg:s12], $0xAFFFF;
	_ =	strace $0x90000046  }
0xbc: {  	s29 =	simm.s32 $0x9;
	_ =	strace $0x80000048  }
0xbd: {  	_ =	swait.ge [sflag:s29], $0x1  }
0xbe: {  	[sflag:s29] =	ssyncadd.s32 $0xFFFFFFFF  }
0xbf: {  	_ =	strace $0x90000048  }
0xc0: {  	_ =	sfence  }
0xc1: {  	s30 =	sld [smem:$0x0];
	_ =	sdelay $0x2  }
0xc2: {  	s31 =	sshll.u32 s1, $0xD;
	s1 =	sshrl.u32 s1, $0x2  }
0xc3: {  	s3 =	sand.u32 $0x4000, s31;
	s1 =	sadd.s32 s1, s30  }
0xc4: {  	s0 =	sor.u32 s3, s0;
	s1 =	sshll.u32 s1, $0x11  }
0xc5: {  	s0 =	sor.u32 s1, s0  }
0xc6: {  	s0 =	sadd.s32 $0x8F2B, s0  }
0xc7: {  	[sflag:s0] =	ssyncadd.remote.s32 $0x1  }
0xc8: {  	_ =	sfence.sel $0xFFFF  }
0xc9: {  	[dreg:$0x0] =	wrdreg $0xFFFFFFFF;
	(pc) =	sbr.abs _section_cstart, $3  }
0xca: {  	[dreg:$0x1] =	wrdreg $0xFFFFFFFF  }
0xcb: {  	_ =	task.clear_ibuf [dreg:s12], $0x2FFFF;
	_ =	strace $0x9FFFFFFF  }
0xcc: {  	(tm) =	ssettm $0x7FFFFFFF  }
0xcd: {  	_ =	shalt  }
tec
execute0_lowered:
.L_overlay_start_1:
0x0: {  	(tag) =	ssettag $0x1  }
0x1: {  	s0 =	rddreg [dreg:$0x0]  }
0x2: {  	s1 =	rddreg [dreg:$0x1]  }
0x3: {  	s2 =	rddreg [dreg:$0x2]  }
0x4: {  	s4 =	rddreg [dreg:$0x3]  }
0x5: {  	s6 =	rddreg [dreg:$0x4]  }
0x6: {  	s16 =	rddreg [dreg:$0x5]  }
0x7: {  	s7 =	rddreg [dreg:$0x6];
	s3 =	stileid.u32  }
0x8: {  	s9 =	srdreg.scid;
	s5 =	rddreg [dreg:$0x7]  }
0x9: {  	s8 =	simm.s32 $0x0;
	s14 =	simm.s32 $0x4F;
	s21 =	simm.s32 $0x100  }
0xa: {  	s22 =	simm.s32 $0x180;
	s23 =	simm.s32 $0x200;
	s24 =	simm.s32 $0x280  }
0xb: {  	s10 =	smul.u32 $0x50000, s3;
	s15 =	sand.u32 $0x1, s9;
	[smem:$0x7FF] =	sst s8  }
0xc: {  	s19 =	smul.u32 $0x14000, s3;
	p0 =	slt.u32 s3, $0x2;
	s20 =	sshll.u32 s3, $0x8  }
0xd: {  	s11 =	ssub.s32 $0x2, s15;
	_ =	strace $0x80000047;
	s18 =	smul.u32 $0x140000, s15  }
0xe: {  	v0 =	vimm.f32 $0.0e+00;
	v1 =	vimm.s32 $0x0;
	s15 =	sshll.u32 s15, $0x7;
	s14 =	simm.s32 @!p0 $0x4E;
	s30 =	sshrl.u32 s10, $0x2  }
0xf: {  	v2 =	vimm.s32 $0x1;
	v3 =	vimm.s32 $0x2;
	v4 =	vimm.s32 $0x3;
	s31 =	sshrl.u32 s11, $0x1;
	s15 =	sor.u32 s15, s20;
	s20 =	simm.s32 $0x80  }
0x10: {  	v5 =	vimm.s32 $0x4;
	v6 =	vimm.s32 $0x5;
	v7 =	vimm.s32 $0x6;
	s9 =	sadd.s32 s30, s7;
	s17 =	ssub.s32 s11, s31;
	s18 =	sadd.s32 s19, s18  }
0x11: {  	v8 =	vimm.s32 $0x7;
	v9 =	vimm.s32 $0x8;
	v10 =	vimm.s32 $0x9;
	s19 =	simm.s32 $0x1;
	s10 =	sadd.s32 $0x4000, s9;
	s11 =	sadd.s32 $0x8000, s9  }
0x12: {  	v11 =	vimm.s32 $0xA;
	v12 =	vimm.s32 $0xB;
	v13 =	vimm.s32 $0xC;
	s12 =	sadd.s32 $0xC000, s9;
	s13 =	sadd.s32 $0x10000, s9;
	s18 =	sshrl.u32 s18, $0x3  }
0x13: {  	v14 =	vimm.s32 $0xD;
	v15 =	vimm.s32 $0xE;
	v16 =	vimm.s32 $0xF;
	s17 =	smax.u32 s17, $0x1;
	s16 =	sadd.s32 s16, s18;
	s18 =	simm.s32 $0x4280  }
.LBB2_1:
0x14: {  	s25 =	simm.s32 $0x0;
	s26 =	simm.s32 $0x200  }
.LBB2_2:
0x15: {  	p0 =	sne.s32 s26, $0xFE00;
	[tilespmem:s25+$0x42F0] =	vst v0  }
0x16: {  	[tilespmem:s25+$0x4280] =	vst v0  }
0x17: {  	[tilespmem:s25+$0x4290] =	vst v0  }
.Ltmp0:
0x18: {  	[tilespmem:s25+$0x42A0] =	vst v0;
	(pc) =	sbr.rel @p0 .LBB2_2-.Ltmp0, $4  }
0x19: {  	[tilespmem:s25+$0x42B0] =	vst v0  }
0x1a: {  	[tilespmem:s25+$0x42C0] =	vst v0  }
0x1b: {  	[tilespmem:s25+$0x42D0] =	vst v0  }
0x1c: {  	[tilespmem:s25+$0x42E0] =	vst v0;
	s25 =	sshra.s32 s26, $0x2;
	s26 =	sadd.s32 $0x200, s26  }
0x1d: {  	[tilespmem:s25+$0x42F0] =	vst v0  }
0x1e: {  	[tilespmem:s25+$0x4280] =	vst v0  }
0x1f: {  	[tilespmem:s25+$0x4290] =	vst v0  }
0x20: {  	[tilespmem:s25+$0x42A0] =	vst v0  }
0x21: {  	[tilespmem:s25+$0x42B0] =	vst v0  }
0x22: {  	[tilespmem:s25+$0x42C0] =	vst v0  }
0x23: {  	[tilespmem:s25+$0x42D0] =	vst v0  }
0x24: {  	[tilespmem:s25+$0x42E0] =	vst v0  }
0x25: {  	[spmem:s9] =	stream.linear.scatter [tilespmem:s18], [sflag:$0x1], $0x4000, $0x38;
	[tilespmem:$0x1C280] =	vst v63  }
0x26: {  	_ =	swait.ge [sflag:s19], $0x4000  }
0x27: {  	[sflag:s19] =	ssyncset.done $0x0  }
0x28: {  	[sflag:s19] =	ssyncadd.s32 $0xFFFFC000  }
0x29: {  	[spmem:s10] =	stream.linear.scatter [tilespmem:s18], [sflag:$0x1], $0x4000, $0x38;
	[tilespmem:$0x1C280] =	vst v63  }
0x2a: {  	_ =	swait.ge [sflag:s19], $0x4000  }
0x2b: {  	[sflag:s19] =	ssyncset.done $0x0  }
0x2c: {  	[sflag:s19] =	ssyncadd.s32 $0xFFFFC000  }
0x2d: {  	[spmem:s11] =	stream.linear.scatter [tilespmem:s18], [sflag:$0x1], $0x4000, $0x38;
	[tilespmem:$0x1C280] =	vst v63  }
0x2e: {  	_ =	swait.ge [sflag:s19], $0x4000  }
0x2f: {  	[sflag:s19] =	ssyncset.done $0x0  }
0x30: {  	[sflag:s19] =	ssyncadd.s32 $0xFFFFC000  }
0x31: {  	[spmem:s12] =	stream.linear.scatter [tilespmem:s18], [sflag:$0x1], $0x4000, $0x38;
	[tilespmem:$0x1C280] =	vst v63  }
0x32: {  	_ =	swait.ge [sflag:s19], $0x4000  }
0x33: {  	[sflag:s19] =	ssyncset.done $0x0  }
0x34: {  	[sflag:s19] =	ssyncadd.s32 $0xFFFFC000  }
0x35: {  	[spmem:s13] =	stream.linear.scatter [tilespmem:s18], [sflag:$0x1], $0x4000, $0x38;
	[tilespmem:$0x1C280] =	vst v63  }
0x36: {  	_ =	swait.ge [sflag:s19], $0x4000  }
0x37: {  	[sflag:s19] =	ssyncset.done $0x0  }
0x38: {  	[sflag:s19] =	ssyncadd.s32 $0xFFFFC000  }
0x39: {  	s25 =	simm.s32 $0x0;
	s26 =	simm.s32 $0x0;
	[bflag:$0x0] =	sbarrier.arrive $0xFFFF  }
.LBB2_4:
0x3a: {  	s28 =	sshll.u32 s26, $0xC  }
0x3b: {  	s28 =	sor.u32 s15, s28  }
0x3c: {  	s28 =	sshrl.u32 s28, $0x3  }
0x3d: {  	s29 =	sadd.s32 s1, s28  }
0x3e: {  	[tilespmem:s25], [sflag:$0x1] =	stream.linear.gather [hbm4b:s29+s25], $0x80, $0x38;
	[tilespmem:$0x1C280] =	vst v63  }
0x3f: {  	_ =	swait.ge [sflag:s19], $0x80  }
0x40: {  	[sflag:s19] =	ssyncset.done $0x0  }
0x41: {  	s30 =	sadd.s32 s2, s28;
	[sflag:s19] =	ssyncadd.s32 $0xFFFFFF80  }
0x42: {  	[tilespmem:s20], [sflag:$0x1] =	stream.linear.gather [hbm4b:s30+s25], $0x80, $0x38;
	[tilespmem:$0x1C280] =	vst v63  }
0x43: {  	_ =	swait.ge [sflag:s19], $0x80  }
0x44: {  	[sflag:s19] =	ssyncset.done $0x0  }
0x45: {  	s31 =	sadd.s32 s4, s28;
	[sflag:s19] =	ssyncadd.s32 $0xFFFFFF80  }
0x46: {  	[tilespmem:s21], [sflag:$0x1] =	stream.linear.gather [hbm4b:s31+s25], $0x80, $0x38;
	[tilespmem:$0x1C280] =	vst v63  }
0x47: {  	_ =	swait.ge [sflag:s19], $0x80  }
0x48: {  	[sflag:s19] =	ssyncset.done $0x0  }
0x49: {  	s28 =	sadd.s32 s6, s28;
	[sflag:s19] =	ssyncadd.s32 $0xFFFFFF80  }
0x4a: {  	[tilespmem:s22], [sflag:$0x1] =	stream.linear.gather [hbm4b:s28+s25], $0x80, $0x38;
	[tilespmem:$0x1C280] =	vst v63  }
0x4b: {  	_ =	swait.ge [sflag:s19], $0x80  }
0x4c: {  	[sflag:s19] =	ssyncset.done $0x0  }
0x4d: {  	[sflag:s19] =	ssyncadd.s32 $0xFFFFFF80  }
0x4e: {  	v17 =	vld [tilespmem:$0x80]  }
0x4f: {  	v18 =	vld [tilespmem:$0x0]  }
0x50: {  	v19 =	vld [tilespmem:$0x90]  }
0x51: {  	v20 =	vld [tilespmem:$0x10]  }
0x52: {  	v21 =	vld [tilespmem:$0xA0]  }
0x53: {  	v22 =	vld [tilespmem:$0x20]  }
0x54: {  	v23 =	vld [tilespmem:$0xB0]  }
0x55: {  	v24 =	vld [tilespmem:$0x30]  }
0x56: {  	v25 =	vld [tilespmem:$0xC0]  }
0x57: {  	v26 =	vld [tilespmem:$0x40]  }
0x58: {  	v27 =	vld [tilespmem:$0xD0]  }
0x59: {  	v28 =	vld [tilespmem:$0x50];
	v17 =	vmul.u32 $0x2710, v17  }
0x5a: {  	v29 =	vld [tilespmem:$0xE0];
	v19 =	vmul.u32 $0x2710, v19  }
0x5b: {  	v61 =	vld [tilespmem:$0xF0];
	v17 =	vadd.s32 v18, v17;
	v18 =	vmul.u32 $0x2710, v21  }
0x5c: {  	v62 =	vld [tilespmem:$0x60];
	[tilespmem:$0x200] =	vst v17;
	v17 =	vadd.s32 v20, v19;
	v19 =	vmul.u32 $0x2710, v23  }
0x5d: {  	v63 =	vld [tilespmem:$0x70];
	[tilespmem:$0x210] =	vst v17;
	v17 =	vadd.s32 v22, v18;
	v18 =	vmul.u32 $0x2710, v25  }
0x5e: {  	[tilespmem:$0x220] =	vst v17;
	v17 =	vadd.s32 v24, v19;
	v19 =	vmul.u32 $0x2710, v27  }
0x5f: {  	[tilespmem:$0x230] =	vst v17;
	v17 =	vadd.s32 v26, v18;
	v18 =	vmul.u32 $0x2710, v29  }
0x60: {  	[tilespmem:$0x240] =	vst v17;
	v17 =	vadd.s32 v28, v19;
	v19 =	vmul.u32 $0x2710, v61  }
0x61: {  	[tilespmem:$0x250] =	vst v17;
	v17 =	vadd.s32 v62, v18  }
0x62: {  	[tilespmem:$0x260] =	vst v17;
	v17 =	vadd.s32 v63, v19  }
0x63: {  	[tilespmem:$0x270] =	vst v17  }
0x64: {  	[tilespmem:s24], [sflag:$0x1] =	stream.indirect.gather [hbm4b:s0+s20], $0x80, s23, s20, $0xb8;
	[tilespmem:$0x1C280] =	vst v63  }
0x65: {  	_ =	swait.ge [sflag:s19], $0x4000  }
0x66: {  	[sflag:s19] =	ssyncset.done $0x0  }
0x67: {  	s28 =	simm.s32 $0x0;
	[sflag:s19] =	ssyncadd.s32 $0xFFFFC000  }
.LBB2_5:
0x68: {  	s29 =	sshll.u32 s28, $0x4  }
0x69: {  	s29 =	sand.u32 $0x3FFFFFF0, s29  }
0x6a: {  	s31 =	sshll.u32 s28, $0xB;
	v17 =	vld [tilespmem:s29+$0x180]  }
0x6b: {  	s29 =	sand.u32 $0x3FFFF800, s31  }
0x6c: {  	v18 =	vld [tilespmem:s29+$0x280]  }
0x6d: {  	v19 =	vld [tilespmem:s29+$0x290]  }
0x6e: {  	v20 =	vld [tilespmem:s29+$0x2A0]  }
0x6f: {  	v22 =	vld [tilespmem:s29+$0x2B0];
	v21 =	vperm.xlane v17, v1  }
0x70: {  	v23 =	vld [tilespmem:s29+$0x2C0]  }
0x71: {  	v24 =	vld [tilespmem:s29+$0x2D0];
	v18 =	vmul.f32 v18, v21  }
0x72: {  	v25 =	vld [tilespmem:s29+$0x2E0];
	v19 =	vmul.f32 v19, v21  }
0x73: {  	v38 =	vld [tilespmem:s29+$0x2F0];
	[tilespmem:s29+$0x280] =	vst v18;
	v18 =	vmul.f32 v20, v21  }
0x74: {  	v39 =	vld [tilespmem:s29+$0x300];
	[tilespmem:s29+$0x290] =	vst v19;
	v19 =	vmul.f32 v22, v21  }
0x75: {  	v40 =	vld [tilespmem:s29+$0x310];
	[tilespmem:s29+$0x2A0] =	vst v18;
	v18 =	vmul.f32 v23, v21  }
0x76: {  	v41 =	vld [tilespmem:s29+$0x320];
	[tilespmem:s29+$0x2B0] =	vst v19;
	v19 =	vmul.f32 v24, v21  }
0x77: {  	v26 =	vld [tilespmem:s29+$0x330];
	v42 =	vperm.xlane v17, v2;
	[tilespmem:s29+$0x2C0] =	vst v18;
	v18 =	vmul.f32 v25, v21  }
0x78: {  	v43 =	vld [tilespmem:s29+$0x340];
	[tilespmem:s29+$0x2D0] =	vst v19;
	v19 =	vmul.f32 v38, v21  }
0x79: {  	v44 =	vld [tilespmem:s29+$0x350];
	[tilespmem:s29+$0x2E0] =	vst v18;
	v18 =	vmul.f32 v39, v42  }
0x7a: {  	v45 =	vld [tilespmem:s29+$0x360];
	[tilespmem:s29+$0x2F0] =	vst v19;
	v19 =	vmul.f32 v40, v42  }
0x7b: {  	v46 =	vld [tilespmem:s29+$0x370];
	[tilespmem:s29+$0x300] =	vst v18;
	v18 =	vmul.f32 v41, v42  }
0x7c: {  	v47 =	vld [tilespmem:s29+$0x380];
	[tilespmem:s29+$0x310] =	vst v19;
	v19 =	vmul.f32 v26, v42  }
0x7d: {  	v48 =	vld [tilespmem:s29+$0x390];
	[tilespmem:s29+$0x320] =	vst v18;
	v18 =	vmul.f32 v43, v42  }
0x7e: {  	v49 =	vld [tilespmem:s29+$0x3A0];
	[tilespmem:s29+$0x330] =	vst v19;
	v19 =	vmul.f32 v44, v42  }
0x7f: {  	v51 =	vld [tilespmem:s29+$0x3B0];
	v50 =	vperm.xlane v17, v3;
	[tilespmem:s29+$0x340] =	vst v18;
	v18 =	vmul.f32 v45, v42  }
0x80: {  	v52 =	vld [tilespmem:s29+$0x3C0];
	[tilespmem:s29+$0x350] =	vst v19;
	v19 =	vmul.f32 v46, v42  }
0x81: {  	v53 =	vld [tilespmem:s29+$0x3D0];
	[tilespmem:s29+$0x360] =	vst v18;
	v18 =	vmul.f32 v47, v50  }
0x82: {  	v54 =	vld [tilespmem:s29+$0x3E0];
	[tilespmem:s29+$0x370] =	vst v19;
	v19 =	vmul.f32 v48, v50  }
0x83: {  	v55 =	vld [tilespmem:s29+$0x3F0];
	[tilespmem:s29+$0x380] =	vst v18;
	v18 =	vmul.f32 v49, v50  }
0x84: {  	v56 =	vld [tilespmem:s29+$0x400];
	[tilespmem:s29+$0x390] =	vst v19;
	v19 =	vmul.f32 v51, v50  }
0x85: {  	v57 =	vld [tilespmem:s29+$0x410];
	[tilespmem:s29+$0x3A0] =	vst v18;
	v18 =	vmul.f32 v52, v50  }
0x86: {  	v58 =	vld [tilespmem:s29+$0x420];
	[tilespmem:s29+$0x3B0] =	vst v19;
	v19 =	vmul.f32 v53, v50  }
0x87: {  	v60 =	vld [tilespmem:s29+$0x430];
	v59 =	vperm.xlane v17, v4;
	[tilespmem:s29+$0x3C0] =	vst v18;
	v18 =	vmul.f32 v54, v50  }
0x88: {  	v61 =	vld [tilespmem:s29+$0x440];
	[tilespmem:s29+$0x3D0] =	vst v19;
	v19 =	vmul.f32 v55, v50  }
0x89: {  	v62 =	vld [tilespmem:s29+$0x450];
	[tilespmem:s29+$0x3E0] =	vst v18;
	v18 =	vmul.f32 v56, v59  }
0x8a: {  	v63 =	vld [tilespmem:s29+$0x460];
	[tilespmem:s29+$0x3F0] =	vst v19;
	v19 =	vmul.f32 v57, v59  }
0x8b: {  	v28 =	vld [tilespmem:s29+$0x470];
	[tilespmem:s29+$0x400] =	vst v18;
	v18 =	vmul.f32 v58, v59  }
0x8c: {  	v29 =	vld [tilespmem:s29+$0x480];
	[tilespmem:s29+$0x410] =	vst v19;
	v19 =	vmul.f32 v60, v59  }
0x8d: {  	v30 =	vld [tilespmem:s29+$0x490];
	[tilespmem:s29+$0x420] =	vst v18;
	v18 =	vmul.f32 v61, v59  }
0x8e: {  	v31 =	vld [tilespmem:s29+$0x4A0];
	[tilespmem:s29+$0x430] =	vst v19;
	v19 =	vmul.f32 v62, v59  }
0x8f: {  	v33 =	vld [tilespmem:s29+$0x4B0];
	v32 =	vperm.xlane v17, v5;
	[tilespmem:s29+$0x440] =	vst v18;
	v18 =	vmul.f32 v63, v59  }
0x90: {  	v34 =	vld [tilespmem:s29+$0x4C0];
	[tilespmem:s29+$0x450] =	vst v19;
	v19 =	vmul.f32 v28, v59  }
0x91: {  	v35 =	vld [tilespmem:s29+$0x4D0];
	[tilespmem:s29+$0x460] =	vst v18;
	v18 =	vmul.f32 v29, v32  }
0x92: {  	v36 =	vld [tilespmem:s29+$0x4E0];
	[tilespmem:s29+$0x470] =	vst v19;
	v19 =	vmul.f32 v30, v32  }
0x93: {  	v37 =	vld [tilespmem:s29+$0x4F0];
	[tilespmem:s29+$0x480] =	vst v18;
	v18 =	vmul.f32 v31, v32  }
0x94: {  	v38 =	vld [tilespmem:s29+$0x500];
	[tilespmem:s29+$0x490] =	vst v19;
	v19 =	vmul.f32 v33, v32  }
0x95: {  	v39 =	vld [tilespmem:s29+$0x510];
	[tilespmem:s29+$0x4A0] =	vst v18;
	v18 =	vmul.f32 v34, v32  }
0x96: {  	v40 =	vld [tilespmem:s29+$0x520];
	[tilespmem:s29+$0x4B0] =	vst v19;
	v19 =	vmul.f32 v35, v32  }
0x97: {  	v41 =	vperm.xlane v17, v6;
	v42 =	vld [tilespmem:s29+$0x530];
	[tilespmem:s29+$0x4C0] =	vst v18;
	v18 =	vmul.f32 v36, v32  }
0x98: {  	v43 =	vld [tilespmem:s29+$0x540];
	[tilespmem:s29+$0x4D0] =	vst v19;
	v19 =	vmul.f32 v37, v32  }
0x99: {  	v44 =	vld [tilespmem:s29+$0x550];
	[tilespmem:s29+$0x4E0] =	vst v18;
	v18 =	vmul.f32 v38, v41  }
0x9a: {  	v45 =	vld [tilespmem:s29+$0x560];
	[tilespmem:s29+$0x4F0] =	vst v19;
	v19 =	vmul.f32 v39, v41  }
0x9b: {  	v46 =	vld [tilespmem:s29+$0x570];
	[tilespmem:s29+$0x500] =	vst v18;
	v18 =	vmul.f32 v40, v41  }
0x9c: {  	v47 =	vld [tilespmem:s29+$0x580];
	[tilespmem:s29+$0x510] =	vst v19;
	v19 =	vmul.f32 v42, v41  }
0x9d: {  	v48 =	vld [tilespmem:s29+$0x590];
	[tilespmem:s29+$0x520] =	vst v18;
	v18 =	vmul.f32 v43, v41  }
0x9e: {  	v49 =	vld [tilespmem:s29+$0x5A0];
	[tilespmem:s29+$0x530] =	vst v19;
	v19 =	vmul.f32 v44, v41  }
0x9f: {  	v51 =	vld [tilespmem:s29+$0x5B0];
	v50 =	vperm.xlane v17, v7;
	[tilespmem:s29+$0x540] =	vst v18;
	v18 =	vmul.f32 v45, v41  }
0xa0: {  	v52 =	vld [tilespmem:s29+$0x5C0];
	[tilespmem:s29+$0x550] =	vst v19;
	v19 =	vmul.f32 v46, v41  }
0xa1: {  	v53 =	vld [tilespmem:s29+$0x5D0];
	[tilespmem:s29+$0x560] =	vst v18;
	v18 =	vmul.f32 v47, v50  }
0xa2: {  	v54 =	vld [tilespmem:s29+$0x5E0];
	[tilespmem:s29+$0x570] =	vst v19;
	v19 =	vmul.f32 v48, v50  }
0xa3: {  	v55 =	vld [tilespmem:s29+$0x5F0];
	[tilespmem:s29+$0x580] =	vst v18;
	v18 =	vmul.f32 v49, v50  }
0xa4: {  	v56 =	vld [tilespmem:s29+$0x600];
	[tilespmem:s29+$0x590] =	vst v19;
	v19 =	vmul.f32 v51, v50  }
0xa5: {  	v57 =	vld [tilespmem:s29+$0x610];
	[tilespmem:s29+$0x5A0] =	vst v18;
	v18 =	vmul.f32 v52, v50  }
0xa6: {  	v58 =	vld [tilespmem:s29+$0x620];
	[tilespmem:s29+$0x5B0] =	vst v19;
	v19 =	vmul.f32 v53, v50  }
0xa7: {  	v60 =	vld [tilespmem:s29+$0x630];
	v59 =	vperm.xlane v17, v8;
	[tilespmem:s29+$0x5C0] =	vst v18;
	v18 =	vmul.f32 v54, v50  }
0xa8: {  	v61 =	vld [tilespmem:s29+$0x640];
	[tilespmem:s29+$0x5D0] =	vst v19;
	v19 =	vmul.f32 v55, v50  }
0xa9: {  	v62 =	vld [tilespmem:s29+$0x650];
	[tilespmem:s29+$0x5E0] =	vst v18;
	v18 =	vmul.f32 v56, v59  }
0xaa: {  	v63 =	vld [tilespmem:s29+$0x660];
	[tilespmem:s29+$0x5F0] =	vst v19;
	v19 =	vmul.f32 v57, v59  }
0xab: {  	v28 =	vld [tilespmem:s29+$0x670];
	[tilespmem:s29+$0x600] =	vst v18;
	v18 =	vmul.f32 v58, v59  }
0xac: {  	v29 =	vld [tilespmem:s29+$0x680];
	[tilespmem:s29+$0x610] =	vst v19;
	v19 =	vmul.f32 v60, v59  }
0xad: {  	v30 =	vld [tilespmem:s29+$0x690];
	[tilespmem:s29+$0x620] =	vst v18;
	v18 =	vmul.f32 v61, v59  }
0xae: {  	v31 =	vld [tilespmem:s29+$0x6A0];
	[tilespmem:s29+$0x630] =	vst v19;
	v19 =	vmul.f32 v62, v59  }
0xaf: {  	v33 =	vld [tilespmem:s29+$0x6B0];
	v32 =	vperm.xlane v17, v9;
	[tilespmem:s29+$0x640] =	vst v18;
	v18 =	vmul.f32 v63, v59  }
0xb0: {  	v34 =	vld [tilespmem:s29+$0x6C0];
	[tilespmem:s29+$0x650] =	vst v19;
	v19 =	vmul.f32 v28, v59  }
0xb1: {  	v35 =	vld [tilespmem:s29+$0x6D0];
	[tilespmem:s29+$0x660] =	vst v18;
	v18 =	vmul.f32 v29, v32  }
0xb2: {  	v36 =	vld [tilespmem:s29+$0x6E0];
	[tilespmem:s29+$0x670] =	vst v19;
	v19 =	vmul.f32 v30, v32  }
0xb3: {  	v37 =	vld [tilespmem:s29+$0x6F0];
	[tilespmem:s29+$0x680] =	vst v18;
	v18 =	vmul.f32 v31, v32  }
0xb4: {  	v38 =	vld [tilespmem:s29+$0x700];
	[tilespmem:s29+$0x690] =	vst v19;
	v19 =	vmul.f32 v33, v32  }
0xb5: {  	v39 =	vld [tilespmem:s29+$0x710];
	[tilespmem:s29+$0x6A0] =	vst v18;
	v18 =	vmul.f32 v34, v32  }
0xb6: {  	v40 =	vld [tilespmem:s29+$0x720];
	[tilespmem:s29+$0x6B0] =	vst v19;
	v19 =	vmul.f32 v35, v32  }
0xb7: {  	v42 =	vld [tilespmem:s29+$0x730];
	v41 =	vperm.xlane v17, v10;
	[tilespmem:s29+$0x6C0] =	vst v18;
	v18 =	vmul.f32 v36, v32  }
0xb8: {  	v43 =	vld [tilespmem:s29+$0x740];
	[tilespmem:s29+$0x6D0] =	vst v19;
	v19 =	vmul.f32 v37, v32  }
0xb9: {  	v44 =	vld [tilespmem:s29+$0x750];
	[tilespmem:s29+$0x6E0] =	vst v18;
	v18 =	vmul.f32 v38, v41  }
0xba: {  	v45 =	vld [tilespmem:s29+$0x760];
	[tilespmem:s29+$0x6F0] =	vst v19;
	v19 =	vmul.f32 v39, v41  }
0xbb: {  	v46 =	vld [tilespmem:s29+$0x770];
	[tilespmem:s29+$0x700] =	vst v18;
	v18 =	vmul.f32 v40, v41  }
0xbc: {  	v47 =	vld [tilespmem:s29+$0x780];
	[tilespmem:s29+$0x710] =	vst v19;
	v19 =	vmul.f32 v42, v41  }
0xbd: {  	v48 =	vld [tilespmem:s29+$0x790];
	[tilespmem:s29+$0x720] =	vst v18;
	v18 =	vmul.f32 v43, v41  }
0xbe: {  	v49 =	vld [tilespmem:s29+$0x7A0];
	[tilespmem:s29+$0x730] =	vst v19;
	v19 =	vmul.f32 v44, v41  }
0xbf: {  	v51 =	vld [tilespmem:s29+$0x7B0];
	v50 =	vperm.xlane v17, v11;
	[tilespmem:s29+$0x740] =	vst v18;
	v18 =	vmul.f32 v45, v41  }
0xc0: {  	v52 =	vld [tilespmem:s29+$0x7C0];
	[tilespmem:s29+$0x750] =	vst v19;
	v19 =	vmul.f32 v46, v41  }
0xc1: {  	v53 =	vld [tilespmem:s29+$0x7D0];
	[tilespmem:s29+$0x760] =	vst v18;
	v18 =	vmul.f32 v47, v50  }
0xc2: {  	v54 =	vld [tilespmem:s29+$0x7E0];
	[tilespmem:s29+$0x770] =	vst v19;
	v19 =	vmul.f32 v48, v50  }
0xc3: {  	v55 =	vld [tilespmem:s29+$0x7F0];
	[tilespmem:s29+$0x780] =	vst v18;
	v18 =	vmul.f32 v49, v50  }
0xc4: {  	v56 =	vld [tilespmem:s29+$0x800];
	[tilespmem:s29+$0x790] =	vst v19;
	v19 =	vmul.f32 v51, v50  }
0xc5: {  	v57 =	vld [tilespmem:s29+$0x810];
	[tilespmem:s29+$0x7A0] =	vst v18;
	v18 =	vmul.f32 v52, v50  }
0xc6: {  	v58 =	vld [tilespmem:s29+$0x820];
	[tilespmem:s29+$0x7B0] =	vst v19;
	v19 =	vmul.f32 v53, v50  }
0xc7: {  	v60 =	vld [tilespmem:s29+$0x830];
	v59 =	vperm.xlane v17, v12;
	[tilespmem:s29+$0x7C0] =	vst v18;
	v18 =	vmul.f32 v54, v50  }
0xc8: {  	v61 =	vld [tilespmem:s29+$0x840];
	[tilespmem:s29+$0x7D0] =	vst v19;
	v19 =	vmul.f32 v55, v50  }
0xc9: {  	v62 =	vld [tilespmem:s29+$0x850];
	[tilespmem:s29+$0x7E0] =	vst v18;
	v18 =	vmul.f32 v56, v59  }
0xca: {  	v63 =	vld [tilespmem:s29+$0x860];
	[tilespmem:s29+$0x7F0] =	vst v19;
	v19 =	vmul.f32 v57, v59  }
0xcb: {  	v28 =	vld [tilespmem:s29+$0x870];
	[tilespmem:s29+$0x800] =	vst v18;
	v18 =	vmul.f32 v58, v59  }
0xcc: {  	v29 =	vld [tilespmem:s29+$0x880];
	[tilespmem:s29+$0x810] =	vst v19;
	v19 =	vmul.f32 v60, v59  }
0xcd: {  	v30 =	vld [tilespmem:s29+$0x890];
	[tilespmem:s29+$0x820] =	vst v18;
	v18 =	vmul.f32 v61, v59  }
0xce: {  	v31 =	vld [tilespmem:s29+$0x8A0];
	[tilespmem:s29+$0x830] =	vst v19;
	v19 =	vmul.f32 v62, v59  }
0xcf: {  	v33 =	vld [tilespmem:s29+$0x8B0];
	v32 =	vperm.xlane v17, v13;
	[tilespmem:s29+$0x840] =	vst v18;
	v18 =	vmul.f32 v63, v59  }
0xd0: {  	v34 =	vld [tilespmem:s29+$0x8C0];
	[tilespmem:s29+$0x850] =	vst v19;
	v19 =	vmul.f32 v28, v59  }
0xd1: {  	v35 =	vld [tilespmem:s29+$0x8D0];
	[tilespmem:s29+$0x860] =	vst v18;
	v18 =	vmul.f32 v29, v32  }
0xd2: {  	v36 =	vld [tilespmem:s29+$0x8E0];
	[tilespmem:s29+$0x870] =	vst v19;
	v19 =	vmul.f32 v30, v32  }
0xd3: {  	v37 =	vld [tilespmem:s29+$0x8F0];
	[tilespmem:s29+$0x880] =	vst v18;
	v18 =	vmul.f32 v31, v32  }
0xd4: {  	v38 =	vld [tilespmem:s29+$0x900];
	[tilespmem:s29+$0x890] =	vst v19;
	v19 =	vmul.f32 v33, v32  }
0xd5: {  	v39 =	vld [tilespmem:s29+$0x910];
	[tilespmem:s29+$0x8A0] =	vst v18;
	v18 =	vmul.f32 v34, v32  }
0xd6: {  	v40 =	vld [tilespmem:s29+$0x920];
	[tilespmem:s29+$0x8B0] =	vst v19;
	v19 =	vmul.f32 v35, v32  }
0xd7: {  	v42 =	vld [tilespmem:s29+$0x930];
	v41 =	vperm.xlane v17, v14;
	[tilespmem:s29+$0x8C0] =	vst v18;
	v18 =	vmul.f32 v36, v32  }
0xd8: {  	v43 =	vld [tilespmem:s29+$0x940];
	[tilespmem:s29+$0x8D0] =	vst v19;
	v19 =	vmul.f32 v37, v32  }
0xd9: {  	v44 =	vld [tilespmem:s29+$0x950];
	[tilespmem:s29+$0x8E0] =	vst v18;
	v18 =	vmul.f32 v38, v41  }
0xda: {  	v45 =	vld [tilespmem:s29+$0x960];
	[tilespmem:s29+$0x8F0] =	vst v19;
	v19 =	vmul.f32 v39, v41  }
0xdb: {  	v46 =	vld [tilespmem:s29+$0x970];
	[tilespmem:s29+$0x900] =	vst v18;
	v18 =	vmul.f32 v40, v41  }
0xdc: {  	v47 =	vld [tilespmem:s29+$0x980];
	[tilespmem:s29+$0x910] =	vst v19;
	v19 =	vmul.f32 v42, v41  }
0xdd: {  	v48 =	vld [tilespmem:s29+$0x990];
	[tilespmem:s29+$0x920] =	vst v18;
	v18 =	vmul.f32 v43, v41  }
0xde: {  	v49 =	vld [tilespmem:s29+$0x9A0];
	[tilespmem:s29+$0x930] =	vst v19;
	v19 =	vmul.f32 v44, v41  }
0xdf: {  	v51 =	vld [tilespmem:s29+$0x9B0];
	v50 =	vperm.xlane v17, v15;
	[tilespmem:s29+$0x940] =	vst v18;
	v18 =	vmul.f32 v45, v41  }
0xe0: {  	v52 =	vld [tilespmem:s29+$0x9C0];
	[tilespmem:s29+$0x950] =	vst v19;
	v19 =	vmul.f32 v46, v41  }
0xe1: {  	v53 =	vld [tilespmem:s29+$0x9D0];
	[tilespmem:s29+$0x960] =	vst v18;
	v18 =	vmul.f32 v47, v50  }
0xe2: {  	v54 =	vld [tilespmem:s29+$0x9E0];
	[tilespmem:s29+$0x970] =	vst v19;
	v19 =	vmul.f32 v48, v50  }
0xe3: {  	v55 =	vld [tilespmem:s29+$0x9F0];
	[tilespmem:s29+$0x980] =	vst v18;
	v18 =	vmul.f32 v49, v50  }
0xe4: {  	v56 =	vld [tilespmem:s29+$0xA00];
	[tilespmem:s29+$0x990] =	vst v19;
	v19 =	vmul.f32 v51, v50  }
0xe5: {  	v57 =	vld [tilespmem:s29+$0xA10];
	[tilespmem:s29+$0x9A0] =	vst v18;
	v18 =	vmul.f32 v52, v50  }
0xe6: {  	v58 =	vld [tilespmem:s29+$0xA20];
	[tilespmem:s29+$0x9B0] =	vst v19;
	v19 =	vmul.f32 v53, v50  }
0xe7: {  	v17 =	vperm.xlane v17, v16;
	v59 =	vld [tilespmem:s29+$0xA30];
	[tilespmem:s29+$0x9C0] =	vst v18;
	v18 =	vmul.f32 v54, v50  }
0xe8: {  	v60 =	vld [tilespmem:s29+$0xA40];
	[tilespmem:s29+$0x9D0] =	vst v19;
	v19 =	vmul.f32 v55, v50  }
0xe9: {  	v61 =	vld [tilespmem:s29+$0xA50];
	[tilespmem:s29+$0x9E0] =	vst v18;
	v18 =	vmul.f32 v56, v17  }
0xea: {  	v62 =	vld [tilespmem:s29+$0xA60];
	[tilespmem:s29+$0x9F0] =	vst v19;
	v19 =	vmul.f32 v57, v17  }
0xeb: {  	v63 =	vld [tilespmem:s29+$0xA70];
	[tilespmem:s29+$0xA00] =	vst v18;
	v18 =	vmul.f32 v58, v17  }
0xec: {  	[tilespmem:s29+$0xA10] =	vst v19;
	v19 =	vmul.f32 v59, v17  }
0xed: {  	p0 =	sne.s32 s28, $0x7;
	[tilespmem:s29+$0xA20] =	vst v18;
	v18 =	vmul.f32 v60, v17  }
.Ltmp1:
0xee: {  	[tilespmem:s29+$0xA30] =	vst v19;
	v19 =	vmul.f32 v61, v17;
	(pc) =	sbr.rel @p0 .LBB2_5-.Ltmp1, $4  }
0xef: {  	[tilespmem:s29+$0xA40] =	vst v18;
	v18 =	vmul.f32 v62, v17  }
0xf0: {  	[tilespmem:s29+$0xA50] =	vst v19;
	v17 =	vmul.f32 v63, v17  }
0xf1: {  	[tilespmem:s29+$0xA60] =	vst v18  }
0xf2: {  	s28 =	sadd.s32 $0x1, s28;
	[tilespmem:s29+$0xA70] =	vst v17  }
0xf3: {  	s26 =	sadd.s32 $0x1, s26  }
0xf4: {  	p0 =	sne.s32 s26, s14  }
.Ltmp2:
0xf5: {  	_ = 	snop;
	(pc) =	sbr.rel @p0 .LBB2_4-.Ltmp2, $4  }
0xf6: {  	[spmem:s7] =	stream.indirect.scatter.add.f32 [tilespmem:s24], [sflag:$0x1], $0x80, s21, s20, $0xb8;
	[tilespmem:$0x1C280] =	vst v63  }
0xf7: {  	_ =	swait.ge [sflag:s19], $0x4000  }
0xf8: {  	[sflag:s19] =	ssyncset.done $0x0  }
0xf9: {  	[sflag:s19] =	ssyncadd.s32 $0xFFFFC000  }
0xfa: {  	s8 =	sadd.s32 $0x1, s8  }
0xfb: {  	s25 =	sshll.u32 s3, $0x6;
	[bflag:$0x0] =	sbarrier.arrive $0xFFFF;
	p0 =	sne.s32 s8, s17  }
.Ltmp3:
0xfc: {  	s26 =	sshrl.u32 s9, $0x3;
	s25 =	sor.u32 $0x1C01, s25;
	(pc) =	sbr.rel @p0 .LBB2_1-.Ltmp3, $4  }
0xfd: {  	[hbm:s16], [sflag:s25] =	dma.local [spmem:s26], $0x2800  }
0xfe: {  	_ =	swait.ge [sflag:s19], $0x2800  }
0xff: {  	[sflag:s19] =	ssyncset.done $0x0  }
0x100: {  	[sflag:s19] =	ssyncadd.s32 $0xFFFFD800  }
0x101: {  	_ =	sfence.sel $0x180000  }
0x102: {  	[bflag:$0x0] =	sbarrier.arrive $0xFFFF  }
0x103: {  	p0 =	sne.s32 s3, $0x0;
	_ =	strace $0x90000047  }
0x104: {  	s0 =	sadd.s32 @!p0 $0x100000, s5;
	[bflag:$0x2] =	sbarrier.arrive $0xFFFF  }
0x105: {  	[sflag:s0] =	ssyncadd.tile.s32 @!p0 $0x1;
	_ =	shalt  }
.Lfunc_end2:
_tile_overlayer_lowered:
.L_overlay_start_2:
0x106: {  	(tag) =	ssettag $0x2  }
0x107: {  	s0 =	rddreg [dreg:$0x0];
	s2 =	stileid.u32  }
0x108: {  	s1 =	rddreg [dreg:$0x1];
	p0 =	sne.s32 s2, $0x0  }
0x109: {  	s3 =	rddreg [dreg:$0x2];
	[bflag:$0x3] =	sbarrier.arrive $0xFFFF;
	s2 =	simm.s32 @!p0 $0x1C01  }
0x10a: {  	[timem:s3], [sflag:s2] =	dma.local @!p0 [hbm:s0], s1  }
0x10b: {  	s0 =	simm.s32 @!p0 $0x1  }
0x10c: {  	_ =	swait.ge @!p0 [sflag:s0], s1  }
0x10d: {  	s1 =	ssub.s32 @!p0 $0x0, s1;
	[sflag:s0] =	ssyncset.done @!p0 $0x0  }
0x10e: {  	[sflag:s0] =	ssyncadd.s32 @!p0 s1  }
0x10f: {  	[bflag:$0x3] =	sbarrier.arrive $0xFFFF  }
0x110: {  	_ =	shalt  }

</sc_bundles>
